<compile_context>
chip_gen: v7x
topology: tpu7x:2x2x1
jax: 0.10.2.dev20260603
libtpu: 0.0.44.dev20260713+nightly
codegen_flags: <defaults>
</compile_context>

<pallas_src>
import functools

import jax
import jax.numpy as jnp
from jax import lax
from jax.experimental import pallas as pl
from jax.experimental.pallas import tpu as pltpu
from jax.experimental.pallas import tpu_sc as plsc

_GRID_BOUND = 0.5
_GRID_SIZE = 32
_NC = 2
_NS = 16
_NW = _NC * _NS
_L = 16
_UNROLL = 4
_SENTINEL = 1.0e4
_SENT_THRESH = 5.0e3


def _sc_loss_kernel(n_points: int):
    g3 = _GRID_SIZE ** 3
    grid_min = -_GRID_BOUND + _GRID_BOUND / _GRID_SIZE
    scale = _GRID_SIZE / (2.0 * _GRID_BOUND)
    n_groups = n_points // _L
    mesh = plsc.VectorSubcoreMesh(
        core_axis_name="c", subcore_axis_name="s",
        num_cores=_NC, num_subcores=_NS)

    @functools.partial(
        pl.kernel,
        out_type=jax.ShapeDtypeStruct((_NW * 2 * _L,), jnp.float32),
        mesh=mesh,
        scratch_types=[
            pltpu.VMEM((3 * g3,), jnp.float32),
            pltpu.VMEM((3 * n_points,), jnp.float32),
            pltpu.VMEM((7 * 12 * _L,), jnp.float32),
            pltpu.VMEM((2 * _L,), jnp.float32),
            pltpu.SemaphoreType.DMA,
        ],
        compiler_params=pltpu.CompilerParams(needs_layout_passes=False),
    )
    def body(cp_hbm, pts_hbm, par_hbm, out_hbm,
             cp_v, pts_v, par_v, acc_v, sem):
        cid = lax.axis_index("c")
        sid = lax.axis_index("s")
        wid = sid * _NC + cid
        batch = wid

        copies = [
            pltpu.async_copy(cp_hbm.at[pl.ds(batch * 3 * g3, 3 * g3)],
                             cp_v, sem),
            pltpu.async_copy(
                pts_hbm.at[pl.ds(batch * 3 * n_points, 3 * n_points)],
                pts_v, sem),
            pltpu.async_copy(par_hbm, par_v, sem),
        ]
        for c in copies:
            c.wait()

        iota = lax.iota(jnp.int32, _L)
        iota3 = iota * 3
        zero = jnp.zeros((_L,), jnp.float32)

        for t in range(7):
            a = [par_v[pl.ds((t * 12 + j) * _L, _L)] for j in range(12)]

            def group_body(i, part, a=a):
                for u in range(_UNROLL):
                    o = (i * _UNROLL + u) * _L
                    pb = iota3 + o * 3
                    px = plsc.load_gather(pts_v, [pb])
                    py = plsc.load_gather(pts_v, [pb + 1])
                    pz = plsc.load_gather(pts_v, [pb + 2])
                    tx = a[0] * px + a[1] * py + a[2] * pz + a[9]
                    ty = a[3] * px + a[4] * py + a[5] * pz + a[10]
                    tz = a[6] * px + a[7] * py + a[8] * pz + a[11]
                    ix = jnp.clip((tx - grid_min) * scale, 0.0, 31.0)
                    iy = jnp.clip((ty - grid_min) * scale, 0.0, 31.0)
                    iz = jnp.clip((tz - grid_min) * scale, 0.0, 31.0)
                    ixi = (ix + 0.5).astype(jnp.int32)
                    iyi = (iy + 0.5).astype(jnp.int32)
                    izi = (iz + 0.5).astype(jnp.int32)
                    c3 = ixi * 3072 + iyi * 96 + izi * 3
                    cx = plsc.load_gather(cp_v, [c3])
                    cy = plsc.load_gather(cp_v, [c3 + 1])
                    cz = plsc.load_gather(cp_v, [c3 + 2])
                    dx = tx - cx
                    dy = ty - cy
                    dz = tz - cz
                    d2 = dx * dx + dy * dy + dz * dz
                    part = part + jnp.where(cx < _SENT_THRESH, d2, 0.0)
                return part

            part = lax.fori_loop(0, n_groups // _UNROLL, group_body, zero)
            if t == 0:
                acc_v[pl.ds(0, _L)] = part
            elif t == 3:
                acc_v[pl.ds(_L, _L)] = part
            else:
                plsc.addupdate(acc_v.at[pl.ds(0 if t < 3 else _L, _L)], part)

        pltpu.sync_copy(acc_v, out_hbm.at[pl.ds(wid * 2 * _L, 2 * _L)])

    return body


def kernel(points, cp, voxel, plane, quat):
    B, N, _ = points.shape
    g3 = _GRID_SIZE ** 3
    grid_min = -_GRID_BOUND + _GRID_BOUND / _GRID_SIZE
    scale = _GRID_SIZE / (2.0 * _GRID_BOUND)

    pn = plane[:, :3] / (jnp.linalg.norm(plane[:, :3], axis=1, keepdims=True)
                         + 1e-12)
    a_ref = jnp.eye(3, dtype=jnp.float32)[None] - 2.0 * pn[:, :, None] * pn[:, None, :]
    t_ref = -2.0 * plane[:, 3:4] * pn
    q = quat / (jnp.linalg.norm(quat, axis=1, keepdims=True) + 1e-12)
    w, x, y, z = q[:, 0], q[:, 1], q[:, 2], q[:, 3]
    rot = jnp.stack([
        jnp.stack([1 - 2 * (y * y + z * z), 2 * (x * y - w * z), 2 * (x * z + w * y)], axis=-1),
        jnp.stack([2 * (x * y + w * z), 1 - 2 * (x * x + z * z), 2 * (y * z - w * x)], axis=-1),
        jnp.stack([2 * (x * z - w * y), 2 * (y * z + w * x), 1 - 2 * (x * x + y * y)], axis=-1),
    ], axis=1)
    amat = jnp.concatenate([a_ref, rot], axis=0)
    tvec = jnp.concatenate([t_ref, jnp.zeros((4, 3), jnp.float32)], axis=0)

    a_adj = amat / scale
    t_adj = tvec + grid_min * jnp.sum(amat, axis=2)
    params = jnp.concatenate([a_adj.reshape(7, 9), t_adj], axis=1)
    params = jnp.broadcast_to(params[:, :, None], (7, 12, _L))
    params = params.astype(jnp.float32).reshape(7 * 12 * _L)

    tbl = jnp.where(voxel.reshape(B, g3, 1) > 0.5, _SENTINEL, cp)
    tbl = tbl.reshape(B * g3 * 3)

    pts_flat = ((points - grid_min) * scale).reshape(B * N * 3)

    out = _sc_loss_kernel(N)(tbl, pts_flat, params)
    out = out.reshape(_NW, 2, _L)
    ref_loss = (jnp.sum(out[:, 0, :]) / B).reshape(1)
    rot_loss = (jnp.sum(out[:, 1, :]) / B).reshape(1)
    return (ref_loss, rot_loss)

# --- scband reference (transcript-rebuilt; emitter-appended) ---
"""Pipeline reference for scband-sym-loss-18236431139042 (READ-ONLY COPY).

The authoritative reference and input builder live on the scoring server;
editing this copy changes nothing except your own understanding.
"""

import jax, jax.numpy as jnp
import numpy as np

GRID_BOUND = 0.5
GRID_SIZE = 32


def setup_inputs(seed: int = 0) -> dict:
    key = jax.random.key(seed)
    k1, k2, k3, k4, k5 = jax.random.split(key, 5)
    B, N, G = 32, 8192, GRID_SIZE
    points = jax.random.uniform(k1, (B, N, 3), minval=-0.5, maxval=0.5, dtype=jnp.float32)
    cp = jax.random.uniform(k2, (B, G ** 3, 3), minval=-0.5, maxval=0.5, dtype=jnp.float32)
    voxel = jax.random.randint(k3, (B, G, G, G), 0, 2).astype(jnp.float32)
    plane = jax.random.normal(k4, (3, 4), dtype=jnp.float32)
    quat = jax.random.normal(k5, (4, 4), dtype=jnp.float32)
    return {"points": points, "cp": cp, "voxel": voxel, "plane": plane, "quat": quat}


def point_closest_cell_index(points, gridBound=GRID_BOUND, gridSize=GRID_SIZE):
    gridMin = -gridBound + gridBound / gridSize
    inds = (points - gridMin) * gridSize / (2 * gridBound)
    return jnp.round(jnp.clip(inds, 0, gridSize - 1))


def cal_distance(trans_points, cp, voxel, gridSize, weight=1.0):
    nb = point_closest_cell_index(trans_points)
    idx = jnp.matmul(nb, jnp.array([gridSize ** 2, gridSize, 1], dtype=jnp.float32)).astype(jnp.int32)
    B = voxel.shape[0]
    mask = 1.0 - jnp.take_along_axis(voxel.reshape(B, gridSize ** 3), idx, axis=1)
    closest_points = jnp.take_along_axis(cp, idx[:, :, None], axis=1)
    distance = (trans_points - closest_points) * mask[:, :, None]
    return jnp.mean(jnp.sum(jnp.sum(distance ** 2, axis=2), axis=1)) * weight


def planesym_transform(points, p):
    n = p[:3] / (jnp.linalg.norm(p[:3]) + 1e-12)
    d = p[3]
    dist = jnp.einsum('bnc,c->bn', points, n) + d
    return points - 2.0 * dist[:, :, None] * n[None, None, :]


def rotsym_transform(points, q):
    q = q / (jnp.linalg.norm(q) + 1e-12)
    w, x, y, z = q[0], q[1], q[2], q[3]
    R = jnp.stack([
        jnp.stack([1 - 2 * (y * y + z * z), 2 * (x * y - w * z), 2 * (x * z + w * y)]),
        jnp.stack([2 * (x * y + w * z), 1 - 2 * (x * x + z * z), 2 * (y * z - w * x)]),
        jnp.stack([2 * (x * z - w * y), 2 * (y * z + w * x), 1 - 2 * (x * x + y * y)]),
    ])
    return jnp.einsum('bnc,dc->bnd', points, R)


def reference(points, cp, voxel, plane, quat):
    ref_loss = jnp.zeros((1,), dtype=jnp.float32)
    rot_loss = jnp.zeros((1,), dtype=jnp.float32)
    for i in range(plane.shape[0]):
        ref_points = planesym_transform(points, plane[i])
        ref_loss = ref_loss + cal_distance(ref_points, cp, voxel, GRID_SIZE)
    for j in range(quat.shape[0]):
        rot_points = rotsym_transform(points, quat[j])
        rot_loss = rot_loss + cal_distance(rot_points, cp, voxel, GRID_SIZE)
    return (ref_loss, rot_loss)

if __name__ == "__main__":
    import jax
    _d = setup_inputs()
    print(jax.jit(kernel)(*tuple(_d.values())))

</pallas_src>

<mosaic_0001>
#map = affine_map<(d0, d1) -> (0)>
module attributes {stable_mosaic.version = 14 : i64} {
  func.func @body(%arg0: i32, %arg1: i32, %arg2: memref<3145728xf32, #tpu.memory_space<hbm>>, %arg3: memref<786432xf32, #tpu.memory_space<hbm>>, %arg4: memref<1344xf32, #tpu.memory_space<hbm>>, %arg5: memref<1024xf32, #tpu.memory_space<hbm>>, %arg6: memref<98304xf32, #tpu.memory_space<vmem>>, %arg7: memref<24576xf32, #tpu.memory_space<vmem>>, %arg8: memref<1344xf32, #tpu.memory_space<vmem>>, %arg9: memref<32xf32, #tpu.memory_space<vmem>>, %arg10: memref<!tpu.dma_semaphore, #tpu.memory_space<semaphore_mem>>) attributes {dimension_semantics = [#tpu.dimension_semantics<core_parallel>, #tpu.dimension_semantics<subcore_parallel>], iteration_bounds = array<i64: 2, 16>, scalar_prefetch = 0 : i64, scratch_operands = 5 : i64, tpu.core_type = #tpu.core_type<sc_vector_subcore>, window_params = [{transform_indices = #map}, {transform_indices = #map}, {transform_indices = #map}, {transform_indices = #map}]} {
    %mul3A = arith.constant 2 : i32
    %mul3A_0 = arith.muli %arg1, %mul3A : i32
    %add3A = arith.addi %mul3A_0, %arg0 : i32
    %mul3A_1 = arith.constant 3 : i32
    %mul3A_2 = arith.muli %add3A, %mul3A_1 : i32
    %mul3A_3 = arith.constant 32768 : i32
    %mul3A_4 = arith.muli %mul3A_2, %mul3A_3 : i32
    %dma_start3A = tpu.memref_slice %arg2[%mul3A_4] : memref<3145728xf32, #tpu.memory_space<hbm>> -> memref<98304xf32, #tpu.memory_space<hbm>>
    %dma_start3A_5 = tpu.memref_slice %arg2[%mul3A_4] : memref<3145728xf32, #tpu.memory_space<hbm>> -> memref<98304xf32, #tpu.memory_space<hbm>>
    tpu.enqueue_dma source(%dma_start3A_5 : memref<98304xf32, #tpu.memory_space<hbm>>) target(%arg6 : memref<98304xf32, #tpu.memory_space<vmem>>) target_semaphore(%arg10 : memref<!tpu.dma_semaphore, #tpu.memory_space<semaphore_mem>>)
    %mul3A_6 = arith.constant 3 : i32
    %mul3A_7 = arith.muli %add3A, %mul3A_6 : i32
    %mul3A_8 = arith.constant 8192 : i32
    %mul3A_9 = arith.muli %mul3A_7, %mul3A_8 : i32
    %dma_start3A_10 = tpu.memref_slice %arg3[%mul3A_9] : memref<786432xf32, #tpu.memory_space<hbm>> -> memref<24576xf32, #tpu.memory_space<hbm>>
    %dma_start3A_11 = tpu.memref_slice %arg3[%mul3A_9] : memref<786432xf32, #tpu.memory_space<hbm>> -> memref<24576xf32, #tpu.memory_space<hbm>>
    tpu.enqueue_dma source(%dma_start3A_11 : memref<24576xf32, #tpu.memory_space<hbm>>) target(%arg7 : memref<24576xf32, #tpu.memory_space<vmem>>) target_semaphore(%arg10 : memref<!tpu.dma_semaphore, #tpu.memory_space<semaphore_mem>>)
    tpu.enqueue_dma source(%arg4 : memref<1344xf32, #tpu.memory_space<hbm>>) target(%arg8 : memref<1344xf32, #tpu.memory_space<vmem>>) target_semaphore(%arg10 : memref<!tpu.dma_semaphore, #tpu.memory_space<semaphore_mem>>)
    %dma_wait3A = tpu.memref_slice %arg2[%mul3A_4] : memref<3145728xf32, #tpu.memory_space<hbm>> -> memref<98304xf32, #tpu.memory_space<hbm>>
    %dma_wait3A_12 = tpu.memref_slice %arg2[%mul3A_4] : memref<3145728xf32, #tpu.memory_space<hbm>> -> memref<98304xf32, #tpu.memory_space<hbm>>
    tpu.wait_dma2 semaphore(%arg10 : memref<!tpu.dma_semaphore, #tpu.memory_space<semaphore_mem>>) src(%dma_wait3A_12 : memref<98304xf32, #tpu.memory_space<hbm>>) dst(%arg6 : memref<98304xf32, #tpu.memory_space<vmem>>)
    %dma_wait3A_13 = tpu.memref_slice %arg3[%mul3A_9] : memref<786432xf32, #tpu.memory_space<hbm>> -> memref<24576xf32, #tpu.memory_space<hbm>>
    %dma_wait3A_14 = tpu.memref_slice %arg3[%mul3A_9] : memref<786432xf32, #tpu.memory_space<hbm>> -> memref<24576xf32, #tpu.memory_space<hbm>>
    tpu.wait_dma2 semaphore(%arg10 : memref<!tpu.dma_semaphore, #tpu.memory_space<semaphore_mem>>) src(%dma_wait3A_14 : memref<24576xf32, #tpu.memory_space<hbm>>) dst(%arg7 : memref<24576xf32, #tpu.memory_space<vmem>>)
    tpu.wait_dma2 semaphore(%arg10 : memref<!tpu.dma_semaphore, #tpu.memory_space<semaphore_mem>>) src(%arg4 : memref<1344xf32, #tpu.memory_space<hbm>>) dst(%arg8 : memref<1344xf32, #tpu.memory_space<vmem>>)
    %iota3A = tpu.iota {dimensions = array<i32: 0>} : vector<16xi32>
    %mul3A_15 = arith.constant 3 : i32
    %mul3A_16 = vector.broadcast %mul3A_15 : i32 to vector<16xi32>
    %mul3A_17 = arith.muli %iota3A, %mul3A_16 : vector<16xi32>
    %broadcast_in_dim3A = arith.constant 0.000000e+00 : f32
    %broadcast_in_dim3A_18 = vector.broadcast %broadcast_in_dim3A : f32 to vector<16xf32>
    %get3A = arith.constant 0 : index
    %get3A_19 = tpu.vector_load %arg8[%get3A] {strides = array<i32>} : memref<1344xf32, #tpu.memory_space<vmem>>, vector<16xf32>,
    %get3A_20 = arith.constant 16 : index
    %get3A_21 = tpu.vector_load %arg8[%get3A_20] {strides = array<i32>} : memref<1344xf32, #tpu.memory_space<vmem>>, vector<16xf32>,
    %get3A_22 = arith.constant 32 : index
    %get3A_23 = tpu.vector_load %arg8[%get3A_22] {strides = array<i32>} : memref<1344xf32, #tpu.memory_space<vmem>>, vector<16xf32>,
    %get3A_24 = arith.constant 48 : index
    %get3A_25 = tpu.vector_load %arg8[%get3A_24] {strides = array<i32>} : memref<1344xf32, #tpu.memory_space<vmem>>, vector<16xf32>,
    %get3A_26 = arith.constant 64 : index
    %get3A_27 = tpu.vector_load %arg8[%get3A_26] {strides = array<i32>} : memref<1344xf32, #tpu.memory_space<vmem>>, vector<16xf32>,
    %get3A_28 = arith.constant 80 : index
    %get3A_29 = tpu.vector_load %arg8[%get3A_28] {strides = array<i32>} : memref<1344xf32, #tpu.memory_space<vmem>>, vector<16xf32>,
    %get3A_30 = arith.constant 96 : index
    %get3A_31 = tpu.vector_load %arg8[%get3A_30] {strides = array<i32>} : memref<1344xf32, #tpu.memory_space<vmem>>, vector<16xf32>,
    %get3A_32 = arith.constant 112 : index
    %get3A_33 = tpu.vector_load %arg8[%get3A_32] {strides = array<i32>} : memref<1344xf32, #tpu.memory_space<vmem>>, vector<16xf32>,
    %get3A_34 = arith.constant 128 : index
    %get3A_35 = tpu.vector_load %arg8[%get3A_34] {strides = array<i32>} : memref<1344xf32, #tpu.memory_space<vmem>>, vector<16xf32>,
    %get3A_36 = arith.constant 144 : index
    %get3A_37 = tpu.vector_load %arg8[%get3A_36] {strides = array<i32>} : memref<1344xf32, #tpu.memory_space<vmem>>, vector<16xf32>,
    %get3A_38 = arith.constant 160 : index
    %get3A_39 = tpu.vector_load %arg8[%get3A_38] {strides = array<i32>} : memref<1344xf32, #tpu.memory_space<vmem>>, vector<16xf32>,
    %get3A_40 = arith.constant 176 : index
    %get3A_41 = tpu.vector_load %arg8[%get3A_40] {strides = array<i32>} : memref<1344xf32, #tpu.memory_space<vmem>>, vector<16xf32>,
    %scan3A = arith.constant 0 : i32
    %scan3A_42 = arith.constant 128 : i32
    %scan3A_43 = arith.addi %scan3A, %scan3A_42 : i32
    %scan3A_44 = arith.constant 1 : i32
    %scan3A_45 = scf.for %scan3A_244 = %scan3A to %scan3A_43 step %scan3A_44 iter_args(%scan3A_245 = %broadcast_in_dim3A_18) -> (vector<16xf32>)  : i32 {
      %mul3A_246 = arith.constant 4 : i32
      %mul3A_247 = arith.muli %scan3A_244, %mul3A_246 : i32
      %add3A_248 = arith.constant 0 : i32
      %add3A_249 = arith.addi %mul3A_247, %add3A_248 : i32
      %mul3A_250 = arith.constant 16 : i32
      %mul3A_251 = arith.muli %add3A_249, %mul3A_250 : i32
      %mul3A_252 = arith.constant 3 : i32
      %mul3A_253 = arith.muli %mul3A_251, %mul3A_252 : i32
      %add3A_254 = vector.broadcast %mul3A_253 : i32 to vector<16xi32>
      %add3A_255 = arith.addi %mul3A_17, %add3A_254 : vector<16xi32>
      %gather3A = tpu.vector_load_idx %arg7[%add3A_255] : memref<24576xf32, #tpu.memory_space<vmem>>[vector<16xi32>], vector<16xf32>,
      %add3A_256 = arith.constant 1 : i32
      %add3A_257 = vector.broadcast %add3A_256 : i32 to vector<16xi32>
      %add3A_258 = arith.addi %add3A_255, %add3A_257 : vector<16xi32>
      %gather3A_259 = tpu.vector_load_idx %arg7[%add3A_258] : memref<24576xf32, #tpu.memory_space<vmem>>[vector<16xi32>], vector<16xf32>,
      %add3A_260 = arith.constant 2 : i32
      %add3A_261 = vector.broadcast %add3A_260 : i32 to vector<16xi32>
      %add3A_262 = arith.addi %add3A_255, %add3A_261 : vector<16xi32>
      %gather3A_263 = tpu.vector_load_idx %arg7[%add3A_262] : memref<24576xf32, #tpu.memory_space<vmem>>[vector<16xi32>], vector<16xf32>,
      %mul3A_264 = arith.mulf %get3A_19, %gather3A : vector<16xf32>
      %mul3A_265 = arith.mulf %get3A_21, %gather3A_259 : vector<16xf32>
      %add3A_266 = arith.addf %mul3A_264, %mul3A_265 : vector<16xf32>
      %mul3A_267 = arith.mulf %get3A_23, %gather3A_263 : vector<16xf32>
      %add3A_268 = arith.addf %add3A_266, %mul3A_267 : vector<16xf32>
      %add3A_269 = arith.addf %add3A_268, %get3A_37 : vector<16xf32>
      %mul3A_270 = arith.mulf %get3A_25, %gather3A : vector<16xf32>
      %mul3A_271 = arith.mulf %get3A_27, %gather3A_259 : vector<16xf32>
      %add3A_272 = arith.addf %mul3A_270, %mul3A_271 : vector<16xf32>
      %mul3A_273 = arith.mulf %get3A_29, %gather3A_263 : vector<16xf32>
      %add3A_274 = arith.addf %add3A_272, %mul3A_273 : vector<16xf32>
      %add3A_275 = arith.addf %add3A_274, %get3A_39 : vector<16xf32>
      %mul3A_276 = arith.mulf %get3A_31, %gather3A : vector<16xf32>
      %mul3A_277 = arith.mulf %get3A_33, %gather3A_259 : vector<16xf32>
      %add3A_278 = arith.addf %mul3A_276, %mul3A_277 : vector<16xf32>
      %mul3A_279 = arith.mulf %get3A_35, %gather3A_263 : vector<16xf32>
      %add3A_280 = arith.addf %add3A_278, %mul3A_279 : vector<16xf32>
      %add3A_281 = arith.addf %add3A_280, %get3A_41 : vector<16xf32>
      %sub3A = arith.constant -4.843750e-01 : f32
      %sub3A_282 = vector.broadcast %sub3A : f32 to vector<16xf32>
      %sub3A_283 = arith.subf %add3A_269, %sub3A_282 : vector<16xf32>
      %mul3A_284 = arith.constant 3.200000e+01 : f32
      %mul3A_285 = vector.broadcast %mul3A_284 : f32 to vector<16xf32>
      %mul3A_286 = arith.mulf %sub3A_283, %mul3A_285 : vector<16xf32>
      %jit3A = arith.constant 0.000000e+00 : f32
      %jit3A_287 = arith.constant 3.100000e+01 : f32
      %max3A = vector.broadcast %jit3A : f32 to vector<16xf32>
      %max3A_288 = arith.maximumf %max3A, %mul3A_286 : vector<16xf32>
      %min3A = vector.broadcast %jit3A_287 : f32 to vector<16xf32>
      %min3A_289 = arith.minimumf %min3A, %max3A_288 : vector<16xf32>
      %sub3A_290 = arith.constant -4.843750e-01 : f32
      %sub3A_291 = vector.broadcast %sub3A_290 : f32 to vector<16xf32>
      %sub3A_292 = arith.subf %add3A_275, %sub3A_291 : vector<16xf32>
      %mul3A_293 = arith.constant 3.200000e+01 : f32
      %mul3A_294 = vector.broadcast %mul3A_293 : f32 to vector<16xf32>
      %mul3A_295 = arith.mulf %sub3A_292, %mul3A_294 : vector<16xf32>
      %jit3A_296 = arith.constant 0.000000e+00 : f32
      %jit3A_297 = arith.constant 3.100000e+01 : f32
      %max3A_298 = vector.broadcast %jit3A_296 : f32 to vector<16xf32>
      %max3A_299 = arith.maximumf %max3A_298, %mul3A_295 : vector<16xf32>
      %min3A_300 = vector.broadcast %jit3A_297 : f32 to vector<16xf32>
      %min3A_301 = arith.minimumf %min3A_300, %max3A_299 : vector<16xf32>
      %sub3A_302 = arith.constant -4.843750e-01 : f32
      %sub3A_303 = vector.broadcast %sub3A_302 : f32 to vector<16xf32>
      %sub3A_304 = arith.subf %add3A_281, %sub3A_303 : vector<16xf32>
      %mul3A_305 = arith.constant 3.200000e+01 : f32
      %mul3A_306 = vector.broadcast %mul3A_305 : f32 to vector<16xf32>
      %mul3A_307 = arith.mulf %sub3A_304, %mul3A_306 : vector<16xf32>
      %jit3A_308 = arith.constant 0.000000e+00 : f32
      %jit3A_309 = arith.constant 3.100000e+01 : f32
      %max3A_310 = vector.broadcast %jit3A_308 : f32 to vector<16xf32>
      %max3A_311 = arith.maximumf %max3A_310, %mul3A_307 : vector<16xf32>
      %min3A_312 = vector.broadcast %jit3A_309 : f32 to vector<16xf32>
      %min3A_313 = arith.minimumf %min3A_312, %max3A_311 : vector<16xf32>
      %add3A_314 = arith.constant 5.000000e-01 : f32
      %add3A_315 = vector.broadcast %add3A_314 : f32 to vector<16xf32>
      %add3A_316 = arith.addf %min3A_289, %add3A_315 : vector<16xf32>
      %convert_element_type3A = arith.fptosi %add3A_316 : vector<16xf32> to vector<16xi32>
      %add3A_317 = arith.constant 5.000000e-01 : f32
      %add3A_318 = vector.broadcast %add3A_317 : f32 to vector<16xf32>
      %add3A_319 = arith.addf %min3A_301, %add3A_318 : vector<16xf32>
      %convert_element_type3A_320 = arith.fptosi %add3A_319 : vector<16xf32> to vector<16xi32>
      %add3A_321 = arith.constant 5.000000e-01 : f32
      %add3A_322 = vector.broadcast %add3A_321 : f32 to vector<16xf32>
      %add3A_323 = arith.addf %min3A_313, %add3A_322 : vector<16xf32>
      %convert_element_type3A_324 = arith.fptosi %add3A_323 : vector<16xf32> to vector<16xi32>
      %mul3A_325 = arith.constant 3072 : i32
      %mul3A_326 = vector.broadcast %mul3A_325 : i32 to vector<16xi32>
      %mul3A_327 = arith.muli %convert_element_type3A, %mul3A_326 : vector<16xi32>
      %mul3A_328 = arith.constant 96 : i32
      %mul3A_329 = vector.broadcast %mul3A_328 : i32 to vector<16xi32>
      %mul3A_330 = arith.muli %convert_element_type3A_320, %mul3A_329 : vector<16xi32>
      %add3A_331 = arith.addi %mul3A_327, %mul3A_330 : vector<16xi32>
      %mul3A_332 = arith.constant 3 : i32
      %mul3A_333 = vector.broadcast %mul3A_332 : i32 to vector<16xi32>
      %mul3A_334 = arith.muli %convert_element_type3A_324, %mul3A_333 : vector<16xi32>
      %add3A_335 = arith.addi %add3A_331, %mul3A_334 : vector<16xi32>
      %gather3A_336 = tpu.vector_load_idx %arg6[%add3A_335] : memref<98304xf32, #tpu.memory_space<vmem>>[vector<16xi32>], vector<16xf32>,
      %add3A_337 = arith.constant 1 : i32
      %add3A_338 = vector.broadcast %add3A_337 : i32 to vector<16xi32>
      %add3A_339 = arith.addi %add3A_335, %add3A_338 : vector<16xi32>
      %gather3A_340 = tpu.vector_load_idx %arg6[%add3A_339] : memref<98304xf32, #tpu.memory_space<vmem>>[vector<16xi32>], vector<16xf32>,
      %add3A_341 = arith.constant 2 : i32
      %add3A_342 = vector.broadcast %add3A_341 : i32 to vector<16xi32>
      %add3A_343 = arith.addi %add3A_335, %add3A_342 : vector<16xi32>
      %gather3A_344 = tpu.vector_load_idx %arg6[%add3A_343] : memref<98304xf32, #tpu.memory_space<vmem>>[vector<16xi32>], vector<16xf32>,
      %sub3A_345 = arith.subf %add3A_269, %gather3A_336 : vector<16xf32>
      %sub3A_346 = arith.subf %add3A_275, %gather3A_340 : vector<16xf32>
      %sub3A_347 = arith.subf %add3A_281, %gather3A_344 : vector<16xf32>
      %mul3A_348 = arith.mulf %sub3A_345, %sub3A_345 : vector<16xf32>
      %mul3A_349 = arith.mulf %sub3A_346, %sub3A_346 : vector<16xf32>
      %add3A_350 = arith.addf %mul3A_348, %mul3A_349 : vector<16xf32>
      %mul3A_351 = arith.mulf %sub3A_347, %sub3A_347 : vector<16xf32>
      %add3A_352 = arith.addf %add3A_350, %mul3A_351 : vector<16xf32>
      %lt3A = arith.constant 5.000000e+03 : f32
      %lt3A_353 = vector.broadcast %lt3A : f32 to vector<16xf32>
      %lt3A_354 = arith.cmpf olt, %gather3A_336, %lt3A_353 : vector<16xf32>
      %jit3A_355 = arith.constant 0.000000e+00 : f32
      %broadcast_in_dim3A_356 = vector.broadcast %jit3A_355 : f32 to vector<16xf32>
      %select_n3A = arith.select %lt3A_354, %add3A_352, %broadcast_in_dim3A_356 : vector<16xi1>, vector<16xf32>
      %add3A_357 = arith.addf %scan3A_245, %select_n3A : vector<16xf32>
      %mul3A_358 = arith.constant 4 : i32
      %mul3A_359 = arith.muli %scan3A_244, %mul3A_358 : i32
      %add3A_360 = arith.constant 1 : i32
      %add3A_361 = arith.addi %mul3A_359, %add3A_360 : i32
      %mul3A_362 = arith.constant 16 : i32
      %mul3A_363 = arith.muli %add3A_361, %mul3A_362 : i32
      %mul3A_364 = arith.constant 3 : i32
      %mul3A_365 = arith.muli %mul3A_363, %mul3A_364 : i32
      %add3A_366 = vector.broadcast %mul3A_365 : i32 to vector<16xi32>
      %add3A_367 = arith.addi %mul3A_17, %add3A_366 : vector<16xi32>
      %gather3A_368 = tpu.vector_load_idx %arg7[%add3A_367] : memref<24576xf32, #tpu.memory_space<vmem>>[vector<16xi32>], vector<16xf32>,
      %add3A_369 = arith.constant 1 : i32
      %add3A_370 = vector.broadcast %add3A_369 : i32 to vector<16xi32>
      %add3A_371 = arith.addi %add3A_367, %add3A_370 : vector<16xi32>
      %gather3A_372 = tpu.vector_load_idx %arg7[%add3A_371] : memref<24576xf32, #tpu.memory_space<vmem>>[vector<16xi32>], vector<16xf32>,
      %add3A_373 = arith.constant 2 : i32
      %add3A_374 = vector.broadcast %add3A_373 : i32 to vector<16xi32>
      %add3A_375 = arith.addi %add3A_367, %add3A_374 : vector<16xi32>
      %gather3A_376 = tpu.vector_load_idx %arg7[%add3A_375] : memref<24576xf32, #tpu.memory_space<vmem>>[vector<16xi32>], vector<16xf32>,
      %mul3A_377 = arith.mulf %get3A_19, %gather3A_368 : vector<16xf32>
      %mul3A_378 = arith.mulf %get3A_21, %gather3A_372 : vector<16xf32>
      %add3A_379 = arith.addf %mul3A_377, %mul3A_378 : vector<16xf32>
      %mul3A_380 = arith.mulf %get3A_23, %gather3A_376 : vector<16xf32>
      %add3A_381 = arith.addf %add3A_379, %mul3A_380 : vector<16xf32>
      %add3A_382 = arith.addf %add3A_381, %get3A_37 : vector<16xf32>
      %mul3A_383 = arith.mulf %get3A_25, %gather3A_368 : vector<16xf32>
      %mul3A_384 = arith.mulf %get3A_27, %gather3A_372 : vector<16xf32>
      %add3A_385 = arith.addf %mul3A_383, %mul3A_384 : vector<16xf32>
      %mul3A_386 = arith.mulf %get3A_29, %gather3A_376 : vector<16xf32>
      %add3A_387 = arith.addf %add3A_385, %mul3A_386 : vector<16xf32>
      %add3A_388 = arith.addf %add3A_387, %get3A_39 : vector<16xf32>
      %mul3A_389 = arith.mulf %get3A_31, %gather3A_368 : vector<16xf32>
      %mul3A_390 = arith.mulf %get3A_33, %gather3A_372 : vector<16xf32>
      %add3A_391 = arith.addf %mul3A_389, %mul3A_390 : vector<16xf32>
      %mul3A_392 = arith.mulf %get3A_35, %gather3A_376 : vector<16xf32>
      %add3A_393 = arith.addf %add3A_391, %mul3A_392 : vector<16xf32>
      %add3A_394 = arith.addf %add3A_393, %get3A_41 : vector<16xf32>
      %sub3A_395 = arith.constant -4.843750e-01 : f32
      %sub3A_396 = vector.broadcast %sub3A_395 : f32 to vector<16xf32>
      %sub3A_397 = arith.subf %add3A_382, %sub3A_396 : vector<16xf32>
      %mul3A_398 = arith.constant 3.200000e+01 : f32
      %mul3A_399 = vector.broadcast %mul3A_398 : f32 to vector<16xf32>
      %mul3A_400 = arith.mulf %sub3A_397, %mul3A_399 : vector<16xf32>
      %jit3A_401 = arith.constant 0.000000e+00 : f32
      %jit3A_402 = arith.constant 3.100000e+01 : f32
      %max3A_403 = vector.broadcast %jit3A_401 : f32 to vector<16xf32>
      %max3A_404 = arith.maximumf %max3A_403, %mul3A_400 : vector<16xf32>
      %min3A_405 = vector.broadcast %jit3A_402 : f32 to vector<16xf32>
      %min3A_406 = arith.minimumf %min3A_405, %max3A_404 : vector<16xf32>
      %sub3A_407 = arith.constant -4.843750e-01 : f32
      %sub3A_408 = vector.broadcast %sub3A_407 : f32 to vector<16xf32>
      %sub3A_409 = arith.subf %add3A_388, %sub3A_408 : vector<16xf32>
      %mul3A_410 = arith.constant 3.200000e+01 : f32
      %mul3A_411 = vector.broadcast %mul3A_410 : f32 to vector<16xf32>
      %mul3A_412 = arith.mulf %sub3A_409, %mul3A_411 : vector<16xf32>
      %jit3A_413 = arith.constant 0.000000e+00 : f32
      %jit3A_414 = arith.constant 3.100000e+01 : f32
      %max3A_415 = vector.broadcast %jit3A_413 : f32 to vector<16xf32>
      %max3A_416 = arith.maximumf %max3A_415, %mul3A_412 : vector<16xf32>
      %min3A_417 = vector.broadcast %jit3A_414 : f32 to vector<16xf32>
      %min3A_418 = arith.minimumf %min3A_417, %max3A_416 : vector<16xf32>
      %sub3A_419 = arith.constant -4.843750e-01 : f32
      %sub3A_420 = vector.broadcast %sub3A_419 : f32 to vector<16xf32>
      %sub3A_421 = arith.subf %add3A_394, %sub3A_420 : vector<16xf32>
      %mul3A_422 = arith.constant 3.200000e+01 : f32
      %mul3A_423 = vector.broadcast %mul3A_422 : f32 to vector<16xf32>
      %mul3A_424 = arith.mulf %sub3A_421, %mul3A_423 : vector<16xf32>
      %jit3A_425 = arith.constant 0.000000e+00 : f32
      %jit3A_426 = arith.constant 3.100000e+01 : f32
      %max3A_427 = vector.broadcast %jit3A_425 : f32 to vector<16xf32>
      %max3A_428 = arith.maximumf %max3A_427, %mul3A_424 : vector<16xf32>
      %min3A_429 = vector.broadcast %jit3A_426 : f32 to vector<16xf32>
      %min3A_430 = arith.minimumf %min3A_429, %max3A_428 : vector<16xf32>
      %add3A_431 = arith.constant 5.000000e-01 : f32
      %add3A_432 = vector.broadcast %add3A_431 : f32 to vector<16xf32>
      %add3A_433 = arith.addf %min3A_406, %add3A_432 : vector<16xf32>
      %convert_element_type3A_434 = arith.fptosi %add3A_433 : vector<16xf32> to vector<16xi32>
      %add3A_435 = arith.constant 5.000000e-01 : f32
      %add3A_436 = vector.broadcast %add3A_435 : f32 to vector<16xf32>
      %add3A_437 = arith.addf %min3A_418, %add3A_436 : vector<16xf32>
      %convert_element_type3A_438 = arith.fptosi %add3A_437 : vector<16xf32> to vector<16xi32>
      %add3A_439 = arith.constant 5.000000e-01 : f32
      %add3A_440 = vector.broadcast %add3A_439 : f32 to vector<16xf32>
      %add3A_441 = arith.addf %min3A_430, %add3A_440 : vector<16xf32>
      %convert_element_type3A_442 = arith.fptosi %add3A_441 : vector<16xf32> to vector<16xi32>
      %mul3A_443 = arith.constant 3072 : i32
      %mul3A_444 = vector.broadcast %mul3A_443 : i32 to vector<16xi32>
      %mul3A_445 = arith.muli %convert_element_type3A_434, %mul3A_444 : vector<16xi32>
      %mul3A_446 = arith.constant 96 : i32
      %mul3A_447 = vector.broadcast %mul3A_446 : i32 to vector<16xi32>
      %mul3A_448 = arith.muli %convert_element_type3A_438, %mul3A_447 : vector<16xi32>
      %add3A_449 = arith.addi %mul3A_445, %mul3A_448 : vector<16xi32>
      %mul3A_450 = arith.constant 3 : i32
      %mul3A_451 = vector.broadcast %mul3A_450 : i32 to vector<16xi32>
      %mul3A_452 = arith.muli %convert_element_type3A_442, %mul3A_451 : vector<16xi32>
      %add3A_453 = arith.addi %add3A_449, %mul3A_452 : vector<16xi32>
      %gather3A_454 = tpu.vector_load_idx %arg6[%add3A_453] : memref<98304xf32, #tpu.memory_space<vmem>>[vector<16xi32>], vector<16xf32>,
      %add3A_455 = arith.constant 1 : i32
      %add3A_456 = vector.broadcast %add3A_455 : i32 to vector<16xi32>
      %add3A_457 = arith.addi %add3A_453, %add3A_456 : vector<16xi32>
      %gather3A_458 = tpu.vector_load_idx %arg6[%add3A_457] : memref<98304xf32, #tpu.memory_space<vmem>>[vector<16xi32>], vector<16xf32>,
      %add3A_459 = arith.constant 2 : i32
      %add3A_460 = vector.broadcast %add3A_459 : i32 to vector<16xi32>
      %add3A_461 = arith.addi %add3A_453, %add3A_460 : vector<16xi32>
      %gather3A_462 = tpu.vector_load_idx %arg6[%add3A_461] : memref<98304xf32, #tpu.memory_space<vmem>>[vector<16xi32>], vector<16xf32>,
      %sub3A_463 = arith.subf %add3A_382, %gather3A_454 : vector<16xf32>
      %sub3A_464 = arith.subf %add3A_388, %gather3A_458 : vector<16xf32>
      %sub3A_465 = arith.subf %add3A_394, %gather3A_462 : vector<16xf32>
      %mul3A_466 = arith.mulf %sub3A_463, %sub3A_463 : vector<16xf32>
      %mul3A_467 = arith.mulf %sub3A_464, %sub3A_464 : vector<16xf32>
      %add3A_468 = arith.addf %mul3A_466, %mul3A_467 : vector<16xf32>
      %mul3A_469 = arith.mulf %sub3A_465, %sub3A_465 : vector<16xf32>
      %add3A_470 = arith.addf %add3A_468, %mul3A_469 : vector<16xf32>
      %lt3A_471 = arith.constant 5.000000e+03 : f32
      %lt3A_472 = vector.broadcast %lt3A_471 : f32 to vector<16xf32>
      %lt3A_473 = arith.cmpf olt, %gather3A_454, %lt3A_472 : vector<16xf32>
      %jit3A_474 = arith.constant 0.000000e+00 : f32
      %broadcast_in_dim3A_475 = vector.broadcast %jit3A_474 : f32 to vector<16xf32>
      %select_n3A_476 = arith.select %lt3A_473, %add3A_470, %broadcast_in_dim3A_475 : vector<16xi1>, vector<16xf32>
      %add3A_477 = arith.addf %add3A_357, %select_n3A_476 : vector<16xf32>
      %mul3A_478 = arith.constant 4 : i32
      %mul3A_479 = arith.muli %scan3A_244, %mul3A_478 : i32
      %add3A_480 = arith.constant 2 : i32
      %add3A_481 = arith.addi %mul3A_479, %add3A_480 : i32
      %mul3A_482 = arith.constant 16 : i32
      %mul3A_483 = arith.muli %add3A_481, %mul3A_482 : i32
      %mul3A_484 = arith.constant 3 : i32
      %mul3A_485 = arith.muli %mul3A_483, %mul3A_484 : i32
      %add3A_486 = vector.broadcast %mul3A_485 : i32 to vector<16xi32>
      %add3A_487 = arith.addi %mul3A_17, %add3A_486 : vector<16xi32>
      %gather3A_488 = tpu.vector_load_idx %arg7[%add3A_487] : memref<24576xf32, #tpu.memory_space<vmem>>[vector<16xi32>], vector<16xf32>,
      %add3A_489 = arith.constant 1 : i32
      %add3A_490 = vector.broadcast %add3A_489 : i32 to vector<16xi32>
      %add3A_491 = arith.addi %add3A_487, %add3A_490 : vector<16xi32>
      %gather3A_492 = tpu.vector_load_idx %arg7[%add3A_491] : memref<24576xf32, #tpu.memory_space<vmem>>[vector<16xi32>], vector<16xf32>,
      %add3A_493 = arith.constant 2 : i32
      %add3A_494 = vector.broadcast %add3A_493 : i32 to vector<16xi32>
      %add3A_495 = arith.addi %add3A_487, %add3A_494 : vector<16xi32>
      %gather3A_496 = tpu.vector_load_idx %arg7[%add3A_495] : memref<24576xf32, #tpu.memory_space<vmem>>[vector<16xi32>], vector<16xf32>,
      %mul3A_497 = arith.mulf %get3A_19, %gather3A_488 : vector<16xf32>
      %mul3A_498 = arith.mulf %get3A_21, %gather3A_492 : vector<16xf32>
      %add3A_499 = arith.addf %mul3A_497, %mul3A_498 : vector<16xf32>
      %mul3A_500 = arith.mulf %get3A_23, %gather3A_496 : vector<16xf32>
      %add3A_501 = arith.addf %add3A_499, %mul3A_500 : vector<16xf32>
      %add3A_502 = arith.addf %add3A_501, %get3A_37 : vector<16xf32>
      %mul3A_503 = arith.mulf %get3A_25, %gather3A_488 : vector<16xf32>
      %mul3A_504 = arith.mulf %get3A_27, %gather3A_492 : vector<16xf32>
      %add3A_505 = arith.addf %mul3A_503, %mul3A_504 : vector<16xf32>
      %mul3A_506 = arith.mulf %get3A_29, %gather3A_496 : vector<16xf32>
      %add3A_507 = arith.addf %add3A_505, %mul3A_506 : vector<16xf32>
      %add3A_508 = arith.addf %add3A_507, %get3A_39 : vector<16xf32>
      %mul3A_509 = arith.mulf %get3A_31, %gather3A_488 : vector<16xf32>
      %mul3A_510 = arith.mulf %get3A_33, %gather3A_492 : vector<16xf32>
      %add3A_511 = arith.addf %mul3A_509, %mul3A_510 : vector<16xf32>
      %mul3A_512 = arith.mulf %get3A_35, %gather3A_496 : vector<16xf32>
      %add3A_513 = arith.addf %add3A_511, %mul3A_512 : vector<16xf32>
      %add3A_514 = arith.addf %add3A_513, %get3A_41 : vector<16xf32>
      %sub3A_515 = arith.constant -4.843750e-01 : f32
      %sub3A_516 = vector.broadcast %sub3A_515 : f32 to vector<16xf32>
      %sub3A_517 = arith.subf %add3A_502, %sub3A_516 : vector<16xf32>
      %mul3A_518 = arith.constant 3.200000e+01 : f32
      %mul3A_519 = vector.broadcast %mul3A_518 : f32 to vector<16xf32>
      %mul3A_520 = arith.mulf %sub3A_517, %mul3A_519 : vector<16xf32>
      %jit3A_521 = arith.constant 0.000000e+00 : f32
      %jit3A_522 = arith.constant 3.100000e+01 : f32
      %max3A_523 = vector.broadcast %jit3A_521 : f32 to vector<16xf32>
      %max3A_524 = arith.maximumf %max3A_523, %mul3A_520 : vector<16xf32>
      %min3A_525 = vector.broadcast %jit3A_522 : f32 to vector<16xf32>
      %min3A_526 = arith.minimumf %min3A_525, %max3A_524 : vector<16xf32>
      %sub3A_527 = arith.constant -4.843750e-01 : f32
      %sub3A_528 = vector.broadcast %sub3A_527 : f32 to vector<16xf32>
      %sub3A_529 = arith.subf %add3A_508, %sub3A_528 : vector<16xf32>
      %mul3A_530 = arith.constant 3.200000e+01 : f32
      %mul3A_531 = vector.broadcast %mul3A_530 : f32 to vector<16xf32>
      %mul3A_532 = arith.mulf %sub3A_529, %mul3A_531 : vector<16xf32>
      %jit3A_533 = arith.constant 0.000000e+00 : f32
      %jit3A_534 = arith.constant 3.100000e+01 : f32
      %max3A_535 = vector.broadcast %jit3A_533 : f32 to vector<16xf32>
      %max3A_536 = arith.maximumf %max3A_535, %mul3A_532 : vector<16xf32>
      %min3A_537 = vector.broadcast %jit3A_534 : f32 to vector<16xf32>
      %min3A_538 = arith.minimumf %min3A_537, %max3A_536 : vector<16xf32>
      %sub3A_539 = arith.constant -4.843750e-01 : f32
      %sub3A_540 = vector.broadcast %sub3A_539 : f32 to vector<16xf32>
      %sub3A_541 = arith.subf %add3A_514, %sub3A_540 : vector<16xf32>
      %mul3A_542 = arith.constant 3.200000e+01 : f32
      %mul3A_543 = vector.broadcast %mul3A_542 : f32 to vector<16xf32>
      %mul3A_544 = arith.mulf %sub3A_541, %mul3A_543 : vector<16xf32>
      %jit3A_545 = arith.constant 0.000000e+00 : f32
      %jit3A_546 = arith.constant 3.100000e+01 : f32
      %max3A_547 = vector.broadcast %jit3A_545 : f32 to vector<16xf32>
      %max3A_548 = arith.maximumf %max3A_547, %mul3A_544 : vector<16xf32>
      %min3A_549 = vector.broadcast %jit3A_546 : f32 to vector<16xf32>
      %min3A_550 = arith.minimumf %min3A_549, %max3A_548 : vector<16xf32>
      %add3A_551 = arith.constant 5.000000e-01 : f32
      %add3A_552 = vector.broadcast %add3A_551 : f32 to vector<16xf32>
      %add3A_553 = arith.addf %min3A_526, %add3A_552 : vector<16xf32>
      %convert_element_type3A_554 = arith.fptosi %add3A_553 : vector<16xf32> to vector<16xi32>
      %add3A_555 = arith.constant 5.000000e-01 : f32
      %add3A_556 = vector.broadcast %add3A_555 : f32 to vector<16xf32>
      %add3A_557 = arith.addf %min3A_538, %add3A_556 : vector<16xf32>
      %convert_element_type3A_558 = arith.fptosi %add3A_557 : vector<16xf32> to vector<16xi32>
      %add3A_559 = arith.constant 5.000000e-01 : f32
      %add3A_560 = vector.broadcast %add3A_559 : f32 to vector<16xf32>
      %add3A_561 = arith.addf %min3A_550, %add3A_560 : vector<16xf32>
      %convert_element_type3A_562 = arith.fptosi %add3A_561 : vector<16xf32> to vector<16xi32>
      %mul3A_563 = arith.constant 3072 : i32
      %mul3A_564 = vector.broadcast %mul3A_563 : i32 to vector<16xi32>
      %mul3A_565 = arith.muli %convert_element_type3A_554, %mul3A_564 : vector<16xi32>
      %mul3A_566 = arith.constant 96 : i32
      %mul3A_567 = vector.broadcast %mul3A_566 : i32 to vector<16xi32>
      %mul3A_568 = arith.muli %convert_element_type3A_558, %mul3A_567 : vector<16xi32>
      %add3A_569 = arith.addi %mul3A_565, %mul3A_568 : vector<16xi32>
      %mul3A_570 = arith.constant 3 : i32
      %mul3A_571 = vector.broadcast %mul3A_570 : i32 to vector<16xi32>
      %mul3A_572 = arith.muli %convert_element_type3A_562, %mul3A_571 : vector<16xi32>
      %add3A_573 = arith.addi %add3A_569, %mul3A_572 : vector<16xi32>
      %gather3A_574 = tpu.vector_load_idx %arg6[%add3A_573] : memref<98304xf32, #tpu.memory_space<vmem>>[vector<16xi32>], vector<16xf32>,
      %add3A_575 = arith.constant 1 : i32
      %add3A_576 = vector.broadcast %add3A_575 : i32 to vector<16xi32>
      %add3A_577 = arith.addi %add3A_573, %add3A_576 : vector<16xi32>
      %gather3A_578 = tpu.vector_load_idx %arg6[%add3A_577] : memref<98304xf32, #tpu.memory_space<vmem>>[vector<16xi32>], vector<16xf32>,
      %add3A_579 = arith.constant 2 : i32
      %add3A_580 = vector.broadcast %add3A_579 : i32 to vector<16xi32>
      %add3A_581 = arith.addi %add3A_573, %add3A_580 : vector<16xi32>
      %gather3A_582 = tpu.vector_load_idx %arg6[%add3A_581] : memref<98304xf32, #tpu.memory_space<vmem>>[vector<16xi32>], vector<16xf32>,
      %sub3A_583 = arith.subf %add3A_502, %gather3A_574 : vector<16xf32>
      %sub3A_584 = arith.subf %add3A_508, %gather3A_578 : vector<16xf32>
      %sub3A_585 = arith.subf %add3A_514, %gather3A_582 : vector<16xf32>
      %mul3A_586 = arith.mulf %sub3A_583, %sub3A_583 : vector<16xf32>
      %mul3A_587 = arith.mulf %sub3A_584, %sub3A_584 : vector<16xf32>
      %add3A_588 = arith.addf %mul3A_586, %mul3A_587 : vector<16xf32>
      %mul3A_589 = arith.mulf %sub3A_585, %sub3A_585 : vector<16xf32>
      %add3A_590 = arith.addf %add3A_588, %mul3A_589 : vector<16xf32>
      %lt3A_591 = arith.constant 5.000000e+03 : f32
      %lt3A_592 = vector.broadcast %lt3A_591 : f32 to vector<16xf32>
      %lt3A_593 = arith.cmpf olt, %gather3A_574, %lt3A_592 : vector<16xf32>
      %jit3A_594 = arith.constant 0.000000e+00 : f32
      %broadcast_in_dim3A_595 = vector.broadcast %jit3A_594 : f32 to vector<16xf32>
      %select_n3A_596 = arith.select %lt3A_593, %add3A_590, %broadcast_in_dim3A_595 : vector<16xi1>, vector<16xf32>
      %add3A_597 = arith.addf %add3A_477, %select_n3A_596 : vector<16xf32>
      %mul3A_598 = arith.constant 4 : i32
      %mul3A_599 = arith.muli %scan3A_244, %mul3A_598 : i32
      %add3A_600 = arith.constant 3 : i32
      %add3A_601 = arith.addi %mul3A_599, %add3A_600 : i32
      %mul3A_602 = arith.constant 16 : i32
      %mul3A_603 = arith.muli %add3A_601, %mul3A_602 : i32
      %mul3A_604 = arith.constant 3 : i32
      %mul3A_605 = arith.muli %mul3A_603, %mul3A_604 : i32
      %add3A_606 = vector.broadcast %mul3A_605 : i32 to vector<16xi32>
      %add3A_607 = arith.addi %mul3A_17, %add3A_606 : vector<16xi32>
      %gather3A_608 = tpu.vector_load_idx %arg7[%add3A_607] : memref<24576xf32, #tpu.memory_space<vmem>>[vector<16xi32>], vector<16xf32>,
      %add3A_609 = arith.constant 1 : i32
      %add3A_610 = vector.broadcast %add3A_609 : i32 to vector<16xi32>
      %add3A_611 = arith.addi %add3A_607, %add3A_610 : vector<16xi32>
      %gather3A_612 = tpu.vector_load_idx %arg7[%add3A_611] : memref<24576xf32, #tpu.memory_space<vmem>>[vector<16xi32>], vector<16xf32>,
      %add3A_613 = arith.constant 2 : i32
      %add3A_614 = vector.broadcast %add3A_613 : i32 to vector<16xi32>
      %add3A_615 = arith.addi %add3A_607, %add3A_614 : vector<16xi32>
      %gather3A_616 = tpu.vector_load_idx %arg7[%add3A_615] : memref<24576xf32, #tpu.memory_space<vmem>>[vector<16xi32>], vector<16xf32>,
      %mul3A_617 = arith.mulf %get3A_19, %gather3A_608 : vector<16xf32>
      %mul3A_618 = arith.mulf %get3A_21, %gather3A_612 : vector<16xf32>
      %add3A_619 = arith.addf %mul3A_617, %mul3A_618 : vector<16xf32>
      %mul3A_620 = arith.mulf %get3A_23, %gather3A_616 : vector<16xf32>
      %add3A_621 = arith.addf %add3A_619, %mul3A_620 : vector<16xf32>
      %add3A_622 = arith.addf %add3A_621, %get3A_37 : vector<16xf32>
      %mul3A_623 = arith.mulf %get3A_25, %gather3A_608 : vector<16xf32>
      %mul3A_624 = arith.mulf %get3A_27, %gather3A_612 : vector<16xf32>
      %add3A_625 = arith.addf %mul3A_623, %mul3A_624 : vector<16xf32>
      %mul3A_626 = arith.mulf %get3A_29, %gather3A_616 : vector<16xf32>
      %add3A_627 = arith.addf %add3A_625, %mul3A_626 : vector<16xf32>
      %add3A_628 = arith.addf %add3A_627, %get3A_39 : vector<16xf32>
      %mul3A_629 = arith.mulf %get3A_31, %gather3A_608 : vector<16xf32>
      %mul3A_630 = arith.mulf %get3A_33, %gather3A_612 : vector<16xf32>
      %add3A_631 = arith.addf %mul3A_629, %mul3A_630 : vector<16xf32>
      %mul3A_632 = arith.mulf %get3A_35, %gather3A_616 : vector<16xf32>
      %add3A_633 = arith.addf %add3A_631, %mul3A_632 : vector<16xf32>
      %add3A_634 = arith.addf %add3A_633, %get3A_41 : vector<16xf32>
      %sub3A_635 = arith.constant -4.843750e-01 : f32
      %sub3A_636 = vector.broadcast %sub3A_635 : f32 to vector<16xf32>
      %sub3A_637 = arith.subf %add3A_622, %sub3A_636 : vector<16xf32>
      %mul3A_638 = arith.constant 3.200000e+01 : f32
      %mul3A_639 = vector.broadcast %mul3A_638 : f32 to vector<16xf32>
      %mul3A_640 = arith.mulf %sub3A_637, %mul3A_639 : vector<16xf32>
      %jit3A_641 = arith.constant 0.000000e+00 : f32
      %jit3A_642 = arith.constant 3.100000e+01 : f32
      %max3A_643 = vector.broadcast %jit3A_641 : f32 to vector<16xf32>
      %max3A_644 = arith.maximumf %max3A_643, %mul3A_640 : vector<16xf32>
      %min3A_645 = vector.broadcast %jit3A_642 : f32 to vector<16xf32>
      %min3A_646 = arith.minimumf %min3A_645, %max3A_644 : vector<16xf32>
      %sub3A_647 = arith.constant -4.843750e-01 : f32
      %sub3A_648 = vector.broadcast %sub3A_647 : f32 to vector<16xf32>
      %sub3A_649 = arith.subf %add3A_628, %sub3A_648 : vector<16xf32>
      %mul3A_650 = arith.constant 3.200000e+01 : f32
      %mul3A_651 = vector.broadcast %mul3A_650 : f32 to vector<16xf32>
      %mul3A_652 = arith.mulf %sub3A_649, %mul3A_651 : vector<16xf32>
      %jit3A_653 = arith.constant 0.000000e+00 : f32
      %jit3A_654 = arith.constant 3.100000e+01 : f32
      %max3A_655 = vector.broadcast %jit3A_653 : f32 to vector<16xf32>
      %max3A_656 = arith.maximumf %max3A_655, %mul3A_652 : vector<16xf32>
      %min3A_657 = vector.broadcast %jit3A_654 : f32 to vector<16xf32>
      %min3A_658 = arith.minimumf %min3A_657, %max3A_656 : vector<16xf32>
      %sub3A_659 = arith.constant -4.843750e-01 : f32
      %sub3A_660 = vector.broadcast %sub3A_659 : f32 to vector<16xf32>
      %sub3A_661 = arith.subf %add3A_634, %sub3A_660 : vector<16xf32>
      %mul3A_662 = arith.constant 3.200000e+01 : f32
      %mul3A_663 = vector.broadcast %mul3A_662 : f32 to vector<16xf32>
      %mul3A_664 = arith.mulf %sub3A_661, %mul3A_663 : vector<16xf32>
      %jit3A_665 = arith.constant 0.000000e+00 : f32
      %jit3A_666 = arith.constant 3.100000e+01 : f32
      %max3A_667 = vector.broadcast %jit3A_665 : f32 to vector<16xf32>
      %max3A_668 = arith.maximumf %max3A_667, %mul3A_664 : vector<16xf32>
      %min3A_669 = vector.broadcast %jit3A_666 : f32 to vector<16xf32>
      %min3A_670 = arith.minimumf %min3A_669, %max3A_668 : vector<16xf32>
      %add3A_671 = arith.constant 5.000000e-01 : f32
      %add3A_672 = vector.broadcast %add3A_671 : f32 to vector<16xf32>
      %add3A_673 = arith.addf %min3A_646, %add3A_672 : vector<16xf32>
      %convert_element_type3A_674 = arith.fptosi %add3A_673 : vector<16xf32> to vector<16xi32>
      %add3A_675 = arith.constant 5.000000e-01 : f32
      %add3A_676 = vector.broadcast %add3A_675 : f32 to vector<16xf32>
      %add3A_677 = arith.addf %min3A_658, %add3A_676 : vector<16xf32>
      %convert_element_type3A_678 = arith.fptosi %add3A_677 : vector<16xf32> to vector<16xi32>
      %add3A_679 = arith.constant 5.000000e-01 : f32
      %add3A_680 = vector.broadcast %add3A_679 : f32 to vector<16xf32>
      %add3A_681 = arith.addf %min3A_670, %add3A_680 : vector<16xf32>
      %convert_element_type3A_682 = arith.fptosi %add3A_681 : vector<16xf32> to vector<16xi32>
      %mul3A_683 = arith.constant 3072 : i32
      %mul3A_684 = vector.broadcast %mul3A_683 : i32 to vector<16xi32>
      %mul3A_685 = arith.muli %convert_element_type3A_674, %mul3A_684 : vector<16xi32>
      %mul3A_686 = arith.constant 96 : i32
      %mul3A_687 = vector.broadcast %mul3A_686 : i32 to vector<16xi32>
      %mul3A_688 = arith.muli %convert_element_type3A_678, %mul3A_687 : vector<16xi32>
      %add3A_689 = arith.addi %mul3A_685, %mul3A_688 : vector<16xi32>
      %mul3A_690 = arith.constant 3 : i32
      %mul3A_691 = vector.broadcast %mul3A_690 : i32 to vector<16xi32>
      %mul3A_692 = arith.muli %convert_element_type3A_682, %mul3A_691 : vector<16xi32>
      %add3A_693 = arith.addi %add3A_689, %mul3A_692 : vector<16xi32>
      %gather3A_694 = tpu.vector_load_idx %arg6[%add3A_693] : memref<98304xf32, #tpu.memory_space<vmem>>[vector<16xi32>], vector<16xf32>,
      %add3A_695 = arith.constant 1 : i32
      %add3A_696 = vector.broadcast %add3A_695 : i32 to vector<16xi32>
      %add3A_697 = arith.addi %add3A_693, %add3A_696 : vector<16xi32>
      %gather3A_698 = tpu.vector_load_idx %arg6[%add3A_697] : memref<98304xf32, #tpu.memory_space<vmem>>[vector<16xi32>], vector<16xf32>,
      %add3A_699 = arith.constant 2 : i32
      %add3A_700 = vector.broadcast %add3A_699 : i32 to vector<16xi32>
      %add3A_701 = arith.addi %add3A_693, %add3A_700 : vector<16xi32>
      %gather3A_702 = tpu.vector_load_idx %arg6[%add3A_701] : memref<98304xf32, #tpu.memory_space<vmem>>[vector<16xi32>], vector<16xf32>,
      %sub3A_703 = arith.subf %add3A_622, %gather3A_694 : vector<16xf32>
      %sub3A_704 = arith.subf %add3A_628, %gather3A_698 : vector<16xf32>
      %sub3A_705 = arith.subf %add3A_634, %gather3A_702 : vector<16xf32>
      %mul3A_706 = arith.mulf %sub3A_703, %sub3A_703 : vector<16xf32>
      %mul3A_707 = arith.mulf %sub3A_704, %sub3A_704 : vector<16xf32>
      %add3A_708 = arith.addf %mul3A_706, %mul3A_707 : vector<16xf32>
      %mul3A_709 = arith.mulf %sub3A_705, %sub3A_705 : vector<16xf32>
      %add3A_710 = arith.addf %add3A_708, %mul3A_709 : vector<16xf32>
      %lt3A_711 = arith.constant 5.000000e+03 : f32
      %lt3A_712 = vector.broadcast %lt3A_711 : f32 to vector<16xf32>
      %lt3A_713 = arith.cmpf olt, %gather3A_694, %lt3A_712 : vector<16xf32>
      %jit3A_714 = arith.constant 0.000000e+00 : f32
      %broadcast_in_dim3A_715 = vector.broadcast %jit3A_714 : f32 to vector<16xf32>
      %select_n3A_716 = arith.select %lt3A_713, %add3A_710, %broadcast_in_dim3A_715 : vector<16xi1>, vector<16xf32>
      %add3A_717 = arith.addf %add3A_597, %select_n3A_716 : vector<16xf32>
      scf.yield %add3A_717 : vector<16xf32>
    }
    %scan3A_46 = arith.constant 128 : i32
    %swap3A = arith.constant 0 : index
    %swap3A_47 = tpu.vector_load %arg9[%swap3A] {strides = array<i32>} : memref<32xf32, #tpu.memory_space<vmem>>, vector<16xf32>,
    tpu.vector_store %arg9[%swap3A], %scan3A_45 {strides = array<i32>} : memref<32xf32, #tpu.memory_space<vmem>>, vector<16xf32>,
    %get3A_48 = arith.constant 192 : index
    %get3A_49 = tpu.vector_load %arg8[%get3A_48] {strides = array<i32>} : memref<1344xf32, #tpu.memory_space<vmem>>, vector<16xf32>,
    %get3A_50 = arith.constant 208 : index
    %get3A_51 = tpu.vector_load %arg8[%get3A_50] {strides = array<i32>} : memref<1344xf32, #tpu.memory_space<vmem>>, vector<16xf32>,
    %get3A_52 = arith.constant 224 : index
    %get3A_53 = tpu.vector_load %arg8[%get3A_52] {strides = array<i32>} : memref<1344xf32, #tpu.memory_space<vmem>>, vector<16xf32>,
    %get3A_54 = arith.constant 240 : index
    %get3A_55 = tpu.vector_load %arg8[%get3A_54] {strides = array<i32>} : memref<1344xf32, #tpu.memory_space<vmem>>, vector<16xf32>,
    %get3A_56 = arith.constant 256 : index
    %get3A_57 = tpu.vector_load %arg8[%get3A_56] {strides = array<i32>} : memref<1344xf32, #tpu.memory_space<vmem>>, vector<16xf32>,
    %get3A_58 = arith.constant 272 : index
    %get3A_59 = tpu.vector_load %arg8[%get3A_58] {strides = array<i32>} : memref<1344xf32, #tpu.memory_space<vmem>>, vector<16xf32>,
    %get3A_60 = arith.constant 288 : index
    %get3A_61 = tpu.vector_load %arg8[%get3A_60] {strides = array<i32>} : memref<1344xf32, #tpu.memory_space<vmem>>, vector<16xf32>,
    %get3A_62 = arith.constant 304 : index
    %get3A_63 = tpu.vector_load %arg8[%get3A_62] {strides = array<i32>} : memref<1344xf32, #tpu.memory_space<vmem>>, vector<16xf32>,
    %get3A_64 = arith.constant 320 : index
    %get3A_65 = tpu.vector_load %arg8[%get3A_64] {strides = array<i32>} : memref<1344xf32, #tpu.memory_space<vmem>>, vector<16xf32>,
    %get3A_66 = arith.constant 336 : index
    %get3A_67 = tpu.vector_load %arg8[%get3A_66] {strides = array<i32>} : memref<1344xf32, #tpu.memory_space<vmem>>, vector<16xf32>,
    %get3A_68 = arith.constant 352 : index
    %get3A_69 = tpu.vector_load %arg8[%get3A_68] {strides = array<i32>} : memref<1344xf32, #tpu.memory_space<vmem>>, vector<16xf32>,
    %get3A_70 = arith.constant 368 : index
    %get3A_71 = tpu.vector_load %arg8[%get3A_70] {strides = array<i32>} : memref<1344xf32, #tpu.memory_space<vmem>>, vector<16xf32>,
    %scan3A_72 = arith.constant 0 : i32
    %scan3A_73 = arith.constant 128 : i32
    %scan3A_74 = arith.addi %scan3A_72, %scan3A_73 : i32
    %scan3A_75 = arith.constant 1 : i32
    %scan3A_76 = scf.for %scan3A_244 = %scan3A_72 to %scan3A_74 step %scan3A_75 iter_args(%scan3A_245 = %broadcast_in_dim3A_18) -> (vector<16xf32>)  : i32 {
      %mul3A_246 = arith.constant 4 : i32
      %mul3A_247 = arith.muli %scan3A_244, %mul3A_246 : i32
      %add3A_248 = arith.constant 0 : i32
      %add3A_249 = arith.addi %mul3A_247, %add3A_248 : i32
      %mul3A_250 = arith.constant 16 : i32
      %mul3A_251 = arith.muli %add3A_249, %mul3A_250 : i32
      %mul3A_252 = arith.constant 3 : i32
      %mul3A_253 = arith.muli %mul3A_251, %mul3A_252 : i32
      %add3A_254 = vector.broadcast %mul3A_253 : i32 to vector<16xi32>
      %add3A_255 = arith.addi %mul3A_17, %add3A_254 : vector<16xi32>
      %gather3A = tpu.vector_load_idx %arg7[%add3A_255] : memref<24576xf32, #tpu.memory_space<vmem>>[vector<16xi32>], vector<16xf32>,
      %add3A_256 = arith.constant 1 : i32
      %add3A_257 = vector.broadcast %add3A_256 : i32 to vector<16xi32>
      %add3A_258 = arith.addi %add3A_255, %add3A_257 : vector<16xi32>
      %gather3A_259 = tpu.vector_load_idx %arg7[%add3A_258] : memref<24576xf32, #tpu.memory_space<vmem>>[vector<16xi32>], vector<16xf32>,
      %add3A_260 = arith.constant 2 : i32
      %add3A_261 = vector.broadcast %add3A_260 : i32 to vector<16xi32>
      %add3A_262 = arith.addi %add3A_255, %add3A_261 : vector<16xi32>
      %gather3A_263 = tpu.vector_load_idx %arg7[%add3A_262] : memref<24576xf32, #tpu.memory_space<vmem>>[vector<16xi32>], vector<16xf32>,
      %mul3A_264 = arith.mulf %get3A_49, %gather3A : vector<16xf32>
      %mul3A_265 = arith.mulf %get3A_51, %gather3A_259 : vector<16xf32>
      %add3A_266 = arith.addf %mul3A_264, %mul3A_265 : vector<16xf32>
      %mul3A_267 = arith.mulf %get3A_53, %gather3A_263 : vector<16xf32>
      %add3A_268 = arith.addf %add3A_266, %mul3A_267 : vector<16xf32>
      %add3A_269 = arith.addf %add3A_268, %get3A_67 : vector<16xf32>
      %mul3A_270 = arith.mulf %get3A_55, %gather3A : vector<16xf32>
      %mul3A_271 = arith.mulf %get3A_57, %gather3A_259 : vector<16xf32>
      %add3A_272 = arith.addf %mul3A_270, %mul3A_271 : vector<16xf32>
      %mul3A_273 = arith.mulf %get3A_59, %gather3A_263 : vector<16xf32>
      %add3A_274 = arith.addf %add3A_272, %mul3A_273 : vector<16xf32>
      %add3A_275 = arith.addf %add3A_274, %get3A_69 : vector<16xf32>
      %mul3A_276 = arith.mulf %get3A_61, %gather3A : vector<16xf32>
      %mul3A_277 = arith.mulf %get3A_63, %gather3A_259 : vector<16xf32>
      %add3A_278 = arith.addf %mul3A_276, %mul3A_277 : vector<16xf32>
      %mul3A_279 = arith.mulf %get3A_65, %gather3A_263 : vector<16xf32>
      %add3A_280 = arith.addf %add3A_278, %mul3A_279 : vector<16xf32>
      %add3A_281 = arith.addf %add3A_280, %get3A_71 : vector<16xf32>
      %sub3A = arith.constant -4.843750e-01 : f32
      %sub3A_282 = vector.broadcast %sub3A : f32 to vector<16xf32>
      %sub3A_283 = arith.subf %add3A_269, %sub3A_282 : vector<16xf32>
      %mul3A_284 = arith.constant 3.200000e+01 : f32
      %mul3A_285 = vector.broadcast %mul3A_284 : f32 to vector<16xf32>
      %mul3A_286 = arith.mulf %sub3A_283, %mul3A_285 : vector<16xf32>
      %jit3A = arith.constant 0.000000e+00 : f32
      %jit3A_287 = arith.constant 3.100000e+01 : f32
      %max3A = vector.broadcast %jit3A : f32 to vector<16xf32>
      %max3A_288 = arith.maximumf %max3A, %mul3A_286 : vector<16xf32>
      %min3A = vector.broadcast %jit3A_287 : f32 to vector<16xf32>
      %min3A_289 = arith.minimumf %min3A, %max3A_288 : vector<16xf32>
      %sub3A_290 = arith.constant -4.843750e-01 : f32
      %sub3A_291 = vector.broadcast %sub3A_290 : f32 to vector<16xf32>
      %sub3A_292 = arith.subf %add3A_275, %sub3A_291 : vector<16xf32>
      %mul3A_293 = arith.constant 3.200000e+01 : f32
      %mul3A_294 = vector.broadcast %mul3A_293 : f32 to vector<16xf32>
      %mul3A_295 = arith.mulf %sub3A_292, %mul3A_294 : vector<16xf32>
      %jit3A_296 = arith.constant 0.000000e+00 : f32
      %jit3A_297 = arith.constant 3.100000e+01 : f32
      %max3A_298 = vector.broadcast %jit3A_296 : f32 to vector<16xf32>
      %max3A_299 = arith.maximumf %max3A_298, %mul3A_295 : vector<16xf32>
      %min3A_300 = vector.broadcast %jit3A_297 : f32 to vector<16xf32>
      %min3A_301 = arith.minimumf %min3A_300, %max3A_299 : vector<16xf32>
      %sub3A_302 = arith.constant -4.843750e-01 : f32
      %sub3A_303 = vector.broadcast %sub3A_302 : f32 to vector<16xf32>
      %sub3A_304 = arith.subf %add3A_281, %sub3A_303 : vector<16xf32>
      %mul3A_305 = arith.constant 3.200000e+01 : f32
      %mul3A_306 = vector.broadcast %mul3A_305 : f32 to vector<16xf32>
      %mul3A_307 = arith.mulf %sub3A_304, %mul3A_306 : vector<16xf32>
      %jit3A_308 = arith.constant 0.000000e+00 : f32
      %jit3A_309 = arith.constant 3.100000e+01 : f32
      %max3A_310 = vector.broadcast %jit3A_308 : f32 to vector<16xf32>
      %max3A_311 = arith.maximumf %max3A_310, %mul3A_307 : vector<16xf32>
      %min3A_312 = vector.broadcast %jit3A_309 : f32 to vector<16xf32>
      %min3A_313 = arith.minimumf %min3A_312, %max3A_311 : vector<16xf32>
      %add3A_314 = arith.constant 5.000000e-01 : f32
      %add3A_315 = vector.broadcast %add3A_314 : f32 to vector<16xf32>
      %add3A_316 = arith.addf %min3A_289, %add3A_315 : vector<16xf32>
      %convert_element_type3A = arith.fptosi %add3A_316 : vector<16xf32> to vector<16xi32>
      %add3A_317 = arith.constant 5.000000e-01 : f32
      %add3A_318 = vector.broadcast %add3A_317 : f32 to vector<16xf32>
      %add3A_319 = arith.addf %min3A_301, %add3A_318 : vector<16xf32>
      %convert_element_type3A_320 = arith.fptosi %add3A_319 : vector<16xf32> to vector<16xi32>
      %add3A_321 = arith.constant 5.000000e-01 : f32
      %add3A_322 = vector.broadcast %add3A_321 : f32 to vector<16xf32>
      %add3A_323 = arith.addf %min3A_313, %add3A_322 : vector<16xf32>
      %convert_element_type3A_324 = arith.fptosi %add3A_323 : vector<16xf32> to vector<16xi32>
      %mul3A_325 = arith.constant 3072 : i32
      %mul3A_326 = vector.broadcast %mul3A_325 : i32 to vector<16xi32>
      %mul3A_327 = arith.muli %convert_element_type3A, %mul3A_326 : vector<16xi32>
      %mul3A_328 = arith.constant 96 : i32
      %mul3A_329 = vector.broadcast %mul3A_328 : i32 to vector<16xi32>
      %mul3A_330 = arith.muli %convert_element_type3A_320, %mul3A_329 : vector<16xi32>
      %add3A_331 = arith.addi %mul3A_327, %mul3A_330 : vector<16xi32>
      %mul3A_332 = arith.constant 3 : i32
      %mul3A_333 = vector.broadcast %mul3A_332 : i32 to vector<16xi32>
      %mul3A_334 = arith.muli %convert_element_type3A_324, %mul3A_333 : vector<16xi32>
      %add3A_335 = arith.addi %add3A_331, %mul3A_334 : vector<16xi32>
      %gather3A_336 = tpu.vector_load_idx %arg6[%add3A_335] : memref<98304xf32, #tpu.memory_space<vmem>>[vector<16xi32>], vector<16xf32>,
      %add3A_337 = arith.constant 1 : i32
      %add3A_338 = vector.broadcast %add3A_337 : i32 to vector<16xi32>
      %add3A_339 = arith.addi %add3A_335, %add3A_338 : vector<16xi32>
      %gather3A_340 = tpu.vector_load_idx %arg6[%add3A_339] : memref<98304xf32, #tpu.memory_space<vmem>>[vector<16xi32>], vector<16xf32>,
      %add3A_341 = arith.constant 2 : i32
      %add3A_342 = vector.broadcast %add3A_341 : i32 to vector<16xi32>
      %add3A_343 = arith.addi %add3A_335, %add3A_342 : vector<16xi32>
      %gather3A_344 = tpu.vector_load_idx %arg6[%add3A_343] : memref<98304xf32, #tpu.memory_space<vmem>>[vector<16xi32>], vector<16xf32>,
      %sub3A_345 = arith.subf %add3A_269, %gather3A_336 : vector<16xf32>
      %sub3A_346 = arith.subf %add3A_275, %gather3A_340 : vector<16xf32>
      %sub3A_347 = arith.subf %add3A_281, %gather3A_344 : vector<16xf32>
      %mul3A_348 = arith.mulf %sub3A_345, %sub3A_345 : vector<16xf32>
      %mul3A_349 = arith.mulf %sub3A_346, %sub3A_346 : vector<16xf32>
      %add3A_350 = arith.addf %mul3A_348, %mul3A_349 : vector<16xf32>
      %mul3A_351 = arith.mulf %sub3A_347, %sub3A_347 : vector<16xf32>
      %add3A_352 = arith.addf %add3A_350, %mul3A_351 : vector<16xf32>
      %lt3A = arith.constant 5.000000e+03 : f32
      %lt3A_353 = vector.broadcast %lt3A : f32 to vector<16xf32>
      %lt3A_354 = arith.cmpf olt, %gather3A_336, %lt3A_353 : vector<16xf32>
      %jit3A_355 = arith.constant 0.000000e+00 : f32
      %broadcast_in_dim3A_356 = vector.broadcast %jit3A_355 : f32 to vector<16xf32>
      %select_n3A = arith.select %lt3A_354, %add3A_352, %broadcast_in_dim3A_356 : vector<16xi1>, vector<16xf32>
      %add3A_357 = arith.addf %scan3A_245, %select_n3A : vector<16xf32>
      %mul3A_358 = arith.constant 4 : i32
      %mul3A_359 = arith.muli %scan3A_244, %mul3A_358 : i32
      %add3A_360 = arith.constant 1 : i32
      %add3A_361 = arith.addi %mul3A_359, %add3A_360 : i32
      %mul3A_362 = arith.constant 16 : i32
      %mul3A_363 = arith.muli %add3A_361, %mul3A_362 : i32
      %mul3A_364 = arith.constant 3 : i32
      %mul3A_365 = arith.muli %mul3A_363, %mul3A_364 : i32
      %add3A_366 = vector.broadcast %mul3A_365 : i32 to vector<16xi32>
      %add3A_367 = arith.addi %mul3A_17, %add3A_366 : vector<16xi32>
      %gather3A_368 = tpu.vector_load_idx %arg7[%add3A_367] : memref<24576xf32, #tpu.memory_space<vmem>>[vector<16xi32>], vector<16xf32>,
      %add3A_369 = arith.constant 1 : i32
      %add3A_370 = vector.broadcast %add3A_369 : i32 to vector<16xi32>
      %add3A_371 = arith.addi %add3A_367, %add3A_370 : vector<16xi32>
      %gather3A_372 = tpu.vector_load_idx %arg7[%add3A_371] : memref<24576xf32, #tpu.memory_space<vmem>>[vector<16xi32>], vector<16xf32>,
      %add3A_373 = arith.constant 2 : i32
      %add3A_374 = vector.broadcast %add3A_373 : i32 to vector<16xi32>
      %add3A_375 = arith.addi %add3A_367, %add3A_374 : vector<16xi32>
      %gather3A_376 = tpu.vector_load_idx %arg7[%add3A_375] : memref<24576xf32, #tpu.memory_space<vmem>>[vector<16xi32>], vector<16xf32>,
      %mul3A_377 = arith.mulf %get3A_49, %gather3A_368 : vector<16xf32>
      %mul3A_378 = arith.mulf %get3A_51, %gather3A_372 : vector<16xf32>
      %add3A_379 = arith.addf %mul3A_377, %mul3A_378 : vector<16xf32>
      %mul3A_380 = arith.mulf %get3A_53, %gather3A_376 : vector<16xf32>
      %add3A_381 = arith.addf %add3A_379, %mul3A_380 : vector<16xf32>
      %add3A_382 = arith.addf %add3A_381, %get3A_67 : vector<16xf32>
      %mul3A_383 = arith.mulf %get3A_55, %gather3A_368 : vector<16xf32>
      %mul3A_384 = arith.mulf %get3A_57, %gather3A_372 : vector<16xf32>
      %add3A_385 = arith.addf %mul3A_383, %mul3A_384 : vector<16xf32>
      %mul3A_386 = arith.mulf %get3A_59, %gather3A_376 : vector<16xf32>
      %add3A_387 = arith.addf %add3A_385, %mul3A_386 : vector<16xf32>
      %add3A_388 = arith.addf %add3A_387, %get3A_69 : vector<16xf32>
      %mul3A_389 = arith.mulf %get3A_61, %gather3A_368 : vector<16xf32>
      %mul3A_390 = arith.mulf %get3A_63, %gather3A_372 : vector<16xf32>
      %add3A_391 = arith.addf %mul3A_389, %mul3A_390 : vector<16xf32>
      %mul3A_392 = arith.mulf %get3A_65, %gather3A_376 : vector<16xf32>
      %add3A_393 = arith.addf %add3A_391, %mul3A_392 : vector<16xf32>
      %add3A_394 = arith.addf %add3A_393, %get3A_71 : vector<16xf32>
      %sub3A_395 = arith.constant -4.843750e-01 : f32
      %sub3A_396 = vector.broadcast %sub3A_395 : f32 to vector<16xf32>
      %sub3A_397 = arith.subf %add3A_382, %sub3A_396 : vector<16xf32>
      %mul3A_398 = arith.constant 3.200000e+01 : f32
      %mul3A_399 = vector.broadcast %mul3A_398 : f32 to vector<16xf32>
      %mul3A_400 = arith.mulf %sub3A_397, %mul3A_399 : vector<16xf32>
      %jit3A_401 = arith.constant 0.000000e+00 : f32
      %jit3A_402 = arith.constant 3.100000e+01 : f32
      %max3A_403 = vector.broadcast %jit3A_401 : f32 to vector<16xf32>
      %max3A_404 = arith.maximumf %max3A_403, %mul3A_400 : vector<16xf32>
      %min3A_405 = vector.broadcast %jit3A_402 : f32 to vector<16xf32>
      %min3A_406 = arith.minimumf %min3A_405, %max3A_404 : vector<16xf32>
      %sub3A_407 = arith.constant -4.843750e-01 : f32
      %sub3A_408 = vector.broadcast %sub3A_407 : f32 to vector<16xf32>
      %sub3A_409 = arith.subf %add3A_388, %sub3A_408 : vector<16xf32>
      %mul3A_410 = arith.constant 3.200000e+01 : f32
      %mul3A_411 = vector.broadcast %mul3A_410 : f32 to vector<16xf32>
      %mul3A_412 = arith.mulf %sub3A_409, %mul3A_411 : vector<16xf32>
      %jit3A_413 = arith.constant 0.000000e+00 : f32
      %jit3A_414 = arith.constant 3.100000e+01 : f32
      %max3A_415 = vector.broadcast %jit3A_413 : f32 to vector<16xf32>
      %max3A_416 = arith.maximumf %max3A_415, %mul3A_412 : vector<16xf32>
      %min3A_417 = vector.broadcast %jit3A_414 : f32 to vector<16xf32>
      %min3A_418 = arith.minimumf %min3A_417, %max3A_416 : vector<16xf32>
      %sub3A_419 = arith.constant -4.843750e-01 : f32
      %sub3A_420 = vector.broadcast %sub3A_419 : f32 to vector<16xf32>
      %sub3A_421 = arith.subf %add3A_394, %sub3A_420 : vector<16xf32>
      %mul3A_422 = arith.constant 3.200000e+01 : f32
      %mul3A_423 = vector.broadcast %mul3A_422 : f32 to vector<16xf32>
      %mul3A_424 = arith.mulf %sub3A_421, %mul3A_423 : vector<16xf32>
      %jit3A_425 = arith.constant 0.000000e+00 : f32
      %jit3A_426 = arith.constant 3.100000e+01 : f32
      %max3A_427 = vector.broadcast %jit3A_425 : f32 to vector<16xf32>
      %max3A_428 = arith.maximumf %max3A_427, %mul3A_424 : vector<16xf32>
      %min3A_429 = vector.broadcast %jit3A_426 : f32 to vector<16xf32>
      %min3A_430 = arith.minimumf %min3A_429, %max3A_428 : vector<16xf32>
      %add3A_431 = arith.constant 5.000000e-01 : f32
      %add3A_432 = vector.broadcast %add3A_431 : f32 to vector<16xf32>
      %add3A_433 = arith.addf %min3A_406, %add3A_432 : vector<16xf32>
      %convert_element_type3A_434 = arith.fptosi %add3A_433 : vector<16xf32> to vector<16xi32>
      %add3A_435 = arith.constant 5.000000e-01 : f32
      %add3A_436 = vector.broadcast %add3A_435 : f32 to vector<16xf32>
      %add3A_437 = arith.addf %min3A_418, %add3A_436 : vector<16xf32>
      %convert_element_type3A_438 = arith.fptosi %add3A_437 : vector<16xf32> to vector<16xi32>
      %add3A_439 = arith.constant 5.000000e-01 : f32
      %add3A_440 = vector.broadcast %add3A_439 : f32 to vector<16xf32>
      %add3A_441 = arith.addf %min3A_430, %add3A_440 : vector<16xf32>
      %convert_element_type3A_442 = arith.fptosi %add3A_441 : vector<16xf32> to vector<16xi32>
      %mul3A_443 = arith.constant 3072 : i32
      %mul3A_444 = vector.broadcast %mul3A_443 : i32 to vector<16xi32>
      %mul3A_445 = arith.muli %convert_element_type3A_434, %mul3A_444 : vector<16xi32>
      %mul3A_446 = arith.constant 96 : i32
      %mul3A_447 = vector.broadcast %mul3A_446 : i32 to vector<16xi32>
      %mul3A_448 = arith.muli %convert_element_type3A_438, %mul3A_447 : vector<16xi32>
      %add3A_449 = arith.addi %mul3A_445, %mul3A_448 : vector<16xi32>
      %mul3A_450 = arith.constant 3 : i32
      %mul3A_451 = vector.broadcast %mul3A_450 : i32 to vector<16xi32>
      %mul3A_452 = arith.muli %convert_element_type3A_442, %mul3A_451 : vector<16xi32>
      %add3A_453 = arith.addi %add3A_449, %mul3A_452 : vector<16xi32>
      %gather3A_454 = tpu.vector_load_idx %arg6[%add3A_453] : memref<98304xf32, #tpu.memory_space<vmem>>[vector<16xi32>], vector<16xf32>,
      %add3A_455 = arith.constant 1 : i32
      %add3A_456 = vector.broadcast %add3A_455 : i32 to vector<16xi32>
      %add3A_457 = arith.addi %add3A_453, %add3A_456 : vector<16xi32>
      %gather3A_458 = tpu.vector_load_idx %arg6[%add3A_457] : memref<98304xf32, #tpu.memory_space<vmem>>[vector<16xi32>], vector<16xf32>,
      %add3A_459 = arith.constant 2 : i32
      %add3A_460 = vector.broadcast %add3A_459 : i32 to vector<16xi32>
      %add3A_461 = arith.addi %add3A_453, %add3A_460 : vector<16xi32>
      %gather3A_462 = tpu.vector_load_idx %arg6[%add3A_461] : memref<98304xf32, #tpu.memory_space<vmem>>[vector<16xi32>], vector<16xf32>,
      %sub3A_463 = arith.subf %add3A_382, %gather3A_454 : vector<16xf32>
      %sub3A_464 = arith.subf %add3A_388, %gather3A_458 : vector<16xf32>
      %sub3A_465 = arith.subf %add3A_394, %gather3A_462 : vector<16xf32>
      %mul3A_466 = arith.mulf %sub3A_463, %sub3A_463 : vector<16xf32>
      %mul3A_467 = arith.mulf %sub3A_464, %sub3A_464 : vector<16xf32>
      %add3A_468 = arith.addf %mul3A_466, %mul3A_467 : vector<16xf32>
      %mul3A_469 = arith.mulf %sub3A_465, %sub3A_465 : vector<16xf32>
      %add3A_470 = arith.addf %add3A_468, %mul3A_469 : vector<16xf32>
      %lt3A_471 = arith.constant 5.000000e+03 : f32
      %lt3A_472 = vector.broadcast %lt3A_471 : f32 to vector<16xf32>
      %lt3A_473 = arith.cmpf olt, %gather3A_454, %lt3A_472 : vector<16xf32>
      %jit3A_474 = arith.constant 0.000000e+00 : f32
      %broadcast_in_dim3A_475 = vector.broadcast %jit3A_474 : f32 to vector<16xf32>
      %select_n3A_476 = arith.select %lt3A_473, %add3A_470, %broadcast_in_dim3A_475 : vector<16xi1>, vector<16xf32>
      %add3A_477 = arith.addf %add3A_357, %select_n3A_476 : vector<16xf32>
      %mul3A_478 = arith.constant 4 : i32
      %mul3A_479 = arith.muli %scan3A_244, %mul3A_478 : i32
      %add3A_480 = arith.constant 2 : i32
      %add3A_481 = arith.addi %mul3A_479, %add3A_480 : i32
      %mul3A_482 = arith.constant 16 : i32
      %mul3A_483 = arith.muli %add3A_481, %mul3A_482 : i32
      %mul3A_484 = arith.constant 3 : i32
      %mul3A_485 = arith.muli %mul3A_483, %mul3A_484 : i32
      %add3A_486 = vector.broadcast %mul3A_485 : i32 to vector<16xi32>
      %add3A_487 = arith.addi %mul3A_17, %add3A_486 : vector<16xi32>
      %gather3A_488 = tpu.vector_load_idx %arg7[%add3A_487] : memref<24576xf32, #tpu.memory_space<vmem>>[vector<16xi32>], vector<16xf32>,
      %add3A_489 = arith.constant 1 : i32
      %add3A_490 = vector.broadcast %add3A_489 : i32 to vector<16xi32>
      %add3A_491 = arith.addi %add3A_487, %add3A_490 : vector<16xi32>
      %gather3A_492 = tpu.vector_load_idx %arg7[%add3A_491] : memref<24576xf32, #tpu.memory_space<vmem>>[vector<16xi32>], vector<16xf32>,
      %add3A_493 = arith.constant 2 : i32
      %add3A_494 = vector.broadcast %add3A_493 : i32 to vector<16xi32>
      %add3A_495 = arith.addi %add3A_487, %add3A_494 : vector<16xi32>
      %gather3A_496 = tpu.vector_load_idx %arg7[%add3A_495] : memref<24576xf32, #tpu.memory_space<vmem>>[vector<16xi32>], vector<16xf32>,
      %mul3A_497 = arith.mulf %get3A_49, %gather3A_488 : vector<16xf32>
      %mul3A_498 = arith.mulf %get3A_51, %gather3A_492 : vector<16xf32>
      %add3A_499 = arith.addf %mul3A_497, %mul3A_498 : vector<16xf32>
      %mul3A_500 = arith.mulf %get3A_53, %gather3A_496 : vector<16xf32>
      %add3A_501 = arith.addf %add3A_499, %mul3A_500 : vector<16xf32>
      %add3A_502 = arith.addf %add3A_501, %get3A_67 : vector<16xf32>
      %mul3A_503 = arith.mulf %get3A_55, %gather3A_488 : vector<16xf32>
      %mul3A_504 = arith.mulf %get3A_57, %gather3A_492 : vector<16xf32>
      %add3A_505 = arith.addf %mul3A_503, %mul3A_504 : vector<16xf32>
      %mul3A_506 = arith.mulf %get3A_59, %gather3A_496 : vector<16xf32>
      %add3A_507 = arith.addf %add3A_505, %mul3A_506 : vector<16xf32>
      %add3A_508 = arith.addf %add3A_507, %get3A_69 : vector<16xf32>
      %mul3A_509 = arith.mulf %get3A_61, %gather3A_488 : vector<16xf32>
      %mul3A_510 = arith.mulf %get3A_63, %gather3A_492 : vector<16xf32>
      %add3A_511 = arith.addf %mul3A_509, %mul3A_510 : vector<16xf32>
      %mul3A_512 = arith.mulf %get3A_65, %gather3A_496 : vector<16xf32>
      %add3A_513 = arith.addf %add3A_511, %mul3A_512 : vector<16xf32>
      %add3A_514 = arith.addf %add3A_513, %get3A_71 : vector<16xf32>
      %sub3A_515 = arith.constant -4.843750e-01 : f32
      %sub3A_516 = vector.broadcast %sub3A_515 : f32 to vector<16xf32>
      %sub3A_517 = arith.subf %add3A_502, %sub3A_516 : vector<16xf32>
      %mul3A_518 = arith.constant 3.200000e+01 : f32
      %mul3A_519 = vector.broadcast %mul3A_518 : f32 to vector<16xf32>
      %mul3A_520 = arith.mulf %sub3A_517, %mul3A_519 : vector<16xf32>
      %jit3A_521 = arith.constant 0.000000e+00 : f32
      %jit3A_522 = arith.constant 3.100000e+01 : f32
      %max3A_523 = vector.broadcast %jit3A_521 : f32 to vector<16xf32>
      %max3A_524 = arith.maximumf %max3A_523, %mul3A_520 : vector<16xf32>
      %min3A_525 = vector.broadcast %jit3A_522 : f32 to vector<16xf32>
      %min3A_526 = arith.minimumf %min3A_525, %max3A_524 : vector<16xf32>
      %sub3A_527 = arith.constant -4.843750e-01 : f32
      %sub3A_528 = vector.broadcast %sub3A_527 : f32 to vector<16xf32>
      %sub3A_529 = arith.subf %add3A_508, %sub3A_528 : vector<16xf32>
      %mul3A_530 = arith.constant 3.200000e+01 : f32
      %mul3A_531 = vector.broadcast %mul3A_530 : f32 to vector<16xf32>
      %mul3A_532 = arith.mulf %sub3A_529, %mul3A_531 : vector<16xf32>
      %jit3A_533 = arith.constant 0.000000e+00 : f32
      %jit3A_534 = arith.constant 3.100000e+01 : f32
      %max3A_535 = vector.broadcast %jit3A_533 : f32 to vector<16xf32>
      %max3A_536 = arith.maximumf %max3A_535, %mul3A_532 : vector<16xf32>
      %min3A_537 = vector.broadcast %jit3A_534 : f32 to vector<16xf32>
      %min3A_538 = arith.minimumf %min3A_537, %max3A_536 : vector<16xf32>
      %sub3A_539 = arith.constant -4.843750e-01 : f32
      %sub3A_540 = vector.broadcast %sub3A_539 : f32 to vector<16xf32>
      %sub3A_541 = arith.subf %add3A_514, %sub3A_540 : vector<16xf32>
      %mul3A_542 = arith.constant 3.200000e+01 : f32
      %mul3A_543 = vector.broadcast %mul3A_542 : f32 to vector<16xf32>
      %mul3A_544 = arith.mulf %sub3A_541, %mul3A_543 : vector<16xf32>
      %jit3A_545 = arith.constant 0.000000e+00 : f32
      %jit3A_546 = arith.constant 3.100000e+01 : f32
      %max3A_547 = vector.broadcast %jit3A_545 : f32 to vector<16xf32>
      %max3A_548 = arith.maximumf %max3A_547, %mul3A_544 : vector<16xf32>
      %min3A_549 = vector.broadcast %jit3A_546 : f32 to vector<16xf32>
      %min3A_550 = arith.minimumf %min3A_549, %max3A_548 : vector<16xf32>
      %add3A_551 = arith.constant 5.000000e-01 : f32
      %add3A_552 = vector.broadcast %add3A_551 : f32 to vector<16xf32>
      %add3A_553 = arith.addf %min3A_526, %add3A_552 : vector<16xf32>
      %convert_element_type3A_554 = arith.fptosi %add3A_553 : vector<16xf32> to vector<16xi32>
      %add3A_555 = arith.constant 5.000000e-01 : f32
      %add3A_556 = vector.broadcast %add3A_555 : f32 to vector<16xf32>
      %add3A_557 = arith.addf %min3A_538, %add3A_556 : vector<16xf32>
      %convert_element_type3A_558 = arith.fptosi %add3A_557 : vector<16xf32> to vector<16xi32>
      %add3A_559 = arith.constant 5.000000e-01 : f32
      %add3A_560 = vector.broadcast %add3A_559 : f32 to vector<16xf32>
      %add3A_561 = arith.addf %min3A_550, %add3A_560 : vector<16xf32>
      %convert_element_type3A_562 = arith.fptosi %add3A_561 : vector<16xf32> to vector<16xi32>
      %mul3A_563 = arith.constant 3072 : i32
      %mul3A_564 = vector.broadcast %mul3A_563 : i32 to vector<16xi32>
      %mul3A_565 = arith.muli %convert_element_type3A_554, %mul3A_564 : vector<16xi32>
      %mul3A_566 = arith.constant 96 : i32
      %mul3A_567 = vector.broadcast %mul3A_566 : i32 to vector<16xi32>
      %mul3A_568 = arith.muli %convert_element_type3A_558, %mul3A_567 : vector<16xi32>
      %add3A_569 = arith.addi %mul3A_565, %mul3A_568 : vector<16xi32>
      %mul3A_570 = arith.constant 3 : i32
      %mul3A_571 = vector.broadcast %mul3A_570 : i32 to vector<16xi32>
      %mul3A_572 = arith.muli %convert_element_type3A_562, %mul3A_571 : vector<16xi32>
      %add3A_573 = arith.addi %add3A_569, %mul3A_572 : vector<16xi32>
      %gather3A_574 = tpu.vector_load_idx %arg6[%add3A_573] : memref<98304xf32, #tpu.memory_space<vmem>>[vector<16xi32>], vector<16xf32>,
      %add3A_575 = arith.constant 1 : i32
      %add3A_576 = vector.broadcast %add3A_575 : i32 to vector<16xi32>
      %add3A_577 = arith.addi %add3A_573, %add3A_576 : vector<16xi32>
      %gather3A_578 = tpu.vector_load_idx %arg6[%add3A_577] : memref<98304xf32, #tpu.memory_space<vmem>>[vector<16xi32>], vector<16xf32>,
      %add3A_579 = arith.constant 2 : i32
      %add3A_580 = vector.broadcast %add3A_579 : i32 to vector<16xi32>
      %add3A_581 = arith.addi %add3A_573, %add3A_580 : vector<16xi32>
      %gather3A_582 = tpu.vector_load_idx %arg6[%add3A_581] : memref<98304xf32, #tpu.memory_space<vmem>>[vector<16xi32>], vector<16xf32>,
      %sub3A_583 = arith.subf %add3A_502, %gather3A_574 : vector<16xf32>
      %sub3A_584 = arith.subf %add3A_508, %gather3A_578 : vector<16xf32>
      %sub3A_585 = arith.subf %add3A_514, %gather3A_582 : vector<16xf32>
      %mul3A_586 = arith.mulf %sub3A_583, %sub3A_583 : vector<16xf32>
      %mul3A_587 = arith.mulf %sub3A_584, %sub3A_584 : vector<16xf32>
      %add3A_588 = arith.addf %mul3A_586, %mul3A_587 : vector<16xf32>
      %mul3A_589 = arith.mulf %sub3A_585, %sub3A_585 : vector<16xf32>
      %add3A_590 = arith.addf %add3A_588, %mul3A_589 : vector<16xf32>
      %lt3A_591 = arith.constant 5.000000e+03 : f32
      %lt3A_592 = vector.broadcast %lt3A_591 : f32 to vector<16xf32>
      %lt3A_593 = arith.cmpf olt, %gather3A_574, %lt3A_592 : vector<16xf32>
      %jit3A_594 = arith.constant 0.000000e+00 : f32
      %broadcast_in_dim3A_595 = vector.broadcast %jit3A_594 : f32 to vector<16xf32>
      %select_n3A_596 = arith.select %lt3A_593, %add3A_590, %broadcast_in_dim3A_595 : vector<16xi1>, vector<16xf32>
      %add3A_597 = arith.addf %add3A_477, %select_n3A_596 : vector<16xf32>
      %mul3A_598 = arith.constant 4 : i32
      %mul3A_599 = arith.muli %scan3A_244, %mul3A_598 : i32
      %add3A_600 = arith.constant 3 : i32
      %add3A_601 = arith.addi %mul3A_599, %add3A_600 : i32
      %mul3A_602 = arith.constant 16 : i32
      %mul3A_603 = arith.muli %add3A_601, %mul3A_602 : i32
      %mul3A_604 = arith.constant 3 : i32
      %mul3A_605 = arith.muli %mul3A_603, %mul3A_604 : i32
      %add3A_606 = vector.broadcast %mul3A_605 : i32 to vector<16xi32>
      %add3A_607 = arith.addi %mul3A_17, %add3A_606 : vector<16xi32>
      %gather3A_608 = tpu.vector_load_idx %arg7[%add3A_607] : memref<24576xf32, #tpu.memory_space<vmem>>[vector<16xi32>], vector<16xf32>,
      %add3A_609 = arith.constant 1 : i32
      %add3A_610 = vector.broadcast %add3A_609 : i32 to vector<16xi32>
      %add3A_611 = arith.addi %add3A_607, %add3A_610 : vector<16xi32>
      %gather3A_612 = tpu.vector_load_idx %arg7[%add3A_611] : memref<24576xf32, #tpu.memory_space<vmem>>[vector<16xi32>], vector<16xf32>,
      %add3A_613 = arith.constant 2 : i32
      %add3A_614 = vector.broadcast %add3A_613 : i32 to vector<16xi32>
      %add3A_615 = arith.addi %add3A_607, %add3A_614 : vector<16xi32>
      %gather3A_616 = tpu.vector_load_idx %arg7[%add3A_615] : memref<24576xf32, #tpu.memory_space<vmem>>[vector<16xi32>], vector<16xf32>,
      %mul3A_617 = arith.mulf %get3A_49, %gather3A_608 : vector<16xf32>
      %mul3A_618 = arith.mulf %get3A_51, %gather3A_612 : vector<16xf32>
      %add3A_619 = arith.addf %mul3A_617, %mul3A_618 : vector<16xf32>
      %mul3A_620 = arith.mulf %get3A_53, %gather3A_616 : vector<16xf32>
      %add3A_621 = arith.addf %add3A_619, %mul3A_620 : vector<16xf32>
      %add3A_622 = arith.addf %add3A_621, %get3A_67 : vector<16xf32>
      %mul3A_623 = arith.mulf %get3A_55, %gather3A_608 : vector<16xf32>
      %mul3A_624 = arith.mulf %get3A_57, %gather3A_612 : vector<16xf32>
      %add3A_625 = arith.addf %mul3A_623, %mul3A_624 : vector<16xf32>
      %mul3A_626 = arith.mulf %get3A_59, %gather3A_616 : vector<16xf32>
      %add3A_627 = arith.addf %add3A_625, %mul3A_626 : vector<16xf32>
      %add3A_628 = arith.addf %add3A_627, %get3A_69 : vector<16xf32>
      %mul3A_629 = arith.mulf %get3A_61, %gather3A_608 : vector<16xf32>
      %mul3A_630 = arith.mulf %get3A_63, %gather3A_612 : vector<16xf32>
      %add3A_631 = arith.addf %mul3A_629, %mul3A_630 : vector<16xf32>
      %mul3A_632 = arith.mulf %get3A_65, %gather3A_616 : vector<16xf32>
      %add3A_633 = arith.addf %add3A_631, %mul3A_632 : vector<16xf32>
      %add3A_634 = arith.addf %add3A_633, %get3A_71 : vector<16xf32>
      %sub3A_635 = arith.constant -4.843750e-01 : f32
      %sub3A_636 = vector.broadcast %sub3A_635 : f32 to vector<16xf32>
      %sub3A_637 = arith.subf %add3A_622, %sub3A_636 : vector<16xf32>
      %mul3A_638 = arith.constant 3.200000e+01 : f32
      %mul3A_639 = vector.broadcast %mul3A_638 : f32 to vector<16xf32>
      %mul3A_640 = arith.mulf %sub3A_637, %mul3A_639 : vector<16xf32>
      %jit3A_641 = arith.constant 0.000000e+00 : f32
      %jit3A_642 = arith.constant 3.100000e+01 : f32
      %max3A_643 = vector.broadcast %jit3A_641 : f32 to vector<16xf32>
      %max3A_644 = arith.maximumf %max3A_643, %mul3A_640 : vector<16xf32>
      %min3A_645 = vector.broadcast %jit3A_642 : f32 to vector<16xf32>
      %min3A_646 = arith.minimumf %min3A_645, %max3A_644 : vector<16xf32>
      %sub3A_647 = arith.constant -4.843750e-01 : f32
      %sub3A_648 = vector.broadcast %sub3A_647 : f32 to vector<16xf32>
      %sub3A_649 = arith.subf %add3A_628, %sub3A_648 : vector<16xf32>
      %mul3A_650 = arith.constant 3.200000e+01 : f32
      %mul3A_651 = vector.broadcast %mul3A_650 : f32 to vector<16xf32>
      %mul3A_652 = arith.mulf %sub3A_649, %mul3A_651 : vector<16xf32>
      %jit3A_653 = arith.constant 0.000000e+00 : f32
      %jit3A_654 = arith.constant 3.100000e+01 : f32
      %max3A_655 = vector.broadcast %jit3A_653 : f32 to vector<16xf32>
      %max3A_656 = arith.maximumf %max3A_655, %mul3A_652 : vector<16xf32>
      %min3A_657 = vector.broadcast %jit3A_654 : f32 to vector<16xf32>
      %min3A_658 = arith.minimumf %min3A_657, %max3A_656 : vector<16xf32>
      %sub3A_659 = arith.constant -4.843750e-01 : f32
      %sub3A_660 = vector.broadcast %sub3A_659 : f32 to vector<16xf32>
      %sub3A_661 = arith.subf %add3A_634, %sub3A_660 : vector<16xf32>
      %mul3A_662 = arith.constant 3.200000e+01 : f32
      %mul3A_663 = vector.broadcast %mul3A_662 : f32 to vector<16xf32>
      %mul3A_664 = arith.mulf %sub3A_661, %mul3A_663 : vector<16xf32>
      %jit3A_665 = arith.constant 0.000000e+00 : f32
      %jit3A_666 = arith.constant 3.100000e+01 : f32
      %max3A_667 = vector.broadcast %jit3A_665 : f32 to vector<16xf32>
      %max3A_668 = arith.maximumf %max3A_667, %mul3A_664 : vector<16xf32>
      %min3A_669 = vector.broadcast %jit3A_666 : f32 to vector<16xf32>
      %min3A_670 = arith.minimumf %min3A_669, %max3A_668 : vector<16xf32>
      %add3A_671 = arith.constant 5.000000e-01 : f32
      %add3A_672 = vector.broadcast %add3A_671 : f32 to vector<16xf32>
      %add3A_673 = arith.addf %min3A_646, %add3A_672 : vector<16xf32>
      %convert_element_type3A_674 = arith.fptosi %add3A_673 : vector<16xf32> to vector<16xi32>
      %add3A_675 = arith.constant 5.000000e-01 : f32
      %add3A_676 = vector.broadcast %add3A_675 : f32 to vector<16xf32>
      %add3A_677 = arith.addf %min3A_658, %add3A_676 : vector<16xf32>
      %convert_element_type3A_678 = arith.fptosi %add3A_677 : vector<16xf32> to vector<16xi32>
      %add3A_679 = arith.constant 5.000000e-01 : f32
      %add3A_680 = vector.broadcast %add3A_679 : f32 to vector<16xf32>
      %add3A_681 = arith.addf %min3A_670, %add3A_680 : vector<16xf32>
      %convert_element_type3A_682 = arith.fptosi %add3A_681 : vector<16xf32> to vector<16xi32>
      %mul3A_683 = arith.constant 3072 : i32
      %mul3A_684 = vector.broadcast %mul3A_683 : i32 to vector<16xi32>
      %mul3A_685 = arith.muli %convert_element_type3A_674, %mul3A_684 : vector<16xi32>
      %mul3A_686 = arith.constant 96 : i32
      %mul3A_687 = vector.broadcast %mul3A_686 : i32 to vector<16xi32>
      %mul3A_688 = arith.muli %convert_element_type3A_678, %mul3A_687 : vector<16xi32>
      %add3A_689 = arith.addi %mul3A_685, %mul3A_688 : vector<16xi32>
      %mul3A_690 = arith.constant 3 : i32
      %mul3A_691 = vector.broadcast %mul3A_690 : i32 to vector<16xi32>
      %mul3A_692 = arith.muli %convert_element_type3A_682, %mul3A_691 : vector<16xi32>
      %add3A_693 = arith.addi %add3A_689, %mul3A_692 : vector<16xi32>
      %gather3A_694 = tpu.vector_load_idx %arg6[%add3A_693] : memref<98304xf32, #tpu.memory_space<vmem>>[vector<16xi32>], vector<16xf32>,
      %add3A_695 = arith.constant 1 : i32
      %add3A_696 = vector.broadcast %add3A_695 : i32 to vector<16xi32>
      %add3A_697 = arith.addi %add3A_693, %add3A_696 : vector<16xi32>
      %gather3A_698 = tpu.vector_load_idx %arg6[%add3A_697] : memref<98304xf32, #tpu.memory_space<vmem>>[vector<16xi32>], vector<16xf32>,
      %add3A_699 = arith.constant 2 : i32
      %add3A_700 = vector.broadcast %add3A_699 : i32 to vector<16xi32>
      %add3A_701 = arith.addi %add3A_693, %add3A_700 : vector<16xi32>
      %gather3A_702 = tpu.vector_load_idx %arg6[%add3A_701] : memref<98304xf32, #tpu.memory_space<vmem>>[vector<16xi32>], vector<16xf32>,
      %sub3A_703 = arith.subf %add3A_622, %gather3A_694 : vector<16xf32>
      %sub3A_704 = arith.subf %add3A_628, %gather3A_698 : vector<16xf32>
      %sub3A_705 = arith.subf %add3A_634, %gather3A_702 : vector<16xf32>
      %mul3A_706 = arith.mulf %sub3A_703, %sub3A_703 : vector<16xf32>
      %mul3A_707 = arith.mulf %sub3A_704, %sub3A_704 : vector<16xf32>
      %add3A_708 = arith.addf %mul3A_706, %mul3A_707 : vector<16xf32>
      %mul3A_709 = arith.mulf %sub3A_705, %sub3A_705 : vector<16xf32>
      %add3A_710 = arith.addf %add3A_708, %mul3A_709 : vector<16xf32>
      %lt3A_711 = arith.constant 5.000000e+03 : f32
      %lt3A_712 = vector.broadcast %lt3A_711 : f32 to vector<16xf32>
      %lt3A_713 = arith.cmpf olt, %gather3A_694, %lt3A_712 : vector<16xf32>
      %jit3A_714 = arith.constant 0.000000e+00 : f32
      %broadcast_in_dim3A_715 = vector.broadcast %jit3A_714 : f32 to vector<16xf32>
      %select_n3A_716 = arith.select %lt3A_713, %add3A_710, %broadcast_in_dim3A_715 : vector<16xi1>, vector<16xf32>
      %add3A_717 = arith.addf %add3A_597, %select_n3A_716 : vector<16xf32>
      scf.yield %add3A_717 : vector<16xf32>
    }
    %scan3A_77 = arith.constant 128 : i32
    %swap3A_78 = arith.constant 0 : index
    %swap3A_79 = tpu.vector_load %arg9[%swap3A_78] {strides = array<i32>} : memref<32xf32, #tpu.memory_space<vmem>>, vector<16xf32>,
    tpu.vector_store %arg9[%swap3A_78], %scan3A_76 {add = true, strides = array<i32>} : memref<32xf32, #tpu.memory_space<vmem>>, vector<16xf32>,
    %get3A_80 = arith.constant 384 : index
    %get3A_81 = tpu.vector_load %arg8[%get3A_80] {strides = array<i32>} : memref<1344xf32, #tpu.memory_space<vmem>>, vector<16xf32>,
    %get3A_82 = arith.constant 400 : index
    %get3A_83 = tpu.vector_load %arg8[%get3A_82] {strides = array<i32>} : memref<1344xf32, #tpu.memory_space<vmem>>, vector<16xf32>,
    %get3A_84 = arith.constant 416 : index
    %get3A_85 = tpu.vector_load %arg8[%get3A_84] {strides = array<i32>} : memref<1344xf32, #tpu.memory_space<vmem>>, vector<16xf32>,
    %get3A_86 = arith.constant 432 : index
    %get3A_87 = tpu.vector_load %arg8[%get3A_86] {strides = array<i32>} : memref<1344xf32, #tpu.memory_space<vmem>>, vector<16xf32>,
    %get3A_88 = arith.constant 448 : index
    %get3A_89 = tpu.vector_load %arg8[%get3A_88] {strides = array<i32>} : memref<1344xf32, #tpu.memory_space<vmem>>, vector<16xf32>,
    %get3A_90 = arith.constant 464 : index
    %get3A_91 = tpu.vector_load %arg8[%get3A_90] {strides = array<i32>} : memref<1344xf32, #tpu.memory_space<vmem>>, vector<16xf32>,
    %get3A_92 = arith.constant 480 : index
    %get3A_93 = tpu.vector_load %arg8[%get3A_92] {strides = array<i32>} : memref<1344xf32, #tpu.memory_space<vmem>>, vector<16xf32>,
    %get3A_94 = arith.constant 496 : index
    %get3A_95 = tpu.vector_load %arg8[%get3A_94] {strides = array<i32>} : memref<1344xf32, #tpu.memory_space<vmem>>, vector<16xf32>,
    %get3A_96 = arith.constant 512 : index
    %get3A_97 = tpu.vector_load %arg8[%get3A_96] {strides = array<i32>} : memref<1344xf32, #tpu.memory_space<vmem>>, vector<16xf32>,
    %get3A_98 = arith.constant 528 : index
    %get3A_99 = tpu.vector_load %arg8[%get3A_98] {strides = array<i32>} : memref<1344xf32, #tpu.memory_space<vmem>>, vector<16xf32>,
    %get3A_100 = arith.constant 544 : index
    %get3A_101 = tpu.vector_load %arg8[%get3A_100] {strides = array<i32>} : memref<1344xf32, #tpu.memory_space<vmem>>, vector<16xf32>,
    %get3A_102 = arith.constant 560 : index
    %get3A_103 = tpu.vector_load %arg8[%get3A_102] {strides = array<i32>} : memref<1344xf32, #tpu.memory_space<vmem>>, vector<16xf32>,
    %scan3A_104 = arith.constant 0 : i32
    %scan3A_105 = arith.constant 128 : i32
    %scan3A_106 = arith.addi %scan3A_104, %scan3A_105 : i32
    %scan3A_107 = arith.constant 1 : i32
    %scan3A_108 = scf.for %scan3A_244 = %scan3A_104 to %scan3A_106 step %scan3A_107 iter_args(%scan3A_245 = %broadcast_in_dim3A_18) -> (vector<16xf32>)  : i32 {
      %mul3A_246 = arith.constant 4 : i32
      %mul3A_247 = arith.muli %scan3A_244, %mul3A_246 : i32
      %add3A_248 = arith.constant 0 : i32
      %add3A_249 = arith.addi %mul3A_247, %add3A_248 : i32
      %mul3A_250 = arith.constant 16 : i32
      %mul3A_251 = arith.muli %add3A_249, %mul3A_250 : i32
      %mul3A_252 = arith.constant 3 : i32
      %mul3A_253 = arith.muli %mul3A_251, %mul3A_252 : i32
      %add3A_254 = vector.broadcast %mul3A_253 : i32 to vector<16xi32>
      %add3A_255 = arith.addi %mul3A_17, %add3A_254 : vector<16xi32>
      %gather3A = tpu.vector_load_idx %arg7[%add3A_255] : memref<24576xf32, #tpu.memory_space<vmem>>[vector<16xi32>], vector<16xf32>,
      %add3A_256 = arith.constant 1 : i32
      %add3A_257 = vector.broadcast %add3A_256 : i32 to vector<16xi32>
      %add3A_258 = arith.addi %add3A_255, %add3A_257 : vector<16xi32>
      %gather3A_259 = tpu.vector_load_idx %arg7[%add3A_258] : memref<24576xf32, #tpu.memory_space<vmem>>[vector<16xi32>], vector<16xf32>,
      %add3A_260 = arith.constant 2 : i32
      %add3A_261 = vector.broadcast %add3A_260 : i32 to vector<16xi32>
      %add3A_262 = arith.addi %add3A_255, %add3A_261 : vector<16xi32>
      %gather3A_263 = tpu.vector_load_idx %arg7[%add3A_262] : memref<24576xf32, #tpu.memory_space<vmem>>[vector<16xi32>], vector<16xf32>,
      %mul3A_264 = arith.mulf %get3A_81, %gather3A : vector<16xf32>
      %mul3A_265 = arith.mulf %get3A_83, %gather3A_259 : vector<16xf32>
      %add3A_266 = arith.addf %mul3A_264, %mul3A_265 : vector<16xf32>
      %mul3A_267 = arith.mulf %get3A_85, %gather3A_263 : vector<16xf32>
      %add3A_268 = arith.addf %add3A_266, %mul3A_267 : vector<16xf32>
      %add3A_269 = arith.addf %add3A_268, %get3A_99 : vector<16xf32>
      %mul3A_270 = arith.mulf %get3A_87, %gather3A : vector<16xf32>
      %mul3A_271 = arith.mulf %get3A_89, %gather3A_259 : vector<16xf32>
      %add3A_272 = arith.addf %mul3A_270, %mul3A_271 : vector<16xf32>
      %mul3A_273 = arith.mulf %get3A_91, %gather3A_263 : vector<16xf32>
      %add3A_274 = arith.addf %add3A_272, %mul3A_273 : vector<16xf32>
      %add3A_275 = arith.addf %add3A_274, %get3A_101 : vector<16xf32>
      %mul3A_276 = arith.mulf %get3A_93, %gather3A : vector<16xf32>
      %mul3A_277 = arith.mulf %get3A_95, %gather3A_259 : vector<16xf32>
      %add3A_278 = arith.addf %mul3A_276, %mul3A_277 : vector<16xf32>
      %mul3A_279 = arith.mulf %get3A_97, %gather3A_263 : vector<16xf32>
      %add3A_280 = arith.addf %add3A_278, %mul3A_279 : vector<16xf32>
      %add3A_281 = arith.addf %add3A_280, %get3A_103 : vector<16xf32>
      %sub3A = arith.constant -4.843750e-01 : f32
      %sub3A_282 = vector.broadcast %sub3A : f32 to vector<16xf32>
      %sub3A_283 = arith.subf %add3A_269, %sub3A_282 : vector<16xf32>
      %mul3A_284 = arith.constant 3.200000e+01 : f32
      %mul3A_285 = vector.broadcast %mul3A_284 : f32 to vector<16xf32>
      %mul3A_286 = arith.mulf %sub3A_283, %mul3A_285 : vector<16xf32>
      %jit3A = arith.constant 0.000000e+00 : f32
      %jit3A_287 = arith.constant 3.100000e+01 : f32
      %max3A = vector.broadcast %jit3A : f32 to vector<16xf32>
      %max3A_288 = arith.maximumf %max3A, %mul3A_286 : vector<16xf32>
      %min3A = vector.broadcast %jit3A_287 : f32 to vector<16xf32>
      %min3A_289 = arith.minimumf %min3A, %max3A_288 : vector<16xf32>
      %sub3A_290 = arith.constant -4.843750e-01 : f32
      %sub3A_291 = vector.broadcast %sub3A_290 : f32 to vector<16xf32>
      %sub3A_292 = arith.subf %add3A_275, %sub3A_291 : vector<16xf32>
      %mul3A_293 = arith.constant 3.200000e+01 : f32
      %mul3A_294 = vector.broadcast %mul3A_293 : f32 to vector<16xf32>
      %mul3A_295 = arith.mulf %sub3A_292, %mul3A_294 : vector<16xf32>
      %jit3A_296 = arith.constant 0.000000e+00 : f32
      %jit3A_297 = arith.constant 3.100000e+01 : f32
      %max3A_298 = vector.broadcast %jit3A_296 : f32 to vector<16xf32>
      %max3A_299 = arith.maximumf %max3A_298, %mul3A_295 : vector<16xf32>
      %min3A_300 = vector.broadcast %jit3A_297 : f32 to vector<16xf32>
      %min3A_301 = arith.minimumf %min3A_300, %max3A_299 : vector<16xf32>
      %sub3A_302 = arith.constant -4.843750e-01 : f32
      %sub3A_303 = vector.broadcast %sub3A_302 : f32 to vector<16xf32>
      %sub3A_304 = arith.subf %add3A_281, %sub3A_303 : vector<16xf32>
      %mul3A_305 = arith.constant 3.200000e+01 : f32
      %mul3A_306 = vector.broadcast %mul3A_305 : f32 to vector<16xf32>
      %mul3A_307 = arith.mulf %sub3A_304, %mul3A_306 : vector<16xf32>
      %jit3A_308 = arith.constant 0.000000e+00 : f32
      %jit3A_309 = arith.constant 3.100000e+01 : f32
      %max3A_310 = vector.broadcast %jit3A_308 : f32 to vector<16xf32>
      %max3A_311 = arith.maximumf %max3A_310, %mul3A_307 : vector<16xf32>
      %min3A_312 = vector.broadcast %jit3A_309 : f32 to vector<16xf32>
      %min3A_313 = arith.minimumf %min3A_312, %max3A_311 : vector<16xf32>
      %add3A_314 = arith.constant 5.000000e-01 : f32
      %add3A_315 = vector.broadcast %add3A_314 : f32 to vector<16xf32>
      %add3A_316 = arith.addf %min3A_289, %add3A_315 : vector<16xf32>
      %convert_element_type3A = arith.fptosi %add3A_316 : vector<16xf32> to vector<16xi32>
      %add3A_317 = arith.constant 5.000000e-01 : f32
      %add3A_318 = vector.broadcast %add3A_317 : f32 to vector<16xf32>
      %add3A_319 = arith.addf %min3A_301, %add3A_318 : vector<16xf32>
      %convert_element_type3A_320 = arith.fptosi %add3A_319 : vector<16xf32> to vector<16xi32>
      %add3A_321 = arith.constant 5.000000e-01 : f32
      %add3A_322 = vector.broadcast %add3A_321 : f32 to vector<16xf32>
      %add3A_323 = arith.addf %min3A_313, %add3A_322 : vector<16xf32>
      %convert_element_type3A_324 = arith.fptosi %add3A_323 : vector<16xf32> to vector<16xi32>
      %mul3A_325 = arith.constant 3072 : i32
      %mul3A_326 = vector.broadcast %mul3A_325 : i32 to vector<16xi32>
      %mul3A_327 = arith.muli %convert_element_type3A, %mul3A_326 : vector<16xi32>
      %mul3A_328 = arith.constant 96 : i32
      %mul3A_329 = vector.broadcast %mul3A_328 : i32 to vector<16xi32>
      %mul3A_330 = arith.muli %convert_element_type3A_320, %mul3A_329 : vector<16xi32>
      %add3A_331 = arith.addi %mul3A_327, %mul3A_330 : vector<16xi32>
      %mul3A_332 = arith.constant 3 : i32
      %mul3A_333 = vector.broadcast %mul3A_332 : i32 to vector<16xi32>
      %mul3A_334 = arith.muli %convert_element_type3A_324, %mul3A_333 : vector<16xi32>
      %add3A_335 = arith.addi %add3A_331, %mul3A_334 : vector<16xi32>
      %gather3A_336 = tpu.vector_load_idx %arg6[%add3A_335] : memref<98304xf32, #tpu.memory_space<vmem>>[vector<16xi32>], vector<16xf32>,
      %add3A_337 = arith.constant 1 : i32
      %add3A_338 = vector.broadcast %add3A_337 : i32 to vector<16xi32>
      %add3A_339 = arith.addi %add3A_335, %add3A_338 : vector<16xi32>
      %gather3A_340 = tpu.vector_load_idx %arg6[%add3A_339] : memref<98304xf32, #tpu.memory_space<vmem>>[vector<16xi32>], vector<16xf32>,
      %add3A_341 = arith.constant 2 : i32
      %add3A_342 = vector.broadcast %add3A_341 : i32 to vector<16xi32>
      %add3A_343 = arith.addi %add3A_335, %add3A_342 : vector<16xi32>
      %gather3A_344 = tpu.vector_load_idx %arg6[%add3A_343] : memref<98304xf32, #tpu.memory_space<vmem>>[vector<16xi32>], vector<16xf32>,
      %sub3A_345 = arith.subf %add3A_269, %gather3A_336 : vector<16xf32>
      %sub3A_346 = arith.subf %add3A_275, %gather3A_340 : vector<16xf32>
      %sub3A_347 = arith.subf %add3A_281, %gather3A_344 : vector<16xf32>
      %mul3A_348 = arith.mulf %sub3A_345, %sub3A_345 : vector<16xf32>
      %mul3A_349 = arith.mulf %sub3A_346, %sub3A_346 : vector<16xf32>
      %add3A_350 = arith.addf %mul3A_348, %mul3A_349 : vector<16xf32>
      %mul3A_351 = arith.mulf %sub3A_347, %sub3A_347 : vector<16xf32>
      %add3A_352 = arith.addf %add3A_350, %mul3A_351 : vector<16xf32>
      %lt3A = arith.constant 5.000000e+03 : f32
      %lt3A_353 = vector.broadcast %lt3A : f32 to vector<16xf32>
      %lt3A_354 = arith.cmpf olt, %gather3A_336, %lt3A_353 : vector<16xf32>
      %jit3A_355 = arith.constant 0.000000e+00 : f32
      %broadcast_in_dim3A_356 = vector.broadcast %jit3A_355 : f32 to vector<16xf32>
      %select_n3A = arith.select %lt3A_354, %add3A_352, %broadcast_in_dim3A_356 : vector<16xi1>, vector<16xf32>
      %add3A_357 = arith.addf %scan3A_245, %select_n3A : vector<16xf32>
      %mul3A_358 = arith.constant 4 : i32
      %mul3A_359 = arith.muli %scan3A_244, %mul3A_358 : i32
      %add3A_360 = arith.constant 1 : i32
      %add3A_361 = arith.addi %mul3A_359, %add3A_360 : i32
      %mul3A_362 = arith.constant 16 : i32
      %mul3A_363 = arith.muli %add3A_361, %mul3A_362 : i32
      %mul3A_364 = arith.constant 3 : i32
      %mul3A_365 = arith.muli %mul3A_363, %mul3A_364 : i32
      %add3A_366 = vector.broadcast %mul3A_365 : i32 to vector<16xi32>
      %add3A_367 = arith.addi %mul3A_17, %add3A_366 : vector<16xi32>
      %gather3A_368 = tpu.vector_load_idx %arg7[%add3A_367] : memref<24576xf32, #tpu.memory_space<vmem>>[vector<16xi32>], vector<16xf32>,
      %add3A_369 = arith.constant 1 : i32
      %add3A_370 = vector.broadcast %add3A_369 : i32 to vector<16xi32>
      %add3A_371 = arith.addi %add3A_367, %add3A_370 : vector<16xi32>
      %gather3A_372 = tpu.vector_load_idx %arg7[%add3A_371] : memref<24576xf32, #tpu.memory_space<vmem>>[vector<16xi32>], vector<16xf32>,
      %add3A_373 = arith.constant 2 : i32
      %add3A_374 = vector.broadcast %add3A_373 : i32 to vector<16xi32>
      %add3A_375 = arith.addi %add3A_367, %add3A_374 : vector<16xi32>
      %gather3A_376 = tpu.vector_load_idx %arg7[%add3A_375] : memref<24576xf32, #tpu.memory_space<vmem>>[vector<16xi32>], vector<16xf32>,
      %mul3A_377 = arith.mulf %get3A_81, %gather3A_368 : vector<16xf32>
      %mul3A_378 = arith.mulf %get3A_83, %gather3A_372 : vector<16xf32>
      %add3A_379 = arith.addf %mul3A_377, %mul3A_378 : vector<16xf32>
      %mul3A_380 = arith.mulf %get3A_85, %gather3A_376 : vector<16xf32>
      %add3A_381 = arith.addf %add3A_379, %mul3A_380 : vector<16xf32>
      %add3A_382 = arith.addf %add3A_381, %get3A_99 : vector<16xf32>
      %mul3A_383 = arith.mulf %get3A_87, %gather3A_368 : vector<16xf32>
      %mul3A_384 = arith.mulf %get3A_89, %gather3A_372 : vector<16xf32>
      %add3A_385 = arith.addf %mul3A_383, %mul3A_384 : vector<16xf32>
      %mul3A_386 = arith.mulf %get3A_91, %gather3A_376 : vector<16xf32>
      %add3A_387 = arith.addf %add3A_385, %mul3A_386 : vector<16xf32>
      %add3A_388 = arith.addf %add3A_387, %get3A_101 : vector<16xf32>
      %mul3A_389 = arith.mulf %get3A_93, %gather3A_368 : vector<16xf32>
      %mul3A_390 = arith.mulf %get3A_95, %gather3A_372 : vector<16xf32>
      %add3A_391 = arith.addf %mul3A_389, %mul3A_390 : vector<16xf32>
      %mul3A_392 = arith.mulf %get3A_97, %gather3A_376 : vector<16xf32>
      %add3A_393 = arith.addf %add3A_391, %mul3A_392 : vector<16xf32>
      %add3A_394 = arith.addf %add3A_393, %get3A_103 : vector<16xf32>
      %sub3A_395 = arith.constant -4.843750e-01 : f32
      %sub3A_396 = vector.broadcast %sub3A_395 : f32 to vector<16xf32>
      %sub3A_397 = arith.subf %add3A_382, %sub3A_396 : vector<16xf32>
      %mul3A_398 = arith.constant 3.200000e+01 : f32
      %mul3A_399 = vector.broadcast %mul3A_398 : f32 to vector<16xf32>
      %mul3A_400 = arith.mulf %sub3A_397, %mul3A_399 : vector<16xf32>
      %jit3A_401 = arith.constant 0.000000e+00 : f32
      %jit3A_402 = arith.constant 3.100000e+01 : f32
      %max3A_403 = vector.broadcast %jit3A_401 : f32 to vector<16xf32>
      %max3A_404 = arith.maximumf %max3A_403, %mul3A_400 : vector<16xf32>
      %min3A_405 = vector.broadcast %jit3A_402 : f32 to vector<16xf32>
      %min3A_406 = arith.minimumf %min3A_405, %max3A_404 : vector<16xf32>
      %sub3A_407 = arith.constant -4.843750e-01 : f32
      %sub3A_408 = vector.broadcast %sub3A_407 : f32 to vector<16xf32>
      %sub3A_409 = arith.subf %add3A_388, %sub3A_408 : vector<16xf32>
      %mul3A_410 = arith.constant 3.200000e+01 : f32
      %mul3A_411 = vector.broadcast %mul3A_410 : f32 to vector<16xf32>
      %mul3A_412 = arith.mulf %sub3A_409, %mul3A_411 : vector<16xf32>
      %jit3A_413 = arith.constant 0.000000e+00 : f32
      %jit3A_414 = arith.constant 3.100000e+01 : f32
      %max3A_415 = vector.broadcast %jit3A_413 : f32 to vector<16xf32>
      %max3A_416 = arith.maximumf %max3A_415, %mul3A_412 : vector<16xf32>
      %min3A_417 = vector.broadcast %jit3A_414 : f32 to vector<16xf32>
      %min3A_418 = arith.minimumf %min3A_417, %max3A_416 : vector<16xf32>
      %sub3A_419 = arith.constant -4.843750e-01 : f32
      %sub3A_420 = vector.broadcast %sub3A_419 : f32 to vector<16xf32>
      %sub3A_421 = arith.subf %add3A_394, %sub3A_420 : vector<16xf32>
      %mul3A_422 = arith.constant 3.200000e+01 : f32
      %mul3A_423 = vector.broadcast %mul3A_422 : f32 to vector<16xf32>
      %mul3A_424 = arith.mulf %sub3A_421, %mul3A_423 : vector<16xf32>
      %jit3A_425 = arith.constant 0.000000e+00 : f32
      %jit3A_426 = arith.constant 3.100000e+01 : f32
      %max3A_427 = vector.broadcast %jit3A_425 : f32 to vector<16xf32>
      %max3A_428 = arith.maximumf %max3A_427, %mul3A_424 : vector<16xf32>
      %min3A_429 = vector.broadcast %jit3A_426 : f32 to vector<16xf32>
      %min3A_430 = arith.minimumf %min3A_429, %max3A_428 : vector<16xf32>
      %add3A_431 = arith.constant 5.000000e-01 : f32
      %add3A_432 = vector.broadcast %add3A_431 : f32 to vector<16xf32>
      %add3A_433 = arith.addf %min3A_406, %add3A_432 : vector<16xf32>
      %convert_element_type3A_434 = arith.fptosi %add3A_433 : vector<16xf32> to vector<16xi32>
      %add3A_435 = arith.constant 5.000000e-01 : f32
      %add3A_436 = vector.broadcast %add3A_435 : f32 to vector<16xf32>
      %add3A_437 = arith.addf %min3A_418, %add3A_436 : vector<16xf32>
      %convert_element_type3A_438 = arith.fptosi %add3A_437 : vector<16xf32> to vector<16xi32>
      %add3A_439 = arith.constant 5.000000e-01 : f32
      %add3A_440 = vector.broadcast %add3A_439 : f32 to vector<16xf32>
      %add3A_441 = arith.addf %min3A_430, %add3A_440 : vector<16xf32>
      %convert_element_type3A_442 = arith.fptosi %add3A_441 : vector<16xf32> to vector<16xi32>
      %mul3A_443 = arith.constant 3072 : i32
      %mul3A_444 = vector.broadcast %mul3A_443 : i32 to vector<16xi32>
      %mul3A_445 = arith.muli %convert_element_type3A_434, %mul3A_444 : vector<16xi32>
      %mul3A_446 = arith.constant 96 : i32
      %mul3A_447 = vector.broadcast %mul3A_446 : i32 to vector<16xi32>
      %mul3A_448 = arith.muli %convert_element_type3A_438, %mul3A_447 : vector<16xi32>
      %add3A_449 = arith.addi %mul3A_445, %mul3A_448 : vector<16xi32>
      %mul3A_450 = arith.constant 3 : i32
      %mul3A_451 = vector.broadcast %mul3A_450 : i32 to vector<16xi32>
      %mul3A_452 = arith.muli %convert_element_type3A_442, %mul3A_451 : vector<16xi32>
      %add3A_453 = arith.addi %add3A_449, %mul3A_452 : vector<16xi32>
      %gather3A_454 = tpu.vector_load_idx %arg6[%add3A_453] : memref<98304xf32, #tpu.memory_space<vmem>>[vector<16xi32>], vector<16xf32>,
      %add3A_455 = arith.constant 1 : i32
      %add3A_456 = vector.broadcast %add3A_455 : i32 to vector<16xi32>
      %add3A_457 = arith.addi %add3A_453, %add3A_456 : vector<16xi32>
      %gather3A_458 = tpu.vector_load_idx %arg6[%add3A_457] : memref<98304xf32, #tpu.memory_space<vmem>>[vector<16xi32>], vector<16xf32>,
      %add3A_459 = arith.constant 2 : i32
      %add3A_460 = vector.broadcast %add3A_459 : i32 to vector<16xi32>
      %add3A_461 = arith.addi %add3A_453, %add3A_460 : vector<16xi32>
      %gather3A_462 = tpu.vector_load_idx %arg6[%add3A_461] : memref<98304xf32, #tpu.memory_space<vmem>>[vector<16xi32>], vector<16xf32>,
      %sub3A_463 = arith.subf %add3A_382, %gather3A_454 : vector<16xf32>
      %sub3A_464 = arith.subf %add3A_388, %gather3A_458 : vector<16xf32>
      %sub3A_465 = arith.subf %add3A_394, %gather3A_462 : vector<16xf32>
      %mul3A_466 = arith.mulf %sub3A_463, %sub3A_463 : vector<16xf32>
      %mul3A_467 = arith.mulf %sub3A_464, %sub3A_464 : vector<16xf32>
      %add3A_468 = arith.addf %mul3A_466, %mul3A_467 : vector<16xf32>
      %mul3A_469 = arith.mulf %sub3A_465, %sub3A_465 : vector<16xf32>
      %add3A_470 = arith.addf %add3A_468, %mul3A_469 : vector<16xf32>
      %lt3A_471 = arith.constant 5.000000e+03 : f32
      %lt3A_472 = vector.broadcast %lt3A_471 : f32 to vector<16xf32>
      %lt3A_473 = arith.cmpf olt, %gather3A_454, %lt3A_472 : vector<16xf32>
      %jit3A_474 = arith.constant 0.000000e+00 : f32
      %broadcast_in_dim3A_475 = vector.broadcast %jit3A_474 : f32 to vector<16xf32>
      %select_n3A_476 = arith.select %lt3A_473, %add3A_470, %broadcast_in_dim3A_475 : vector<16xi1>, vector<16xf32>
      %add3A_477 = arith.addf %add3A_357, %select_n3A_476 : vector<16xf32>
      %mul3A_478 = arith.constant 4 : i32
      %mul3A_479 = arith.muli %scan3A_244, %mul3A_478 : i32
      %add3A_480 = arith.constant 2 : i32
      %add3A_481 = arith.addi %mul3A_479, %add3A_480 : i32
      %mul3A_482 = arith.constant 16 : i32
      %mul3A_483 = arith.muli %add3A_481, %mul3A_482 : i32
      %mul3A_484 = arith.constant 3 : i32
      %mul3A_485 = arith.muli %mul3A_483, %mul3A_484 : i32
      %add3A_486 = vector.broadcast %mul3A_485 : i32 to vector<16xi32>
      %add3A_487 = arith.addi %mul3A_17, %add3A_486 : vector<16xi32>
      %gather3A_488 = tpu.vector_load_idx %arg7[%add3A_487] : memref<24576xf32, #tpu.memory_space<vmem>>[vector<16xi32>], vector<16xf32>,
      %add3A_489 = arith.constant 1 : i32
      %add3A_490 = vector.broadcast %add3A_489 : i32 to vector<16xi32>
      %add3A_491 = arith.addi %add3A_487, %add3A_490 : vector<16xi32>
      %gather3A_492 = tpu.vector_load_idx %arg7[%add3A_491] : memref<24576xf32, #tpu.memory_space<vmem>>[vector<16xi32>], vector<16xf32>,
      %add3A_493 = arith.constant 2 : i32
      %add3A_494 = vector.broadcast %add3A_493 : i32 to vector<16xi32>
      %add3A_495 = arith.addi %add3A_487, %add3A_494 : vector<16xi32>
      %gather3A_496 = tpu.vector_load_idx %arg7[%add3A_495] : memref<24576xf32, #tpu.memory_space<vmem>>[vector<16xi32>], vector<16xf32>,
      %mul3A_497 = arith.mulf %get3A_81, %gather3A_488 : vector<16xf32>
      %mul3A_498 = arith.mulf %get3A_83, %gather3A_492 : vector<16xf32>
      %add3A_499 = arith.addf %mul3A_497, %mul3A_498 : vector<16xf32>
      %mul3A_500 = arith.mulf %get3A_85, %gather3A_496 : vector<16xf32>
      %add3A_501 = arith.addf %add3A_499, %mul3A_500 : vector<16xf32>
      %add3A_502 = arith.addf %add3A_501, %get3A_99 : vector<16xf32>
      %mul3A_503 = arith.mulf %get3A_87, %gather3A_488 : vector<16xf32>
      %mul3A_504 = arith.mulf %get3A_89, %gather3A_492 : vector<16xf32>
      %add3A_505 = arith.addf %mul3A_503, %mul3A_504 : vector<16xf32>
      %mul3A_506 = arith.mulf %get3A_91, %gather3A_496 : vector<16xf32>
      %add3A_507 = arith.addf %add3A_505, %mul3A_506 : vector<16xf32>
      %add3A_508 = arith.addf %add3A_507, %get3A_101 : vector<16xf32>
      %mul3A_509 = arith.mulf %get3A_93, %gather3A_488 : vector<16xf32>
      %mul3A_510 = arith.mulf %get3A_95, %gather3A_492 : vector<16xf32>
      %add3A_511 = arith.addf %mul3A_509, %mul3A_510 : vector<16xf32>
      %mul3A_512 = arith.mulf %get3A_97, %gather3A_496 : vector<16xf32>
      %add3A_513 = arith.addf %add3A_511, %mul3A_512 : vector<16xf32>
      %add3A_514 = arith.addf %add3A_513, %get3A_103 : vector<16xf32>
      %sub3A_515 = arith.constant -4.843750e-01 : f32
      %sub3A_516 = vector.broadcast %sub3A_515 : f32 to vector<16xf32>
      %sub3A_517 = arith.subf %add3A_502, %sub3A_516 : vector<16xf32>
      %mul3A_518 = arith.constant 3.200000e+01 : f32
      %mul3A_519 = vector.broadcast %mul3A_518 : f32 to vector<16xf32>
      %mul3A_520 = arith.mulf %sub3A_517, %mul3A_519 : vector<16xf32>
      %jit3A_521 = arith.constant 0.000000e+00 : f32
      %jit3A_522 = arith.constant 3.100000e+01 : f32
      %max3A_523 = vector.broadcast %jit3A_521 : f32 to vector<16xf32>
      %max3A_524 = arith.maximumf %max3A_523, %mul3A_520 : vector<16xf32>
      %min3A_525 = vector.broadcast %jit3A_522 : f32 to vector<16xf32>
      %min3A_526 = arith.minimumf %min3A_525, %max3A_524 : vector<16xf32>
      %sub3A_527 = arith.constant -4.843750e-01 : f32
      %sub3A_528 = vector.broadcast %sub3A_527 : f32 to vector<16xf32>
      %sub3A_529 = arith.subf %add3A_508, %sub3A_528 : vector<16xf32>
      %mul3A_530 = arith.constant 3.200000e+01 : f32
      %mul3A_531 = vector.broadcast %mul3A_530 : f32 to vector<16xf32>
      %mul3A_532 = arith.mulf %sub3A_529, %mul3A_531 : vector<16xf32>
      %jit3A_533 = arith.constant 0.000000e+00 : f32
      %jit3A_534 = arith.constant 3.100000e+01 : f32
      %max3A_535 = vector.broadcast %jit3A_533 : f32 to vector<16xf32>
      %max3A_536 = arith.maximumf %max3A_535, %mul3A_532 : vector<16xf32>
      %min3A_537 = vector.broadcast %jit3A_534 : f32 to vector<16xf32>
      %min3A_538 = arith.minimumf %min3A_537, %max3A_536 : vector<16xf32>
      %sub3A_539 = arith.constant -4.843750e-01 : f32
      %sub3A_540 = vector.broadcast %sub3A_539 : f32 to vector<16xf32>
      %sub3A_541 = arith.subf %add3A_514, %sub3A_540 : vector<16xf32>
      %mul3A_542 = arith.constant 3.200000e+01 : f32
      %mul3A_543 = vector.broadcast %mul3A_542 : f32 to vector<16xf32>
      %mul3A_544 = arith.mulf %sub3A_541, %mul3A_543 : vector<16xf32>
      %jit3A_545 = arith.constant 0.000000e+00 : f32
      %jit3A_546 = arith.constant 3.100000e+01 : f32
      %max3A_547 = vector.broadcast %jit3A_545 : f32 to vector<16xf32>
      %max3A_548 = arith.maximumf %max3A_547, %mul3A_544 : vector<16xf32>
      %min3A_549 = vector.broadcast %jit3A_546 : f32 to vector<16xf32>
      %min3A_550 = arith.minimumf %min3A_549, %max3A_548 : vector<16xf32>
      %add3A_551 = arith.constant 5.000000e-01 : f32
      %add3A_552 = vector.broadcast %add3A_551 : f32 to vector<16xf32>
      %add3A_553 = arith.addf %min3A_526, %add3A_552 : vector<16xf32>
      %convert_element_type3A_554 = arith.fptosi %add3A_553 : vector<16xf32> to vector<16xi32>
      %add3A_555 = arith.constant 5.000000e-01 : f32
      %add3A_556 = vector.broadcast %add3A_555 : f32 to vector<16xf32>
      %add3A_557 = arith.addf %min3A_538, %add3A_556 : vector<16xf32>
      %convert_element_type3A_558 = arith.fptosi %add3A_557 : vector<16xf32> to vector<16xi32>
      %add3A_559 = arith.constant 5.000000e-01 : f32
      %add3A_560 = vector.broadcast %add3A_559 : f32 to vector<16xf32>
      %add3A_561 = arith.addf %min3A_550, %add3A_560 : vector<16xf32>
      %convert_element_type3A_562 = arith.fptosi %add3A_561 : vector<16xf32> to vector<16xi32>
      %mul3A_563 = arith.constant 3072 : i32
      %mul3A_564 = vector.broadcast %mul3A_563 : i32 to vector<16xi32>
      %mul3A_565 = arith.muli %convert_element_type3A_554, %mul3A_564 : vector<16xi32>
      %mul3A_566 = arith.constant 96 : i32
      %mul3A_567 = vector.broadcast %mul3A_566 : i32 to vector<16xi32>
      %mul3A_568 = arith.muli %convert_element_type3A_558, %mul3A_567 : vector<16xi32>
      %add3A_569 = arith.addi %mul3A_565, %mul3A_568 : vector<16xi32>
      %mul3A_570 = arith.constant 3 : i32
      %mul3A_571 = vector.broadcast %mul3A_570 : i32 to vector<16xi32>
      %mul3A_572 = arith.muli %convert_element_type3A_562, %mul3A_571 : vector<16xi32>
      %add3A_573 = arith.addi %add3A_569, %mul3A_572 : vector<16xi32>
      %gather3A_574 = tpu.vector_load_idx %arg6[%add3A_573] : memref<98304xf32, #tpu.memory_space<vmem>>[vector<16xi32>], vector<16xf32>,
      %add3A_575 = arith.constant 1 : i32
      %add3A_576 = vector.broadcast %add3A_575 : i32 to vector<16xi32>
      %add3A_577 = arith.addi %add3A_573, %add3A_576 : vector<16xi32>
      %gather3A_578 = tpu.vector_load_idx %arg6[%add3A_577] : memref<98304xf32, #tpu.memory_space<vmem>>[vector<16xi32>], vector<16xf32>,
      %add3A_579 = arith.constant 2 : i32
      %add3A_580 = vector.broadcast %add3A_579 : i32 to vector<16xi32>
      %add3A_581 = arith.addi %add3A_573, %add3A_580 : vector<16xi32>
      %gather3A_582 = tpu.vector_load_idx %arg6[%add3A_581] : memref<98304xf32, #tpu.memory_space<vmem>>[vector<16xi32>], vector<16xf32>,
      %sub3A_583 = arith.subf %add3A_502, %gather3A_574 : vector<16xf32>
      %sub3A_584 = arith.subf %add3A_508, %gather3A_578 : vector<16xf32>
      %sub3A_585 = arith.subf %add3A_514, %gather3A_582 : vector<16xf32>
      %mul3A_586 = arith.mulf %sub3A_583, %sub3A_583 : vector<16xf32>
      %mul3A_587 = arith.mulf %sub3A_584, %sub3A_584 : vector<16xf32>
      %add3A_588 = arith.addf %mul3A_586, %mul3A_587 : vector<16xf32>
      %mul3A_589 = arith.mulf %sub3A_585, %sub3A_585 : vector<16xf32>
      %add3A_590 = arith.addf %add3A_588, %mul3A_589 : vector<16xf32>
      %lt3A_591 = arith.constant 5.000000e+03 : f32
      %lt3A_592 = vector.broadcast %lt3A_591 : f32 to vector<16xf32>
      %lt3A_593 = arith.cmpf olt, %gather3A_574, %lt3A_592 : vector<16xf32>
      %jit3A_594 = arith.constant 0.000000e+00 : f32
      %broadcast_in_dim3A_595 = vector.broadcast %jit3A_594 : f32 to vector<16xf32>
      %select_n3A_596 = arith.select %lt3A_593, %add3A_590, %broadcast_in_dim3A_595 : vector<16xi1>, vector<16xf32>
      %add3A_597 = arith.addf %add3A_477, %select_n3A_596 : vector<16xf32>
      %mul3A_598 = arith.constant 4 : i32
      %mul3A_599 = arith.muli %scan3A_244, %mul3A_598 : i32
      %add3A_600 = arith.constant 3 : i32
      %add3A_601 = arith.addi %mul3A_599, %add3A_600 : i32
      %mul3A_602 = arith.constant 16 : i32
      %mul3A_603 = arith.muli %add3A_601, %mul3A_602 : i32
      %mul3A_604 = arith.constant 3 : i32
      %mul3A_605 = arith.muli %mul3A_603, %mul3A_604 : i32
      %add3A_606 = vector.broadcast %mul3A_605 : i32 to vector<16xi32>
      %add3A_607 = arith.addi %mul3A_17, %add3A_606 : vector<16xi32>
      %gather3A_608 = tpu.vector_load_idx %arg7[%add3A_607] : memref<24576xf32, #tpu.memory_space<vmem>>[vector<16xi32>], vector<16xf32>,
      %add3A_609 = arith.constant 1 : i32
      %add3A_610 = vector.broadcast %add3A_609 : i32 to vector<16xi32>
      %add3A_611 = arith.addi %add3A_607, %add3A_610 : vector<16xi32>
      %gather3A_612 = tpu.vector_load_idx %arg7[%add3A_611] : memref<24576xf32, #tpu.memory_space<vmem>>[vector<16xi32>], vector<16xf32>,
      %add3A_613 = arith.constant 2 : i32
      %add3A_614 = vector.broadcast %add3A_613 : i32 to vector<16xi32>
      %add3A_615 = arith.addi %add3A_607, %add3A_614 : vector<16xi32>
      %gather3A_616 = tpu.vector_load_idx %arg7[%add3A_615] : memref<24576xf32, #tpu.memory_space<vmem>>[vector<16xi32>], vector<16xf32>,
      %mul3A_617 = arith.mulf %get3A_81, %gather3A_608 : vector<16xf32>
      %mul3A_618 = arith.mulf %get3A_83, %gather3A_612 : vector<16xf32>
      %add3A_619 = arith.addf %mul3A_617, %mul3A_618 : vector<16xf32>
      %mul3A_620 = arith.mulf %get3A_85, %gather3A_616 : vector<16xf32>
      %add3A_621 = arith.addf %add3A_619, %mul3A_620 : vector<16xf32>
      %add3A_622 = arith.addf %add3A_621, %get3A_99 : vector<16xf32>
      %mul3A_623 = arith.mulf %get3A_87, %gather3A_608 : vector<16xf32>
      %mul3A_624 = arith.mulf %get3A_89, %gather3A_612 : vector<16xf32>
      %add3A_625 = arith.addf %mul3A_623, %mul3A_624 : vector<16xf32>
      %mul3A_626 = arith.mulf %get3A_91, %gather3A_616 : vector<16xf32>
      %add3A_627 = arith.addf %add3A_625, %mul3A_626 : vector<16xf32>
      %add3A_628 = arith.addf %add3A_627, %get3A_101 : vector<16xf32>
      %mul3A_629 = arith.mulf %get3A_93, %gather3A_608 : vector<16xf32>
      %mul3A_630 = arith.mulf %get3A_95, %gather3A_612 : vector<16xf32>
      %add3A_631 = arith.addf %mul3A_629, %mul3A_630 : vector<16xf32>
      %mul3A_632 = arith.mulf %get3A_97, %gather3A_616 : vector<16xf32>
      %add3A_633 = arith.addf %add3A_631, %mul3A_632 : vector<16xf32>
      %add3A_634 = arith.addf %add3A_633, %get3A_103 : vector<16xf32>
      %sub3A_635 = arith.constant -4.843750e-01 : f32
      %sub3A_636 = vector.broadcast %sub3A_635 : f32 to vector<16xf32>
      %sub3A_637 = arith.subf %add3A_622, %sub3A_636 : vector<16xf32>
      %mul3A_638 = arith.constant 3.200000e+01 : f32
      %mul3A_639 = vector.broadcast %mul3A_638 : f32 to vector<16xf32>
      %mul3A_640 = arith.mulf %sub3A_637, %mul3A_639 : vector<16xf32>
      %jit3A_641 = arith.constant 0.000000e+00 : f32
      %jit3A_642 = arith.constant 3.100000e+01 : f32
      %max3A_643 = vector.broadcast %jit3A_641 : f32 to vector<16xf32>
      %max3A_644 = arith.maximumf %max3A_643, %mul3A_640 : vector<16xf32>
      %min3A_645 = vector.broadcast %jit3A_642 : f32 to vector<16xf32>
      %min3A_646 = arith.minimumf %min3A_645, %max3A_644 : vector<16xf32>
      %sub3A_647 = arith.constant -4.843750e-01 : f32
      %sub3A_648 = vector.broadcast %sub3A_647 : f32 to vector<16xf32>
      %sub3A_649 = arith.subf %add3A_628, %sub3A_648 : vector<16xf32>
      %mul3A_650 = arith.constant 3.200000e+01 : f32
      %mul3A_651 = vector.broadcast %mul3A_650 : f32 to vector<16xf32>
      %mul3A_652 = arith.mulf %sub3A_649, %mul3A_651 : vector<16xf32>
      %jit3A_653 = arith.constant 0.000000e+00 : f32
      %jit3A_654 = arith.constant 3.100000e+01 : f32
      %max3A_655 = vector.broadcast %jit3A_653 : f32 to vector<16xf32>
      %max3A_656 = arith.maximumf %max3A_655, %mul3A_652 : vector<16xf32>
      %min3A_657 = vector.broadcast %jit3A_654 : f32 to vector<16xf32>
      %min3A_658 = arith.minimumf %min3A_657, %max3A_656 : vector<16xf32>
      %sub3A_659 = arith.constant -4.843750e-01 : f32
      %sub3A_660 = vector.broadcast %sub3A_659 : f32 to vector<16xf32>
      %sub3A_661 = arith.subf %add3A_634, %sub3A_660 : vector<16xf32>
      %mul3A_662 = arith.constant 3.200000e+01 : f32
      %mul3A_663 = vector.broadcast %mul3A_662 : f32 to vector<16xf32>
      %mul3A_664 = arith.mulf %sub3A_661, %mul3A_663 : vector<16xf32>
      %jit3A_665 = arith.constant 0.000000e+00 : f32
      %jit3A_666 = arith.constant 3.100000e+01 : f32
      %max3A_667 = vector.broadcast %jit3A_665 : f32 to vector<16xf32>
      %max3A_668 = arith.maximumf %max3A_667, %mul3A_664 : vector<16xf32>
      %min3A_669 = vector.broadcast %jit3A_666 : f32 to vector<16xf32>
      %min3A_670 = arith.minimumf %min3A_669, %max3A_668 : vector<16xf32>
      %add3A_671 = arith.constant 5.000000e-01 : f32
      %add3A_672 = vector.broadcast %add3A_671 : f32 to vector<16xf32>
      %add3A_673 = arith.addf %min3A_646, %add3A_672 : vector<16xf32>
      %convert_element_type3A_674 = arith.fptosi %add3A_673 : vector<16xf32> to vector<16xi32>
      %add3A_675 = arith.constant 5.000000e-01 : f32
      %add3A_676 = vector.broadcast %add3A_675 : f32 to vector<16xf32>
      %add3A_677 = arith.addf %min3A_658, %add3A_676 : vector<16xf32>
      %convert_element_type3A_678 = arith.fptosi %add3A_677 : vector<16xf32> to vector<16xi32>
      %add3A_679 = arith.constant 5.000000e-01 : f32
      %add3A_680 = vector.broadcast %add3A_679 : f32 to vector<16xf32>
      %add3A_681 = arith.addf %min3A_670, %add3A_680 : vector<16xf32>
      %convert_element_type3A_682 = arith.fptosi %add3A_681 : vector<16xf32> to vector<16xi32>
      %mul3A_683 = arith.constant 3072 : i32
      %mul3A_684 = vector.broadcast %mul3A_683 : i32 to vector<16xi32>
      %mul3A_685 = arith.muli %convert_element_type3A_674, %mul3A_684 : vector<16xi32>
      %mul3A_686 = arith.constant 96 : i32
      %mul3A_687 = vector.broadcast %mul3A_686 : i32 to vector<16xi32>
      %mul3A_688 = arith.muli %convert_element_type3A_678, %mul3A_687 : vector<16xi32>
      %add3A_689 = arith.addi %mul3A_685, %mul3A_688 : vector<16xi32>
      %mul3A_690 = arith.constant 3 : i32
      %mul3A_691 = vector.broadcast %mul3A_690 : i32 to vector<16xi32>
      %mul3A_692 = arith.muli %convert_element_type3A_682, %mul3A_691 : vector<16xi32>
      %add3A_693 = arith.addi %add3A_689, %mul3A_692 : vector<16xi32>
      %gather3A_694 = tpu.vector_load_idx %arg6[%add3A_693] : memref<98304xf32, #tpu.memory_space<vmem>>[vector<16xi32>], vector<16xf32>,
      %add3A_695 = arith.constant 1 : i32
      %add3A_696 = vector.broadcast %add3A_695 : i32 to vector<16xi32>
      %add3A_697 = arith.addi %add3A_693, %add3A_696 : vector<16xi32>
      %gather3A_698 = tpu.vector_load_idx %arg6[%add3A_697] : memref<98304xf32, #tpu.memory_space<vmem>>[vector<16xi32>], vector<16xf32>,
      %add3A_699 = arith.constant 2 : i32
      %add3A_700 = vector.broadcast %add3A_699 : i32 to vector<16xi32>
      %add3A_701 = arith.addi %add3A_693, %add3A_700 : vector<16xi32>
      %gather3A_702 = tpu.vector_load_idx %arg6[%add3A_701] : memref<98304xf32, #tpu.memory_space<vmem>>[vector<16xi32>], vector<16xf32>,
      %sub3A_703 = arith.subf %add3A_622, %gather3A_694 : vector<16xf32>
      %sub3A_704 = arith.subf %add3A_628, %gather3A_698 : vector<16xf32>
      %sub3A_705 = arith.subf %add3A_634, %gather3A_702 : vector<16xf32>
      %mul3A_706 = arith.mulf %sub3A_703, %sub3A_703 : vector<16xf32>
      %mul3A_707 = arith.mulf %sub3A_704, %sub3A_704 : vector<16xf32>
      %add3A_708 = arith.addf %mul3A_706, %mul3A_707 : vector<16xf32>
      %mul3A_709 = arith.mulf %sub3A_705, %sub3A_705 : vector<16xf32>
      %add3A_710 = arith.addf %add3A_708, %mul3A_709 : vector<16xf32>
      %lt3A_711 = arith.constant 5.000000e+03 : f32
      %lt3A_712 = vector.broadcast %lt3A_711 : f32 to vector<16xf32>
      %lt3A_713 = arith.cmpf olt, %gather3A_694, %lt3A_712 : vector<16xf32>
      %jit3A_714 = arith.constant 0.000000e+00 : f32
      %broadcast_in_dim3A_715 = vector.broadcast %jit3A_714 : f32 to vector<16xf32>
      %select_n3A_716 = arith.select %lt3A_713, %add3A_710, %broadcast_in_dim3A_715 : vector<16xi1>, vector<16xf32>
      %add3A_717 = arith.addf %add3A_597, %select_n3A_716 : vector<16xf32>
      scf.yield %add3A_717 : vector<16xf32>
    }
    %scan3A_109 = arith.constant 128 : i32
    %swap3A_110 = arith.constant 0 : index
    %swap3A_111 = tpu.vector_load %arg9[%swap3A_110] {strides = array<i32>} : memref<32xf32, #tpu.memory_space<vmem>>, vector<16xf32>,
    tpu.vector_store %arg9[%swap3A_110], %scan3A_108 {add = true, strides = array<i32>} : memref<32xf32, #tpu.memory_space<vmem>>, vector<16xf32>,
    %get3A_112 = arith.constant 576 : index
    %get3A_113 = tpu.vector_load %arg8[%get3A_112] {strides = array<i32>} : memref<1344xf32, #tpu.memory_space<vmem>>, vector<16xf32>,
    %get3A_114 = arith.constant 592 : index
    %get3A_115 = tpu.vector_load %arg8[%get3A_114] {strides = array<i32>} : memref<1344xf32, #tpu.memory_space<vmem>>, vector<16xf32>,
    %get3A_116 = arith.constant 608 : index
    %get3A_117 = tpu.vector_load %arg8[%get3A_116] {strides = array<i32>} : memref<1344xf32, #tpu.memory_space<vmem>>, vector<16xf32>,
    %get3A_118 = arith.constant 624 : index
    %get3A_119 = tpu.vector_load %arg8[%get3A_118] {strides = array<i32>} : memref<1344xf32, #tpu.memory_space<vmem>>, vector<16xf32>,
    %get3A_120 = arith.constant 640 : index
    %get3A_121 = tpu.vector_load %arg8[%get3A_120] {strides = array<i32>} : memref<1344xf32, #tpu.memory_space<vmem>>, vector<16xf32>,
    %get3A_122 = arith.constant 656 : index
    %get3A_123 = tpu.vector_load %arg8[%get3A_122] {strides = array<i32>} : memref<1344xf32, #tpu.memory_space<vmem>>, vector<16xf32>,
    %get3A_124 = arith.constant 672 : index
    %get3A_125 = tpu.vector_load %arg8[%get3A_124] {strides = array<i32>} : memref<1344xf32, #tpu.memory_space<vmem>>, vector<16xf32>,
    %get3A_126 = arith.constant 688 : index
    %get3A_127 = tpu.vector_load %arg8[%get3A_126] {strides = array<i32>} : memref<1344xf32, #tpu.memory_space<vmem>>, vector<16xf32>,
    %get3A_128 = arith.constant 704 : index
    %get3A_129 = tpu.vector_load %arg8[%get3A_128] {strides = array<i32>} : memref<1344xf32, #tpu.memory_space<vmem>>, vector<16xf32>,
    %get3A_130 = arith.constant 720 : index
    %get3A_131 = tpu.vector_load %arg8[%get3A_130] {strides = array<i32>} : memref<1344xf32, #tpu.memory_space<vmem>>, vector<16xf32>,
    %get3A_132 = arith.constant 736 : index
    %get3A_133 = tpu.vector_load %arg8[%get3A_132] {strides = array<i32>} : memref<1344xf32, #tpu.memory_space<vmem>>, vector<16xf32>,
    %get3A_134 = arith.constant 752 : index
    %get3A_135 = tpu.vector_load %arg8[%get3A_134] {strides = array<i32>} : memref<1344xf32, #tpu.memory_space<vmem>>, vector<16xf32>,
    %scan3A_136 = arith.constant 0 : i32
    %scan3A_137 = arith.constant 128 : i32
    %scan3A_138 = arith.addi %scan3A_136, %scan3A_137 : i32
    %scan3A_139 = arith.constant 1 : i32
    %scan3A_140 = scf.for %scan3A_244 = %scan3A_136 to %scan3A_138 step %scan3A_139 iter_args(%scan3A_245 = %broadcast_in_dim3A_18) -> (vector<16xf32>)  : i32 {
      %mul3A_246 = arith.constant 4 : i32
      %mul3A_247 = arith.muli %scan3A_244, %mul3A_246 : i32
      %add3A_248 = arith.constant 0 : i32
      %add3A_249 = arith.addi %mul3A_247, %add3A_248 : i32
      %mul3A_250 = arith.constant 16 : i32
      %mul3A_251 = arith.muli %add3A_249, %mul3A_250 : i32
      %mul3A_252 = arith.constant 3 : i32
      %mul3A_253 = arith.muli %mul3A_251, %mul3A_252 : i32
      %add3A_254 = vector.broadcast %mul3A_253 : i32 to vector<16xi32>
      %add3A_255 = arith.addi %mul3A_17, %add3A_254 : vector<16xi32>
      %gather3A = tpu.vector_load_idx %arg7[%add3A_255] : memref<24576xf32, #tpu.memory_space<vmem>>[vector<16xi32>], vector<16xf32>,
      %add3A_256 = arith.constant 1 : i32
      %add3A_257 = vector.broadcast %add3A_256 : i32 to vector<16xi32>
      %add3A_258 = arith.addi %add3A_255, %add3A_257 : vector<16xi32>
      %gather3A_259 = tpu.vector_load_idx %arg7[%add3A_258] : memref<24576xf32, #tpu.memory_space<vmem>>[vector<16xi32>], vector<16xf32>,
      %add3A_260 = arith.constant 2 : i32
      %add3A_261 = vector.broadcast %add3A_260 : i32 to vector<16xi32>
      %add3A_262 = arith.addi %add3A_255, %add3A_261 : vector<16xi32>
      %gather3A_263 = tpu.vector_load_idx %arg7[%add3A_262] : memref<24576xf32, #tpu.memory_space<vmem>>[vector<16xi32>], vector<16xf32>,
      %mul3A_264 = arith.mulf %get3A_113, %gather3A : vector<16xf32>
      %mul3A_265 = arith.mulf %get3A_115, %gather3A_259 : vector<16xf32>
      %add3A_266 = arith.addf %mul3A_264, %mul3A_265 : vector<16xf32>
      %mul3A_267 = arith.mulf %get3A_117, %gather3A_263 : vector<16xf32>
      %add3A_268 = arith.addf %add3A_266, %mul3A_267 : vector<16xf32>
      %add3A_269 = arith.addf %add3A_268, %get3A_131 : vector<16xf32>
      %mul3A_270 = arith.mulf %get3A_119, %gather3A : vector<16xf32>
      %mul3A_271 = arith.mulf %get3A_121, %gather3A_259 : vector<16xf32>
      %add3A_272 = arith.addf %mul3A_270, %mul3A_271 : vector<16xf32>
      %mul3A_273 = arith.mulf %get3A_123, %gather3A_263 : vector<16xf32>
      %add3A_274 = arith.addf %add3A_272, %mul3A_273 : vector<16xf32>
      %add3A_275 = arith.addf %add3A_274, %get3A_133 : vector<16xf32>
      %mul3A_276 = arith.mulf %get3A_125, %gather3A : vector<16xf32>
      %mul3A_277 = arith.mulf %get3A_127, %gather3A_259 : vector<16xf32>
      %add3A_278 = arith.addf %mul3A_276, %mul3A_277 : vector<16xf32>
      %mul3A_279 = arith.mulf %get3A_129, %gather3A_263 : vector<16xf32>
      %add3A_280 = arith.addf %add3A_278, %mul3A_279 : vector<16xf32>
      %add3A_281 = arith.addf %add3A_280, %get3A_135 : vector<16xf32>
      %sub3A = arith.constant -4.843750e-01 : f32
      %sub3A_282 = vector.broadcast %sub3A : f32 to vector<16xf32>
      %sub3A_283 = arith.subf %add3A_269, %sub3A_282 : vector<16xf32>
      %mul3A_284 = arith.constant 3.200000e+01 : f32
      %mul3A_285 = vector.broadcast %mul3A_284 : f32 to vector<16xf32>
      %mul3A_286 = arith.mulf %sub3A_283, %mul3A_285 : vector<16xf32>
      %jit3A = arith.constant 0.000000e+00 : f32
      %jit3A_287 = arith.constant 3.100000e+01 : f32
      %max3A = vector.broadcast %jit3A : f32 to vector<16xf32>
      %max3A_288 = arith.maximumf %max3A, %mul3A_286 : vector<16xf32>
      %min3A = vector.broadcast %jit3A_287 : f32 to vector<16xf32>
      %min3A_289 = arith.minimumf %min3A, %max3A_288 : vector<16xf32>
      %sub3A_290 = arith.constant -4.843750e-01 : f32
      %sub3A_291 = vector.broadcast %sub3A_290 : f32 to vector<16xf32>
      %sub3A_292 = arith.subf %add3A_275, %sub3A_291 : vector<16xf32>
      %mul3A_293 = arith.constant 3.200000e+01 : f32
      %mul3A_294 = vector.broadcast %mul3A_293 : f32 to vector<16xf32>
      %mul3A_295 = arith.mulf %sub3A_292, %mul3A_294 : vector<16xf32>
      %jit3A_296 = arith.constant 0.000000e+00 : f32
      %jit3A_297 = arith.constant 3.100000e+01 : f32
      %max3A_298 = vector.broadcast %jit3A_296 : f32 to vector<16xf32>
      %max3A_299 = arith.maximumf %max3A_298, %mul3A_295 : vector<16xf32>
      %min3A_300 = vector.broadcast %jit3A_297 : f32 to vector<16xf32>
      %min3A_301 = arith.minimumf %min3A_300, %max3A_299 : vector<16xf32>
      %sub3A_302 = arith.constant -4.843750e-01 : f32
      %sub3A_303 = vector.broadcast %sub3A_302 : f32 to vector<16xf32>
      %sub3A_304 = arith.subf %add3A_281, %sub3A_303 : vector<16xf32>
      %mul3A_305 = arith.constant 3.200000e+01 : f32
      %mul3A_306 = vector.broadcast %mul3A_305 : f32 to vector<16xf32>
      %mul3A_307 = arith.mulf %sub3A_304, %mul3A_306 : vector<16xf32>
      %jit3A_308 = arith.constant 0.000000e+00 : f32
      %jit3A_309 = arith.constant 3.100000e+01 : f32
      %max3A_310 = vector.broadcast %jit3A_308 : f32 to vector<16xf32>
      %max3A_311 = arith.maximumf %max3A_310, %mul3A_307 : vector<16xf32>
      %min3A_312 = vector.broadcast %jit3A_309 : f32 to vector<16xf32>
      %min3A_313 = arith.minimumf %min3A_312, %max3A_311 : vector<16xf32>
      %add3A_314 = arith.constant 5.000000e-01 : f32
      %add3A_315 = vector.broadcast %add3A_314 : f32 to vector<16xf32>
      %add3A_316 = arith.addf %min3A_289, %add3A_315 : vector<16xf32>
      %convert_element_type3A = arith.fptosi %add3A_316 : vector<16xf32> to vector<16xi32>
      %add3A_317 = arith.constant 5.000000e-01 : f32
      %add3A_318 = vector.broadcast %add3A_317 : f32 to vector<16xf32>
      %add3A_319 = arith.addf %min3A_301, %add3A_318 : vector<16xf32>
      %convert_element_type3A_320 = arith.fptosi %add3A_319 : vector<16xf32> to vector<16xi32>
      %add3A_321 = arith.constant 5.000000e-01 : f32
      %add3A_322 = vector.broadcast %add3A_321 : f32 to vector<16xf32>
      %add3A_323 = arith.addf %min3A_313, %add3A_322 : vector<16xf32>
      %convert_element_type3A_324 = arith.fptosi %add3A_323 : vector<16xf32> to vector<16xi32>
      %mul3A_325 = arith.constant 3072 : i32
      %mul3A_326 = vector.broadcast %mul3A_325 : i32 to vector<16xi32>
      %mul3A_327 = arith.muli %convert_element_type3A, %mul3A_326 : vector<16xi32>
      %mul3A_328 = arith.constant 96 : i32
      %mul3A_329 = vector.broadcast %mul3A_328 : i32 to vector<16xi32>
      %mul3A_330 = arith.muli %convert_element_type3A_320, %mul3A_329 : vector<16xi32>
      %add3A_331 = arith.addi %mul3A_327, %mul3A_330 : vector<16xi32>
      %mul3A_332 = arith.constant 3 : i32
      %mul3A_333 = vector.broadcast %mul3A_332 : i32 to vector<16xi32>
      %mul3A_334 = arith.muli %convert_element_type3A_324, %mul3A_333 : vector<16xi32>
      %add3A_335 = arith.addi %add3A_331, %mul3A_334 : vector<16xi32>
      %gather3A_336 = tpu.vector_load_idx %arg6[%add3A_335] : memref<98304xf32, #tpu.memory_space<vmem>>[vector<16xi32>], vector<16xf32>,
      %add3A_337 = arith.constant 1 : i32
      %add3A_338 = vector.broadcast %add3A_337 : i32 to vector<16xi32>
      %add3A_339 = arith.addi %add3A_335, %add3A_338 : vector<16xi32>
      %gather3A_340 = tpu.vector_load_idx %arg6[%add3A_339] : memref<98304xf32, #tpu.memory_space<vmem>>[vector<16xi32>], vector<16xf32>,
      %add3A_341 = arith.constant 2 : i32
      %add3A_342 = vector.broadcast %add3A_341 : i32 to vector<16xi32>
      %add3A_343 = arith.addi %add3A_335, %add3A_342 : vector<16xi32>
      %gather3A_344 = tpu.vector_load_idx %arg6[%add3A_343] : memref<98304xf32, #tpu.memory_space<vmem>>[vector<16xi32>], vector<16xf32>,
      %sub3A_345 = arith.subf %add3A_269, %gather3A_336 : vector<16xf32>
      %sub3A_346 = arith.subf %add3A_275, %gather3A_340 : vector<16xf32>
      %sub3A_347 = arith.subf %add3A_281, %gather3A_344 : vector<16xf32>
      %mul3A_348 = arith.mulf %sub3A_345, %sub3A_345 : vector<16xf32>
      %mul3A_349 = arith.mulf %sub3A_346, %sub3A_346 : vector<16xf32>
      %add3A_350 = arith.addf %mul3A_348, %mul3A_349 : vector<16xf32>
      %mul3A_351 = arith.mulf %sub3A_347, %sub3A_347 : vector<16xf32>
      %add3A_352 = arith.addf %add3A_350, %mul3A_351 : vector<16xf32>
      %lt3A = arith.constant 5.000000e+03 : f32
      %lt3A_353 = vector.broadcast %lt3A : f32 to vector<16xf32>
      %lt3A_354 = arith.cmpf olt, %gather3A_336, %lt3A_353 : vector<16xf32>
      %jit3A_355 = arith.constant 0.000000e+00 : f32
      %broadcast_in_dim3A_356 = vector.broadcast %jit3A_355 : f32 to vector<16xf32>
      %select_n3A = arith.select %lt3A_354, %add3A_352, %broadcast_in_dim3A_356 : vector<16xi1>, vector<16xf32>
      %add3A_357 = arith.addf %scan3A_245, %select_n3A : vector<16xf32>
      %mul3A_358 = arith.constant 4 : i32
      %mul3A_359 = arith.muli %scan3A_244, %mul3A_358 : i32
      %add3A_360 = arith.constant 1 : i32
      %add3A_361 = arith.addi %mul3A_359, %add3A_360 : i32
      %mul3A_362 = arith.constant 16 : i32
      %mul3A_363 = arith.muli %add3A_361, %mul3A_362 : i32
      %mul3A_364 = arith.constant 3 : i32
      %mul3A_365 = arith.muli %mul3A_363, %mul3A_364 : i32
      %add3A_366 = vector.broadcast %mul3A_365 : i32 to vector<16xi32>
      %add3A_367 = arith.addi %mul3A_17, %add3A_366 : vector<16xi32>
      %gather3A_368 = tpu.vector_load_idx %arg7[%add3A_367] : memref<24576xf32, #tpu.memory_space<vmem>>[vector<16xi32>], vector<16xf32>,
      %add3A_369 = arith.constant 1 : i32
      %add3A_370 = vector.broadcast %add3A_369 : i32 to vector<16xi32>
      %add3A_371 = arith.addi %add3A_367, %add3A_370 : vector<16xi32>
      %gather3A_372 = tpu.vector_load_idx %arg7[%add3A_371] : memref<24576xf32, #tpu.memory_space<vmem>>[vector<16xi32>], vector<16xf32>,
      %add3A_373 = arith.constant 2 : i32
      %add3A_374 = vector.broadcast %add3A_373 : i32 to vector<16xi32>
      %add3A_375 = arith.addi %add3A_367, %add3A_374 : vector<16xi32>
      %gather3A_376 = tpu.vector_load_idx %arg7[%add3A_375] : memref<24576xf32, #tpu.memory_space<vmem>>[vector<16xi32>], vector<16xf32>,
      %mul3A_377 = arith.mulf %get3A_113, %gather3A_368 : vector<16xf32>
      %mul3A_378 = arith.mulf %get3A_115, %gather3A_372 : vector<16xf32>
      %add3A_379 = arith.addf %mul3A_377, %mul3A_378 : vector<16xf32>
      %mul3A_380 = arith.mulf %get3A_117, %gather3A_376 : vector<16xf32>
      %add3A_381 = arith.addf %add3A_379, %mul3A_380 : vector<16xf32>
      %add3A_382 = arith.addf %add3A_381, %get3A_131 : vector<16xf32>
      %mul3A_383 = arith.mulf %get3A_119, %gather3A_368 : vector<16xf32>
      %mul3A_384 = arith.mulf %get3A_121, %gather3A_372 : vector<16xf32>
      %add3A_385 = arith.addf %mul3A_383, %mul3A_384 : vector<16xf32>
      %mul3A_386 = arith.mulf %get3A_123, %gather3A_376 : vector<16xf32>
      %add3A_387 = arith.addf %add3A_385, %mul3A_386 : vector<16xf32>
      %add3A_388 = arith.addf %add3A_387, %get3A_133 : vector<16xf32>
      %mul3A_389 = arith.mulf %get3A_125, %gather3A_368 : vector<16xf32>
      %mul3A_390 = arith.mulf %get3A_127, %gather3A_372 : vector<16xf32>
      %add3A_391 = arith.addf %mul3A_389, %mul3A_390 : vector<16xf32>
      %mul3A_392 = arith.mulf %get3A_129, %gather3A_376 : vector<16xf32>
      %add3A_393 = arith.addf %add3A_391, %mul3A_392 : vector<16xf32>
      %add3A_394 = arith.addf %add3A_393, %get3A_135 : vector<16xf32>
      %sub3A_395 = arith.constant -4.843750e-01 : f32
      %sub3A_396 = vector.broadcast %sub3A_395 : f32 to vector<16xf32>
      %sub3A_397 = arith.subf %add3A_382, %sub3A_396 : vector<16xf32>
      %mul3A_398 = arith.constant 3.200000e+01 : f32
      %mul3A_399 = vector.broadcast %mul3A_398 : f32 to vector<16xf32>
      %mul3A_400 = arith.mulf %sub3A_397, %mul3A_399 : vector<16xf32>
      %jit3A_401 = arith.constant 0.000000e+00 : f32
      %jit3A_402 = arith.constant 3.100000e+01 : f32
      %max3A_403 = vector.broadcast %jit3A_401 : f32 to vector<16xf32>
      %max3A_404 = arith.maximumf %max3A_403, %mul3A_400 : vector<16xf32>
      %min3A_405 = vector.broadcast %jit3A_402 : f32 to vector<16xf32>
      %min3A_406 = arith.minimumf %min3A_405, %max3A_404 : vector<16xf32>
      %sub3A_407 = arith.constant -4.843750e-01 : f32
      %sub3A_408 = vector.broadcast %sub3A_407 : f32 to vector<16xf32>
      %sub3A_409 = arith.subf %add3A_388, %sub3A_408 : vector<16xf32>
      %mul3A_410 = arith.constant 3.200000e+01 : f32
      %mul3A_411 = vector.broadcast %mul3A_410 : f32 to vector<16xf32>
      %mul3A_412 = arith.mulf %sub3A_409, %mul3A_411 : vector<16xf32>
      %jit3A_413 = arith.constant 0.000000e+00 : f32
      %jit3A_414 = arith.constant 3.100000e+01 : f32
      %max3A_415 = vector.broadcast %jit3A_413 : f32 to vector<16xf32>
      %max3A_416 = arith.maximumf %max3A_415, %mul3A_412 : vector<16xf32>
      %min3A_417 = vector.broadcast %jit3A_414 : f32 to vector<16xf32>
      %min3A_418 = arith.minimumf %min3A_417, %max3A_416 : vector<16xf32>
      %sub3A_419 = arith.constant -4.843750e-01 : f32
      %sub3A_420 = vector.broadcast %sub3A_419 : f32 to vector<16xf32>
      %sub3A_421 = arith.subf %add3A_394, %sub3A_420 : vector<16xf32>
      %mul3A_422 = arith.constant 3.200000e+01 : f32
      %mul3A_423 = vector.broadcast %mul3A_422 : f32 to vector<16xf32>
      %mul3A_424 = arith.mulf %sub3A_421, %mul3A_423 : vector<16xf32>
      %jit3A_425 = arith.constant 0.000000e+00 : f32
      %jit3A_426 = arith.constant 3.100000e+01 : f32
      %max3A_427 = vector.broadcast %jit3A_425 : f32 to vector<16xf32>
      %max3A_428 = arith.maximumf %max3A_427, %mul3A_424 : vector<16xf32>
      %min3A_429 = vector.broadcast %jit3A_426 : f32 to vector<16xf32>
      %min3A_430 = arith.minimumf %min3A_429, %max3A_428 : vector<16xf32>
      %add3A_431 = arith.constant 5.000000e-01 : f32
      %add3A_432 = vector.broadcast %add3A_431 : f32 to vector<16xf32>
      %add3A_433 = arith.addf %min3A_406, %add3A_432 : vector<16xf32>
      %convert_element_type3A_434 = arith.fptosi %add3A_433 : vector<16xf32> to vector<16xi32>
      %add3A_435 = arith.constant 5.000000e-01 : f32
      %add3A_436 = vector.broadcast %add3A_435 : f32 to vector<16xf32>
      %add3A_437 = arith.addf %min3A_418, %add3A_436 : vector<16xf32>
      %convert_element_type3A_438 = arith.fptosi %add3A_437 : vector<16xf32> to vector<16xi32>
      %add3A_439 = arith.constant 5.000000e-01 : f32
      %add3A_440 = vector.broadcast %add3A_439 : f32 to vector<16xf32>
      %add3A_441 = arith.addf %min3A_430, %add3A_440 : vector<16xf32>
      %convert_element_type3A_442 = arith.fptosi %add3A_441 : vector<16xf32> to vector<16xi32>
      %mul3A_443 = arith.constant 3072 : i32
      %mul3A_444 = vector.broadcast %mul3A_443 : i32 to vector<16xi32>
      %mul3A_445 = arith.muli %convert_element_type3A_434, %mul3A_444 : vector<16xi32>
      %mul3A_446 = arith.constant 96 : i32
      %mul3A_447 = vector.broadcast %mul3A_446 : i32 to vector<16xi32>
      %mul3A_448 = arith.muli %convert_element_type3A_438, %mul3A_447 : vector<16xi32>
      %add3A_449 = arith.addi %mul3A_445, %mul3A_448 : vector<16xi32>
      %mul3A_450 = arith.constant 3 : i32
      %mul3A_451 = vector.broadcast %mul3A_450 : i32 to vector<16xi32>
      %mul3A_452 = arith.muli %convert_element_type3A_442, %mul3A_451 : vector<16xi32>
      %add3A_453 = arith.addi %add3A_449, %mul3A_452 : vector<16xi32>
      %gather3A_454 = tpu.vector_load_idx %arg6[%add3A_453] : memref<98304xf32, #tpu.memory_space<vmem>>[vector<16xi32>], vector<16xf32>,
      %add3A_455 = arith.constant 1 : i32
      %add3A_456 = vector.broadcast %add3A_455 : i32 to vector<16xi32>
      %add3A_457 = arith.addi %add3A_453, %add3A_456 : vector<16xi32>
      %gather3A_458 = tpu.vector_load_idx %arg6[%add3A_457] : memref<98304xf32, #tpu.memory_space<vmem>>[vector<16xi32>], vector<16xf32>,
      %add3A_459 = arith.constant 2 : i32
      %add3A_460 = vector.broadcast %add3A_459 : i32 to vector<16xi32>
      %add3A_461 = arith.addi %add3A_453, %add3A_460 : vector<16xi32>
      %gather3A_462 = tpu.vector_load_idx %arg6[%add3A_461] : memref<98304xf32, #tpu.memory_space<vmem>>[vector<16xi32>], vector<16xf32>,
      %sub3A_463 = arith.subf %add3A_382, %gather3A_454 : vector<16xf32>
      %sub3A_464 = arith.subf %add3A_388, %gather3A_458 : vector<16xf32>
      %sub3A_465 = arith.subf %add3A_394, %gather3A_462 : vector<16xf32>
      %mul3A_466 = arith.mulf %sub3A_463, %sub3A_463 : vector<16xf32>
      %mul3A_467 = arith.mulf %sub3A_464, %sub3A_464 : vector<16xf32>
      %add3A_468 = arith.addf %mul3A_466, %mul3A_467 : vector<16xf32>
      %mul3A_469 = arith.mulf %sub3A_465, %sub3A_465 : vector<16xf32>
      %add3A_470 = arith.addf %add3A_468, %mul3A_469 : vector<16xf32>
      %lt3A_471 = arith.constant 5.000000e+03 : f32
      %lt3A_472 = vector.broadcast %lt3A_471 : f32 to vector<16xf32>
      %lt3A_473 = arith.cmpf olt, %gather3A_454, %lt3A_472 : vector<16xf32>
      %jit3A_474 = arith.constant 0.000000e+00 : f32
      %broadcast_in_dim3A_475 = vector.broadcast %jit3A_474 : f32 to vector<16xf32>
      %select_n3A_476 = arith.select %lt3A_473, %add3A_470, %broadcast_in_dim3A_475 : vector<16xi1>, vector<16xf32>
      %add3A_477 = arith.addf %add3A_357, %select_n3A_476 : vector<16xf32>
      %mul3A_478 = arith.constant 4 : i32
      %mul3A_479 = arith.muli %scan3A_244, %mul3A_478 : i32
      %add3A_480 = arith.constant 2 : i32
      %add3A_481 = arith.addi %mul3A_479, %add3A_480 : i32
      %mul3A_482 = arith.constant 16 : i32
      %mul3A_483 = arith.muli %add3A_481, %mul3A_482 : i32
      %mul3A_484 = arith.constant 3 : i32
      %mul3A_485 = arith.muli %mul3A_483, %mul3A_484 : i32
      %add3A_486 = vector.broadcast %mul3A_485 : i32 to vector<16xi32>
      %add3A_487 = arith.addi %mul3A_17, %add3A_486 : vector<16xi32>
      %gather3A_488 = tpu.vector_load_idx %arg7[%add3A_487] : memref<24576xf32, #tpu.memory_space<vmem>>[vector<16xi32>], vector<16xf32>,
      %add3A_489 = arith.constant 1 : i32
      %add3A_490 = vector.broadcast %add3A_489 : i32 to vector<16xi32>
      %add3A_491 = arith.addi %add3A_487, %add3A_490 : vector<16xi32>
      %gather3A_492 = tpu.vector_load_idx %arg7[%add3A_491] : memref<24576xf32, #tpu.memory_space<vmem>>[vector<16xi32>], vector<16xf32>,
      %add3A_493 = arith.constant 2 : i32
      %add3A_494 = vector.broadcast %add3A_493 : i32 to vector<16xi32>
      %add3A_495 = arith.addi %add3A_487, %add3A_494 : vector<16xi32>
      %gather3A_496 = tpu.vector_load_idx %arg7[%add3A_495] : memref<24576xf32, #tpu.memory_space<vmem>>[vector<16xi32>], vector<16xf32>,
      %mul3A_497 = arith.mulf %get3A_113, %gather3A_488 : vector<16xf32>
      %mul3A_498 = arith.mulf %get3A_115, %gather3A_492 : vector<16xf32>
      %add3A_499 = arith.addf %mul3A_497, %mul3A_498 : vector<16xf32>
      %mul3A_500 = arith.mulf %get3A_117, %gather3A_496 : vector<16xf32>
      %add3A_501 = arith.addf %add3A_499, %mul3A_500 : vector<16xf32>
      %add3A_502 = arith.addf %add3A_501, %get3A_131 : vector<16xf32>
      %mul3A_503 = arith.mulf %get3A_119, %gather3A_488 : vector<16xf32>
      %mul3A_504 = arith.mulf %get3A_121, %gather3A_492 : vector<16xf32>
      %add3A_505 = arith.addf %mul3A_503, %mul3A_504 : vector<16xf32>
      %mul3A_506 = arith.mulf %get3A_123, %gather3A_496 : vector<16xf32>
      %add3A_507 = arith.addf %add3A_505, %mul3A_506 : vector<16xf32>
      %add3A_508 = arith.addf %add3A_507, %get3A_133 : vector<16xf32>
      %mul3A_509 = arith.mulf %get3A_125, %gather3A_488 : vector<16xf32>
      %mul3A_510 = arith.mulf %get3A_127, %gather3A_492 : vector<16xf32>
      %add3A_511 = arith.addf %mul3A_509, %mul3A_510 : vector<16xf32>
      %mul3A_512 = arith.mulf %get3A_129, %gather3A_496 : vector<16xf32>
      %add3A_513 = arith.addf %add3A_511, %mul3A_512 : vector<16xf32>
      %add3A_514 = arith.addf %add3A_513, %get3A_135 : vector<16xf32>
      %sub3A_515 = arith.constant -4.843750e-01 : f32
      %sub3A_516 = vector.broadcast %sub3A_515 : f32 to vector<16xf32>
      %sub3A_517 = arith.subf %add3A_502, %sub3A_516 : vector<16xf32>
      %mul3A_518 = arith.constant 3.200000e+01 : f32
      %mul3A_519 = vector.broadcast %mul3A_518 : f32 to vector<16xf32>
      %mul3A_520 = arith.mulf %sub3A_517, %mul3A_519 : vector<16xf32>
      %jit3A_521 = arith.constant 0.000000e+00 : f32
      %jit3A_522 = arith.constant 3.100000e+01 : f32
      %max3A_523 = vector.broadcast %jit3A_521 : f32 to vector<16xf32>
      %max3A_524 = arith.maximumf %max3A_523, %mul3A_520 : vector<16xf32>
      %min3A_525 = vector.broadcast %jit3A_522 : f32 to vector<16xf32>
      %min3A_526 = arith.minimumf %min3A_525, %max3A_524 : vector<16xf32>
      %sub3A_527 = arith.constant -4.843750e-01 : f32
      %sub3A_528 = vector.broadcast %sub3A_527 : f32 to vector<16xf32>
      %sub3A_529 = arith.subf %add3A_508, %sub3A_528 : vector<16xf32>
      %mul3A_530 = arith.constant 3.200000e+01 : f32
      %mul3A_531 = vector.broadcast %mul3A_530 : f32 to vector<16xf32>
      %mul3A_532 = arith.mulf %sub3A_529, %mul3A_531 : vector<16xf32>
      %jit3A_533 = arith.constant 0.000000e+00 : f32
      %jit3A_534 = arith.constant 3.100000e+01 : f32
      %max3A_535 = vector.broadcast %jit3A_533 : f32 to vector<16xf32>
      %max3A_536 = arith.maximumf %max3A_535, %mul3A_532 : vector<16xf32>
      %min3A_537 = vector.broadcast %jit3A_534 : f32 to vector<16xf32>
      %min3A_538 = arith.minimumf %min3A_537, %max3A_536 : vector<16xf32>
      %sub3A_539 = arith.constant -4.843750e-01 : f32
      %sub3A_540 = vector.broadcast %sub3A_539 : f32 to vector<16xf32>
      %sub3A_541 = arith.subf %add3A_514, %sub3A_540 : vector<16xf32>
      %mul3A_542 = arith.constant 3.200000e+01 : f32
      %mul3A_543 = vector.broadcast %mul3A_542 : f32 to vector<16xf32>
      %mul3A_544 = arith.mulf %sub3A_541, %mul3A_543 : vector<16xf32>
      %jit3A_545 = arith.constant 0.000000e+00 : f32
      %jit3A_546 = arith.constant 3.100000e+01 : f32
      %max3A_547 = vector.broadcast %jit3A_545 : f32 to vector<16xf32>
      %max3A_548 = arith.maximumf %max3A_547, %mul3A_544 : vector<16xf32>
      %min3A_549 = vector.broadcast %jit3A_546 : f32 to vector<16xf32>
      %min3A_550 = arith.minimumf %min3A_549, %max3A_548 : vector<16xf32>
      %add3A_551 = arith.constant 5.000000e-01 : f32
      %add3A_552 = vector.broadcast %add3A_551 : f32 to vector<16xf32>
      %add3A_553 = arith.addf %min3A_526, %add3A_552 : vector<16xf32>
      %convert_element_type3A_554 = arith.fptosi %add3A_553 : vector<16xf32> to vector<16xi32>
      %add3A_555 = arith.constant 5.000000e-01 : f32
      %add3A_556 = vector.broadcast %add3A_555 : f32 to vector<16xf32>
      %add3A_557 = arith.addf %min3A_538, %add3A_556 : vector<16xf32>
      %convert_element_type3A_558 = arith.fptosi %add3A_557 : vector<16xf32> to vector<16xi32>
      %add3A_559 = arith.constant 5.000000e-01 : f32
      %add3A_560 = vector.broadcast %add3A_559 : f32 to vector<16xf32>
      %add3A_561 = arith.addf %min3A_550, %add3A_560 : vector<16xf32>
      %convert_element_type3A_562 = arith.fptosi %add3A_561 : vector<16xf32> to vector<16xi32>
      %mul3A_563 = arith.constant 3072 : i32
      %mul3A_564 = vector.broadcast %mul3A_563 : i32 to vector<16xi32>
      %mul3A_565 = arith.muli %convert_element_type3A_554, %mul3A_564 : vector<16xi32>
      %mul3A_566 = arith.constant 96 : i32
      %mul3A_567 = vector.broadcast %mul3A_566 : i32 to vector<16xi32>
      %mul3A_568 = arith.muli %convert_element_type3A_558, %mul3A_567 : vector<16xi32>
      %add3A_569 = arith.addi %mul3A_565, %mul3A_568 : vector<16xi32>
      %mul3A_570 = arith.constant 3 : i32
      %mul3A_571 = vector.broadcast %mul3A_570 : i32 to vector<16xi32>
      %mul3A_572 = arith.muli %convert_element_type3A_562, %mul3A_571 : vector<16xi32>
      %add3A_573 = arith.addi %add3A_569, %mul3A_572 : vector<16xi32>
      %gather3A_574 = tpu.vector_load_idx %arg6[%add3A_573] : memref<98304xf32, #tpu.memory_space<vmem>>[vector<16xi32>], vector<16xf32>,
      %add3A_575 = arith.constant 1 : i32
      %add3A_576 = vector.broadcast %add3A_575 : i32 to vector<16xi32>
      %add3A_577 = arith.addi %add3A_573, %add3A_576 : vector<16xi32>
      %gather3A_578 = tpu.vector_load_idx %arg6[%add3A_577] : memref<98304xf32, #tpu.memory_space<vmem>>[vector<16xi32>], vector<16xf32>,
      %add3A_579 = arith.constant 2 : i32
      %add3A_580 = vector.broadcast %add3A_579 : i32 to vector<16xi32>
      %add3A_581 = arith.addi %add3A_573, %add3A_580 : vector<16xi32>
      %gather3A_582 = tpu.vector_load_idx %arg6[%add3A_581] : memref<98304xf32, #tpu.memory_space<vmem>>[vector<16xi32>], vector<16xf32>,
      %sub3A_583 = arith.subf %add3A_502, %gather3A_574 : vector<16xf32>
      %sub3A_584 = arith.subf %add3A_508, %gather3A_578 : vector<16xf32>
      %sub3A_585 = arith.subf %add3A_514, %gather3A_582 : vector<16xf32>
      %mul3A_586 = arith.mulf %sub3A_583, %sub3A_583 : vector<16xf32>
      %mul3A_587 = arith.mulf %sub3A_584, %sub3A_584 : vector<16xf32>
      %add3A_588 = arith.addf %mul3A_586, %mul3A_587 : vector<16xf32>
      %mul3A_589 = arith.mulf %sub3A_585, %sub3A_585 : vector<16xf32>
      %add3A_590 = arith.addf %add3A_588, %mul3A_589 : vector<16xf32>
      %lt3A_591 = arith.constant 5.000000e+03 : f32
      %lt3A_592 = vector.broadcast %lt3A_591 : f32 to vector<16xf32>
      %lt3A_593 = arith.cmpf olt, %gather3A_574, %lt3A_592 : vector<16xf32>
      %jit3A_594 = arith.constant 0.000000e+00 : f32
      %broadcast_in_dim3A_595 = vector.broadcast %jit3A_594 : f32 to vector<16xf32>
      %select_n3A_596 = arith.select %lt3A_593, %add3A_590, %broadcast_in_dim3A_595 : vector<16xi1>, vector<16xf32>
      %add3A_597 = arith.addf %add3A_477, %select_n3A_596 : vector<16xf32>
      %mul3A_598 = arith.constant 4 : i32
      %mul3A_599 = arith.muli %scan3A_244, %mul3A_598 : i32
      %add3A_600 = arith.constant 3 : i32
      %add3A_601 = arith.addi %mul3A_599, %add3A_600 : i32
      %mul3A_602 = arith.constant 16 : i32
      %mul3A_603 = arith.muli %add3A_601, %mul3A_602 : i32
      %mul3A_604 = arith.constant 3 : i32
      %mul3A_605 = arith.muli %mul3A_603, %mul3A_604 : i32
      %add3A_606 = vector.broadcast %mul3A_605 : i32 to vector<16xi32>
      %add3A_607 = arith.addi %mul3A_17, %add3A_606 : vector<16xi32>
      %gather3A_608 = tpu.vector_load_idx %arg7[%add3A_607] : memref<24576xf32, #tpu.memory_space<vmem>>[vector<16xi32>], vector<16xf32>,
      %add3A_609 = arith.constant 1 : i32
      %add3A_610 = vector.broadcast %add3A_609 : i32 to vector<16xi32>
      %add3A_611 = arith.addi %add3A_607, %add3A_610 : vector<16xi32>
      %gather3A_612 = tpu.vector_load_idx %arg7[%add3A_611] : memref<24576xf32, #tpu.memory_space<vmem>>[vector<16xi32>], vector<16xf32>,
      %add3A_613 = arith.constant 2 : i32
      %add3A_614 = vector.broadcast %add3A_613 : i32 to vector<16xi32>
      %add3A_615 = arith.addi %add3A_607, %add3A_614 : vector<16xi32>
      %gather3A_616 = tpu.vector_load_idx %arg7[%add3A_615] : memref<24576xf32, #tpu.memory_space<vmem>>[vector<16xi32>], vector<16xf32>,
      %mul3A_617 = arith.mulf %get3A_113, %gather3A_608 : vector<16xf32>
      %mul3A_618 = arith.mulf %get3A_115, %gather3A_612 : vector<16xf32>
      %add3A_619 = arith.addf %mul3A_617, %mul3A_618 : vector<16xf32>
      %mul3A_620 = arith.mulf %get3A_117, %gather3A_616 : vector<16xf32>
      %add3A_621 = arith.addf %add3A_619, %mul3A_620 : vector<16xf32>
      %add3A_622 = arith.addf %add3A_621, %get3A_131 : vector<16xf32>
      %mul3A_623 = arith.mulf %get3A_119, %gather3A_608 : vector<16xf32>
      %mul3A_624 = arith.mulf %get3A_121, %gather3A_612 : vector<16xf32>
      %add3A_625 = arith.addf %mul3A_623, %mul3A_624 : vector<16xf32>
      %mul3A_626 = arith.mulf %get3A_123, %gather3A_616 : vector<16xf32>
      %add3A_627 = arith.addf %add3A_625, %mul3A_626 : vector<16xf32>
      %add3A_628 = arith.addf %add3A_627, %get3A_133 : vector<16xf32>
      %mul3A_629 = arith.mulf %get3A_125, %gather3A_608 : vector<16xf32>
      %mul3A_630 = arith.mulf %get3A_127, %gather3A_612 : vector<16xf32>
      %add3A_631 = arith.addf %mul3A_629, %mul3A_630 : vector<16xf32>
      %mul3A_632 = arith.mulf %get3A_129, %gather3A_616 : vector<16xf32>
      %add3A_633 = arith.addf %add3A_631, %mul3A_632 : vector<16xf32>
      %add3A_634 = arith.addf %add3A_633, %get3A_135 : vector<16xf32>
      %sub3A_635 = arith.constant -4.843750e-01 : f32
      %sub3A_636 = vector.broadcast %sub3A_635 : f32 to vector<16xf32>
      %sub3A_637 = arith.subf %add3A_622, %sub3A_636 : vector<16xf32>
      %mul3A_638 = arith.constant 3.200000e+01 : f32
      %mul3A_639 = vector.broadcast %mul3A_638 : f32 to vector<16xf32>
      %mul3A_640 = arith.mulf %sub3A_637, %mul3A_639 : vector<16xf32>
      %jit3A_641 = arith.constant 0.000000e+00 : f32
      %jit3A_642 = arith.constant 3.100000e+01 : f32
      %max3A_643 = vector.broadcast %jit3A_641 : f32 to vector<16xf32>
      %max3A_644 = arith.maximumf %max3A_643, %mul3A_640 : vector<16xf32>
      %min3A_645 = vector.broadcast %jit3A_642 : f32 to vector<16xf32>
      %min3A_646 = arith.minimumf %min3A_645, %max3A_644 : vector<16xf32>
      %sub3A_647 = arith.constant -4.843750e-01 : f32
      %sub3A_648 = vector.broadcast %sub3A_647 : f32 to vector<16xf32>
      %sub3A_649 = arith.subf %add3A_628, %sub3A_648 : vector<16xf32>
      %mul3A_650 = arith.constant 3.200000e+01 : f32
      %mul3A_651 = vector.broadcast %mul3A_650 : f32 to vector<16xf32>
      %mul3A_652 = arith.mulf %sub3A_649, %mul3A_651 : vector<16xf32>
      %jit3A_653 = arith.constant 0.000000e+00 : f32
      %jit3A_654 = arith.constant 3.100000e+01 : f32
      %max3A_655 = vector.broadcast %jit3A_653 : f32 to vector<16xf32>
      %max3A_656 = arith.maximumf %max3A_655, %mul3A_652 : vector<16xf32>
      %min3A_657 = vector.broadcast %jit3A_654 : f32 to vector<16xf32>
      %min3A_658 = arith.minimumf %min3A_657, %max3A_656 : vector<16xf32>
      %sub3A_659 = arith.constant -4.843750e-01 : f32
      %sub3A_660 = vector.broadcast %sub3A_659 : f32 to vector<16xf32>
      %sub3A_661 = arith.subf %add3A_634, %sub3A_660 : vector<16xf32>
      %mul3A_662 = arith.constant 3.200000e+01 : f32
      %mul3A_663 = vector.broadcast %mul3A_662 : f32 to vector<16xf32>
      %mul3A_664 = arith.mulf %sub3A_661, %mul3A_663 : vector<16xf32>
      %jit3A_665 = arith.constant 0.000000e+00 : f32
      %jit3A_666 = arith.constant 3.100000e+01 : f32
      %max3A_667 = vector.broadcast %jit3A_665 : f32 to vector<16xf32>
      %max3A_668 = arith.maximumf %max3A_667, %mul3A_664 : vector<16xf32>
      %min3A_669 = vector.broadcast %jit3A_666 : f32 to vector<16xf32>
      %min3A_670 = arith.minimumf %min3A_669, %max3A_668 : vector<16xf32>
      %add3A_671 = arith.constant 5.000000e-01 : f32
      %add3A_672 = vector.broadcast %add3A_671 : f32 to vector<16xf32>
      %add3A_673 = arith.addf %min3A_646, %add3A_672 : vector<16xf32>
      %convert_element_type3A_674 = arith.fptosi %add3A_673 : vector<16xf32> to vector<16xi32>
      %add3A_675 = arith.constant 5.000000e-01 : f32
      %add3A_676 = vector.broadcast %add3A_675 : f32 to vector<16xf32>
      %add3A_677 = arith.addf %min3A_658, %add3A_676 : vector<16xf32>
      %convert_element_type3A_678 = arith.fptosi %add3A_677 : vector<16xf32> to vector<16xi32>
      %add3A_679 = arith.constant 5.000000e-01 : f32
      %add3A_680 = vector.broadcast %add3A_679 : f32 to vector<16xf32>
      %add3A_681 = arith.addf %min3A_670, %add3A_680 : vector<16xf32>
      %convert_element_type3A_682 = arith.fptosi %add3A_681 : vector<16xf32> to vector<16xi32>
      %mul3A_683 = arith.constant 3072 : i32
      %mul3A_684 = vector.broadcast %mul3A_683 : i32 to vector<16xi32>
      %mul3A_685 = arith.muli %convert_element_type3A_674, %mul3A_684 : vector<16xi32>
      %mul3A_686 = arith.constant 96 : i32
      %mul3A_687 = vector.broadcast %mul3A_686 : i32 to vector<16xi32>
      %mul3A_688 = arith.muli %convert_element_type3A_678, %mul3A_687 : vector<16xi32>
      %add3A_689 = arith.addi %mul3A_685, %mul3A_688 : vector<16xi32>
      %mul3A_690 = arith.constant 3 : i32
      %mul3A_691 = vector.broadcast %mul3A_690 : i32 to vector<16xi32>
      %mul3A_692 = arith.muli %convert_element_type3A_682, %mul3A_691 : vector<16xi32>
      %add3A_693 = arith.addi %add3A_689, %mul3A_692 : vector<16xi32>
      %gather3A_694 = tpu.vector_load_idx %arg6[%add3A_693] : memref<98304xf32, #tpu.memory_space<vmem>>[vector<16xi32>], vector<16xf32>,
      %add3A_695 = arith.constant 1 : i32
      %add3A_696 = vector.broadcast %add3A_695 : i32 to vector<16xi32>
      %add3A_697 = arith.addi %add3A_693, %add3A_696 : vector<16xi32>
      %gather3A_698 = tpu.vector_load_idx %arg6[%add3A_697] : memref<98304xf32, #tpu.memory_space<vmem>>[vector<16xi32>], vector<16xf32>,
      %add3A_699 = arith.constant 2 : i32
      %add3A_700 = vector.broadcast %add3A_699 : i32 to vector<16xi32>
      %add3A_701 = arith.addi %add3A_693, %add3A_700 : vector<16xi32>
      %gather3A_702 = tpu.vector_load_idx %arg6[%add3A_701] : memref<98304xf32, #tpu.memory_space<vmem>>[vector<16xi32>], vector<16xf32>,
      %sub3A_703 = arith.subf %add3A_622, %gather3A_694 : vector<16xf32>
      %sub3A_704 = arith.subf %add3A_628, %gather3A_698 : vector<16xf32>
      %sub3A_705 = arith.subf %add3A_634, %gather3A_702 : vector<16xf32>
      %mul3A_706 = arith.mulf %sub3A_703, %sub3A_703 : vector<16xf32>
      %mul3A_707 = arith.mulf %sub3A_704, %sub3A_704 : vector<16xf32>
      %add3A_708 = arith.addf %mul3A_706, %mul3A_707 : vector<16xf32>
      %mul3A_709 = arith.mulf %sub3A_705, %sub3A_705 : vector<16xf32>
      %add3A_710 = arith.addf %add3A_708, %mul3A_709 : vector<16xf32>
      %lt3A_711 = arith.constant 5.000000e+03 : f32
      %lt3A_712 = vector.broadcast %lt3A_711 : f32 to vector<16xf32>
      %lt3A_713 = arith.cmpf olt, %gather3A_694, %lt3A_712 : vector<16xf32>
      %jit3A_714 = arith.constant 0.000000e+00 : f32
      %broadcast_in_dim3A_715 = vector.broadcast %jit3A_714 : f32 to vector<16xf32>
      %select_n3A_716 = arith.select %lt3A_713, %add3A_710, %broadcast_in_dim3A_715 : vector<16xi1>, vector<16xf32>
      %add3A_717 = arith.addf %add3A_597, %select_n3A_716 : vector<16xf32>
      scf.yield %add3A_717 : vector<16xf32>
    }
    %scan3A_141 = arith.constant 128 : i32
    %swap3A_142 = arith.constant 16 : index
    %swap3A_143 = tpu.vector_load %arg9[%swap3A_142] {strides = array<i32>} : memref<32xf32, #tpu.memory_space<vmem>>, vector<16xf32>,
    tpu.vector_store %arg9[%swap3A_142], %scan3A_140 {strides = array<i32>} : memref<32xf32, #tpu.memory_space<vmem>>, vector<16xf32>,
    %get3A_144 = arith.constant 768 : index
    %get3A_145 = tpu.vector_load %arg8[%get3A_144] {strides = array<i32>} : memref<1344xf32, #tpu.memory_space<vmem>>, vector<16xf32>,
    %get3A_146 = arith.constant 784 : index
    %get3A_147 = tpu.vector_load %arg8[%get3A_146] {strides = array<i32>} : memref<1344xf32, #tpu.memory_space<vmem>>, vector<16xf32>,
    %get3A_148 = arith.constant 800 : index
    %get3A_149 = tpu.vector_load %arg8[%get3A_148] {strides = array<i32>} : memref<1344xf32, #tpu.memory_space<vmem>>, vector<16xf32>,
    %get3A_150 = arith.constant 816 : index
    %get3A_151 = tpu.vector_load %arg8[%get3A_150] {strides = array<i32>} : memref<1344xf32, #tpu.memory_space<vmem>>, vector<16xf32>,
    %get3A_152 = arith.constant 832 : index
    %get3A_153 = tpu.vector_load %arg8[%get3A_152] {strides = array<i32>} : memref<1344xf32, #tpu.memory_space<vmem>>, vector<16xf32>,
    %get3A_154 = arith.constant 848 : index
    %get3A_155 = tpu.vector_load %arg8[%get3A_154] {strides = array<i32>} : memref<1344xf32, #tpu.memory_space<vmem>>, vector<16xf32>,
    %get3A_156 = arith.constant 864 : index
    %get3A_157 = tpu.vector_load %arg8[%get3A_156] {strides = array<i32>} : memref<1344xf32, #tpu.memory_space<vmem>>, vector<16xf32>,
    %get3A_158 = arith.constant 880 : index
    %get3A_159 = tpu.vector_load %arg8[%get3A_158] {strides = array<i32>} : memref<1344xf32, #tpu.memory_space<vmem>>, vector<16xf32>,
    %get3A_160 = arith.constant 896 : index
    %get3A_161 = tpu.vector_load %arg8[%get3A_160] {strides = array<i32>} : memref<1344xf32, #tpu.memory_space<vmem>>, vector<16xf32>,
    %get3A_162 = arith.constant 912 : index
    %get3A_163 = tpu.vector_load %arg8[%get3A_162] {strides = array<i32>} : memref<1344xf32, #tpu.memory_space<vmem>>, vector<16xf32>,
    %get3A_164 = arith.constant 928 : index
    %get3A_165 = tpu.vector_load %arg8[%get3A_164] {strides = array<i32>} : memref<1344xf32, #tpu.memory_space<vmem>>, vector<16xf32>,
    %get3A_166 = arith.constant 944 : index
    %get3A_167 = tpu.vector_load %arg8[%get3A_166] {strides = array<i32>} : memref<1344xf32, #tpu.memory_space<vmem>>, vector<16xf32>,
    %scan3A_168 = arith.constant 0 : i32
    %scan3A_169 = arith.constant 128 : i32
    %scan3A_170 = arith.addi %scan3A_168, %scan3A_169 : i32
    %scan3A_171 = arith.constant 1 : i32
    %scan3A_172 = scf.for %scan3A_244 = %scan3A_168 to %scan3A_170 step %scan3A_171 iter_args(%scan3A_245 = %broadcast_in_dim3A_18) -> (vector<16xf32>)  : i32 {
      %mul3A_246 = arith.constant 4 : i32
      %mul3A_247 = arith.muli %scan3A_244, %mul3A_246 : i32
      %add3A_248 = arith.constant 0 : i32
      %add3A_249 = arith.addi %mul3A_247, %add3A_248 : i32
      %mul3A_250 = arith.constant 16 : i32
      %mul3A_251 = arith.muli %add3A_249, %mul3A_250 : i32
      %mul3A_252 = arith.constant 3 : i32
      %mul3A_253 = arith.muli %mul3A_251, %mul3A_252 : i32
      %add3A_254 = vector.broadcast %mul3A_253 : i32 to vector<16xi32>
      %add3A_255 = arith.addi %mul3A_17, %add3A_254 : vector<16xi32>
      %gather3A = tpu.vector_load_idx %arg7[%add3A_255] : memref<24576xf32, #tpu.memory_space<vmem>>[vector<16xi32>], vector<16xf32>,
      %add3A_256 = arith.constant 1 : i32
      %add3A_257 = vector.broadcast %add3A_256 : i32 to vector<16xi32>
      %add3A_258 = arith.addi %add3A_255, %add3A_257 : vector<16xi32>
      %gather3A_259 = tpu.vector_load_idx %arg7[%add3A_258] : memref<24576xf32, #tpu.memory_space<vmem>>[vector<16xi32>], vector<16xf32>,
      %add3A_260 = arith.constant 2 : i32
      %add3A_261 = vector.broadcast %add3A_260 : i32 to vector<16xi32>
      %add3A_262 = arith.addi %add3A_255, %add3A_261 : vector<16xi32>
      %gather3A_263 = tpu.vector_load_idx %arg7[%add3A_262] : memref<24576xf32, #tpu.memory_space<vmem>>[vector<16xi32>], vector<16xf32>,
      %mul3A_264 = arith.mulf %get3A_145, %gather3A : vector<16xf32>
      %mul3A_265 = arith.mulf %get3A_147, %gather3A_259 : vector<16xf32>
      %add3A_266 = arith.addf %mul3A_264, %mul3A_265 : vector<16xf32>
      %mul3A_267 = arith.mulf %get3A_149, %gather3A_263 : vector<16xf32>
      %add3A_268 = arith.addf %add3A_266, %mul3A_267 : vector<16xf32>
      %add3A_269 = arith.addf %add3A_268, %get3A_163 : vector<16xf32>
      %mul3A_270 = arith.mulf %get3A_151, %gather3A : vector<16xf32>
      %mul3A_271 = arith.mulf %get3A_153, %gather3A_259 : vector<16xf32>
      %add3A_272 = arith.addf %mul3A_270, %mul3A_271 : vector<16xf32>
      %mul3A_273 = arith.mulf %get3A_155, %gather3A_263 : vector<16xf32>
      %add3A_274 = arith.addf %add3A_272, %mul3A_273 : vector<16xf32>
      %add3A_275 = arith.addf %add3A_274, %get3A_165 : vector<16xf32>
      %mul3A_276 = arith.mulf %get3A_157, %gather3A : vector<16xf32>
      %mul3A_277 = arith.mulf %get3A_159, %gather3A_259 : vector<16xf32>
      %add3A_278 = arith.addf %mul3A_276, %mul3A_277 : vector<16xf32>
      %mul3A_279 = arith.mulf %get3A_161, %gather3A_263 : vector<16xf32>
      %add3A_280 = arith.addf %add3A_278, %mul3A_279 : vector<16xf32>
      %add3A_281 = arith.addf %add3A_280, %get3A_167 : vector<16xf32>
      %sub3A = arith.constant -4.843750e-01 : f32
      %sub3A_282 = vector.broadcast %sub3A : f32 to vector<16xf32>
      %sub3A_283 = arith.subf %add3A_269, %sub3A_282 : vector<16xf32>
      %mul3A_284 = arith.constant 3.200000e+01 : f32
      %mul3A_285 = vector.broadcast %mul3A_284 : f32 to vector<16xf32>
      %mul3A_286 = arith.mulf %sub3A_283, %mul3A_285 : vector<16xf32>
      %jit3A = arith.constant 0.000000e+00 : f32
      %jit3A_287 = arith.constant 3.100000e+01 : f32
      %max3A = vector.broadcast %jit3A : f32 to vector<16xf32>
      %max3A_288 = arith.maximumf %max3A, %mul3A_286 : vector<16xf32>
      %min3A = vector.broadcast %jit3A_287 : f32 to vector<16xf32>
      %min3A_289 = arith.minimumf %min3A, %max3A_288 : vector<16xf32>
      %sub3A_290 = arith.constant -4.843750e-01 : f32
      %sub3A_291 = vector.broadcast %sub3A_290 : f32 to vector<16xf32>
      %sub3A_292 = arith.subf %add3A_275, %sub3A_291 : vector<16xf32>
      %mul3A_293 = arith.constant 3.200000e+01 : f32
      %mul3A_294 = vector.broadcast %mul3A_293 : f32 to vector<16xf32>
      %mul3A_295 = arith.mulf %sub3A_292, %mul3A_294 : vector<16xf32>
      %jit3A_296 = arith.constant 0.000000e+00 : f32
      %jit3A_297 = arith.constant 3.100000e+01 : f32
      %max3A_298 = vector.broadcast %jit3A_296 : f32 to vector<16xf32>
      %max3A_299 = arith.maximumf %max3A_298, %mul3A_295 : vector<16xf32>
      %min3A_300 = vector.broadcast %jit3A_297 : f32 to vector<16xf32>
      %min3A_301 = arith.minimumf %min3A_300, %max3A_299 : vector<16xf32>
      %sub3A_302 = arith.constant -4.843750e-01 : f32
      %sub3A_303 = vector.broadcast %sub3A_302 : f32 to vector<16xf32>
      %sub3A_304 = arith.subf %add3A_281, %sub3A_303 : vector<16xf32>
      %mul3A_305 = arith.constant 3.200000e+01 : f32
      %mul3A_306 = vector.broadcast %mul3A_305 : f32 to vector<16xf32>
      %mul3A_307 = arith.mulf %sub3A_304, %mul3A_306 : vector<16xf32>
      %jit3A_308 = arith.constant 0.000000e+00 : f32
      %jit3A_309 = arith.constant 3.100000e+01 : f32
      %max3A_310 = vector.broadcast %jit3A_308 : f32 to vector<16xf32>
      %max3A_311 = arith.maximumf %max3A_310, %mul3A_307 : vector<16xf32>
      %min3A_312 = vector.broadcast %jit3A_309 : f32 to vector<16xf32>
      %min3A_313 = arith.minimumf %min3A_312, %max3A_311 : vector<16xf32>
      %add3A_314 = arith.constant 5.000000e-01 : f32
      %add3A_315 = vector.broadcast %add3A_314 : f32 to vector<16xf32>
      %add3A_316 = arith.addf %min3A_289, %add3A_315 : vector<16xf32>
      %convert_element_type3A = arith.fptosi %add3A_316 : vector<16xf32> to vector<16xi32>
      %add3A_317 = arith.constant 5.000000e-01 : f32
      %add3A_318 = vector.broadcast %add3A_317 : f32 to vector<16xf32>
      %add3A_319 = arith.addf %min3A_301, %add3A_318 : vector<16xf32>
      %convert_element_type3A_320 = arith.fptosi %add3A_319 : vector<16xf32> to vector<16xi32>
      %add3A_321 = arith.constant 5.000000e-01 : f32
      %add3A_322 = vector.broadcast %add3A_321 : f32 to vector<16xf32>
      %add3A_323 = arith.addf %min3A_313, %add3A_322 : vector<16xf32>
      %convert_element_type3A_324 = arith.fptosi %add3A_323 : vector<16xf32> to vector<16xi32>
      %mul3A_325 = arith.constant 3072 : i32
      %mul3A_326 = vector.broadcast %mul3A_325 : i32 to vector<16xi32>
      %mul3A_327 = arith.muli %convert_element_type3A, %mul3A_326 : vector<16xi32>
      %mul3A_328 = arith.constant 96 : i32
      %mul3A_329 = vector.broadcast %mul3A_328 : i32 to vector<16xi32>
      %mul3A_330 = arith.muli %convert_element_type3A_320, %mul3A_329 : vector<16xi32>
      %add3A_331 = arith.addi %mul3A_327, %mul3A_330 : vector<16xi32>
      %mul3A_332 = arith.constant 3 : i32
      %mul3A_333 = vector.broadcast %mul3A_332 : i32 to vector<16xi32>
      %mul3A_334 = arith.muli %convert_element_type3A_324, %mul3A_333 : vector<16xi32>
      %add3A_335 = arith.addi %add3A_331, %mul3A_334 : vector<16xi32>
      %gather3A_336 = tpu.vector_load_idx %arg6[%add3A_335] : memref<98304xf32, #tpu.memory_space<vmem>>[vector<16xi32>], vector<16xf32>,
      %add3A_337 = arith.constant 1 : i32
      %add3A_338 = vector.broadcast %add3A_337 : i32 to vector<16xi32>
      %add3A_339 = arith.addi %add3A_335, %add3A_338 : vector<16xi32>
      %gather3A_340 = tpu.vector_load_idx %arg6[%add3A_339] : memref<98304xf32, #tpu.memory_space<vmem>>[vector<16xi32>], vector<16xf32>,
      %add3A_341 = arith.constant 2 : i32
      %add3A_342 = vector.broadcast %add3A_341 : i32 to vector<16xi32>
      %add3A_343 = arith.addi %add3A_335, %add3A_342 : vector<16xi32>
      %gather3A_344 = tpu.vector_load_idx %arg6[%add3A_343] : memref<98304xf32, #tpu.memory_space<vmem>>[vector<16xi32>], vector<16xf32>,
      %sub3A_345 = arith.subf %add3A_269, %gather3A_336 : vector<16xf32>
      %sub3A_346 = arith.subf %add3A_275, %gather3A_340 : vector<16xf32>
      %sub3A_347 = arith.subf %add3A_281, %gather3A_344 : vector<16xf32>
      %mul3A_348 = arith.mulf %sub3A_345, %sub3A_345 : vector<16xf32>
      %mul3A_349 = arith.mulf %sub3A_346, %sub3A_346 : vector<16xf32>
      %add3A_350 = arith.addf %mul3A_348, %mul3A_349 : vector<16xf32>
      %mul3A_351 = arith.mulf %sub3A_347, %sub3A_347 : vector<16xf32>
      %add3A_352 = arith.addf %add3A_350, %mul3A_351 : vector<16xf32>
      %lt3A = arith.constant 5.000000e+03 : f32
      %lt3A_353 = vector.broadcast %lt3A : f32 to vector<16xf32>
      %lt3A_354 = arith.cmpf olt, %gather3A_336, %lt3A_353 : vector<16xf32>
      %jit3A_355 = arith.constant 0.000000e+00 : f32
      %broadcast_in_dim3A_356 = vector.broadcast %jit3A_355 : f32 to vector<16xf32>
      %select_n3A = arith.select %lt3A_354, %add3A_352, %broadcast_in_dim3A_356 : vector<16xi1>, vector<16xf32>
      %add3A_357 = arith.addf %scan3A_245, %select_n3A : vector<16xf32>
      %mul3A_358 = arith.constant 4 : i32
      %mul3A_359 = arith.muli %scan3A_244, %mul3A_358 : i32
      %add3A_360 = arith.constant 1 : i32
      %add3A_361 = arith.addi %mul3A_359, %add3A_360 : i32
      %mul3A_362 = arith.constant 16 : i32
      %mul3A_363 = arith.muli %add3A_361, %mul3A_362 : i32
      %mul3A_364 = arith.constant 3 : i32
      %mul3A_365 = arith.muli %mul3A_363, %mul3A_364 : i32
      %add3A_366 = vector.broadcast %mul3A_365 : i32 to vector<16xi32>
      %add3A_367 = arith.addi %mul3A_17, %add3A_366 : vector<16xi32>
      %gather3A_368 = tpu.vector_load_idx %arg7[%add3A_367] : memref<24576xf32, #tpu.memory_space<vmem>>[vector<16xi32>], vector<16xf32>,
      %add3A_369 = arith.constant 1 : i32
      %add3A_370 = vector.broadcast %add3A_369 : i32 to vector<16xi32>
      %add3A_371 = arith.addi %add3A_367, %add3A_370 : vector<16xi32>
      %gather3A_372 = tpu.vector_load_idx %arg7[%add3A_371] : memref<24576xf32, #tpu.memory_space<vmem>>[vector<16xi32>], vector<16xf32>,
      %add3A_373 = arith.constant 2 : i32
      %add3A_374 = vector.broadcast %add3A_373 : i32 to vector<16xi32>
      %add3A_375 = arith.addi %add3A_367, %add3A_374 : vector<16xi32>
      %gather3A_376 = tpu.vector_load_idx %arg7[%add3A_375] : memref<24576xf32, #tpu.memory_space<vmem>>[vector<16xi32>], vector<16xf32>,
      %mul3A_377 = arith.mulf %get3A_145, %gather3A_368 : vector<16xf32>
      %mul3A_378 = arith.mulf %get3A_147, %gather3A_372 : vector<16xf32>
      %add3A_379 = arith.addf %mul3A_377, %mul3A_378 : vector<16xf32>
      %mul3A_380 = arith.mulf %get3A_149, %gather3A_376 : vector<16xf32>
      %add3A_381 = arith.addf %add3A_379, %mul3A_380 : vector<16xf32>
      %add3A_382 = arith.addf %add3A_381, %get3A_163 : vector<16xf32>
      %mul3A_383 = arith.mulf %get3A_151, %gather3A_368 : vector<16xf32>
      %mul3A_384 = arith.mulf %get3A_153, %gather3A_372 : vector<16xf32>
      %add3A_385 = arith.addf %mul3A_383, %mul3A_384 : vector<16xf32>
      %mul3A_386 = arith.mulf %get3A_155, %gather3A_376 : vector<16xf32>
      %add3A_387 = arith.addf %add3A_385, %mul3A_386 : vector<16xf32>
      %add3A_388 = arith.addf %add3A_387, %get3A_165 : vector<16xf32>
      %mul3A_389 = arith.mulf %get3A_157, %gather3A_368 : vector<16xf32>
      %mul3A_390 = arith.mulf %get3A_159, %gather3A_372 : vector<16xf32>
      %add3A_391 = arith.addf %mul3A_389, %mul3A_390 : vector<16xf32>
      %mul3A_392 = arith.mulf %get3A_161, %gather3A_376 : vector<16xf32>
      %add3A_393 = arith.addf %add3A_391, %mul3A_392 : vector<16xf32>
      %add3A_394 = arith.addf %add3A_393, %get3A_167 : vector<16xf32>
      %sub3A_395 = arith.constant -4.843750e-01 : f32
      %sub3A_396 = vector.broadcast %sub3A_395 : f32 to vector<16xf32>
      %sub3A_397 = arith.subf %add3A_382, %sub3A_396 : vector<16xf32>
      %mul3A_398 = arith.constant 3.200000e+01 : f32
      %mul3A_399 = vector.broadcast %mul3A_398 : f32 to vector<16xf32>
      %mul3A_400 = arith.mulf %sub3A_397, %mul3A_399 : vector<16xf32>
      %jit3A_401 = arith.constant 0.000000e+00 : f32
      %jit3A_402 = arith.constant 3.100000e+01 : f32
      %max3A_403 = vector.broadcast %jit3A_401 : f32 to vector<16xf32>
      %max3A_404 = arith.maximumf %max3A_403, %mul3A_400 : vector<16xf32>
      %min3A_405 = vector.broadcast %jit3A_402 : f32 to vector<16xf32>
      %min3A_406 = arith.minimumf %min3A_405, %max3A_404 : vector<16xf32>
      %sub3A_407 = arith.constant -4.843750e-01 : f32
      %sub3A_408 = vector.broadcast %sub3A_407 : f32 to vector<16xf32>
      %sub3A_409 = arith.subf %add3A_388, %sub3A_408 : vector<16xf32>
      %mul3A_410 = arith.constant 3.200000e+01 : f32
      %mul3A_411 = vector.broadcast %mul3A_410 : f32 to vector<16xf32>
      %mul3A_412 = arith.mulf %sub3A_409, %mul3A_411 : vector<16xf32>
      %jit3A_413 = arith.constant 0.000000e+00 : f32
      %jit3A_414 = arith.constant 3.100000e+01 : f32
      %max3A_415 = vector.broadcast %jit3A_413 : f32 to vector<16xf32>
      %max3A_416 = arith.maximumf %max3A_415, %mul3A_412 : vector<16xf32>
      %min3A_417 = vector.broadcast %jit3A_414 : f32 to vector<16xf32>
      %min3A_418 = arith.minimumf %min3A_417, %max3A_416 : vector<16xf32>
      %sub3A_419 = arith.constant -4.843750e-01 : f32
      %sub3A_420 = vector.broadcast %sub3A_419 : f32 to vector<16xf32>
      %sub3A_421 = arith.subf %add3A_394, %sub3A_420 : vector<16xf32>
      %mul3A_422 = arith.constant 3.200000e+01 : f32
      %mul3A_423 = vector.broadcast %mul3A_422 : f32 to vector<16xf32>
      %mul3A_424 = arith.mulf %sub3A_421, %mul3A_423 : vector<16xf32>
      %jit3A_425 = arith.constant 0.000000e+00 : f32
      %jit3A_426 = arith.constant 3.100000e+01 : f32
      %max3A_427 = vector.broadcast %jit3A_425 : f32 to vector<16xf32>
      %max3A_428 = arith.maximumf %max3A_427, %mul3A_424 : vector<16xf32>
      %min3A_429 = vector.broadcast %jit3A_426 : f32 to vector<16xf32>
      %min3A_430 = arith.minimumf %min3A_429, %max3A_428 : vector<16xf32>
      %add3A_431 = arith.constant 5.000000e-01 : f32
      %add3A_432 = vector.broadcast %add3A_431 : f32 to vector<16xf32>
      %add3A_433 = arith.addf %min3A_406, %add3A_432 : vector<16xf32>
      %convert_element_type3A_434 = arith.fptosi %add3A_433 : vector<16xf32> to vector<16xi32>
      %add3A_435 = arith.constant 5.000000e-01 : f32
      %add3A_436 = vector.broadcast %add3A_435 : f32 to vector<16xf32>
      %add3A_437 = arith.addf %min3A_418, %add3A_436 : vector<16xf32>
      %convert_element_type3A_438 = arith.fptosi %add3A_437 : vector<16xf32> to vector<16xi32>
      %add3A_439 = arith.constant 5.000000e-01 : f32
      %add3A_440 = vector.broadcast %add3A_439 : f32 to vector<16xf32>
      %add3A_441 = arith.addf %min3A_430, %add3A_440 : vector<16xf32>
      %convert_element_type3A_442 = arith.fptosi %add3A_441 : vector<16xf32> to vector<16xi32>
      %mul3A_443 = arith.constant 3072 : i32
      %mul3A_444 = vector.broadcast %mul3A_443 : i32 to vector<16xi32>
      %mul3A_445 = arith.muli %convert_element_type3A_434, %mul3A_444 : vector<16xi32>
      %mul3A_446 = arith.constant 96 : i32
      %mul3A_447 = vector.broadcast %mul3A_446 : i32 to vector<16xi32>
      %mul3A_448 = arith.muli %convert_element_type3A_438, %mul3A_447 : vector<16xi32>
      %add3A_449 = arith.addi %mul3A_445, %mul3A_448 : vector<16xi32>
      %mul3A_450 = arith.constant 3 : i32
      %mul3A_451 = vector.broadcast %mul3A_450 : i32 to vector<16xi32>
      %mul3A_452 = arith.muli %convert_element_type3A_442, %mul3A_451 : vector<16xi32>
      %add3A_453 = arith.addi %add3A_449, %mul3A_452 : vector<16xi32>
      %gather3A_454 = tpu.vector_load_idx %arg6[%add3A_453] : memref<98304xf32, #tpu.memory_space<vmem>>[vector<16xi32>], vector<16xf32>,
      %add3A_455 = arith.constant 1 : i32
      %add3A_456 = vector.broadcast %add3A_455 : i32 to vector<16xi32>
      %add3A_457 = arith.addi %add3A_453, %add3A_456 : vector<16xi32>
      %gather3A_458 = tpu.vector_load_idx %arg6[%add3A_457] : memref<98304xf32, #tpu.memory_space<vmem>>[vector<16xi32>], vector<16xf32>,
      %add3A_459 = arith.constant 2 : i32
      %add3A_460 = vector.broadcast %add3A_459 : i32 to vector<16xi32>
      %add3A_461 = arith.addi %add3A_453, %add3A_460 : vector<16xi32>
      %gather3A_462 = tpu.vector_load_idx %arg6[%add3A_461] : memref<98304xf32, #tpu.memory_space<vmem>>[vector<16xi32>], vector<16xf32>,
      %sub3A_463 = arith.subf %add3A_382, %gather3A_454 : vector<16xf32>
      %sub3A_464 = arith.subf %add3A_388, %gather3A_458 : vector<16xf32>
      %sub3A_465 = arith.subf %add3A_394, %gather3A_462 : vector<16xf32>
      %mul3A_466 = arith.mulf %sub3A_463, %sub3A_463 : vector<16xf32>
      %mul3A_467 = arith.mulf %sub3A_464, %sub3A_464 : vector<16xf32>
      %add3A_468 = arith.addf %mul3A_466, %mul3A_467 : vector<16xf32>
      %mul3A_469 = arith.mulf %sub3A_465, %sub3A_465 : vector<16xf32>
      %add3A_470 = arith.addf %add3A_468, %mul3A_469 : vector<16xf32>
      %lt3A_471 = arith.constant 5.000000e+03 : f32
      %lt3A_472 = vector.broadcast %lt3A_471 : f32 to vector<16xf32>
      %lt3A_473 = arith.cmpf olt, %gather3A_454, %lt3A_472 : vector<16xf32>
      %jit3A_474 = arith.constant 0.000000e+00 : f32
      %broadcast_in_dim3A_475 = vector.broadcast %jit3A_474 : f32 to vector<16xf32>
      %select_n3A_476 = arith.select %lt3A_473, %add3A_470, %broadcast_in_dim3A_475 : vector<16xi1>, vector<16xf32>
      %add3A_477 = arith.addf %add3A_357, %select_n3A_476 : vector<16xf32>
      %mul3A_478 = arith.constant 4 : i32
      %mul3A_479 = arith.muli %scan3A_244, %mul3A_478 : i32
      %add3A_480 = arith.constant 2 : i32
      %add3A_481 = arith.addi %mul3A_479, %add3A_480 : i32
      %mul3A_482 = arith.constant 16 : i32
      %mul3A_483 = arith.muli %add3A_481, %mul3A_482 : i32
      %mul3A_484 = arith.constant 3 : i32
      %mul3A_485 = arith.muli %mul3A_483, %mul3A_484 : i32
      %add3A_486 = vector.broadcast %mul3A_485 : i32 to vector<16xi32>
      %add3A_487 = arith.addi %mul3A_17, %add3A_486 : vector<16xi32>
      %gather3A_488 = tpu.vector_load_idx %arg7[%add3A_487] : memref<24576xf32, #tpu.memory_space<vmem>>[vector<16xi32>], vector<16xf32>,
      %add3A_489 = arith.constant 1 : i32
      %add3A_490 = vector.broadcast %add3A_489 : i32 to vector<16xi32>
      %add3A_491 = arith.addi %add3A_487, %add3A_490 : vector<16xi32>
      %gather3A_492 = tpu.vector_load_idx %arg7[%add3A_491] : memref<24576xf32, #tpu.memory_space<vmem>>[vector<16xi32>], vector<16xf32>,
      %add3A_493 = arith.constant 2 : i32
      %add3A_494 = vector.broadcast %add3A_493 : i32 to vector<16xi32>
      %add3A_495 = arith.addi %add3A_487, %add3A_494 : vector<16xi32>
      %gather3A_496 = tpu.vector_load_idx %arg7[%add3A_495] : memref<24576xf32, #tpu.memory_space<vmem>>[vector<16xi32>], vector<16xf32>,
      %mul3A_497 = arith.mulf %get3A_145, %gather3A_488 : vector<16xf32>
      %mul3A_498 = arith.mulf %get3A_147, %gather3A_492 : vector<16xf32>
      %add3A_499 = arith.addf %mul3A_497, %mul3A_498 : vector<16xf32>
      %mul3A_500 = arith.mulf %get3A_149, %gather3A_496 : vector<16xf32>
      %add3A_501 = arith.addf %add3A_499, %mul3A_500 : vector<16xf32>
      %add3A_502 = arith.addf %add3A_501, %get3A_163 : vector<16xf32>
      %mul3A_503 = arith.mulf %get3A_151, %gather3A_488 : vector<16xf32>
      %mul3A_504 = arith.mulf %get3A_153, %gather3A_492 : vector<16xf32>
      %add3A_505 = arith.addf %mul3A_503, %mul3A_504 : vector<16xf32>
      %mul3A_506 = arith.mulf %get3A_155, %gather3A_496 : vector<16xf32>
      %add3A_507 = arith.addf %add3A_505, %mul3A_506 : vector<16xf32>
      %add3A_508 = arith.addf %add3A_507, %get3A_165 : vector<16xf32>
      %mul3A_509 = arith.mulf %get3A_157, %gather3A_488 : vector<16xf32>
      %mul3A_510 = arith.mulf %get3A_159, %gather3A_492 : vector<16xf32>
      %add3A_511 = arith.addf %mul3A_509, %mul3A_510 : vector<16xf32>
      %mul3A_512 = arith.mulf %get3A_161, %gather3A_496 : vector<16xf32>
      %add3A_513 = arith.addf %add3A_511, %mul3A_512 : vector<16xf32>
      %add3A_514 = arith.addf %add3A_513, %get3A_167 : vector<16xf32>
      %sub3A_515 = arith.constant -4.843750e-01 : f32
      %sub3A_516 = vector.broadcast %sub3A_515 : f32 to vector<16xf32>
      %sub3A_517 = arith.subf %add3A_502, %sub3A_516 : vector<16xf32>
      %mul3A_518 = arith.constant 3.200000e+01 : f32
      %mul3A_519 = vector.broadcast %mul3A_518 : f32 to vector<16xf32>
      %mul3A_520 = arith.mulf %sub3A_517, %mul3A_519 : vector<16xf32>
      %jit3A_521 = arith.constant 0.000000e+00 : f32
      %jit3A_522 = arith.constant 3.100000e+01 : f32
      %max3A_523 = vector.broadcast %jit3A_521 : f32 to vector<16xf32>
      %max3A_524 = arith.maximumf %max3A_523, %mul3A_520 : vector<16xf32>
      %min3A_525 = vector.broadcast %jit3A_522 : f32 to vector<16xf32>
      %min3A_526 = arith.minimumf %min3A_525, %max3A_524 : vector<16xf32>
      %sub3A_527 = arith.constant -4.843750e-01 : f32
      %sub3A_528 = vector.broadcast %sub3A_527 : f32 to vector<16xf32>
      %sub3A_529 = arith.subf %add3A_508, %sub3A_528 : vector<16xf32>
      %mul3A_530 = arith.constant 3.200000e+01 : f32
      %mul3A_531 = vector.broadcast %mul3A_530 : f32 to vector<16xf32>
      %mul3A_532 = arith.mulf %sub3A_529, %mul3A_531 : vector<16xf32>
      %jit3A_533 = arith.constant 0.000000e+00 : f32
      %jit3A_534 = arith.constant 3.100000e+01 : f32
      %max3A_535 = vector.broadcast %jit3A_533 : f32 to vector<16xf32>
      %max3A_536 = arith.maximumf %max3A_535, %mul3A_532 : vector<16xf32>
      %min3A_537 = vector.broadcast %jit3A_534 : f32 to vector<16xf32>
      %min3A_538 = arith.minimumf %min3A_537, %max3A_536 : vector<16xf32>
      %sub3A_539 = arith.constant -4.843750e-01 : f32
      %sub3A_540 = vector.broadcast %sub3A_539 : f32 to vector<16xf32>
      %sub3A_541 = arith.subf %add3A_514, %sub3A_540 : vector<16xf32>
      %mul3A_542 = arith.constant 3.200000e+01 : f32
      %mul3A_543 = vector.broadcast %mul3A_542 : f32 to vector<16xf32>
      %mul3A_544 = arith.mulf %sub3A_541, %mul3A_543 : vector<16xf32>
      %jit3A_545 = arith.constant 0.000000e+00 : f32
      %jit3A_546 = arith.constant 3.100000e+01 : f32
      %max3A_547 = vector.broadcast %jit3A_545 : f32 to vector<16xf32>
      %max3A_548 = arith.maximumf %max3A_547, %mul3A_544 : vector<16xf32>
      %min3A_549 = vector.broadcast %jit3A_546 : f32 to vector<16xf32>
      %min3A_550 = arith.minimumf %min3A_549, %max3A_548 : vector<16xf32>
      %add3A_551 = arith.constant 5.000000e-01 : f32
      %add3A_552 = vector.broadcast %add3A_551 : f32 to vector<16xf32>
      %add3A_553 = arith.addf %min3A_526, %add3A_552 : vector<16xf32>
      %convert_element_type3A_554 = arith.fptosi %add3A_553 : vector<16xf32> to vector<16xi32>
      %add3A_555 = arith.constant 5.000000e-01 : f32
      %add3A_556 = vector.broadcast %add3A_555 : f32 to vector<16xf32>
      %add3A_557 = arith.addf %min3A_538, %add3A_556 : vector<16xf32>
      %convert_element_type3A_558 = arith.fptosi %add3A_557 : vector<16xf32> to vector<16xi32>
      %add3A_559 = arith.constant 5.000000e-01 : f32
      %add3A_560 = vector.broadcast %add3A_559 : f32 to vector<16xf32>
      %add3A_561 = arith.addf %min3A_550, %add3A_560 : vector<16xf32>
      %convert_element_type3A_562 = arith.fptosi %add3A_561 : vector<16xf32> to vector<16xi32>
      %mul3A_563 = arith.constant 3072 : i32
      %mul3A_564 = vector.broadcast %mul3A_563 : i32 to vector<16xi32>
      %mul3A_565 = arith.muli %convert_element_type3A_554, %mul3A_564 : vector<16xi32>
      %mul3A_566 = arith.constant 96 : i32
      %mul3A_567 = vector.broadcast %mul3A_566 : i32 to vector<16xi32>
      %mul3A_568 = arith.muli %convert_element_type3A_558, %mul3A_567 : vector<16xi32>
      %add3A_569 = arith.addi %mul3A_565, %mul3A_568 : vector<16xi32>
      %mul3A_570 = arith.constant 3 : i32
      %mul3A_571 = vector.broadcast %mul3A_570 : i32 to vector<16xi32>
      %mul3A_572 = arith.muli %convert_element_type3A_562, %mul3A_571 : vector<16xi32>
      %add3A_573 = arith.addi %add3A_569, %mul3A_572 : vector<16xi32>
      %gather3A_574 = tpu.vector_load_idx %arg6[%add3A_573] : memref<98304xf32, #tpu.memory_space<vmem>>[vector<16xi32>], vector<16xf32>,
      %add3A_575 = arith.constant 1 : i32
      %add3A_576 = vector.broadcast %add3A_575 : i32 to vector<16xi32>
      %add3A_577 = arith.addi %add3A_573, %add3A_576 : vector<16xi32>
      %gather3A_578 = tpu.vector_load_idx %arg6[%add3A_577] : memref<98304xf32, #tpu.memory_space<vmem>>[vector<16xi32>], vector<16xf32>,
      %add3A_579 = arith.constant 2 : i32
      %add3A_580 = vector.broadcast %add3A_579 : i32 to vector<16xi32>
      %add3A_581 = arith.addi %add3A_573, %add3A_580 : vector<16xi32>
      %gather3A_582 = tpu.vector_load_idx %arg6[%add3A_581] : memref<98304xf32, #tpu.memory_space<vmem>>[vector<16xi32>], vector<16xf32>,
      %sub3A_583 = arith.subf %add3A_502, %gather3A_574 : vector<16xf32>
      %sub3A_584 = arith.subf %add3A_508, %gather3A_578 : vector<16xf32>
      %sub3A_585 = arith.subf %add3A_514, %gather3A_582 : vector<16xf32>
      %mul3A_586 = arith.mulf %sub3A_583, %sub3A_583 : vector<16xf32>
      %mul3A_587 = arith.mulf %sub3A_584, %sub3A_584 : vector<16xf32>
      %add3A_588 = arith.addf %mul3A_586, %mul3A_587 : vector<16xf32>
      %mul3A_589 = arith.mulf %sub3A_585, %sub3A_585 : vector<16xf32>
      %add3A_590 = arith.addf %add3A_588, %mul3A_589 : vector<16xf32>
      %lt3A_591 = arith.constant 5.000000e+03 : f32
      %lt3A_592 = vector.broadcast %lt3A_591 : f32 to vector<16xf32>
      %lt3A_593 = arith.cmpf olt, %gather3A_574, %lt3A_592 : vector<16xf32>
      %jit3A_594 = arith.constant 0.000000e+00 : f32
      %broadcast_in_dim3A_595 = vector.broadcast %jit3A_594 : f32 to vector<16xf32>
      %select_n3A_596 = arith.select %lt3A_593, %add3A_590, %broadcast_in_dim3A_595 : vector<16xi1>, vector<16xf32>
      %add3A_597 = arith.addf %add3A_477, %select_n3A_596 : vector<16xf32>
      %mul3A_598 = arith.constant 4 : i32
      %mul3A_599 = arith.muli %scan3A_244, %mul3A_598 : i32
      %add3A_600 = arith.constant 3 : i32
      %add3A_601 = arith.addi %mul3A_599, %add3A_600 : i32
      %mul3A_602 = arith.constant 16 : i32
      %mul3A_603 = arith.muli %add3A_601, %mul3A_602 : i32
      %mul3A_604 = arith.constant 3 : i32
      %mul3A_605 = arith.muli %mul3A_603, %mul3A_604 : i32
      %add3A_606 = vector.broadcast %mul3A_605 : i32 to vector<16xi32>
      %add3A_607 = arith.addi %mul3A_17, %add3A_606 : vector<16xi32>
      %gather3A_608 = tpu.vector_load_idx %arg7[%add3A_607] : memref<24576xf32, #tpu.memory_space<vmem>>[vector<16xi32>], vector<16xf32>,
      %add3A_609 = arith.constant 1 : i32
      %add3A_610 = vector.broadcast %add3A_609 : i32 to vector<16xi32>
      %add3A_611 = arith.addi %add3A_607, %add3A_610 : vector<16xi32>
      %gather3A_612 = tpu.vector_load_idx %arg7[%add3A_611] : memref<24576xf32, #tpu.memory_space<vmem>>[vector<16xi32>], vector<16xf32>,
      %add3A_613 = arith.constant 2 : i32
      %add3A_614 = vector.broadcast %add3A_613 : i32 to vector<16xi32>
      %add3A_615 = arith.addi %add3A_607, %add3A_614 : vector<16xi32>
      %gather3A_616 = tpu.vector_load_idx %arg7[%add3A_615] : memref<24576xf32, #tpu.memory_space<vmem>>[vector<16xi32>], vector<16xf32>,
      %mul3A_617 = arith.mulf %get3A_145, %gather3A_608 : vector<16xf32>
      %mul3A_618 = arith.mulf %get3A_147, %gather3A_612 : vector<16xf32>
      %add3A_619 = arith.addf %mul3A_617, %mul3A_618 : vector<16xf32>
      %mul3A_620 = arith.mulf %get3A_149, %gather3A_616 : vector<16xf32>
      %add3A_621 = arith.addf %add3A_619, %mul3A_620 : vector<16xf32>
      %add3A_622 = arith.addf %add3A_621, %get3A_163 : vector<16xf32>
      %mul3A_623 = arith.mulf %get3A_151, %gather3A_608 : vector<16xf32>
      %mul3A_624 = arith.mulf %get3A_153, %gather3A_612 : vector<16xf32>
      %add3A_625 = arith.addf %mul3A_623, %mul3A_624 : vector<16xf32>
      %mul3A_626 = arith.mulf %get3A_155, %gather3A_616 : vector<16xf32>
      %add3A_627 = arith.addf %add3A_625, %mul3A_626 : vector<16xf32>
      %add3A_628 = arith.addf %add3A_627, %get3A_165 : vector<16xf32>
      %mul3A_629 = arith.mulf %get3A_157, %gather3A_608 : vector<16xf32>
      %mul3A_630 = arith.mulf %get3A_159, %gather3A_612 : vector<16xf32>
      %add3A_631 = arith.addf %mul3A_629, %mul3A_630 : vector<16xf32>
      %mul3A_632 = arith.mulf %get3A_161, %gather3A_616 : vector<16xf32>
      %add3A_633 = arith.addf %add3A_631, %mul3A_632 : vector<16xf32>
      %add3A_634 = arith.addf %add3A_633, %get3A_167 : vector<16xf32>
      %sub3A_635 = arith.constant -4.843750e-01 : f32
      %sub3A_636 = vector.broadcast %sub3A_635 : f32 to vector<16xf32>
      %sub3A_637 = arith.subf %add3A_622, %sub3A_636 : vector<16xf32>
      %mul3A_638 = arith.constant 3.200000e+01 : f32
      %mul3A_639 = vector.broadcast %mul3A_638 : f32 to vector<16xf32>
      %mul3A_640 = arith.mulf %sub3A_637, %mul3A_639 : vector<16xf32>
      %jit3A_641 = arith.constant 0.000000e+00 : f32
      %jit3A_642 = arith.constant 3.100000e+01 : f32
      %max3A_643 = vector.broadcast %jit3A_641 : f32 to vector<16xf32>
      %max3A_644 = arith.maximumf %max3A_643, %mul3A_640 : vector<16xf32>
      %min3A_645 = vector.broadcast %jit3A_642 : f32 to vector<16xf32>
      %min3A_646 = arith.minimumf %min3A_645, %max3A_644 : vector<16xf32>
      %sub3A_647 = arith.constant -4.843750e-01 : f32
      %sub3A_648 = vector.broadcast %sub3A_647 : f32 to vector<16xf32>
      %sub3A_649 = arith.subf %add3A_628, %sub3A_648 : vector<16xf32>
      %mul3A_650 = arith.constant 3.200000e+01 : f32
      %mul3A_651 = vector.broadcast %mul3A_650 : f32 to vector<16xf32>
      %mul3A_652 = arith.mulf %sub3A_649, %mul3A_651 : vector<16xf32>
      %jit3A_653 = arith.constant 0.000000e+00 : f32
      %jit3A_654 = arith.constant 3.100000e+01 : f32
      %max3A_655 = vector.broadcast %jit3A_653 : f32 to vector<16xf32>
      %max3A_656 = arith.maximumf %max3A_655, %mul3A_652 : vector<16xf32>
      %min3A_657 = vector.broadcast %jit3A_654 : f32 to vector<16xf32>
      %min3A_658 = arith.minimumf %min3A_657, %max3A_656 : vector<16xf32>
      %sub3A_659 = arith.constant -4.843750e-01 : f32
      %sub3A_660 = vector.broadcast %sub3A_659 : f32 to vector<16xf32>
      %sub3A_661 = arith.subf %add3A_634, %sub3A_660 : vector<16xf32>
      %mul3A_662 = arith.constant 3.200000e+01 : f32
      %mul3A_663 = vector.broadcast %mul3A_662 : f32 to vector<16xf32>
      %mul3A_664 = arith.mulf %sub3A_661, %mul3A_663 : vector<16xf32>
      %jit3A_665 = arith.constant 0.000000e+00 : f32
      %jit3A_666 = arith.constant 3.100000e+01 : f32
      %max3A_667 = vector.broadcast %jit3A_665 : f32 to vector<16xf32>
      %max3A_668 = arith.maximumf %max3A_667, %mul3A_664 : vector<16xf32>
      %min3A_669 = vector.broadcast %jit3A_666 : f32 to vector<16xf32>
      %min3A_670 = arith.minimumf %min3A_669, %max3A_668 : vector<16xf32>
      %add3A_671 = arith.constant 5.000000e-01 : f32
      %add3A_672 = vector.broadcast %add3A_671 : f32 to vector<16xf32>
      %add3A_673 = arith.addf %min3A_646, %add3A_672 : vector<16xf32>
      %convert_element_type3A_674 = arith.fptosi %add3A_673 : vector<16xf32> to vector<16xi32>
      %add3A_675 = arith.constant 5.000000e-01 : f32
      %add3A_676 = vector.broadcast %add3A_675 : f32 to vector<16xf32>
      %add3A_677 = arith.addf %min3A_658, %add3A_676 : vector<16xf32>
      %convert_element_type3A_678 = arith.fptosi %add3A_677 : vector<16xf32> to vector<16xi32>
      %add3A_679 = arith.constant 5.000000e-01 : f32
      %add3A_680 = vector.broadcast %add3A_679 : f32 to vector<16xf32>
      %add3A_681 = arith.addf %min3A_670, %add3A_680 : vector<16xf32>
      %convert_element_type3A_682 = arith.fptosi %add3A_681 : vector<16xf32> to vector<16xi32>
      %mul3A_683 = arith.constant 3072 : i32
      %mul3A_684 = vector.broadcast %mul3A_683 : i32 to vector<16xi32>
      %mul3A_685 = arith.muli %convert_element_type3A_674, %mul3A_684 : vector<16xi32>
      %mul3A_686 = arith.constant 96 : i32
      %mul3A_687 = vector.broadcast %mul3A_686 : i32 to vector<16xi32>
      %mul3A_688 = arith.muli %convert_element_type3A_678, %mul3A_687 : vector<16xi32>
      %add3A_689 = arith.addi %mul3A_685, %mul3A_688 : vector<16xi32>
      %mul3A_690 = arith.constant 3 : i32
      %mul3A_691 = vector.broadcast %mul3A_690 : i32 to vector<16xi32>
      %mul3A_692 = arith.muli %convert_element_type3A_682, %mul3A_691 : vector<16xi32>
      %add3A_693 = arith.addi %add3A_689, %mul3A_692 : vector<16xi32>
      %gather3A_694 = tpu.vector_load_idx %arg6[%add3A_693] : memref<98304xf32, #tpu.memory_space<vmem>>[vector<16xi32>], vector<16xf32>,
      %add3A_695 = arith.constant 1 : i32
      %add3A_696 = vector.broadcast %add3A_695 : i32 to vector<16xi32>
      %add3A_697 = arith.addi %add3A_693, %add3A_696 : vector<16xi32>
      %gather3A_698 = tpu.vector_load_idx %arg6[%add3A_697] : memref<98304xf32, #tpu.memory_space<vmem>>[vector<16xi32>], vector<16xf32>,
      %add3A_699 = arith.constant 2 : i32
      %add3A_700 = vector.broadcast %add3A_699 : i32 to vector<16xi32>
      %add3A_701 = arith.addi %add3A_693, %add3A_700 : vector<16xi32>
      %gather3A_702 = tpu.vector_load_idx %arg6[%add3A_701] : memref<98304xf32, #tpu.memory_space<vmem>>[vector<16xi32>], vector<16xf32>,
      %sub3A_703 = arith.subf %add3A_622, %gather3A_694 : vector<16xf32>
      %sub3A_704 = arith.subf %add3A_628, %gather3A_698 : vector<16xf32>
      %sub3A_705 = arith.subf %add3A_634, %gather3A_702 : vector<16xf32>
      %mul3A_706 = arith.mulf %sub3A_703, %sub3A_703 : vector<16xf32>
      %mul3A_707 = arith.mulf %sub3A_704, %sub3A_704 : vector<16xf32>
      %add3A_708 = arith.addf %mul3A_706, %mul3A_707 : vector<16xf32>
      %mul3A_709 = arith.mulf %sub3A_705, %sub3A_705 : vector<16xf32>
      %add3A_710 = arith.addf %add3A_708, %mul3A_709 : vector<16xf32>
      %lt3A_711 = arith.constant 5.000000e+03 : f32
      %lt3A_712 = vector.broadcast %lt3A_711 : f32 to vector<16xf32>
      %lt3A_713 = arith.cmpf olt, %gather3A_694, %lt3A_712 : vector<16xf32>
      %jit3A_714 = arith.constant 0.000000e+00 : f32
      %broadcast_in_dim3A_715 = vector.broadcast %jit3A_714 : f32 to vector<16xf32>
      %select_n3A_716 = arith.select %lt3A_713, %add3A_710, %broadcast_in_dim3A_715 : vector<16xi1>, vector<16xf32>
      %add3A_717 = arith.addf %add3A_597, %select_n3A_716 : vector<16xf32>
      scf.yield %add3A_717 : vector<16xf32>
    }
    %scan3A_173 = arith.constant 128 : i32
    %swap3A_174 = arith.constant 16 : index
    %swap3A_175 = tpu.vector_load %arg9[%swap3A_174] {strides = array<i32>} : memref<32xf32, #tpu.memory_space<vmem>>, vector<16xf32>,
    tpu.vector_store %arg9[%swap3A_174], %scan3A_172 {add = true, strides = array<i32>} : memref<32xf32, #tpu.memory_space<vmem>>, vector<16xf32>,
    %get3A_176 = arith.constant 960 : index
    %get3A_177 = tpu.vector_load %arg8[%get3A_176] {strides = array<i32>} : memref<1344xf32, #tpu.memory_space<vmem>>, vector<16xf32>,
    %get3A_178 = arith.constant 976 : index
    %get3A_179 = tpu.vector_load %arg8[%get3A_178] {strides = array<i32>} : memref<1344xf32, #tpu.memory_space<vmem>>, vector<16xf32>,
    %get3A_180 = arith.constant 992 : index
    %get3A_181 = tpu.vector_load %arg8[%get3A_180] {strides = array<i32>} : memref<1344xf32, #tpu.memory_space<vmem>>, vector<16xf32>,
    %get3A_182 = arith.constant 1008 : index
    %get3A_183 = tpu.vector_load %arg8[%get3A_182] {strides = array<i32>} : memref<1344xf32, #tpu.memory_space<vmem>>, vector<16xf32>,
    %get3A_184 = arith.constant 1024 : index
    %get3A_185 = tpu.vector_load %arg8[%get3A_184] {strides = array<i32>} : memref<1344xf32, #tpu.memory_space<vmem>>, vector<16xf32>,
    %get3A_186 = arith.constant 1040 : index
    %get3A_187 = tpu.vector_load %arg8[%get3A_186] {strides = array<i32>} : memref<1344xf32, #tpu.memory_space<vmem>>, vector<16xf32>,
    %get3A_188 = arith.constant 1056 : index
    %get3A_189 = tpu.vector_load %arg8[%get3A_188] {strides = array<i32>} : memref<1344xf32, #tpu.memory_space<vmem>>, vector<16xf32>,
    %get3A_190 = arith.constant 1072 : index
    %get3A_191 = tpu.vector_load %arg8[%get3A_190] {strides = array<i32>} : memref<1344xf32, #tpu.memory_space<vmem>>, vector<16xf32>,
    %get3A_192 = arith.constant 1088 : index
    %get3A_193 = tpu.vector_load %arg8[%get3A_192] {strides = array<i32>} : memref<1344xf32, #tpu.memory_space<vmem>>, vector<16xf32>,
    %get3A_194 = arith.constant 1104 : index
    %get3A_195 = tpu.vector_load %arg8[%get3A_194] {strides = array<i32>} : memref<1344xf32, #tpu.memory_space<vmem>>, vector<16xf32>,
    %get3A_196 = arith.constant 1120 : index
    %get3A_197 = tpu.vector_load %arg8[%get3A_196] {strides = array<i32>} : memref<1344xf32, #tpu.memory_space<vmem>>, vector<16xf32>,
    %get3A_198 = arith.constant 1136 : index
    %get3A_199 = tpu.vector_load %arg8[%get3A_198] {strides = array<i32>} : memref<1344xf32, #tpu.memory_space<vmem>>, vector<16xf32>,
    %scan3A_200 = arith.constant 0 : i32
    %scan3A_201 = arith.constant 128 : i32
    %scan3A_202 = arith.addi %scan3A_200, %scan3A_201 : i32
    %scan3A_203 = arith.constant 1 : i32
    %scan3A_204 = scf.for %scan3A_244 = %scan3A_200 to %scan3A_202 step %scan3A_203 iter_args(%scan3A_245 = %broadcast_in_dim3A_18) -> (vector<16xf32>)  : i32 {
      %mul3A_246 = arith.constant 4 : i32
      %mul3A_247 = arith.muli %scan3A_244, %mul3A_246 : i32
      %add3A_248 = arith.constant 0 : i32
      %add3A_249 = arith.addi %mul3A_247, %add3A_248 : i32
      %mul3A_250 = arith.constant 16 : i32
      %mul3A_251 = arith.muli %add3A_249, %mul3A_250 : i32
      %mul3A_252 = arith.constant 3 : i32
      %mul3A_253 = arith.muli %mul3A_251, %mul3A_252 : i32
      %add3A_254 = vector.broadcast %mul3A_253 : i32 to vector<16xi32>
      %add3A_255 = arith.addi %mul3A_17, %add3A_254 : vector<16xi32>
      %gather3A = tpu.vector_load_idx %arg7[%add3A_255] : memref<24576xf32, #tpu.memory_space<vmem>>[vector<16xi32>], vector<16xf32>,
      %add3A_256 = arith.constant 1 : i32
      %add3A_257 = vector.broadcast %add3A_256 : i32 to vector<16xi32>
      %add3A_258 = arith.addi %add3A_255, %add3A_257 : vector<16xi32>
      %gather3A_259 = tpu.vector_load_idx %arg7[%add3A_258] : memref<24576xf32, #tpu.memory_space<vmem>>[vector<16xi32>], vector<16xf32>,
      %add3A_260 = arith.constant 2 : i32
      %add3A_261 = vector.broadcast %add3A_260 : i32 to vector<16xi32>
      %add3A_262 = arith.addi %add3A_255, %add3A_261 : vector<16xi32>
      %gather3A_263 = tpu.vector_load_idx %arg7[%add3A_262] : memref<24576xf32, #tpu.memory_space<vmem>>[vector<16xi32>], vector<16xf32>,
      %mul3A_264 = arith.mulf %get3A_177, %gather3A : vector<16xf32>
      %mul3A_265 = arith.mulf %get3A_179, %gather3A_259 : vector<16xf32>
      %add3A_266 = arith.addf %mul3A_264, %mul3A_265 : vector<16xf32>
      %mul3A_267 = arith.mulf %get3A_181, %gather3A_263 : vector<16xf32>
      %add3A_268 = arith.addf %add3A_266, %mul3A_267 : vector<16xf32>
      %add3A_269 = arith.addf %add3A_268, %get3A_195 : vector<16xf32>
      %mul3A_270 = arith.mulf %get3A_183, %gather3A : vector<16xf32>
      %mul3A_271 = arith.mulf %get3A_185, %gather3A_259 : vector<16xf32>
      %add3A_272 = arith.addf %mul3A_270, %mul3A_271 : vector<16xf32>
      %mul3A_273 = arith.mulf %get3A_187, %gather3A_263 : vector<16xf32>
      %add3A_274 = arith.addf %add3A_272, %mul3A_273 : vector<16xf32>
      %add3A_275 = arith.addf %add3A_274, %get3A_197 : vector<16xf32>
      %mul3A_276 = arith.mulf %get3A_189, %gather3A : vector<16xf32>
      %mul3A_277 = arith.mulf %get3A_191, %gather3A_259 : vector<16xf32>
      %add3A_278 = arith.addf %mul3A_276, %mul3A_277 : vector<16xf32>
      %mul3A_279 = arith.mulf %get3A_193, %gather3A_263 : vector<16xf32>
      %add3A_280 = arith.addf %add3A_278, %mul3A_279 : vector<16xf32>
      %add3A_281 = arith.addf %add3A_280, %get3A_199 : vector<16xf32>
      %sub3A = arith.constant -4.843750e-01 : f32
      %sub3A_282 = vector.broadcast %sub3A : f32 to vector<16xf32>
      %sub3A_283 = arith.subf %add3A_269, %sub3A_282 : vector<16xf32>
      %mul3A_284 = arith.constant 3.200000e+01 : f32
      %mul3A_285 = vector.broadcast %mul3A_284 : f32 to vector<16xf32>
      %mul3A_286 = arith.mulf %sub3A_283, %mul3A_285 : vector<16xf32>
      %jit3A = arith.constant 0.000000e+00 : f32
      %jit3A_287 = arith.constant 3.100000e+01 : f32
      %max3A = vector.broadcast %jit3A : f32 to vector<16xf32>
      %max3A_288 = arith.maximumf %max3A, %mul3A_286 : vector<16xf32>
      %min3A = vector.broadcast %jit3A_287 : f32 to vector<16xf32>
      %min3A_289 = arith.minimumf %min3A, %max3A_288 : vector<16xf32>
      %sub3A_290 = arith.constant -4.843750e-01 : f32
      %sub3A_291 = vector.broadcast %sub3A_290 : f32 to vector<16xf32>
      %sub3A_292 = arith.subf %add3A_275, %sub3A_291 : vector<16xf32>
      %mul3A_293 = arith.constant 3.200000e+01 : f32
      %mul3A_294 = vector.broadcast %mul3A_293 : f32 to vector<16xf32>
      %mul3A_295 = arith.mulf %sub3A_292, %mul3A_294 : vector<16xf32>
      %jit3A_296 = arith.constant 0.000000e+00 : f32
      %jit3A_297 = arith.constant 3.100000e+01 : f32
      %max3A_298 = vector.broadcast %jit3A_296 : f32 to vector<16xf32>
      %max3A_299 = arith.maximumf %max3A_298, %mul3A_295 : vector<16xf32>
      %min3A_300 = vector.broadcast %jit3A_297 : f32 to vector<16xf32>
      %min3A_301 = arith.minimumf %min3A_300, %max3A_299 : vector<16xf32>
      %sub3A_302 = arith.constant -4.843750e-01 : f32
      %sub3A_303 = vector.broadcast %sub3A_302 : f32 to vector<16xf32>
      %sub3A_304 = arith.subf %add3A_281, %sub3A_303 : vector<16xf32>
      %mul3A_305 = arith.constant 3.200000e+01 : f32
      %mul3A_306 = vector.broadcast %mul3A_305 : f32 to vector<16xf32>
      %mul3A_307 = arith.mulf %sub3A_304, %mul3A_306 : vector<16xf32>
      %jit3A_308 = arith.constant 0.000000e+00 : f32
      %jit3A_309 = arith.constant 3.100000e+01 : f32
      %max3A_310 = vector.broadcast %jit3A_308 : f32 to vector<16xf32>
      %max3A_311 = arith.maximumf %max3A_310, %mul3A_307 : vector<16xf32>
      %min3A_312 = vector.broadcast %jit3A_309 : f32 to vector<16xf32>
      %min3A_313 = arith.minimumf %min3A_312, %max3A_311 : vector<16xf32>
      %add3A_314 = arith.constant 5.000000e-01 : f32
      %add3A_315 = vector.broadcast %add3A_314 : f32 to vector<16xf32>
      %add3A_316 = arith.addf %min3A_289, %add3A_315 : vector<16xf32>
      %convert_element_type3A = arith.fptosi %add3A_316 : vector<16xf32> to vector<16xi32>
      %add3A_317 = arith.constant 5.000000e-01 : f32
      %add3A_318 = vector.broadcast %add3A_317 : f32 to vector<16xf32>
      %add3A_319 = arith.addf %min3A_301, %add3A_318 : vector<16xf32>
      %convert_element_type3A_320 = arith.fptosi %add3A_319 : vector<16xf32> to vector<16xi32>
      %add3A_321 = arith.constant 5.000000e-01 : f32
      %add3A_322 = vector.broadcast %add3A_321 : f32 to vector<16xf32>
      %add3A_323 = arith.addf %min3A_313, %add3A_322 : vector<16xf32>
      %convert_element_type3A_324 = arith.fptosi %add3A_323 : vector<16xf32> to vector<16xi32>
      %mul3A_325 = arith.constant 3072 : i32
      %mul3A_326 = vector.broadcast %mul3A_325 : i32 to vector<16xi32>
      %mul3A_327 = arith.muli %convert_element_type3A, %mul3A_326 : vector<16xi32>
      %mul3A_328 = arith.constant 96 : i32
      %mul3A_329 = vector.broadcast %mul3A_328 : i32 to vector<16xi32>
      %mul3A_330 = arith.muli %convert_element_type3A_320, %mul3A_329 : vector<16xi32>
      %add3A_331 = arith.addi %mul3A_327, %mul3A_330 : vector<16xi32>
      %mul3A_332 = arith.constant 3 : i32
      %mul3A_333 = vector.broadcast %mul3A_332 : i32 to vector<16xi32>
      %mul3A_334 = arith.muli %convert_element_type3A_324, %mul3A_333 : vector<16xi32>
      %add3A_335 = arith.addi %add3A_331, %mul3A_334 : vector<16xi32>
      %gather3A_336 = tpu.vector_load_idx %arg6[%add3A_335] : memref<98304xf32, #tpu.memory_space<vmem>>[vector<16xi32>], vector<16xf32>,
      %add3A_337 = arith.constant 1 : i32
      %add3A_338 = vector.broadcast %add3A_337 : i32 to vector<16xi32>
      %add3A_339 = arith.addi %add3A_335, %add3A_338 : vector<16xi32>
      %gather3A_340 = tpu.vector_load_idx %arg6[%add3A_339] : memref<98304xf32, #tpu.memory_space<vmem>>[vector<16xi32>], vector<16xf32>,
      %add3A_341 = arith.constant 2 : i32
      %add3A_342 = vector.broadcast %add3A_341 : i32 to vector<16xi32>
      %add3A_343 = arith.addi %add3A_335, %add3A_342 : vector<16xi32>
      %gather3A_344 = tpu.vector_load_idx %arg6[%add3A_343] : memref<98304xf32, #tpu.memory_space<vmem>>[vector<16xi32>], vector<16xf32>,
      %sub3A_345 = arith.subf %add3A_269, %gather3A_336 : vector<16xf32>
      %sub3A_346 = arith.subf %add3A_275, %gather3A_340 : vector<16xf32>
      %sub3A_347 = arith.subf %add3A_281, %gather3A_344 : vector<16xf32>
      %mul3A_348 = arith.mulf %sub3A_345, %sub3A_345 : vector<16xf32>
      %mul3A_349 = arith.mulf %sub3A_346, %sub3A_346 : vector<16xf32>
      %add3A_350 = arith.addf %mul3A_348, %mul3A_349 : vector<16xf32>
      %mul3A_351 = arith.mulf %sub3A_347, %sub3A_347 : vector<16xf32>
      %add3A_352 = arith.addf %add3A_350, %mul3A_351 : vector<16xf32>
      %lt3A = arith.constant 5.000000e+03 : f32
      %lt3A_353 = vector.broadcast %lt3A : f32 to vector<16xf32>
      %lt3A_354 = arith.cmpf olt, %gather3A_336, %lt3A_353 : vector<16xf32>
      %jit3A_355 = arith.constant 0.000000e+00 : f32
      %broadcast_in_dim3A_356 = vector.broadcast %jit3A_355 : f32 to vector<16xf32>
      %select_n3A = arith.select %lt3A_354, %add3A_352, %broadcast_in_dim3A_356 : vector<16xi1>, vector<16xf32>
      %add3A_357 = arith.addf %scan3A_245, %select_n3A : vector<16xf32>
      %mul3A_358 = arith.constant 4 : i32
      %mul3A_359 = arith.muli %scan3A_244, %mul3A_358 : i32
      %add3A_360 = arith.constant 1 : i32
      %add3A_361 = arith.addi %mul3A_359, %add3A_360 : i32
      %mul3A_362 = arith.constant 16 : i32
      %mul3A_363 = arith.muli %add3A_361, %mul3A_362 : i32
      %mul3A_364 = arith.constant 3 : i32
      %mul3A_365 = arith.muli %mul3A_363, %mul3A_364 : i32
      %add3A_366 = vector.broadcast %mul3A_365 : i32 to vector<16xi32>
      %add3A_367 = arith.addi %mul3A_17, %add3A_366 : vector<16xi32>
      %gather3A_368 = tpu.vector_load_idx %arg7[%add3A_367] : memref<24576xf32, #tpu.memory_space<vmem>>[vector<16xi32>], vector<16xf32>,
      %add3A_369 = arith.constant 1 : i32
      %add3A_370 = vector.broadcast %add3A_369 : i32 to vector<16xi32>
      %add3A_371 = arith.addi %add3A_367, %add3A_370 : vector<16xi32>
      %gather3A_372 = tpu.vector_load_idx %arg7[%add3A_371] : memref<24576xf32, #tpu.memory_space<vmem>>[vector<16xi32>], vector<16xf32>,
      %add3A_373 = arith.constant 2 : i32
      %add3A_374 = vector.broadcast %add3A_373 : i32 to vector<16xi32>
      %add3A_375 = arith.addi %add3A_367, %add3A_374 : vector<16xi32>
      %gather3A_376 = tpu.vector_load_idx %arg7[%add3A_375] : memref<24576xf32, #tpu.memory_space<vmem>>[vector<16xi32>], vector<16xf32>,
      %mul3A_377 = arith.mulf %get3A_177, %gather3A_368 : vector<16xf32>
      %mul3A_378 = arith.mulf %get3A_179, %gather3A_372 : vector<16xf32>
      %add3A_379 = arith.addf %mul3A_377, %mul3A_378 : vector<16xf32>
      %mul3A_380 = arith.mulf %get3A_181, %gather3A_376 : vector<16xf32>
      %add3A_381 = arith.addf %add3A_379, %mul3A_380 : vector<16xf32>
      %add3A_382 = arith.addf %add3A_381, %get3A_195 : vector<16xf32>
      %mul3A_383 = arith.mulf %get3A_183, %gather3A_368 : vector<16xf32>
      %mul3A_384 = arith.mulf %get3A_185, %gather3A_372 : vector<16xf32>
      %add3A_385 = arith.addf %mul3A_383, %mul3A_384 : vector<16xf32>
      %mul3A_386 = arith.mulf %get3A_187, %gather3A_376 : vector<16xf32>
      %add3A_387 = arith.addf %add3A_385, %mul3A_386 : vector<16xf32>
      %add3A_388 = arith.addf %add3A_387, %get3A_197 : vector<16xf32>
      %mul3A_389 = arith.mulf %get3A_189, %gather3A_368 : vector<16xf32>
      %mul3A_390 = arith.mulf %get3A_191, %gather3A_372 : vector<16xf32>
      %add3A_391 = arith.addf %mul3A_389, %mul3A_390 : vector<16xf32>
      %mul3A_392 = arith.mulf %get3A_193, %gather3A_376 : vector<16xf32>
      %add3A_393 = arith.addf %add3A_391, %mul3A_392 : vector<16xf32>
      %add3A_394 = arith.addf %add3A_393, %get3A_199 : vector<16xf32>
      %sub3A_395 = arith.constant -4.843750e-01 : f32
      %sub3A_396 = vector.broadcast %sub3A_395 : f32 to vector<16xf32>
      %sub3A_397 = arith.subf %add3A_382, %sub3A_396 : vector<16xf32>
      %mul3A_398 = arith.constant 3.200000e+01 : f32
      %mul3A_399 = vector.broadcast %mul3A_398 : f32 to vector<16xf32>
      %mul3A_400 = arith.mulf %sub3A_397, %mul3A_399 : vector<16xf32>
      %jit3A_401 = arith.constant 0.000000e+00 : f32
      %jit3A_402 = arith.constant 3.100000e+01 : f32
      %max3A_403 = vector.broadcast %jit3A_401 : f32 to vector<16xf32>
      %max3A_404 = arith.maximumf %max3A_403, %mul3A_400 : vector<16xf32>
      %min3A_405 = vector.broadcast %jit3A_402 : f32 to vector<16xf32>
      %min3A_406 = arith.minimumf %min3A_405, %max3A_404 : vector<16xf32>
      %sub3A_407 = arith.constant -4.843750e-01 : f32
      %sub3A_408 = vector.broadcast %sub3A_407 : f32 to vector<16xf32>
      %sub3A_409 = arith.subf %add3A_388, %sub3A_408 : vector<16xf32>
      %mul3A_410 = arith.constant 3.200000e+01 : f32
      %mul3A_411 = vector.broadcast %mul3A_410 : f32 to vector<16xf32>
      %mul3A_412 = arith.mulf %sub3A_409, %mul3A_411 : vector<16xf32>
      %jit3A_413 = arith.constant 0.000000e+00 : f32
      %jit3A_414 = arith.constant 3.100000e+01 : f32
      %max3A_415 = vector.broadcast %jit3A_413 : f32 to vector<16xf32>
      %max3A_416 = arith.maximumf %max3A_415, %mul3A_412 : vector<16xf32>
      %min3A_417 = vector.broadcast %jit3A_414 : f32 to vector<16xf32>
      %min3A_418 = arith.minimumf %min3A_417, %max3A_416 : vector<16xf32>
      %sub3A_419 = arith.constant -4.843750e-01 : f32
      %sub3A_420 = vector.broadcast %sub3A_419 : f32 to vector<16xf32>
      %sub3A_421 = arith.subf %add3A_394, %sub3A_420 : vector<16xf32>
      %mul3A_422 = arith.constant 3.200000e+01 : f32
      %mul3A_423 = vector.broadcast %mul3A_422 : f32 to vector<16xf32>
      %mul3A_424 = arith.mulf %sub3A_421, %mul3A_423 : vector<16xf32>
      %jit3A_425 = arith.constant 0.000000e+00 : f32
      %jit3A_426 = arith.constant 3.100000e+01 : f32
      %max3A_427 = vector.broadcast %jit3A_425 : f32 to vector<16xf32>
      %max3A_428 = arith.maximumf %max3A_427, %mul3A_424 : vector<16xf32>
      %min3A_429 = vector.broadcast %jit3A_426 : f32 to vector<16xf32>
      %min3A_430 = arith.minimumf %min3A_429, %max3A_428 : vector<16xf32>
      %add3A_431 = arith.constant 5.000000e-01 : f32
      %add3A_432 = vector.broadcast %add3A_431 : f32 to vector<16xf32>
      %add3A_433 = arith.addf %min3A_406, %add3A_432 : vector<16xf32>
      %convert_element_type3A_434 = arith.fptosi %add3A_433 : vector<16xf32> to vector<16xi32>
      %add3A_435 = arith.constant 5.000000e-01 : f32
      %add3A_436 = vector.broadcast %add3A_435 : f32 to vector<16xf32>
      %add3A_437 = arith.addf %min3A_418, %add3A_436 : vector<16xf32>
      %convert_element_type3A_438 = arith.fptosi %add3A_437 : vector<16xf32> to vector<16xi32>
      %add3A_439 = arith.constant 5.000000e-01 : f32
      %add3A_440 = vector.broadcast %add3A_439 : f32 to vector<16xf32>
      %add3A_441 = arith.addf %min3A_430, %add3A_440 : vector<16xf32>
      %convert_element_type3A_442 = arith.fptosi %add3A_441 : vector<16xf32> to vector<16xi32>
      %mul3A_443 = arith.constant 3072 : i32
      %mul3A_444 = vector.broadcast %mul3A_443 : i32 to vector<16xi32>
      %mul3A_445 = arith.muli %convert_element_type3A_434, %mul3A_444 : vector<16xi32>
      %mul3A_446 = arith.constant 96 : i32
      %mul3A_447 = vector.broadcast %mul3A_446 : i32 to vector<16xi32>
      %mul3A_448 = arith.muli %convert_element_type3A_438, %mul3A_447 : vector<16xi32>
      %add3A_449 = arith.addi %mul3A_445, %mul3A_448 : vector<16xi32>
      %mul3A_450 = arith.constant 3 : i32
      %mul3A_451 = vector.broadcast %mul3A_450 : i32 to vector<16xi32>
      %mul3A_452 = arith.muli %convert_element_type3A_442, %mul3A_451 : vector<16xi32>
      %add3A_453 = arith.addi %add3A_449, %mul3A_452 : vector<16xi32>
      %gather3A_454 = tpu.vector_load_idx %arg6[%add3A_453] : memref<98304xf32, #tpu.memory_space<vmem>>[vector<16xi32>], vector<16xf32>,
      %add3A_455 = arith.constant 1 : i32
      %add3A_456 = vector.broadcast %add3A_455 : i32 to vector<16xi32>
      %add3A_457 = arith.addi %add3A_453, %add3A_456 : vector<16xi32>
      %gather3A_458 = tpu.vector_load_idx %arg6[%add3A_457] : memref<98304xf32, #tpu.memory_space<vmem>>[vector<16xi32>], vector<16xf32>,
      %add3A_459 = arith.constant 2 : i32
      %add3A_460 = vector.broadcast %add3A_459 : i32 to vector<16xi32>
      %add3A_461 = arith.addi %add3A_453, %add3A_460 : vector<16xi32>
      %gather3A_462 = tpu.vector_load_idx %arg6[%add3A_461] : memref<98304xf32, #tpu.memory_space<vmem>>[vector<16xi32>], vector<16xf32>,
      %sub3A_463 = arith.subf %add3A_382, %gather3A_454 : vector<16xf32>
      %sub3A_464 = arith.subf %add3A_388, %gather3A_458 : vector<16xf32>
      %sub3A_465 = arith.subf %add3A_394, %gather3A_462 : vector<16xf32>
      %mul3A_466 = arith.mulf %sub3A_463, %sub3A_463 : vector<16xf32>
      %mul3A_467 = arith.mulf %sub3A_464, %sub3A_464 : vector<16xf32>
      %add3A_468 = arith.addf %mul3A_466, %mul3A_467 : vector<16xf32>
      %mul3A_469 = arith.mulf %sub3A_465, %sub3A_465 : vector<16xf32>
      %add3A_470 = arith.addf %add3A_468, %mul3A_469 : vector<16xf32>
      %lt3A_471 = arith.constant 5.000000e+03 : f32
      %lt3A_472 = vector.broadcast %lt3A_471 : f32 to vector<16xf32>
      %lt3A_473 = arith.cmpf olt, %gather3A_454, %lt3A_472 : vector<16xf32>
      %jit3A_474 = arith.constant 0.000000e+00 : f32
      %broadcast_in_dim3A_475 = vector.broadcast %jit3A_474 : f32 to vector<16xf32>
      %select_n3A_476 = arith.select %lt3A_473, %add3A_470, %broadcast_in_dim3A_475 : vector<16xi1>, vector<16xf32>
      %add3A_477 = arith.addf %add3A_357, %select_n3A_476 : vector<16xf32>
      %mul3A_478 = arith.constant 4 : i32
      %mul3A_479 = arith.muli %scan3A_244, %mul3A_478 : i32
      %add3A_480 = arith.constant 2 : i32
      %add3A_481 = arith.addi %mul3A_479, %add3A_480 : i32
      %mul3A_482 = arith.constant 16 : i32
      %mul3A_483 = arith.muli %add3A_481, %mul3A_482 : i32
      %mul3A_484 = arith.constant 3 : i32
      %mul3A_485 = arith.muli %mul3A_483, %mul3A_484 : i32
      %add3A_486 = vector.broadcast %mul3A_485 : i32 to vector<16xi32>
      %add3A_487 = arith.addi %mul3A_17, %add3A_486 : vector<16xi32>
      %gather3A_488 = tpu.vector_load_idx %arg7[%add3A_487] : memref<24576xf32, #tpu.memory_space<vmem>>[vector<16xi32>], vector<16xf32>,
      %add3A_489 = arith.constant 1 : i32
      %add3A_490 = vector.broadcast %add3A_489 : i32 to vector<16xi32>
      %add3A_491 = arith.addi %add3A_487, %add3A_490 : vector<16xi32>
      %gather3A_492 = tpu.vector_load_idx %arg7[%add3A_491] : memref<24576xf32, #tpu.memory_space<vmem>>[vector<16xi32>], vector<16xf32>,
      %add3A_493 = arith.constant 2 : i32
      %add3A_494 = vector.broadcast %add3A_493 : i32 to vector<16xi32>
      %add3A_495 = arith.addi %add3A_487, %add3A_494 : vector<16xi32>
      %gather3A_496 = tpu.vector_load_idx %arg7[%add3A_495] : memref<24576xf32, #tpu.memory_space<vmem>>[vector<16xi32>], vector<16xf32>,
      %mul3A_497 = arith.mulf %get3A_177, %gather3A_488 : vector<16xf32>
      %mul3A_498 = arith.mulf %get3A_179, %gather3A_492 : vector<16xf32>
      %add3A_499 = arith.addf %mul3A_497, %mul3A_498 : vector<16xf32>
      %mul3A_500 = arith.mulf %get3A_181, %gather3A_496 : vector<16xf32>
      %add3A_501 = arith.addf %add3A_499, %mul3A_500 : vector<16xf32>
      %add3A_502 = arith.addf %add3A_501, %get3A_195 : vector<16xf32>
      %mul3A_503 = arith.mulf %get3A_183, %gather3A_488 : vector<16xf32>
      %mul3A_504 = arith.mulf %get3A_185, %gather3A_492 : vector<16xf32>
      %add3A_505 = arith.addf %mul3A_503, %mul3A_504 : vector<16xf32>
      %mul3A_506 = arith.mulf %get3A_187, %gather3A_496 : vector<16xf32>
      %add3A_507 = arith.addf %add3A_505, %mul3A_506 : vector<16xf32>
      %add3A_508 = arith.addf %add3A_507, %get3A_197 : vector<16xf32>
      %mul3A_509 = arith.mulf %get3A_189, %gather3A_488 : vector<16xf32>
      %mul3A_510 = arith.mulf %get3A_191, %gather3A_492 : vector<16xf32>
      %add3A_511 = arith.addf %mul3A_509, %mul3A_510 : vector<16xf32>
      %mul3A_512 = arith.mulf %get3A_193, %gather3A_496 : vector<16xf32>
      %add3A_513 = arith.addf %add3A_511, %mul3A_512 : vector<16xf32>
      %add3A_514 = arith.addf %add3A_513, %get3A_199 : vector<16xf32>
      %sub3A_515 = arith.constant -4.843750e-01 : f32
      %sub3A_516 = vector.broadcast %sub3A_515 : f32 to vector<16xf32>
      %sub3A_517 = arith.subf %add3A_502, %sub3A_516 : vector<16xf32>
      %mul3A_518 = arith.constant 3.200000e+01 : f32
      %mul3A_519 = vector.broadcast %mul3A_518 : f32 to vector<16xf32>
      %mul3A_520 = arith.mulf %sub3A_517, %mul3A_519 : vector<16xf32>
      %jit3A_521 = arith.constant 0.000000e+00 : f32
      %jit3A_522 = arith.constant 3.100000e+01 : f32
      %max3A_523 = vector.broadcast %jit3A_521 : f32 to vector<16xf32>
      %max3A_524 = arith.maximumf %max3A_523, %mul3A_520 : vector<16xf32>
      %min3A_525 = vector.broadcast %jit3A_522 : f32 to vector<16xf32>
      %min3A_526 = arith.minimumf %min3A_525, %max3A_524 : vector<16xf32>
      %sub3A_527 = arith.constant -4.843750e-01 : f32
      %sub3A_528 = vector.broadcast %sub3A_527 : f32 to vector<16xf32>
      %sub3A_529 = arith.subf %add3A_508, %sub3A_528 : vector<16xf32>
      %mul3A_530 = arith.constant 3.200000e+01 : f32
      %mul3A_531 = vector.broadcast %mul3A_530 : f32 to vector<16xf32>
      %mul3A_532 = arith.mulf %sub3A_529, %mul3A_531 : vector<16xf32>
      %jit3A_533 = arith.constant 0.000000e+00 : f32
      %jit3A_534 = arith.constant 3.100000e+01 : f32
      %max3A_535 = vector.broadcast %jit3A_533 : f32 to vector<16xf32>
      %max3A_536 = arith.maximumf %max3A_535, %mul3A_532 : vector<16xf32>
      %min3A_537 = vector.broadcast %jit3A_534 : f32 to vector<16xf32>
      %min3A_538 = arith.minimumf %min3A_537, %max3A_536 : vector<16xf32>
      %sub3A_539 = arith.constant -4.843750e-01 : f32
      %sub3A_540 = vector.broadcast %sub3A_539 : f32 to vector<16xf32>
      %sub3A_541 = arith.subf %add3A_514, %sub3A_540 : vector<16xf32>
      %mul3A_542 = arith.constant 3.200000e+01 : f32
      %mul3A_543 = vector.broadcast %mul3A_542 : f32 to vector<16xf32>
      %mul3A_544 = arith.mulf %sub3A_541, %mul3A_543 : vector<16xf32>
      %jit3A_545 = arith.constant 0.000000e+00 : f32
      %jit3A_546 = arith.constant 3.100000e+01 : f32
      %max3A_547 = vector.broadcast %jit3A_545 : f32 to vector<16xf32>
      %max3A_548 = arith.maximumf %max3A_547, %mul3A_544 : vector<16xf32>
      %min3A_549 = vector.broadcast %jit3A_546 : f32 to vector<16xf32>
      %min3A_550 = arith.minimumf %min3A_549, %max3A_548 : vector<16xf32>
      %add3A_551 = arith.constant 5.000000e-01 : f32
      %add3A_552 = vector.broadcast %add3A_551 : f32 to vector<16xf32>
      %add3A_553 = arith.addf %min3A_526, %add3A_552 : vector<16xf32>
      %convert_element_type3A_554 = arith.fptosi %add3A_553 : vector<16xf32> to vector<16xi32>
      %add3A_555 = arith.constant 5.000000e-01 : f32
      %add3A_556 = vector.broadcast %add3A_555 : f32 to vector<16xf32>
      %add3A_557 = arith.addf %min3A_538, %add3A_556 : vector<16xf32>
      %convert_element_type3A_558 = arith.fptosi %add3A_557 : vector<16xf32> to vector<16xi32>
      %add3A_559 = arith.constant 5.000000e-01 : f32
      %add3A_560 = vector.broadcast %add3A_559 : f32 to vector<16xf32>
      %add3A_561 = arith.addf %min3A_550, %add3A_560 : vector<16xf32>
      %convert_element_type3A_562 = arith.fptosi %add3A_561 : vector<16xf32> to vector<16xi32>
      %mul3A_563 = arith.constant 3072 : i32
      %mul3A_564 = vector.broadcast %mul3A_563 : i32 to vector<16xi32>
      %mul3A_565 = arith.muli %convert_element_type3A_554, %mul3A_564 : vector<16xi32>
      %mul3A_566 = arith.constant 96 : i32
      %mul3A_567 = vector.broadcast %mul3A_566 : i32 to vector<16xi32>
      %mul3A_568 = arith.muli %convert_element_type3A_558, %mul3A_567 : vector<16xi32>
      %add3A_569 = arith.addi %mul3A_565, %mul3A_568 : vector<16xi32>
      %mul3A_570 = arith.constant 3 : i32
      %mul3A_571 = vector.broadcast %mul3A_570 : i32 to vector<16xi32>
      %mul3A_572 = arith.muli %convert_element_type3A_562, %mul3A_571 : vector<16xi32>
      %add3A_573 = arith.addi %add3A_569, %mul3A_572 : vector<16xi32>
      %gather3A_574 = tpu.vector_load_idx %arg6[%add3A_573] : memref<98304xf32, #tpu.memory_space<vmem>>[vector<16xi32>], vector<16xf32>,
      %add3A_575 = arith.constant 1 : i32
      %add3A_576 = vector.broadcast %add3A_575 : i32 to vector<16xi32>
      %add3A_577 = arith.addi %add3A_573, %add3A_576 : vector<16xi32>
      %gather3A_578 = tpu.vector_load_idx %arg6[%add3A_577] : memref<98304xf32, #tpu.memory_space<vmem>>[vector<16xi32>], vector<16xf32>,
      %add3A_579 = arith.constant 2 : i32
      %add3A_580 = vector.broadcast %add3A_579 : i32 to vector<16xi32>
      %add3A_581 = arith.addi %add3A_573, %add3A_580 : vector<16xi32>
      %gather3A_582 = tpu.vector_load_idx %arg6[%add3A_581] : memref<98304xf32, #tpu.memory_space<vmem>>[vector<16xi32>], vector<16xf32>,
      %sub3A_583 = arith.subf %add3A_502, %gather3A_574 : vector<16xf32>
      %sub3A_584 = arith.subf %add3A_508, %gather3A_578 : vector<16xf32>
      %sub3A_585 = arith.subf %add3A_514, %gather3A_582 : vector<16xf32>
      %mul3A_586 = arith.mulf %sub3A_583, %sub3A_583 : vector<16xf32>
      %mul3A_587 = arith.mulf %sub3A_584, %sub3A_584 : vector<16xf32>
      %add3A_588 = arith.addf %mul3A_586, %mul3A_587 : vector<16xf32>
      %mul3A_589 = arith.mulf %sub3A_585, %sub3A_585 : vector<16xf32>
      %add3A_590 = arith.addf %add3A_588, %mul3A_589 : vector<16xf32>
      %lt3A_591 = arith.constant 5.000000e+03 : f32
      %lt3A_592 = vector.broadcast %lt3A_591 : f32 to vector<16xf32>
      %lt3A_593 = arith.cmpf olt, %gather3A_574, %lt3A_592 : vector<16xf32>
      %jit3A_594 = arith.constant 0.000000e+00 : f32
      %broadcast_in_dim3A_595 = vector.broadcast %jit3A_594 : f32 to vector<16xf32>
      %select_n3A_596 = arith.select %lt3A_593, %add3A_590, %broadcast_in_dim3A_595 : vector<16xi1>, vector<16xf32>
      %add3A_597 = arith.addf %add3A_477, %select_n3A_596 : vector<16xf32>
      %mul3A_598 = arith.constant 4 : i32
      %mul3A_599 = arith.muli %scan3A_244, %mul3A_598 : i32
      %add3A_600 = arith.constant 3 : i32
      %add3A_601 = arith.addi %mul3A_599, %add3A_600 : i32
      %mul3A_602 = arith.constant 16 : i32
      %mul3A_603 = arith.muli %add3A_601, %mul3A_602 : i32
      %mul3A_604 = arith.constant 3 : i32
      %mul3A_605 = arith.muli %mul3A_603, %mul3A_604 : i32
      %add3A_606 = vector.broadcast %mul3A_605 : i32 to vector<16xi32>
      %add3A_607 = arith.addi %mul3A_17, %add3A_606 : vector<16xi32>
      %gather3A_608 = tpu.vector_load_idx %arg7[%add3A_607] : memref<24576xf32, #tpu.memory_space<vmem>>[vector<16xi32>], vector<16xf32>,
      %add3A_609 = arith.constant 1 : i32
      %add3A_610 = vector.broadcast %add3A_609 : i32 to vector<16xi32>
      %add3A_611 = arith.addi %add3A_607, %add3A_610 : vector<16xi32>
      %gather3A_612 = tpu.vector_load_idx %arg7[%add3A_611] : memref<24576xf32, #tpu.memory_space<vmem>>[vector<16xi32>], vector<16xf32>,
      %add3A_613 = arith.constant 2 : i32
      %add3A_614 = vector.broadcast %add3A_613 : i32 to vector<16xi32>
      %add3A_615 = arith.addi %add3A_607, %add3A_614 : vector<16xi32>
      %gather3A_616 = tpu.vector_load_idx %arg7[%add3A_615] : memref<24576xf32, #tpu.memory_space<vmem>>[vector<16xi32>], vector<16xf32>,
      %mul3A_617 = arith.mulf %get3A_177, %gather3A_608 : vector<16xf32>
      %mul3A_618 = arith.mulf %get3A_179, %gather3A_612 : vector<16xf32>
      %add3A_619 = arith.addf %mul3A_617, %mul3A_618 : vector<16xf32>
      %mul3A_620 = arith.mulf %get3A_181, %gather3A_616 : vector<16xf32>
      %add3A_621 = arith.addf %add3A_619, %mul3A_620 : vector<16xf32>
      %add3A_622 = arith.addf %add3A_621, %get3A_195 : vector<16xf32>
      %mul3A_623 = arith.mulf %get3A_183, %gather3A_608 : vector<16xf32>
      %mul3A_624 = arith.mulf %get3A_185, %gather3A_612 : vector<16xf32>
      %add3A_625 = arith.addf %mul3A_623, %mul3A_624 : vector<16xf32>
      %mul3A_626 = arith.mulf %get3A_187, %gather3A_616 : vector<16xf32>
      %add3A_627 = arith.addf %add3A_625, %mul3A_626 : vector<16xf32>
      %add3A_628 = arith.addf %add3A_627, %get3A_197 : vector<16xf32>
      %mul3A_629 = arith.mulf %get3A_189, %gather3A_608 : vector<16xf32>
      %mul3A_630 = arith.mulf %get3A_191, %gather3A_612 : vector<16xf32>
      %add3A_631 = arith.addf %mul3A_629, %mul3A_630 : vector<16xf32>
      %mul3A_632 = arith.mulf %get3A_193, %gather3A_616 : vector<16xf32>
      %add3A_633 = arith.addf %add3A_631, %mul3A_632 : vector<16xf32>
      %add3A_634 = arith.addf %add3A_633, %get3A_199 : vector<16xf32>
      %sub3A_635 = arith.constant -4.843750e-01 : f32
      %sub3A_636 = vector.broadcast %sub3A_635 : f32 to vector<16xf32>
      %sub3A_637 = arith.subf %add3A_622, %sub3A_636 : vector<16xf32>
      %mul3A_638 = arith.constant 3.200000e+01 : f32
      %mul3A_639 = vector.broadcast %mul3A_638 : f32 to vector<16xf32>
      %mul3A_640 = arith.mulf %sub3A_637, %mul3A_639 : vector<16xf32>
      %jit3A_641 = arith.constant 0.000000e+00 : f32
      %jit3A_642 = arith.constant 3.100000e+01 : f32
      %max3A_643 = vector.broadcast %jit3A_641 : f32 to vector<16xf32>
      %max3A_644 = arith.maximumf %max3A_643, %mul3A_640 : vector<16xf32>
      %min3A_645 = vector.broadcast %jit3A_642 : f32 to vector<16xf32>
      %min3A_646 = arith.minimumf %min3A_645, %max3A_644 : vector<16xf32>
      %sub3A_647 = arith.constant -4.843750e-01 : f32
      %sub3A_648 = vector.broadcast %sub3A_647 : f32 to vector<16xf32>
      %sub3A_649 = arith.subf %add3A_628, %sub3A_648 : vector<16xf32>
      %mul3A_650 = arith.constant 3.200000e+01 : f32
      %mul3A_651 = vector.broadcast %mul3A_650 : f32 to vector<16xf32>
      %mul3A_652 = arith.mulf %sub3A_649, %mul3A_651 : vector<16xf32>
      %jit3A_653 = arith.constant 0.000000e+00 : f32
      %jit3A_654 = arith.constant 3.100000e+01 : f32
      %max3A_655 = vector.broadcast %jit3A_653 : f32 to vector<16xf32>
      %max3A_656 = arith.maximumf %max3A_655, %mul3A_652 : vector<16xf32>
      %min3A_657 = vector.broadcast %jit3A_654 : f32 to vector<16xf32>
      %min3A_658 = arith.minimumf %min3A_657, %max3A_656 : vector<16xf32>
      %sub3A_659 = arith.constant -4.843750e-01 : f32
      %sub3A_660 = vector.broadcast %sub3A_659 : f32 to vector<16xf32>
      %sub3A_661 = arith.subf %add3A_634, %sub3A_660 : vector<16xf32>
      %mul3A_662 = arith.constant 3.200000e+01 : f32
      %mul3A_663 = vector.broadcast %mul3A_662 : f32 to vector<16xf32>
      %mul3A_664 = arith.mulf %sub3A_661, %mul3A_663 : vector<16xf32>
      %jit3A_665 = arith.constant 0.000000e+00 : f32
      %jit3A_666 = arith.constant 3.100000e+01 : f32
      %max3A_667 = vector.broadcast %jit3A_665 : f32 to vector<16xf32>
      %max3A_668 = arith.maximumf %max3A_667, %mul3A_664 : vector<16xf32>
      %min3A_669 = vector.broadcast %jit3A_666 : f32 to vector<16xf32>
      %min3A_670 = arith.minimumf %min3A_669, %max3A_668 : vector<16xf32>
      %add3A_671 = arith.constant 5.000000e-01 : f32
      %add3A_672 = vector.broadcast %add3A_671 : f32 to vector<16xf32>
      %add3A_673 = arith.addf %min3A_646, %add3A_672 : vector<16xf32>
      %convert_element_type3A_674 = arith.fptosi %add3A_673 : vector<16xf32> to vector<16xi32>
      %add3A_675 = arith.constant 5.000000e-01 : f32
      %add3A_676 = vector.broadcast %add3A_675 : f32 to vector<16xf32>
      %add3A_677 = arith.addf %min3A_658, %add3A_676 : vector<16xf32>
      %convert_element_type3A_678 = arith.fptosi %add3A_677 : vector<16xf32> to vector<16xi32>
      %add3A_679 = arith.constant 5.000000e-01 : f32
      %add3A_680 = vector.broadcast %add3A_679 : f32 to vector<16xf32>
      %add3A_681 = arith.addf %min3A_670, %add3A_680 : vector<16xf32>
      %convert_element_type3A_682 = arith.fptosi %add3A_681 : vector<16xf32> to vector<16xi32>
      %mul3A_683 = arith.constant 3072 : i32
      %mul3A_684 = vector.broadcast %mul3A_683 : i32 to vector<16xi32>
      %mul3A_685 = arith.muli %convert_element_type3A_674, %mul3A_684 : vector<16xi32>
      %mul3A_686 = arith.constant 96 : i32
      %mul3A_687 = vector.broadcast %mul3A_686 : i32 to vector<16xi32>
      %mul3A_688 = arith.muli %convert_element_type3A_678, %mul3A_687 : vector<16xi32>
      %add3A_689 = arith.addi %mul3A_685, %mul3A_688 : vector<16xi32>
      %mul3A_690 = arith.constant 3 : i32
      %mul3A_691 = vector.broadcast %mul3A_690 : i32 to vector<16xi32>
      %mul3A_692 = arith.muli %convert_element_type3A_682, %mul3A_691 : vector<16xi32>
      %add3A_693 = arith.addi %add3A_689, %mul3A_692 : vector<16xi32>
      %gather3A_694 = tpu.vector_load_idx %arg6[%add3A_693] : memref<98304xf32, #tpu.memory_space<vmem>>[vector<16xi32>], vector<16xf32>,
      %add3A_695 = arith.constant 1 : i32
      %add3A_696 = vector.broadcast %add3A_695 : i32 to vector<16xi32>
      %add3A_697 = arith.addi %add3A_693, %add3A_696 : vector<16xi32>
      %gather3A_698 = tpu.vector_load_idx %arg6[%add3A_697] : memref<98304xf32, #tpu.memory_space<vmem>>[vector<16xi32>], vector<16xf32>,
      %add3A_699 = arith.constant 2 : i32
      %add3A_700 = vector.broadcast %add3A_699 : i32 to vector<16xi32>
      %add3A_701 = arith.addi %add3A_693, %add3A_700 : vector<16xi32>
      %gather3A_702 = tpu.vector_load_idx %arg6[%add3A_701] : memref<98304xf32, #tpu.memory_space<vmem>>[vector<16xi32>], vector<16xf32>,
      %sub3A_703 = arith.subf %add3A_622, %gather3A_694 : vector<16xf32>
      %sub3A_704 = arith.subf %add3A_628, %gather3A_698 : vector<16xf32>
      %sub3A_705 = arith.subf %add3A_634, %gather3A_702 : vector<16xf32>
      %mul3A_706 = arith.mulf %sub3A_703, %sub3A_703 : vector<16xf32>
      %mul3A_707 = arith.mulf %sub3A_704, %sub3A_704 : vector<16xf32>
      %add3A_708 = arith.addf %mul3A_706, %mul3A_707 : vector<16xf32>
      %mul3A_709 = arith.mulf %sub3A_705, %sub3A_705 : vector<16xf32>
      %add3A_710 = arith.addf %add3A_708, %mul3A_709 : vector<16xf32>
      %lt3A_711 = arith.constant 5.000000e+03 : f32
      %lt3A_712 = vector.broadcast %lt3A_711 : f32 to vector<16xf32>
      %lt3A_713 = arith.cmpf olt, %gather3A_694, %lt3A_712 : vector<16xf32>
      %jit3A_714 = arith.constant 0.000000e+00 : f32
      %broadcast_in_dim3A_715 = vector.broadcast %jit3A_714 : f32 to vector<16xf32>
      %select_n3A_716 = arith.select %lt3A_713, %add3A_710, %broadcast_in_dim3A_715 : vector<16xi1>, vector<16xf32>
      %add3A_717 = arith.addf %add3A_597, %select_n3A_716 : vector<16xf32>
      scf.yield %add3A_717 : vector<16xf32>
    }
    %scan3A_205 = arith.constant 128 : i32
    %swap3A_206 = arith.constant 16 : index
    %swap3A_207 = tpu.vector_load %arg9[%swap3A_206] {strides = array<i32>} : memref<32xf32, #tpu.memory_space<vmem>>, vector<16xf32>,
    tpu.vector_store %arg9[%swap3A_206], %scan3A_204 {add = true, strides = array<i32>} : memref<32xf32, #tpu.memory_space<vmem>>, vector<16xf32>,
    %get3A_208 = arith.constant 1152 : index
    %get3A_209 = tpu.vector_load %arg8[%get3A_208] {strides = array<i32>} : memref<1344xf32, #tpu.memory_space<vmem>>, vector<16xf32>,
    %get3A_210 = arith.constant 1168 : index
    %get3A_211 = tpu.vector_load %arg8[%get3A_210] {strides = array<i32>} : memref<1344xf32, #tpu.memory_space<vmem>>, vector<16xf32>,
    %get3A_212 = arith.constant 1184 : index
    %get3A_213 = tpu.vector_load %arg8[%get3A_212] {strides = array<i32>} : memref<1344xf32, #tpu.memory_space<vmem>>, vector<16xf32>,
    %get3A_214 = arith.constant 1200 : index
    %get3A_215 = tpu.vector_load %arg8[%get3A_214] {strides = array<i32>} : memref<1344xf32, #tpu.memory_space<vmem>>, vector<16xf32>,
    %get3A_216 = arith.constant 1216 : index
    %get3A_217 = tpu.vector_load %arg8[%get3A_216] {strides = array<i32>} : memref<1344xf32, #tpu.memory_space<vmem>>, vector<16xf32>,
    %get3A_218 = arith.constant 1232 : index
    %get3A_219 = tpu.vector_load %arg8[%get3A_218] {strides = array<i32>} : memref<1344xf32, #tpu.memory_space<vmem>>, vector<16xf32>,
    %get3A_220 = arith.constant 1248 : index
    %get3A_221 = tpu.vector_load %arg8[%get3A_220] {strides = array<i32>} : memref<1344xf32, #tpu.memory_space<vmem>>, vector<16xf32>,
    %get3A_222 = arith.constant 1264 : index
    %get3A_223 = tpu.vector_load %arg8[%get3A_222] {strides = array<i32>} : memref<1344xf32, #tpu.memory_space<vmem>>, vector<16xf32>,
    %get3A_224 = arith.constant 1280 : index
    %get3A_225 = tpu.vector_load %arg8[%get3A_224] {strides = array<i32>} : memref<1344xf32, #tpu.memory_space<vmem>>, vector<16xf32>,
    %get3A_226 = arith.constant 1296 : index
    %get3A_227 = tpu.vector_load %arg8[%get3A_226] {strides = array<i32>} : memref<1344xf32, #tpu.memory_space<vmem>>, vector<16xf32>,
    %get3A_228 = arith.constant 1312 : index
    %get3A_229 = tpu.vector_load %arg8[%get3A_228] {strides = array<i32>} : memref<1344xf32, #tpu.memory_space<vmem>>, vector<16xf32>,
    %get3A_230 = arith.constant 1328 : index
    %get3A_231 = tpu.vector_load %arg8[%get3A_230] {strides = array<i32>} : memref<1344xf32, #tpu.memory_space<vmem>>, vector<16xf32>,
    %scan3A_232 = arith.constant 0 : i32
    %scan3A_233 = arith.constant 128 : i32
    %scan3A_234 = arith.addi %scan3A_232, %scan3A_233 : i32
    %scan3A_235 = arith.constant 1 : i32
    %scan3A_236 = scf.for %scan3A_244 = %scan3A_232 to %scan3A_234 step %scan3A_235 iter_args(%scan3A_245 = %broadcast_in_dim3A_18) -> (vector<16xf32>)  : i32 {
      %mul3A_246 = arith.constant 4 : i32
      %mul3A_247 = arith.muli %scan3A_244, %mul3A_246 : i32
      %add3A_248 = arith.constant 0 : i32
      %add3A_249 = arith.addi %mul3A_247, %add3A_248 : i32
      %mul3A_250 = arith.constant 16 : i32
      %mul3A_251 = arith.muli %add3A_249, %mul3A_250 : i32
      %mul3A_252 = arith.constant 3 : i32
      %mul3A_253 = arith.muli %mul3A_251, %mul3A_252 : i32
      %add3A_254 = vector.broadcast %mul3A_253 : i32 to vector<16xi32>
      %add3A_255 = arith.addi %mul3A_17, %add3A_254 : vector<16xi32>
      %gather3A = tpu.vector_load_idx %arg7[%add3A_255] : memref<24576xf32, #tpu.memory_space<vmem>>[vector<16xi32>], vector<16xf32>,
      %add3A_256 = arith.constant 1 : i32
      %add3A_257 = vector.broadcast %add3A_256 : i32 to vector<16xi32>
      %add3A_258 = arith.addi %add3A_255, %add3A_257 : vector<16xi32>
      %gather3A_259 = tpu.vector_load_idx %arg7[%add3A_258] : memref<24576xf32, #tpu.memory_space<vmem>>[vector<16xi32>], vector<16xf32>,
      %add3A_260 = arith.constant 2 : i32
      %add3A_261 = vector.broadcast %add3A_260 : i32 to vector<16xi32>
      %add3A_262 = arith.addi %add3A_255, %add3A_261 : vector<16xi32>
      %gather3A_263 = tpu.vector_load_idx %arg7[%add3A_262] : memref<24576xf32, #tpu.memory_space<vmem>>[vector<16xi32>], vector<16xf32>,
      %mul3A_264 = arith.mulf %get3A_209, %gather3A : vector<16xf32>
      %mul3A_265 = arith.mulf %get3A_211, %gather3A_259 : vector<16xf32>
      %add3A_266 = arith.addf %mul3A_264, %mul3A_265 : vector<16xf32>
      %mul3A_267 = arith.mulf %get3A_213, %gather3A_263 : vector<16xf32>
      %add3A_268 = arith.addf %add3A_266, %mul3A_267 : vector<16xf32>
      %add3A_269 = arith.addf %add3A_268, %get3A_227 : vector<16xf32>
      %mul3A_270 = arith.mulf %get3A_215, %gather3A : vector<16xf32>
      %mul3A_271 = arith.mulf %get3A_217, %gather3A_259 : vector<16xf32>
      %add3A_272 = arith.addf %mul3A_270, %mul3A_271 : vector<16xf32>
      %mul3A_273 = arith.mulf %get3A_219, %gather3A_263 : vector<16xf32>
      %add3A_274 = arith.addf %add3A_272, %mul3A_273 : vector<16xf32>
      %add3A_275 = arith.addf %add3A_274, %get3A_229 : vector<16xf32>
      %mul3A_276 = arith.mulf %get3A_221, %gather3A : vector<16xf32>
      %mul3A_277 = arith.mulf %get3A_223, %gather3A_259 : vector<16xf32>
      %add3A_278 = arith.addf %mul3A_276, %mul3A_277 : vector<16xf32>
      %mul3A_279 = arith.mulf %get3A_225, %gather3A_263 : vector<16xf32>
      %add3A_280 = arith.addf %add3A_278, %mul3A_279 : vector<16xf32>
      %add3A_281 = arith.addf %add3A_280, %get3A_231 : vector<16xf32>
      %sub3A = arith.constant -4.843750e-01 : f32
      %sub3A_282 = vector.broadcast %sub3A : f32 to vector<16xf32>
      %sub3A_283 = arith.subf %add3A_269, %sub3A_282 : vector<16xf32>
      %mul3A_284 = arith.constant 3.200000e+01 : f32
      %mul3A_285 = vector.broadcast %mul3A_284 : f32 to vector<16xf32>
      %mul3A_286 = arith.mulf %sub3A_283, %mul3A_285 : vector<16xf32>
      %jit3A = arith.constant 0.000000e+00 : f32
      %jit3A_287 = arith.constant 3.100000e+01 : f32
      %max3A = vector.broadcast %jit3A : f32 to vector<16xf32>
      %max3A_288 = arith.maximumf %max3A, %mul3A_286 : vector<16xf32>
      %min3A = vector.broadcast %jit3A_287 : f32 to vector<16xf32>
      %min3A_289 = arith.minimumf %min3A, %max3A_288 : vector<16xf32>
      %sub3A_290 = arith.constant -4.843750e-01 : f32
      %sub3A_291 = vector.broadcast %sub3A_290 : f32 to vector<16xf32>
      %sub3A_292 = arith.subf %add3A_275, %sub3A_291 : vector<16xf32>
      %mul3A_293 = arith.constant 3.200000e+01 : f32
      %mul3A_294 = vector.broadcast %mul3A_293 : f32 to vector<16xf32>
      %mul3A_295 = arith.mulf %sub3A_292, %mul3A_294 : vector<16xf32>
      %jit3A_296 = arith.constant 0.000000e+00 : f32
      %jit3A_297 = arith.constant 3.100000e+01 : f32
      %max3A_298 = vector.broadcast %jit3A_296 : f32 to vector<16xf32>
      %max3A_299 = arith.maximumf %max3A_298, %mul3A_295 : vector<16xf32>
      %min3A_300 = vector.broadcast %jit3A_297 : f32 to vector<16xf32>
      %min3A_301 = arith.minimumf %min3A_300, %max3A_299 : vector<16xf32>
      %sub3A_302 = arith.constant -4.843750e-01 : f32
      %sub3A_303 = vector.broadcast %sub3A_302 : f32 to vector<16xf32>
      %sub3A_304 = arith.subf %add3A_281, %sub3A_303 : vector<16xf32>
      %mul3A_305 = arith.constant 3.200000e+01 : f32
      %mul3A_306 = vector.broadcast %mul3A_305 : f32 to vector<16xf32>
      %mul3A_307 = arith.mulf %sub3A_304, %mul3A_306 : vector<16xf32>
      %jit3A_308 = arith.constant 0.000000e+00 : f32
      %jit3A_309 = arith.constant 3.100000e+01 : f32
      %max3A_310 = vector.broadcast %jit3A_308 : f32 to vector<16xf32>
      %max3A_311 = arith.maximumf %max3A_310, %mul3A_307 : vector<16xf32>
      %min3A_312 = vector.broadcast %jit3A_309 : f32 to vector<16xf32>
      %min3A_313 = arith.minimumf %min3A_312, %max3A_311 : vector<16xf32>
      %add3A_314 = arith.constant 5.000000e-01 : f32
      %add3A_315 = vector.broadcast %add3A_314 : f32 to vector<16xf32>
      %add3A_316 = arith.addf %min3A_289, %add3A_315 : vector<16xf32>
      %convert_element_type3A = arith.fptosi %add3A_316 : vector<16xf32> to vector<16xi32>
      %add3A_317 = arith.constant 5.000000e-01 : f32
      %add3A_318 = vector.broadcast %add3A_317 : f32 to vector<16xf32>
      %add3A_319 = arith.addf %min3A_301, %add3A_318 : vector<16xf32>
      %convert_element_type3A_320 = arith.fptosi %add3A_319 : vector<16xf32> to vector<16xi32>
      %add3A_321 = arith.constant 5.000000e-01 : f32
      %add3A_322 = vector.broadcast %add3A_321 : f32 to vector<16xf32>
      %add3A_323 = arith.addf %min3A_313, %add3A_322 : vector<16xf32>
      %convert_element_type3A_324 = arith.fptosi %add3A_323 : vector<16xf32> to vector<16xi32>
      %mul3A_325 = arith.constant 3072 : i32
      %mul3A_326 = vector.broadcast %mul3A_325 : i32 to vector<16xi32>
      %mul3A_327 = arith.muli %convert_element_type3A, %mul3A_326 : vector<16xi32>
      %mul3A_328 = arith.constant 96 : i32
      %mul3A_329 = vector.broadcast %mul3A_328 : i32 to vector<16xi32>
      %mul3A_330 = arith.muli %convert_element_type3A_320, %mul3A_329 : vector<16xi32>
      %add3A_331 = arith.addi %mul3A_327, %mul3A_330 : vector<16xi32>
      %mul3A_332 = arith.constant 3 : i32
      %mul3A_333 = vector.broadcast %mul3A_332 : i32 to vector<16xi32>
      %mul3A_334 = arith.muli %convert_element_type3A_324, %mul3A_333 : vector<16xi32>
      %add3A_335 = arith.addi %add3A_331, %mul3A_334 : vector<16xi32>
      %gather3A_336 = tpu.vector_load_idx %arg6[%add3A_335] : memref<98304xf32, #tpu.memory_space<vmem>>[vector<16xi32>], vector<16xf32>,
      %add3A_337 = arith.constant 1 : i32
      %add3A_338 = vector.broadcast %add3A_337 : i32 to vector<16xi32>
      %add3A_339 = arith.addi %add3A_335, %add3A_338 : vector<16xi32>
      %gather3A_340 = tpu.vector_load_idx %arg6[%add3A_339] : memref<98304xf32, #tpu.memory_space<vmem>>[vector<16xi32>], vector<16xf32>,
      %add3A_341 = arith.constant 2 : i32
      %add3A_342 = vector.broadcast %add3A_341 : i32 to vector<16xi32>
      %add3A_343 = arith.addi %add3A_335, %add3A_342 : vector<16xi32>
      %gather3A_344 = tpu.vector_load_idx %arg6[%add3A_343] : memref<98304xf32, #tpu.memory_space<vmem>>[vector<16xi32>], vector<16xf32>,
      %sub3A_345 = arith.subf %add3A_269, %gather3A_336 : vector<16xf32>
      %sub3A_346 = arith.subf %add3A_275, %gather3A_340 : vector<16xf32>
      %sub3A_347 = arith.subf %add3A_281, %gather3A_344 : vector<16xf32>
      %mul3A_348 = arith.mulf %sub3A_345, %sub3A_345 : vector<16xf32>
      %mul3A_349 = arith.mulf %sub3A_346, %sub3A_346 : vector<16xf32>
      %add3A_350 = arith.addf %mul3A_348, %mul3A_349 : vector<16xf32>
      %mul3A_351 = arith.mulf %sub3A_347, %sub3A_347 : vector<16xf32>
      %add3A_352 = arith.addf %add3A_350, %mul3A_351 : vector<16xf32>
      %lt3A = arith.constant 5.000000e+03 : f32
      %lt3A_353 = vector.broadcast %lt3A : f32 to vector<16xf32>
      %lt3A_354 = arith.cmpf olt, %gather3A_336, %lt3A_353 : vector<16xf32>
      %jit3A_355 = arith.constant 0.000000e+00 : f32
      %broadcast_in_dim3A_356 = vector.broadcast %jit3A_355 : f32 to vector<16xf32>
      %select_n3A = arith.select %lt3A_354, %add3A_352, %broadcast_in_dim3A_356 : vector<16xi1>, vector<16xf32>
      %add3A_357 = arith.addf %scan3A_245, %select_n3A : vector<16xf32>
      %mul3A_358 = arith.constant 4 : i32
      %mul3A_359 = arith.muli %scan3A_244, %mul3A_358 : i32
      %add3A_360 = arith.constant 1 : i32
      %add3A_361 = arith.addi %mul3A_359, %add3A_360 : i32
      %mul3A_362 = arith.constant 16 : i32
      %mul3A_363 = arith.muli %add3A_361, %mul3A_362 : i32
      %mul3A_364 = arith.constant 3 : i32
      %mul3A_365 = arith.muli %mul3A_363, %mul3A_364 : i32
      %add3A_366 = vector.broadcast %mul3A_365 : i32 to vector<16xi32>
      %add3A_367 = arith.addi %mul3A_17, %add3A_366 : vector<16xi32>
      %gather3A_368 = tpu.vector_load_idx %arg7[%add3A_367] : memref<24576xf32, #tpu.memory_space<vmem>>[vector<16xi32>], vector<16xf32>,
      %add3A_369 = arith.constant 1 : i32
      %add3A_370 = vector.broadcast %add3A_369 : i32 to vector<16xi32>
      %add3A_371 = arith.addi %add3A_367, %add3A_370 : vector<16xi32>
      %gather3A_372 = tpu.vector_load_idx %arg7[%add3A_371] : memref<24576xf32, #tpu.memory_space<vmem>>[vector<16xi32>], vector<16xf32>,
      %add3A_373 = arith.constant 2 : i32
      %add3A_374 = vector.broadcast %add3A_373 : i32 to vector<16xi32>
      %add3A_375 = arith.addi %add3A_367, %add3A_374 : vector<16xi32>
      %gather3A_376 = tpu.vector_load_idx %arg7[%add3A_375] : memref<24576xf32, #tpu.memory_space<vmem>>[vector<16xi32>], vector<16xf32>,
      %mul3A_377 = arith.mulf %get3A_209, %gather3A_368 : vector<16xf32>
      %mul3A_378 = arith.mulf %get3A_211, %gather3A_372 : vector<16xf32>
      %add3A_379 = arith.addf %mul3A_377, %mul3A_378 : vector<16xf32>
      %mul3A_380 = arith.mulf %get3A_213, %gather3A_376 : vector<16xf32>
      %add3A_381 = arith.addf %add3A_379, %mul3A_380 : vector<16xf32>
      %add3A_382 = arith.addf %add3A_381, %get3A_227 : vector<16xf32>
      %mul3A_383 = arith.mulf %get3A_215, %gather3A_368 : vector<16xf32>
      %mul3A_384 = arith.mulf %get3A_217, %gather3A_372 : vector<16xf32>
      %add3A_385 = arith.addf %mul3A_383, %mul3A_384 : vector<16xf32>
      %mul3A_386 = arith.mulf %get3A_219, %gather3A_376 : vector<16xf32>
      %add3A_387 = arith.addf %add3A_385, %mul3A_386 : vector<16xf32>
      %add3A_388 = arith.addf %add3A_387, %get3A_229 : vector<16xf32>
      %mul3A_389 = arith.mulf %get3A_221, %gather3A_368 : vector<16xf32>
      %mul3A_390 = arith.mulf %get3A_223, %gather3A_372 : vector<16xf32>
      %add3A_391 = arith.addf %mul3A_389, %mul3A_390 : vector<16xf32>
      %mul3A_392 = arith.mulf %get3A_225, %gather3A_376 : vector<16xf32>
      %add3A_393 = arith.addf %add3A_391, %mul3A_392 : vector<16xf32>
      %add3A_394 = arith.addf %add3A_393, %get3A_231 : vector<16xf32>
      %sub3A_395 = arith.constant -4.843750e-01 : f32
      %sub3A_396 = vector.broadcast %sub3A_395 : f32 to vector<16xf32>
      %sub3A_397 = arith.subf %add3A_382, %sub3A_396 : vector<16xf32>
      %mul3A_398 = arith.constant 3.200000e+01 : f32
      %mul3A_399 = vector.broadcast %mul3A_398 : f32 to vector<16xf32>
      %mul3A_400 = arith.mulf %sub3A_397, %mul3A_399 : vector<16xf32>
      %jit3A_401 = arith.constant 0.000000e+00 : f32
      %jit3A_402 = arith.constant 3.100000e+01 : f32
      %max3A_403 = vector.broadcast %jit3A_401 : f32 to vector<16xf32>
      %max3A_404 = arith.maximumf %max3A_403, %mul3A_400 : vector<16xf32>
      %min3A_405 = vector.broadcast %jit3A_402 : f32 to vector<16xf32>
      %min3A_406 = arith.minimumf %min3A_405, %max3A_404 : vector<16xf32>
      %sub3A_407 = arith.constant -4.843750e-01 : f32
      %sub3A_408 = vector.broadcast %sub3A_407 : f32 to vector<16xf32>
      %sub3A_409 = arith.subf %add3A_388, %sub3A_408 : vector<16xf32>
      %mul3A_410 = arith.constant 3.200000e+01 : f32
      %mul3A_411 = vector.broadcast %mul3A_410 : f32 to vector<16xf32>
      %mul3A_412 = arith.mulf %sub3A_409, %mul3A_411 : vector<16xf32>
      %jit3A_413 = arith.constant 0.000000e+00 : f32
      %jit3A_414 = arith.constant 3.100000e+01 : f32
      %max3A_415 = vector.broadcast %jit3A_413 : f32 to vector<16xf32>
      %max3A_416 = arith.maximumf %max3A_415, %mul3A_412 : vector<16xf32>
      %min3A_417 = vector.broadcast %jit3A_414 : f32 to vector<16xf32>
      %min3A_418 = arith.minimumf %min3A_417, %max3A_416 : vector<16xf32>
      %sub3A_419 = arith.constant -4.843750e-01 : f32
      %sub3A_420 = vector.broadcast %sub3A_419 : f32 to vector<16xf32>
      %sub3A_421 = arith.subf %add3A_394, %sub3A_420 : vector<16xf32>
      %mul3A_422 = arith.constant 3.200000e+01 : f32
      %mul3A_423 = vector.broadcast %mul3A_422 : f32 to vector<16xf32>
      %mul3A_424 = arith.mulf %sub3A_421, %mul3A_423 : vector<16xf32>
      %jit3A_425 = arith.constant 0.000000e+00 : f32
      %jit3A_426 = arith.constant 3.100000e+01 : f32
      %max3A_427 = vector.broadcast %jit3A_425 : f32 to vector<16xf32>
      %max3A_428 = arith.maximumf %max3A_427, %mul3A_424 : vector<16xf32>
      %min3A_429 = vector.broadcast %jit3A_426 : f32 to vector<16xf32>
      %min3A_430 = arith.minimumf %min3A_429, %max3A_428 : vector<16xf32>
      %add3A_431 = arith.constant 5.000000e-01 : f32
      %add3A_432 = vector.broadcast %add3A_431 : f32 to vector<16xf32>
      %add3A_433 = arith.addf %min3A_406, %add3A_432 : vector<16xf32>
      %convert_element_type3A_434 = arith.fptosi %add3A_433 : vector<16xf32> to vector<16xi32>
      %add3A_435 = arith.constant 5.000000e-01 : f32
      %add3A_436 = vector.broadcast %add3A_435 : f32 to vector<16xf32>
      %add3A_437 = arith.addf %min3A_418, %add3A_436 : vector<16xf32>
      %convert_element_type3A_438 = arith.fptosi %add3A_437 : vector<16xf32> to vector<16xi32>
      %add3A_439 = arith.constant 5.000000e-01 : f32
      %add3A_440 = vector.broadcast %add3A_439 : f32 to vector<16xf32>
      %add3A_441 = arith.addf %min3A_430, %add3A_440 : vector<16xf32>
      %convert_element_type3A_442 = arith.fptosi %add3A_441 : vector<16xf32> to vector<16xi32>
      %mul3A_443 = arith.constant 3072 : i32
      %mul3A_444 = vector.broadcast %mul3A_443 : i32 to vector<16xi32>
      %mul3A_445 = arith.muli %convert_element_type3A_434, %mul3A_444 : vector<16xi32>
      %mul3A_446 = arith.constant 96 : i32
      %mul3A_447 = vector.broadcast %mul3A_446 : i32 to vector<16xi32>
      %mul3A_448 = arith.muli %convert_element_type3A_438, %mul3A_447 : vector<16xi32>
      %add3A_449 = arith.addi %mul3A_445, %mul3A_448 : vector<16xi32>
      %mul3A_450 = arith.constant 3 : i32
      %mul3A_451 = vector.broadcast %mul3A_450 : i32 to vector<16xi32>
      %mul3A_452 = arith.muli %convert_element_type3A_442, %mul3A_451 : vector<16xi32>
      %add3A_453 = arith.addi %add3A_449, %mul3A_452 : vector<16xi32>
      %gather3A_454 = tpu.vector_load_idx %arg6[%add3A_453] : memref<98304xf32, #tpu.memory_space<vmem>>[vector<16xi32>], vector<16xf32>,
      %add3A_455 = arith.constant 1 : i32
      %add3A_456 = vector.broadcast %add3A_455 : i32 to vector<16xi32>
      %add3A_457 = arith.addi %add3A_453, %add3A_456 : vector<16xi32>
      %gather3A_458 = tpu.vector_load_idx %arg6[%add3A_457] : memref<98304xf32, #tpu.memory_space<vmem>>[vector<16xi32>], vector<16xf32>,
      %add3A_459 = arith.constant 2 : i32
      %add3A_460 = vector.broadcast %add3A_459 : i32 to vector<16xi32>
      %add3A_461 = arith.addi %add3A_453, %add3A_460 : vector<16xi32>
      %gather3A_462 = tpu.vector_load_idx %arg6[%add3A_461] : memref<98304xf32, #tpu.memory_space<vmem>>[vector<16xi32>], vector<16xf32>,
      %sub3A_463 = arith.subf %add3A_382, %gather3A_454 : vector<16xf32>
      %sub3A_464 = arith.subf %add3A_388, %gather3A_458 : vector<16xf32>
      %sub3A_465 = arith.subf %add3A_394, %gather3A_462 : vector<16xf32>
      %mul3A_466 = arith.mulf %sub3A_463, %sub3A_463 : vector<16xf32>
      %mul3A_467 = arith.mulf %sub3A_464, %sub3A_464 : vector<16xf32>
      %add3A_468 = arith.addf %mul3A_466, %mul3A_467 : vector<16xf32>
      %mul3A_469 = arith.mulf %sub3A_465, %sub3A_465 : vector<16xf32>
      %add3A_470 = arith.addf %add3A_468, %mul3A_469 : vector<16xf32>
      %lt3A_471 = arith.constant 5.000000e+03 : f32
      %lt3A_472 = vector.broadcast %lt3A_471 : f32 to vector<16xf32>
      %lt3A_473 = arith.cmpf olt, %gather3A_454, %lt3A_472 : vector<16xf32>
      %jit3A_474 = arith.constant 0.000000e+00 : f32
      %broadcast_in_dim3A_475 = vector.broadcast %jit3A_474 : f32 to vector<16xf32>
      %select_n3A_476 = arith.select %lt3A_473, %add3A_470, %broadcast_in_dim3A_475 : vector<16xi1>, vector<16xf32>
      %add3A_477 = arith.addf %add3A_357, %select_n3A_476 : vector<16xf32>
      %mul3A_478 = arith.constant 4 : i32
      %mul3A_479 = arith.muli %scan3A_244, %mul3A_478 : i32
      %add3A_480 = arith.constant 2 : i32
      %add3A_481 = arith.addi %mul3A_479, %add3A_480 : i32
      %mul3A_482 = arith.constant 16 : i32
      %mul3A_483 = arith.muli %add3A_481, %mul3A_482 : i32
      %mul3A_484 = arith.constant 3 : i32
      %mul3A_485 = arith.muli %mul3A_483, %mul3A_484 : i32
      %add3A_486 = vector.broadcast %mul3A_485 : i32 to vector<16xi32>
      %add3A_487 = arith.addi %mul3A_17, %add3A_486 : vector<16xi32>
      %gather3A_488 = tpu.vector_load_idx %arg7[%add3A_487] : memref<24576xf32, #tpu.memory_space<vmem>>[vector<16xi32>], vector<16xf32>,
      %add3A_489 = arith.constant 1 : i32
      %add3A_490 = vector.broadcast %add3A_489 : i32 to vector<16xi32>
      %add3A_491 = arith.addi %add3A_487, %add3A_490 : vector<16xi32>
      %gather3A_492 = tpu.vector_load_idx %arg7[%add3A_491] : memref<24576xf32, #tpu.memory_space<vmem>>[vector<16xi32>], vector<16xf32>,
      %add3A_493 = arith.constant 2 : i32
      %add3A_494 = vector.broadcast %add3A_493 : i32 to vector<16xi32>
      %add3A_495 = arith.addi %add3A_487, %add3A_494 : vector<16xi32>
      %gather3A_496 = tpu.vector_load_idx %arg7[%add3A_495] : memref<24576xf32, #tpu.memory_space<vmem>>[vector<16xi32>], vector<16xf32>,
      %mul3A_497 = arith.mulf %get3A_209, %gather3A_488 : vector<16xf32>
      %mul3A_498 = arith.mulf %get3A_211, %gather3A_492 : vector<16xf32>
      %add3A_499 = arith.addf %mul3A_497, %mul3A_498 : vector<16xf32>
      %mul3A_500 = arith.mulf %get3A_213, %gather3A_496 : vector<16xf32>
      %add3A_501 = arith.addf %add3A_499, %mul3A_500 : vector<16xf32>
      %add3A_502 = arith.addf %add3A_501, %get3A_227 : vector<16xf32>
      %mul3A_503 = arith.mulf %get3A_215, %gather3A_488 : vector<16xf32>
      %mul3A_504 = arith.mulf %get3A_217, %gather3A_492 : vector<16xf32>
      %add3A_505 = arith.addf %mul3A_503, %mul3A_504 : vector<16xf32>
      %mul3A_506 = arith.mulf %get3A_219, %gather3A_496 : vector<16xf32>
      %add3A_507 = arith.addf %add3A_505, %mul3A_506 : vector<16xf32>
      %add3A_508 = arith.addf %add3A_507, %get3A_229 : vector<16xf32>
      %mul3A_509 = arith.mulf %get3A_221, %gather3A_488 : vector<16xf32>
      %mul3A_510 = arith.mulf %get3A_223, %gather3A_492 : vector<16xf32>
      %add3A_511 = arith.addf %mul3A_509, %mul3A_510 : vector<16xf32>
      %mul3A_512 = arith.mulf %get3A_225, %gather3A_496 : vector<16xf32>
      %add3A_513 = arith.addf %add3A_511, %mul3A_512 : vector<16xf32>
      %add3A_514 = arith.addf %add3A_513, %get3A_231 : vector<16xf32>
      %sub3A_515 = arith.constant -4.843750e-01 : f32
      %sub3A_516 = vector.broadcast %sub3A_515 : f32 to vector<16xf32>
      %sub3A_517 = arith.subf %add3A_502, %sub3A_516 : vector<16xf32>
      %mul3A_518 = arith.constant 3.200000e+01 : f32
      %mul3A_519 = vector.broadcast %mul3A_518 : f32 to vector<16xf32>
      %mul3A_520 = arith.mulf %sub3A_517, %mul3A_519 : vector<16xf32>
      %jit3A_521 = arith.constant 0.000000e+00 : f32
      %jit3A_522 = arith.constant 3.100000e+01 : f32
      %max3A_523 = vector.broadcast %jit3A_521 : f32 to vector<16xf32>
      %max3A_524 = arith.maximumf %max3A_523, %mul3A_520 : vector<16xf32>
      %min3A_525 = vector.broadcast %jit3A_522 : f32 to vector<16xf32>
      %min3A_526 = arith.minimumf %min3A_525, %max3A_524 : vector<16xf32>
      %sub3A_527 = arith.constant -4.843750e-01 : f32
      %sub3A_528 = vector.broadcast %sub3A_527 : f32 to vector<16xf32>
      %sub3A_529 = arith.subf %add3A_508, %sub3A_528 : vector<16xf32>
      %mul3A_530 = arith.constant 3.200000e+01 : f32
      %mul3A_531 = vector.broadcast %mul3A_530 : f32 to vector<16xf32>
      %mul3A_532 = arith.mulf %sub3A_529, %mul3A_531 : vector<16xf32>
      %jit3A_533 = arith.constant 0.000000e+00 : f32
      %jit3A_534 = arith.constant 3.100000e+01 : f32
      %max3A_535 = vector.broadcast %jit3A_533 : f32 to vector<16xf32>
      %max3A_536 = arith.maximumf %max3A_535, %mul3A_532 : vector<16xf32>
      %min3A_537 = vector.broadcast %jit3A_534 : f32 to vector<16xf32>
      %min3A_538 = arith.minimumf %min3A_537, %max3A_536 : vector<16xf32>
      %sub3A_539 = arith.constant -4.843750e-01 : f32
      %sub3A_540 = vector.broadcast %sub3A_539 : f32 to vector<16xf32>
      %sub3A_541 = arith.subf %add3A_514, %sub3A_540 : vector<16xf32>
      %mul3A_542 = arith.constant 3.200000e+01 : f32
      %mul3A_543 = vector.broadcast %mul3A_542 : f32 to vector<16xf32>
      %mul3A_544 = arith.mulf %sub3A_541, %mul3A_543 : vector<16xf32>
      %jit3A_545 = arith.constant 0.000000e+00 : f32
      %jit3A_546 = arith.constant 3.100000e+01 : f32
      %max3A_547 = vector.broadcast %jit3A_545 : f32 to vector<16xf32>
      %max3A_548 = arith.maximumf %max3A_547, %mul3A_544 : vector<16xf32>
      %min3A_549 = vector.broadcast %jit3A_546 : f32 to vector<16xf32>
      %min3A_550 = arith.minimumf %min3A_549, %max3A_548 : vector<16xf32>
      %add3A_551 = arith.constant 5.000000e-01 : f32
      %add3A_552 = vector.broadcast %add3A_551 : f32 to vector<16xf32>
      %add3A_553 = arith.addf %min3A_526, %add3A_552 : vector<16xf32>
      %convert_element_type3A_554 = arith.fptosi %add3A_553 : vector<16xf32> to vector<16xi32>
      %add3A_555 = arith.constant 5.000000e-01 : f32
      %add3A_556 = vector.broadcast %add3A_555 : f32 to vector<16xf32>
      %add3A_557 = arith.addf %min3A_538, %add3A_556 : vector<16xf32>
      %convert_element_type3A_558 = arith.fptosi %add3A_557 : vector<16xf32> to vector<16xi32>
      %add3A_559 = arith.constant 5.000000e-01 : f32
      %add3A_560 = vector.broadcast %add3A_559 : f32 to vector<16xf32>
      %add3A_561 = arith.addf %min3A_550, %add3A_560 : vector<16xf32>
      %convert_element_type3A_562 = arith.fptosi %add3A_561 : vector<16xf32> to vector<16xi32>
      %mul3A_563 = arith.constant 3072 : i32
      %mul3A_564 = vector.broadcast %mul3A_563 : i32 to vector<16xi32>
      %mul3A_565 = arith.muli %convert_element_type3A_554, %mul3A_564 : vector<16xi32>
      %mul3A_566 = arith.constant 96 : i32
      %mul3A_567 = vector.broadcast %mul3A_566 : i32 to vector<16xi32>
      %mul3A_568 = arith.muli %convert_element_type3A_558, %mul3A_567 : vector<16xi32>
      %add3A_569 = arith.addi %mul3A_565, %mul3A_568 : vector<16xi32>
      %mul3A_570 = arith.constant 3 : i32
      %mul3A_571 = vector.broadcast %mul3A_570 : i32 to vector<16xi32>
      %mul3A_572 = arith.muli %convert_element_type3A_562, %mul3A_571 : vector<16xi32>
      %add3A_573 = arith.addi %add3A_569, %mul3A_572 : vector<16xi32>
      %gather3A_574 = tpu.vector_load_idx %arg6[%add3A_573] : memref<98304xf32, #tpu.memory_space<vmem>>[vector<16xi32>], vector<16xf32>,
      %add3A_575 = arith.constant 1 : i32
      %add3A_576 = vector.broadcast %add3A_575 : i32 to vector<16xi32>
      %add3A_577 = arith.addi %add3A_573, %add3A_576 : vector<16xi32>
      %gather3A_578 = tpu.vector_load_idx %arg6[%add3A_577] : memref<98304xf32, #tpu.memory_space<vmem>>[vector<16xi32>], vector<16xf32>,
      %add3A_579 = arith.constant 2 : i32
      %add3A_580 = vector.broadcast %add3A_579 : i32 to vector<16xi32>
      %add3A_581 = arith.addi %add3A_573, %add3A_580 : vector<16xi32>
      %gather3A_582 = tpu.vector_load_idx %arg6[%add3A_581] : memref<98304xf32, #tpu.memory_space<vmem>>[vector<16xi32>], vector<16xf32>,
      %sub3A_583 = arith.subf %add3A_502, %gather3A_574 : vector<16xf32>
      %sub3A_584 = arith.subf %add3A_508, %gather3A_578 : vector<16xf32>
      %sub3A_585 = arith.subf %add3A_514, %gather3A_582 : vector<16xf32>
      %mul3A_586 = arith.mulf %sub3A_583, %sub3A_583 : vector<16xf32>
      %mul3A_587 = arith.mulf %sub3A_584, %sub3A_584 : vector<16xf32>
      %add3A_588 = arith.addf %mul3A_586, %mul3A_587 : vector<16xf32>
      %mul3A_589 = arith.mulf %sub3A_585, %sub3A_585 : vector<16xf32>
      %add3A_590 = arith.addf %add3A_588, %mul3A_589 : vector<16xf32>
      %lt3A_591 = arith.constant 5.000000e+03 : f32
      %lt3A_592 = vector.broadcast %lt3A_591 : f32 to vector<16xf32>
      %lt3A_593 = arith.cmpf olt, %gather3A_574, %lt3A_592 : vector<16xf32>
      %jit3A_594 = arith.constant 0.000000e+00 : f32
      %broadcast_in_dim3A_595 = vector.broadcast %jit3A_594 : f32 to vector<16xf32>
      %select_n3A_596 = arith.select %lt3A_593, %add3A_590, %broadcast_in_dim3A_595 : vector<16xi1>, vector<16xf32>
      %add3A_597 = arith.addf %add3A_477, %select_n3A_596 : vector<16xf32>
      %mul3A_598 = arith.constant 4 : i32
      %mul3A_599 = arith.muli %scan3A_244, %mul3A_598 : i32
      %add3A_600 = arith.constant 3 : i32
      %add3A_601 = arith.addi %mul3A_599, %add3A_600 : i32
      %mul3A_602 = arith.constant 16 : i32
      %mul3A_603 = arith.muli %add3A_601, %mul3A_602 : i32
      %mul3A_604 = arith.constant 3 : i32
      %mul3A_605 = arith.muli %mul3A_603, %mul3A_604 : i32
      %add3A_606 = vector.broadcast %mul3A_605 : i32 to vector<16xi32>
      %add3A_607 = arith.addi %mul3A_17, %add3A_606 : vector<16xi32>
      %gather3A_608 = tpu.vector_load_idx %arg7[%add3A_607] : memref<24576xf32, #tpu.memory_space<vmem>>[vector<16xi32>], vector<16xf32>,
      %add3A_609 = arith.constant 1 : i32
      %add3A_610 = vector.broadcast %add3A_609 : i32 to vector<16xi32>
      %add3A_611 = arith.addi %add3A_607, %add3A_610 : vector<16xi32>
      %gather3A_612 = tpu.vector_load_idx %arg7[%add3A_611] : memref<24576xf32, #tpu.memory_space<vmem>>[vector<16xi32>], vector<16xf32>,
      %add3A_613 = arith.constant 2 : i32
      %add3A_614 = vector.broadcast %add3A_613 : i32 to vector<16xi32>
      %add3A_615 = arith.addi %add3A_607, %add3A_614 : vector<16xi32>
      %gather3A_616 = tpu.vector_load_idx %arg7[%add3A_615] : memref<24576xf32, #tpu.memory_space<vmem>>[vector<16xi32>], vector<16xf32>,
      %mul3A_617 = arith.mulf %get3A_209, %gather3A_608 : vector<16xf32>
      %mul3A_618 = arith.mulf %get3A_211, %gather3A_612 : vector<16xf32>
      %add3A_619 = arith.addf %mul3A_617, %mul3A_618 : vector<16xf32>
      %mul3A_620 = arith.mulf %get3A_213, %gather3A_616 : vector<16xf32>
      %add3A_621 = arith.addf %add3A_619, %mul3A_620 : vector<16xf32>
      %add3A_622 = arith.addf %add3A_621, %get3A_227 : vector<16xf32>
      %mul3A_623 = arith.mulf %get3A_215, %gather3A_608 : vector<16xf32>
      %mul3A_624 = arith.mulf %get3A_217, %gather3A_612 : vector<16xf32>
      %add3A_625 = arith.addf %mul3A_623, %mul3A_624 : vector<16xf32>
      %mul3A_626 = arith.mulf %get3A_219, %gather3A_616 : vector<16xf32>
      %add3A_627 = arith.addf %add3A_625, %mul3A_626 : vector<16xf32>
      %add3A_628 = arith.addf %add3A_627, %get3A_229 : vector<16xf32>
      %mul3A_629 = arith.mulf %get3A_221, %gather3A_608 : vector<16xf32>
      %mul3A_630 = arith.mulf %get3A_223, %gather3A_612 : vector<16xf32>
      %add3A_631 = arith.addf %mul3A_629, %mul3A_630 : vector<16xf32>
      %mul3A_632 = arith.mulf %get3A_225, %gather3A_616 : vector<16xf32>
      %add3A_633 = arith.addf %add3A_631, %mul3A_632 : vector<16xf32>
      %add3A_634 = arith.addf %add3A_633, %get3A_231 : vector<16xf32>
      %sub3A_635 = arith.constant -4.843750e-01 : f32
      %sub3A_636 = vector.broadcast %sub3A_635 : f32 to vector<16xf32>
      %sub3A_637 = arith.subf %add3A_622, %sub3A_636 : vector<16xf32>
      %mul3A_638 = arith.constant 3.200000e+01 : f32
      %mul3A_639 = vector.broadcast %mul3A_638 : f32 to vector<16xf32>
      %mul3A_640 = arith.mulf %sub3A_637, %mul3A_639 : vector<16xf32>
      %jit3A_641 = arith.constant 0.000000e+00 : f32
      %jit3A_642 = arith.constant 3.100000e+01 : f32
      %max3A_643 = vector.broadcast %jit3A_641 : f32 to vector<16xf32>
      %max3A_644 = arith.maximumf %max3A_643, %mul3A_640 : vector<16xf32>
      %min3A_645 = vector.broadcast %jit3A_642 : f32 to vector<16xf32>
      %min3A_646 = arith.minimumf %min3A_645, %max3A_644 : vector<16xf32>
      %sub3A_647 = arith.constant -4.843750e-01 : f32
      %sub3A_648 = vector.broadcast %sub3A_647 : f32 to vector<16xf32>
      %sub3A_649 = arith.subf %add3A_628, %sub3A_648 : vector<16xf32>
      %mul3A_650 = arith.constant 3.200000e+01 : f32
      %mul3A_651 = vector.broadcast %mul3A_650 : f32 to vector<16xf32>
      %mul3A_652 = arith.mulf %sub3A_649, %mul3A_651 : vector<16xf32>
      %jit3A_653 = arith.constant 0.000000e+00 : f32
      %jit3A_654 = arith.constant 3.100000e+01 : f32
      %max3A_655 = vector.broadcast %jit3A_653 : f32 to vector<16xf32>
      %max3A_656 = arith.maximumf %max3A_655, %mul3A_652 : vector<16xf32>
      %min3A_657 = vector.broadcast %jit3A_654 : f32 to vector<16xf32>
      %min3A_658 = arith.minimumf %min3A_657, %max3A_656 : vector<16xf32>
      %sub3A_659 = arith.constant -4.843750e-01 : f32
      %sub3A_660 = vector.broadcast %sub3A_659 : f32 to vector<16xf32>
      %sub3A_661 = arith.subf %add3A_634, %sub3A_660 : vector<16xf32>
      %mul3A_662 = arith.constant 3.200000e+01 : f32
      %mul3A_663 = vector.broadcast %mul3A_662 : f32 to vector<16xf32>
      %mul3A_664 = arith.mulf %sub3A_661, %mul3A_663 : vector<16xf32>
      %jit3A_665 = arith.constant 0.000000e+00 : f32
      %jit3A_666 = arith.constant 3.100000e+01 : f32
      %max3A_667 = vector.broadcast %jit3A_665 : f32 to vector<16xf32>
      %max3A_668 = arith.maximumf %max3A_667, %mul3A_664 : vector<16xf32>
      %min3A_669 = vector.broadcast %jit3A_666 : f32 to vector<16xf32>
      %min3A_670 = arith.minimumf %min3A_669, %max3A_668 : vector<16xf32>
      %add3A_671 = arith.constant 5.000000e-01 : f32
      %add3A_672 = vector.broadcast %add3A_671 : f32 to vector<16xf32>
      %add3A_673 = arith.addf %min3A_646, %add3A_672 : vector<16xf32>
      %convert_element_type3A_674 = arith.fptosi %add3A_673 : vector<16xf32> to vector<16xi32>
      %add3A_675 = arith.constant 5.000000e-01 : f32
      %add3A_676 = vector.broadcast %add3A_675 : f32 to vector<16xf32>
      %add3A_677 = arith.addf %min3A_658, %add3A_676 : vector<16xf32>
      %convert_element_type3A_678 = arith.fptosi %add3A_677 : vector<16xf32> to vector<16xi32>
      %add3A_679 = arith.constant 5.000000e-01 : f32
      %add3A_680 = vector.broadcast %add3A_679 : f32 to vector<16xf32>
      %add3A_681 = arith.addf %min3A_670, %add3A_680 : vector<16xf32>
      %convert_element_type3A_682 = arith.fptosi %add3A_681 : vector<16xf32> to vector<16xi32>
      %mul3A_683 = arith.constant 3072 : i32
      %mul3A_684 = vector.broadcast %mul3A_683 : i32 to vector<16xi32>
      %mul3A_685 = arith.muli %convert_element_type3A_674, %mul3A_684 : vector<16xi32>
      %mul3A_686 = arith.constant 96 : i32
      %mul3A_687 = vector.broadcast %mul3A_686 : i32 to vector<16xi32>
      %mul3A_688 = arith.muli %convert_element_type3A_678, %mul3A_687 : vector<16xi32>
      %add3A_689 = arith.addi %mul3A_685, %mul3A_688 : vector<16xi32>
      %mul3A_690 = arith.constant 3 : i32
      %mul3A_691 = vector.broadcast %mul3A_690 : i32 to vector<16xi32>
      %mul3A_692 = arith.muli %convert_element_type3A_682, %mul3A_691 : vector<16xi32>
      %add3A_693 = arith.addi %add3A_689, %mul3A_692 : vector<16xi32>
      %gather3A_694 = tpu.vector_load_idx %arg6[%add3A_693] : memref<98304xf32, #tpu.memory_space<vmem>>[vector<16xi32>], vector<16xf32>,
      %add3A_695 = arith.constant 1 : i32
      %add3A_696 = vector.broadcast %add3A_695 : i32 to vector<16xi32>
      %add3A_697 = arith.addi %add3A_693, %add3A_696 : vector<16xi32>
      %gather3A_698 = tpu.vector_load_idx %arg6[%add3A_697] : memref<98304xf32, #tpu.memory_space<vmem>>[vector<16xi32>], vector<16xf32>,
      %add3A_699 = arith.constant 2 : i32
      %add3A_700 = vector.broadcast %add3A_699 : i32 to vector<16xi32>
      %add3A_701 = arith.addi %add3A_693, %add3A_700 : vector<16xi32>
      %gather3A_702 = tpu.vector_load_idx %arg6[%add3A_701] : memref<98304xf32, #tpu.memory_space<vmem>>[vector<16xi32>], vector<16xf32>,
      %sub3A_703 = arith.subf %add3A_622, %gather3A_694 : vector<16xf32>
      %sub3A_704 = arith.subf %add3A_628, %gather3A_698 : vector<16xf32>
      %sub3A_705 = arith.subf %add3A_634, %gather3A_702 : vector<16xf32>
      %mul3A_706 = arith.mulf %sub3A_703, %sub3A_703 : vector<16xf32>
      %mul3A_707 = arith.mulf %sub3A_704, %sub3A_704 : vector<16xf32>
      %add3A_708 = arith.addf %mul3A_706, %mul3A_707 : vector<16xf32>
      %mul3A_709 = arith.mulf %sub3A_705, %sub3A_705 : vector<16xf32>
      %add3A_710 = arith.addf %add3A_708, %mul3A_709 : vector<16xf32>
      %lt3A_711 = arith.constant 5.000000e+03 : f32
      %lt3A_712 = vector.broadcast %lt3A_711 : f32 to vector<16xf32>
      %lt3A_713 = arith.cmpf olt, %gather3A_694, %lt3A_712 : vector<16xf32>
      %jit3A_714 = arith.constant 0.000000e+00 : f32
      %broadcast_in_dim3A_715 = vector.broadcast %jit3A_714 : f32 to vector<16xf32>
      %select_n3A_716 = arith.select %lt3A_713, %add3A_710, %broadcast_in_dim3A_715 : vector<16xi1>, vector<16xf32>
      %add3A_717 = arith.addf %add3A_597, %select_n3A_716 : vector<16xf32>
      scf.yield %add3A_717 : vector<16xf32>
    }
    %scan3A_237 = arith.constant 128 : i32
    %swap3A_238 = arith.constant 16 : index
    %swap3A_239 = tpu.vector_load %arg9[%swap3A_238] {strides = array<i32>} : memref<32xf32, #tpu.memory_space<vmem>>, vector<16xf32>,
    tpu.vector_store %arg9[%swap3A_238], %scan3A_236 {add = true, strides = array<i32>} : memref<32xf32, #tpu.memory_space<vmem>>, vector<16xf32>,
    %mul3A_240 = arith.constant 2 : i32
    %mul3A_241 = arith.muli %add3A, %mul3A_240 : i32
    %mul3A_242 = arith.constant 16 : i32
    %mul3A_243 = arith.muli %mul3A_241, %mul3A_242 : i32
    "tpu.region"() ({
      %run_scoped3A = tpu.sem_alloc : memref<!tpu.dma_semaphore, #tpu.memory_space<semaphore_mem>>
      %dma_start3A_244 = tpu.memref_slice %arg5[%mul3A_243] : memref<1024xf32, #tpu.memory_space<hbm>> -> memref<32xf32, #tpu.memory_space<hbm>>
      %dma_start3A_245 = tpu.memref_slice %arg5[%mul3A_243] : memref<1024xf32, #tpu.memory_space<hbm>> -> memref<32xf32, #tpu.memory_space<hbm>>
      tpu.enqueue_dma source(%arg9 : memref<32xf32, #tpu.memory_space<vmem>>) target(%dma_start3A_245 : memref<32xf32, #tpu.memory_space<hbm>>) target_semaphore(%run_scoped3A : memref<!tpu.dma_semaphore, #tpu.memory_space<semaphore_mem>>)
      %dma_wait3A_246 = tpu.memref_slice %arg5[%mul3A_243] : memref<1024xf32, #tpu.memory_space<hbm>> -> memref<32xf32, #tpu.memory_space<hbm>>
      %dma_wait3A_247 = tpu.memref_slice %arg5[%mul3A_243] : memref<1024xf32, #tpu.memory_space<hbm>> -> memref<32xf32, #tpu.memory_space<hbm>>
      tpu.wait_dma2 semaphore(%run_scoped3A : memref<!tpu.dma_semaphore, #tpu.memory_space<semaphore_mem>>) src(%arg9 : memref<32xf32, #tpu.memory_space<vmem>>) dst(%dma_wait3A_247 : memref<32xf32, #tpu.memory_space<hbm>>)
      tpu.yield
    }) : () -> ()
    return
  }
}

</mosaic_0001>

<sc_bundles>
// kernel: kernel.3.cloned.1.call-start
scs
__scs_entry_jumppad:
0x0: {  	(pc) =	sbr.rel $0x88, $3  }
0x1: {  	(tag) =	ssettag $0x0;
	lr =	simm.s32 $0x1  }
0x2: {  	[smem:$0x3F9C] =	sst lr;
	_ =	strace $0xD0000000  }
0x3: {  	_ = 	snop  }
0x4: {  	_ = 	snop  }
0x5: {  	_ = 	snop  }
0x6: {  	_ = 	snop  }
0x7: {  	_ = 	snop  }
__scs_overlays_trampoline_lowered:
0x8: {  	[smem:$0x3FAB] =	sst s0  }
0x9: {  	[smem:$0x3FAC] =	sst s1  }
0xa: {  	[smem:$0x3FAD] =	sst s2  }
0xb: {  	[smem:$0x3FAE] =	sst s3  }
0xc: {  	[smem:$0x3FAF] =	sst s4  }
0xd: {  	[smem:$0x3FB0] =	sst s5  }
0xe: {  	[smem:$0x3FB1] =	sst s6  }
0xf: {  	[smem:$0x3FB2] =	sst s7  }
0x10: {  	[smem:$0x3FB3] =	sst s8  }
0x11: {  	[smem:$0x3FB4] =	sst s9;
	s0 =	simm.s32 @!p0 $0x0  }
0x12: {  	s1 =	sld [smem:$0x3F9A];
	s0 =	simm.s32 @p0 $0x1  }
0x13: {  	[smem:$0x3FB5] =	sst s0;
	s0 =	simm.s32 @!p1 $0x0  }
0x14: {  	s2 =	sld [smem:$0x3F99];
	s0 =	simm.s32 @p1 $0x1  }
0x15: {  	[smem:$0x3FB6] =	sst s0;
	s0 =	simm.s32 @!p2 $0x0  }
0x16: {  	s3 =	sld [smem:$0x3FDB];
	s0 =	simm.s32 @p2 $0x1  }
0x17: {  	s4 =	simm.s32 $0x1BF5;
	[smem:$0x3FB8] =	sst s0  }
0x18: {  	s0 =	sld [smem:$0x3F9B];
	_ =	swait.ge [sflag:s4], $0x0  }
0x19: {  	s7 =	sld [smem:$0x3F9C]  }
0x1a: {  	s8 =	sadd.s32 $0xFFFFE003, lr  }
0x1b: {  	s9 =	sadd.s32 $0xFFFFFEF7, lr;
	s5 =	simm.s32 $0xFFFFFFFF;
	p2 =	slt.u32 s8, $0xFFFFF086  }
0x1c: {  	p1 =	slt.u32 s9, $0xF7A;
	s5 =	simm.s32 @!p2 $0x0  }
0x1d: {  	s5 =	simm.s32 @p1 $0x1;
	p0 =	seq.s32 s7, s2  }
0x1e: {  	s7 =	smul.u32 @!p0 $0xF7A, s2;
	p2 =	seq.s32 @!p0 s5, $0x0  }
0x1f: {  	s9 =	smul.u32 $0xF7A, s1;
	s8 =	simm.s32 @!p0 $0x1BF5;
	p2 =	por !p2, p0  }
0x20: {  	[sflag:s8] =	ssyncset.s32 @!p0 $0xFFFFF086;
	s6 =	sadd.s32 @!p0 s3, s7;
	s7 =	simm.s32 @!p0 $0x108  }
0x21: {  	s3 =	sadd.s32 s3, s9;
	s6 =	sadd.s32 @!p0 $0x88, s6;
	s7 =	simm.s32 @p2 $0x1082  }
0x22: {  	[simem:s7], [sflag:s8] =	dma.local @!p0 [hbm:s6], $0xF7A  }
0x23: {  	s9 =	sor.u32 $0xD0000000, s2;
	s6 =	simm.s32 $0x108;
	_ =	swait.ge @!p0 [sflag:s8], $0x0  }
0x24: {  	s3 =	sadd.s32 $0x88, s3;
	s6 =	simm.s32 @!p1 $0x1082;
	[sflag:s4] =	ssyncset.s32 $0xFFFFF086  }
0x25: {  	[simem:s6], [sflag:s4] =	dma.local [hbm:s3], $0xF7A  }
0x26: {  	[smem:$0x3F9C] =	sst s1;
	(tag) =	ssettag s2;
	_ =	strace s9  }
0x27: {  	s1 =	sld [smem:$0x3FAC]  }
0x28: {  	s2 =	sld [smem:$0x3FAD]  }
0x29: {  	s4 =	sld [smem:$0x3FAF]  }
0x2a: {  	p0 =	seq.s32 s5, $0x0;
	s5 =	sld [smem:$0x3FB0]  }
0x2b: {  	s6 =	sld [smem:$0x3FB1]  }
0x2c: {  	s7 =	sld [smem:$0x3FB2]  }
0x2d: {  	s3 =	simm.s32 $0x108;
	s8 =	sld [smem:$0x3FB3]  }
0x2e: {  	s3 =	simm.s32 @!p0 $0x1082;
	s9 =	sld [smem:$0x3FB4]  }
0x2f: {  	lr =	sadd.s32 s0, s3;
	s0 =	sld [smem:$0x3FAB]  }
0x30: {  	s3 =	sld [smem:$0x3FAE]  }
0x31: {  	[smem:$0x3FB7] =	sst s10  }
0x32: {  	s10 =	sld [smem:$0x3FB5];
	_ =	sdelay $0x3  }
0x33: {  	p0 =	seq.s32 s10, $0x1;
	s10 =	sld [smem:$0x3FB7];
	_ =	sdelay $0x3  }
0x34: {  	[smem:$0x3FB7] =	sst s10  }
0x35: {  	s10 =	sld [smem:$0x3FB6];
	_ =	sdelay $0x3  }
0x36: {  	p1 =	seq.s32 s10, $0x1;
	s10 =	sld [smem:$0x3FB7];
	_ =	sdelay $0x3  }
0x37: {  	[smem:$0x3FB7] =	sst s10  }
0x38: {  	s10 =	sld [smem:$0x3FB8]  }
0x39: {  	_ = 	snop;
	(pc) =	sbr.ind lr, $3  }
0x3a: {  	_ = 	snop  }
0x3b: {  	_ = 	snop  }
0x3c: {  	p2 =	seq.s32 s10, $0x1;
	s10 =	sld [smem:$0x3FB7]  }
0x3d: {  	_ =	shalt  }
0x3e: {  	_ =	shalt  }
0x3f: {  	_ =	shalt  }
0x40: {  	_ =	shalt  }
0x41: {  	_ =	shalt  }
0x42: {  	_ =	shalt  }
0x43: {  	_ =	shalt  }
0x44: {  	_ =	shalt  }
0x45: {  	_ =	shalt  }
0x46: {  	_ =	shalt  }
0x47: {  	_ =	shalt  }
0x48: {  	_ =	shalt  }
0x49: {  	_ =	shalt  }
0x4a: {  	_ =	shalt  }
0x4b: {  	_ =	shalt  }
0x4c: {  	_ =	shalt  }
0x4d: {  	_ =	shalt  }
0x4e: {  	_ =	shalt  }
0x4f: {  	_ =	shalt  }
0x50: {  	_ =	shalt  }
0x51: {  	_ =	shalt  }
0x52: {  	_ =	shalt  }
0x53: {  	_ =	shalt  }
0x54: {  	_ =	shalt  }
0x55: {  	_ =	shalt  }
0x56: {  	_ =	shalt  }
0x57: {  	_ =	shalt  }
0x58: {  	_ =	shalt  }
0x59: {  	_ =	shalt  }
0x5a: {  	_ =	shalt  }
0x5b: {  	_ =	shalt  }
0x5c: {  	_ =	shalt  }
0x5d: {  	_ =	shalt  }
0x5e: {  	_ =	shalt  }
0x5f: {  	_ =	shalt  }
0x60: {  	_ =	shalt  }
0x61: {  	_ =	shalt  }
0x62: {  	_ =	shalt  }
0x63: {  	_ =	shalt  }
0x64: {  	_ =	shalt  }
0x65: {  	_ =	shalt  }
0x66: {  	_ =	shalt  }
0x67: {  	_ =	shalt  }
0x68: {  	_ =	shalt  }
0x69: {  	_ =	shalt  }
0x6a: {  	_ =	shalt  }
0x6b: {  	_ =	shalt  }
0x6c: {  	_ =	shalt  }
0x6d: {  	_ =	shalt  }
0x6e: {  	_ =	shalt  }
0x6f: {  	_ =	shalt  }
0x70: {  	_ =	shalt  }
0x71: {  	_ =	shalt  }
0x72: {  	_ =	shalt  }
0x73: {  	_ =	shalt  }
0x74: {  	_ =	shalt  }
0x75: {  	_ =	shalt  }
0x76: {  	_ =	shalt  }
0x77: {  	_ =	shalt  }
0x78: {  	_ =	shalt  }
0x79: {  	_ =	shalt  }
0x7a: {  	_ =	shalt  }
0x7b: {  	_ =	shalt  }
0x7c: {  	_ =	shalt  }
0x7d: {  	_ =	shalt  }
0x7e: {  	_ =	shalt  }
0x7f: {  	_ =	shalt  }
0x80: {  	_ =	shalt  }
0x81: {  	_ =	shalt  }
0x82: {  	_ =	shalt  }
0x83: {  	_ =	shalt  }
0x84: {  	_ =	shalt  }
0x85: {  	_ =	shalt  }
0x86: {  	_ =	shalt  }
0x87: {  	_ =	shalt  }
.Lfunc_end0:
.L_simem_size_0:
called_computation_lowered:
.L_overlay_start_0:
0x88: {  	s2 =	sld [smem:$0x3FD9]  }
0x89: {  	s3 =	sld [smem:$0x3FFE];
	_ =	sdelay $0x1  }
0x8a: {  	s1 =	srdreg.scid  }
0x8b: {  	s0 =	sand.u32 $0x1, s1  }
0x8c: {  	s16 =	sshll.u32 s0, $0xA;
	s2 =	sadd.s32 s3, s2  }
0x8d: {  	s2 =	sadd.s32 s2, s16  }
0x8e: {  	[smem:$0x3FC3] =	sst s2  }
0x8f: {  	_ = 	snop  }
0x90: {  	(tm) =	ssettm $0x1  }
0x91: {  	s17 =	sld [smem:$0x3FFB];
	_ =	sdelay $0x3  }
0x92: {  	_ =	strace s17  }
0x93: {  	s2 =	sld [smem:$0x3FFC];
	_ =	sdelay $0x3  }
0x94: {  	_ =	strace s2  }
0x95: {  	s2 =	sld [smem:$0x3FFD];
	_ =	sdelay $0x3  }
0x96: {  	_ =	strace s2  }
0x97: {  	_ =	strace $0x8FFFFFFF  }
0x98: {  	s18 =	sld [smem:$0x3FDB];
	_ =	sdelay $0x1  }
0x99: {  	s19 =	simm.s32 $_scs_section_size  }
0x9a: {  	s4 =	simm.s32 $_size__tile_overlayer_lowered;
	s5 =	simm.s32 $_tile_overlayer_lowered  }
0x9b: {  	s22 =	simm.s32 $0x1BFF;
	s21 =	sshll.u32 s5, $0x1;
	s2 =	sadd.s32 s19, s18  }
0x9c: {  	s6 =	simm.s32 $0x0;
	s20 =	sshll.u32 s4, $0x1;
	s4 =	sadd.s32 s21, s2  }
0x9d: {  	[timem:s6], [sflag:s22] =	dma.local [hbm:s4], s20  }
0x9e: {  	_ =	swait.ge [sflag:s22], s20  }
0x9f: {  	s3 =	ssub.s32 $0x0, s20;
	[sflag:s22] =	ssyncset.done $0x0  }
0xa0: {  	[sflag:s22] =	ssyncadd.s32 s3;
	_ =	sdelay $0x1  }
0xa1: {  	s23 =	simm.s32 $0x1B8B  }
0xa2: {  	_ =	swait.ge [sflag:s23], $0x1  }
0xa3: {  	[sflag:s23] =	ssyncset.done $0x0  }
0xa4: {  	s25 =	simm.s32 $0x1B8E;
	s24 =	sld [smem:$0x3FFE];
	[sflag:s23] =	ssyncadd.s32 $0xFFFFFFFF  }
0xa5: {  	s26 =	simm.s32 $execute0_lowered;
	[smem:$0x3FD2] =	sst s25  }
0xa6: {  	s4 =	sshll.u32 s26, $0x1;
	_ =	strace $0x80000046;
	[dreg:$0x1] =	wrdreg $0xFFFFFFFF  }
0xa7: {  	s28 =	simm.s32 $_size_execute0_lowered;
	s2 =	sadd.s32 s2, s4;
	[dreg:$0x0] =	wrdreg $0x0  }
0xa8: {  	s4 =	sshll.u32 s28, $0x1;
	[dreg:$0x2] =	wrdreg s2  }
0xa9: {  	[dreg:$0x3] =	wrdreg s4  }
0xaa: {  	[dreg:$0x4] =	wrdreg $0xC0  }
0xab: {  	_ =	task [dreg:s6], $0x5FFFF  }
0xac: {  	[dreg:$0x1] =	wrdreg $0xFFFFFFFF  }
0xad: {  	[dreg:$0x0] =	wrdreg $0x60  }
0xae: {  	[dreg:$0x2] =	wrdreg s24  }
0xaf: {  	[dreg:$0x3] =	wrdreg $0x9  }
0xb0: {  	_ =	task.clear_ibuf [dreg:s6], $0x4FFFF;
	_ =	strace $0x90000046  }
0xb1: {  	s29 =	simm.s32 $0x9;
	_ =	strace $0x80000048  }
0xb2: {  	_ =	swait.ge [sflag:s29], $0x1  }
0xb3: {  	[sflag:s29] =	ssyncadd.s32 $0xFFFFFFFF  }
0xb4: {  	_ =	strace $0x90000048  }
0xb5: {  	_ =	sfence  }
0xb6: {  	s30 =	sld [smem:$0x0];
	_ =	sdelay $0x2  }
0xb7: {  	s31 =	sshll.u32 s1, $0xD;
	s1 =	sshrl.u32 s1, $0x2  }
0xb8: {  	s3 =	sand.u32 $0x4000, s31;
	s1 =	sadd.s32 s1, s30  }
0xb9: {  	s0 =	sor.u32 s3, s0;
	s1 =	sshll.u32 s1, $0x11  }
0xba: {  	s0 =	sor.u32 s1, s0  }
0xbb: {  	s0 =	sadd.s32 $0x8F2B, s0  }
0xbc: {  	[sflag:s0] =	ssyncadd.remote.s32 $0x1  }
0xbd: {  	_ =	sfence.sel $0xFFFF  }
0xbe: {  	[dreg:$0x0] =	wrdreg $0xFFFFFFFF;
	(pc) =	sbr.abs _section_cstart, $3  }
0xbf: {  	[dreg:$0x1] =	wrdreg $0xFFFFFFFF  }
0xc0: {  	_ =	task.clear_ibuf [dreg:s6], $0x2FFFF;
	_ =	strace $0x9FFFFFFF  }
0xc1: {  	(tm) =	ssettm $0x7FFFFFFF  }
tec
execute0_lowered:
.L_overlay_start_1:
0x0: {  	(tag) =	ssettag $0x1  }
0x1: {  	s1 =	srdreg.scid  }
0x2: {  	s0 =	stileid.u32;
	s4 =	rddreg [dreg:$0x0];
	s2 =	simm.s32 $0x0  }
0x3: {  	s10 =	simm.s32 $0x1;
	s11 =	simm.s32 $0x1E580;
	s12 =	simm.s32 $0x1E590  }
0x4: {  	s13 =	simm.s32 $0x2;
	s3 =	sand.u32 $0x1, s1;
	s30 =	sshll.u32 s0, $0x1  }
0x5: {  	s14 =	simm.s32 $0x0;
	[smem:$0x7FF] =	sst s2;
	s5 =	sor.u32 s3, s30  }
0x6: {  	s1 =	rddreg [dreg:$0x1];
	_ =	strace $0x80000047;
	s6 =	smul.u32 $0x3000, s5  }
0x7: {  	s8 =	ssub.s32 $0x2, s3;
	s3 =	sadd.s32 $0x1200, s4;
	s7 =	smul.u32 $0xC00, s5  }
0x8: {  	v0 =	vlaneseq.u32;
	s5 =	sshll.u32 s5, $0x2;
	s31 =	sshrl.u32 s8, $0x1;
	s6 =	sadd.s32 s6, s4  }
0x9: {  	v0 =	vmul.u32 $0x3, v0;
	s9 =	sadd.s32 s5, s4;
	s7 =	sadd.s32 s7, s4;
	s4 =	sadd.s32 $0x1002600, s6  }
0xa: {  	s8 =	ssub.s32 s8, s31;
	s5 =	sadd.s32 $0x402600, s7;
	s6 =	sadd.s32 $0x1400, s9  }
0xb: {  	v1 =	vadd.s32 $0x1, v0;
	v2 =	vadd.s32 $0x2, v0;
	s7 =	smax.u32 s8, $0x1;
	s8 =	simm.s32 $0x18000;
	s9 =	simm.s32 $0x1E000  }
.LBB2_1:
0xc: {  	[tilespmem:s2], [sflag:$0x1] =	stream.linear.gather [hbm4b:s4+s2], $0x18000, $0x38;
	[tilespmem:$0x1E600] =	vst v63  }
0xd: {  	_ = 	snop  }
0xe: {  	[tilespmem:s8], [sflag:$0x1] =	stream.linear.gather [hbm4b:s5+s2], $0x6000, $0x38;
	[tilespmem:$0x1E600] =	vst v63  }
0xf: {  	_ = 	snop  }
0x10: {  	[tilespmem:s9], [sflag:$0x1] =	stream.linear.gather [hbm4b:s3+s2], $0x580, $0x38;
	[tilespmem:$0x1E600] =	vst v63  }
0x11: {  	_ =	swait.ge [sflag:s10], $0x18000  }
0x12: {  	[sflag:s10] =	ssyncset.done $0x0  }
0x13: {  	[sflag:s10] =	ssyncadd.s32 $0xFFFE8000  }
0x14: {  	_ =	swait.ge [sflag:s10], $0x6000  }
0x15: {  	[sflag:s10] =	ssyncset.done $0x0  }
0x16: {  	[sflag:s10] =	ssyncadd.s32 $0xFFFFA000  }
0x17: {  	_ =	swait.ge [sflag:s10], $0x580  }
0x18: {  	[sflag:s10] =	ssyncset.done $0x0  }
0x19: {  	[sflag:s10] =	ssyncadd.s32 $0xFFFFFA80  }
0x1a: {  	v3 =	vld [tilespmem:$0x1E000]  }
0x1b: {  	v4 =	vld [tilespmem:$0x1E010]  }
0x1c: {  	s15 =	simm.s32 $0x90;
	v5 =	vld [tilespmem:$0x1E020]  }
0x1d: {  	v8 =	vadd.s32 s15, v2;
	v6 =	vld [tilespmem:$0x1E030]  }
0x1e: {  	v12 =	vadd.s32 s15, v0;
	v7 =	vld [tilespmem:$0x1E050]  }
0x1f: {  	s30 =	simm.s32 $0x60;
	v13 =	vadd.s32 s15, v1;
	v9 =	vld [tilespmem:$0x1E060]  }
0x20: {  	v14 =	vadd.s32 s30, v2;
	v10 =	vld [tilespmem:$0x1E070]  }
0x21: {  	v11 =	vld [tilespmem:$0x1E080]  }
0x22: {  	v15 =	vadd.s32 s30, v0;
	v8 =	vld.idx.msk [tilespmem:v8+s8+$0x0], $0xffff  }
0x23: {  	v16 =	vadd.s32 s30, v1;
	v17 =	vld.idx.msk [tilespmem:v12+s8+$0x0], $0xffff  }
0x24: {  	s31 =	simm.s32 $0x30;
	v13 =	vld.idx.msk [tilespmem:v13+s8+$0x0], $0xffff  }
0x25: {  	v18 =	vadd.s32 s31, v0;
	v14 =	vld.idx.msk [tilespmem:v14+s8+$0x0], $0xffff  }
0x26: {  	v19 =	vadd.s32 s31, v1;
	v12 =	vld [tilespmem:$0x1E040]  }
0x27: {  	s16 =	simm.s32 $0x0;
	v15 =	vld.idx.msk [tilespmem:v15+s8+$0x0], $0xffff;
	v20 =	vmul.f32 v8, v5  }
0x28: {  	v23 =	vor.u32 s16, v0;
	v16 =	vld.idx.msk [tilespmem:v16+s8+$0x0], $0xffff;
	v22 =	vmul.f32 v17, v9;
	v24 =	vmul.f32 v17, v3  }
0x29: {  	v26 =	vor.u32 s16, v1;
	v25 =	vmul.f32 v13, v10;
	v27 =	vmul.f32 v13, v4  }
0x2a: {  	v18 =	vld.idx.msk [tilespmem:v18+s8+$0x0], $0xffff;
	v17 =	vmul.f32 v17, v6;
	v28 =	vmul.f32 v14, v11  }
0x2b: {  	v19 =	vld.idx.msk [tilespmem:v19+s8+$0x0], $0xffff;
	v13 =	vmul.f32 v13, v12;
	v29 =	vmul.f32 v14, v5  }
0x2c: {  	v30 =	vmul.f32 v14, v7;
	v14 =	vmul.f32 v15, v9  }
0x2d: {  	v23 =	vld.idx.msk [tilespmem:v23+s8+$0x0], $0xffff;
	v31 =	vmul.f32 v16, v10;
	v33 =	vmul.f32 v15, v3  }
0x2e: {  	v26 =	vld.idx.msk [tilespmem:v26+s8+$0x0], $0xffff;
	v34 =	vmul.f32 v16, v4;
	v15 =	vmul.f32 v15, v6  }
0x2f: {  	v32 =	vadd.s32 s31, v2;
	v16 =	vmul.f32 v16, v12;
	v35 =	vmul.f32 v18, v9  }
0x30: {  	v36 =	vmul.f32 v19, v10;
	v38 =	vmul.f32 v18, v3  }
0x31: {  	v39 =	vmul.f32 v19, v4;
	v18 =	vmul.f32 v18, v6  }
0x32: {  	v37 =	vor.u32 s16, v2;
	v19 =	vmul.f32 v19, v12;
	v40 =	vmul.f32 v23, v9  }
0x33: {  	v41 =	vmul.f32 v26, v10;
	v42 =	vmul.f32 v23, v3;
	v24 =	vadd.f32 v27, v24  }
0x34: {  	v32 =	vld.idx.msk [tilespmem:v32+s8+$0x0], $0xffff;
	v22 =	vadd.f32 v25, v22;
	v25 =	vmul.f32 v26, v4;
	v27 =	vadd.f32 v31, v14  }
0x35: {  	v13 =	vadd.f32 v13, v17;
	v14 =	vmul.f32 v23, v6;
	v23 =	vadd.f32 v34, v33  }
0x36: {  	v31 =	vadd.f32 v16, v15;
	v15 =	vmul.f32 v26, v12;
	v26 =	vadd.f32 v39, v38  }
0x37: {  	v21 =	vmul.f32 v8, v11;
	v17 =	vld.idx.msk [tilespmem:v37+s8+$0x0], $0xffff;
	v56 =	vadd.f32 v36, v35;
	v57 =	vadd.f32 v41, v40  }
0x38: {  	v8 =	vmul.f32 v8, v7;
	v18 =	vadd.f32 v19, v18;
	v25 =	vadd.f32 v25, v42  }
0x39: {  	v59 =	vmul.f32 v32, v5;
	v58 =	vadd.f32 v15, v14;
	v20 =	vadd.f32 v20, v24  }
0x3a: {  	v19 =	vmul.f32 v32, v11;
	v14 =	vld [tilespmem:$0x1E090];
	v21 =	vadd.f32 v21, v22;
	v24 =	vadd.f32 v28, v27  }
0x3b: {  	v32 =	vmul.f32 v32, v7;
	v15 =	vld [tilespmem:$0x1E0B0];
	v8 =	vadd.f32 v8, v13;
	v27 =	vadd.f32 v29, v23  }
0x3c: {  	v16 =	vld [tilespmem:$0x1E0A0];
	v28 =	vadd.f32 v30, v31;
	v26 =	vadd.f32 v59, v26;
	v22 =	vmul.f32 v17, v11  }
0x3d: {  	v19 =	vadd.f32 v19, v56;
	v13 =	vmul.f32 v17, v5;
	v17 =	vmul.f32 v17, v7  }
0x3e: {  	v30 =	vadd.f32 v32, v18;
	v29 =	vadd.f32 v22, v57  }
0x3f: {  	v31 =	vadd.f32 v13, v25;
	v60 =	vadd.f32 v17, v58  }
0x40: {  	v22 =	vadd.f32 v20, v14;
	v23 =	vadd.f32 v21, v15  }
0x41: {  	v13 =	vadd.f32 v24, v15;
	v21 =	vadd.f32 v8, v16  }
0x42: {  	v25 =	vadd.f32 v27, v14;
	v17 =	vadd.f32 v28, v16  }
0x43: {  	v20 =	vadd.f32 v26, v14;
	v18 =	vadd.f32 v19, v15  }
0x44: {  	v19 =	vadd.f32 v30, v16;
	v24 =	vadd.f32 v29, v15  }
0x45: {  	v27 =	vadd.f32 v31, v14;
	v26 =	vadd.f32 v60, v16  }
0x46: {  	v28 =	vadd.f32 $4.843750000e-01, v22;
	v29 =	vadd.f32 $4.843750000e-01, v23  }
0x47: {  	v31 =	vadd.f32 $4.843750000e-01, v13;
	v61 =	vadd.f32 $4.843750000e-01, v21  }
0x48: {  	v62 =	vadd.f32 $4.843750000e-01, v25;
	v63 =	vadd.f32 $4.843750000e-01, v17  }
0x49: {  	v8 =	vimm.f32 $0.0e+00;
	v35 =	vadd.f32 $4.843750000e-01, v20;
	v36 =	vadd.f32 $4.843750000e-01, v18  }
0x4a: {  	v33 =	vadd.f32 $4.843750000e-01, v19;
	v30 =	vmul.f32 $3.200000000e+01, v28;
	v29 =	vmul.f32 $3.200000000e+01, v29  }
0x4b: {  	v37 =	vadd.f32 $4.843750000e-01, v24;
	v28 =	vmul.f32 $3.200000000e+01, v31;
	v34 =	vmul.f32 $3.200000000e+01, v61  }
0x4c: {  	s15 =	simm.s32 $0x150;
	v38 =	vadd.f32 $4.843750000e-01, v27;
	v31 =	vmul.f32 $3.200000000e+01, v62;
	v32 =	vmul.f32 $3.200000000e+01, v63  }
.LBB2_2:
0x4d: {  	p0 =	sne.s32 s15, $0x5FD0;
	v39 =	vadd.f32 $4.843750000e-01, v26;
	v35 =	vmul.f32 $3.200000000e+01, v35;
	v36 =	vmul.f32 $3.200000000e+01, v36  }
0x4e: {  	v40 =	vadd.s32 s15, v2;
	v37 =	vmul.f32 $3.200000000e+01, v37;
	v33 =	vmul.f32 $3.200000000e+01, v33  }
0x4f: {  	v41 =	vadd.s32 s15, v0;
	v38 =	vmul.f32 $3.200000000e+01, v38;
	v39 =	vmul.f32 $3.200000000e+01, v39  }
0x50: {  	v30 =	vmax.f32 v30, $0.0e+00;
	v34 =	vmax.f32 v34, $0.0e+00;
	v29 =	vmax.f32 v29, $0.0e+00  }
0x51: {  	v30 =	vmin.f32 v30, $3.100000000e+01;
	v34 =	vmin.f32 v34, $3.100000000e+01;
	v29 =	vmin.f32 v29, $3.100000000e+01  }
0x52: {  	v28 =	vmax.f32 v28, $0.0e+00;
	v31 =	vmax.f32 v31, $0.0e+00;
	v32 =	vmax.f32 v32, $0.0e+00  }
0x53: {  	v35 =	vmax.f32 v35, $0.0e+00;
	v33 =	vmax.f32 v33, $0.0e+00;
	v36 =	vmax.f32 v36, $0.0e+00  }
0x54: {  	v37 =	vmax.f32 v37, $0.0e+00;
	v29 =	vadd.f32 $5.000000000e-01, v29;
	v38 =	vmax.f32 v38, $0.0e+00  }
0x55: {  	v30 =	vadd.f32 $5.000000000e-01, v30;
	v34 =	vadd.f32 $5.000000000e-01, v34;
	v39 =	vmax.f32 v39, $0.0e+00  }
0x56: {  	v28 =	vmin.f32 v28, $3.100000000e+01;
	v31 =	vmin.f32 v31, $3.100000000e+01;
	v32 =	vmin.f32 v32, $3.100000000e+01  }
0x57: {  	v35 =	vmin.f32 v35, $3.100000000e+01;
	v33 =	vmin.f32 v33, $3.100000000e+01;
	v36 =	vmin.f32 v36, $3.100000000e+01  }
0x58: {  	v28 =	vadd.f32 $5.000000000e-01, v28;
	v37 =	vmin.f32 v37, $3.100000000e+01;
	v38 =	vmin.f32 v38, $3.100000000e+01  }
0x59: {  	v31 =	vadd.f32 $5.000000000e-01, v31;
	v32 =	vadd.f32 $5.000000000e-01, v32;
	v39 =	vmin.f32 v39, $3.100000000e+01  }
0x5a: {  	v36 =	vadd.f32 $5.000000000e-01, v36;
	v30 =	vtrunc.f32 v30;
	v29 =	vtrunc.f32 v29  }
0x5b: {  	v35 =	vadd.f32 $5.000000000e-01, v35;
	v34 =	vtrunc.f32 v34;
	v29 =	vcvt.f32.s32 v29  }
0x5c: {  	v33 =	vadd.f32 $5.000000000e-01, v33;
	v30 =	vcvt.f32.s32 v30;
	v34 =	vcvt.f32.s32 v34  }
0x5d: {  	v37 =	vadd.f32 $5.000000000e-01, v37;
	v28 =	vtrunc.f32 v28;
	v31 =	vtrunc.f32 v31  }
0x5e: {  	v38 =	vadd.f32 $5.000000000e-01, v38;
	v32 =	vtrunc.f32 v32;
	v36 =	vtrunc.f32 v36  }
0x5f: {  	v39 =	vadd.f32 $5.000000000e-01, v39;
	v35 =	vtrunc.f32 v35;
	v33 =	vtrunc.f32 v33  }
0x60: {  	s17 =	sadd.s32 $0xFFFFFFD0, s15;
	v42 =	vadd.s32 s15, v1;
	v37 =	vtrunc.f32 v37;
	v38 =	vtrunc.f32 v38  }
0x61: {  	v43 =	vadd.s32 s17, v2;
	v28 =	vcvt.f32.s32 v28;
	v39 =	vtrunc.f32 v39  }
0x62: {  	v44 =	vadd.s32 s17, v0;
	v31 =	vcvt.f32.s32 v31;
	v32 =	vcvt.f32.s32 v32  }
0x63: {  	s16 =	sadd.s32 $0xFFFFFFA0, s15;
	v45 =	vadd.s32 s17, v1;
	v35 =	vcvt.f32.s32 v35;
	v36 =	vcvt.f32.s32 v36  }
0x64: {  	v46 =	vadd.s32 s16, v0;
	v37 =	vcvt.f32.s32 v37;
	v33 =	vcvt.f32.s32 v33  }
0x65: {  	v30 =	vmul.u32 $0xC00, v30;
	v34 =	vmul.u32 $0x60, v34;
	v38 =	vcvt.f32.s32 v38  }
0x66: {  	v28 =	vmul.u32 $0x3, v28;
	v29 =	vmul.u32 $0x3, v29;
	v39 =	vcvt.f32.s32 v39;
	v40 =	vld.idx.msk [tilespmem:v40+s8+$0x0], $0xffff  }
0x67: {  	v31 =	vmul.u32 $0xC00, v31;
	v32 =	vmul.u32 $0x60, v32;
	v30 =	vadd.s32 v34, v30;
	v41 =	vld.idx.msk [tilespmem:v41+s8+$0x0], $0xffff  }
0x68: {  	v35 =	vmul.u32 $0xC00, v35;
	v36 =	vmul.u32 $0x3, v36;
	v29 =	vadd.s32 v29, v30;
	v34 =	vld.idx.msk [tilespmem:v42+s8+$0x0], $0xffff  }
0x69: {  	v33 =	vmul.u32 $0x60, v33;
	v30 =	vmul.u32 $0xC00, v38;
	v38 =	vadd.s32 $0x2, v29;
	v42 =	vld.idx.msk [tilespmem:v43+s8+$0x0], $0xffff  }
0x6a: {  	v31 =	vadd.s32 v32, v31;
	v39 =	vmul.u32 $0x60, v39;
	v32 =	vadd.s32 $0x1, v29;
	v43 =	vld.idx.msk [tilespmem:v44+s8+$0x0], $0xffff  }
0x6b: {  	v37 =	vmul.u32 $0x3, v37;
	v33 =	vadd.s32 v33, v35;
	v31 =	vadd.s32 v28, v31;
	v44 =	vld.idx.msk [tilespmem:v45+s8+$0x0], $0xffff  }
0x6c: {  	v33 =	vadd.s32 v36, v33;
	v28 =	vadd.s32 v39, v30;
	v35 =	vld.idx.msk [tilespmem:v46+s8+$0x0], $0xffff  }
0x6d: {  	v36 =	vadd.s32 v37, v28;
	v37 =	vld.idx.msk [tilespmem:v29+s2+$0x0], $0xffff  }
0x6e: {  	v39 =	vadd.s32 $0x2, v33;
	v38 =	vld.idx.msk [tilespmem:v38+s2+$0x0], $0xffff  }
0x6f: {  	v45 =	vadd.s32 s16, v2;
	v46 =	vadd.s32 $0x1, v36;
	v32 =	vld.idx.msk [tilespmem:v32+s2+$0x0], $0xffff  }
0x70: {  	v47 =	vadd.s32 $0x2, v36;
	v28 =	vmul.f32 v40, v5;
	v30 =	vmul.f32 v40, v11;
	v48 =	vld.idx.msk [tilespmem:v31+s2+$0x0], $0xffff  }
0x71: {  	v29 =	vmul.f32 v40, v7;
	v40 =	vmul.f32 v41, v9;
	v49 =	vld.idx.msk [tilespmem:v33+s2+$0x0], $0xffff;
	v33 =	vadd.s32 $0x1, v33  }
0x72: {  	s17 =	sadd.s32 $0xFFFFFF70, s15;
	v52 =	vadd.s32 $0x1, v31;
	v50 =	vmul.f32 v41, v3;
	v51 =	vmul.f32 v34, v10;
	v36 =	vld.idx.msk [tilespmem:v36+s2+$0x0], $0xffff  }
0x73: {  	v53 =	vor.u32 s17, v2;
	v54 =	vmul.f32 v34, v4;
	v41 =	vmul.f32 v41, v6;
	v39 =	vld.idx.msk [tilespmem:v39+s2+$0x0], $0xffff  }
0x74: {  	v34 =	vmul.f32 v34, v12;
	v55 =	vmul.f32 v42, v11;
	v31 =	vadd.s32 $0x2, v31;
	v46 =	vld.idx.msk [tilespmem:v46+s2+$0x0], $0xffff  }
0x75: {  	v56 =	vadd.s32 s16, v1;
	v57 =	vmul.f32 v42, v5;
	v42 =	vmul.f32 v42, v7;
	v47 =	vld.idx.msk [tilespmem:v47+s2+$0x0], $0xffff  }
0x76: {  	v58 =	vor.u32 s17, v0;
	v59 =	vmul.f32 v43, v9;
	v60 =	vmul.f32 v44, v10;
	v33 =	vld.idx.msk [tilespmem:v33+s2+$0x0], $0xffff  }
0x77: {  	v61 =	vor.u32 s17, v1;
	v62 =	vmul.f32 v43, v3;
	v63 =	vmul.f32 v44, v4;
	v52 =	vld.idx.msk [tilespmem:v52+s2+$0x0], $0xffff  }
0x78: {  	v43 =	vmul.f32 v43, v6;
	v22 =	vsub.f32 v22, v37;
	v23 =	vsub.f32 v23, v38  }
0x79: {  	v38 =	vmul.f32 v44, v12;
	v21 =	vsub.f32 v21, v32;
	v25 =	vsub.f32 v25, v48;
	v31 =	vld.idx.msk [tilespmem:v31+s2+$0x0], $0xffff  }
0x7a: {  	v32 =	vmul.f32 v35, v9;
	v27 =	vsub.f32 v27, v36;
	v26 =	vsub.f32 v26, v46  }
0x7b: {  	v22 =	vmul.f32 v22, v22;
	v20 =	vsub.f32 v20, v49;
	v24 =	vsub.f32 v24, v47  }
0x7c: {  	v27 =	vmul.f32 v27, v27;
	v26 =	vmul.f32 v26, v26;
	v19 =	vsub.f32 v19, v33  }
0x7d: {  	v18 =	vsub.f32 v18, v39;
	v20 =	vmul.f32 v20, v20;
	v17 =	vsub.f32 v17, v52  }
0x7e: {  	v24 =	vmul.f32 v24, v24;
	v26 =	vadd.f32 v26, v27;
	v19 =	vmul.f32 v19, v19  }
0x7f: {  	v25 =	vmul.f32 v25, v25;
	v18 =	vmul.f32 v18, v18;
	v13 =	vsub.f32 v13, v31;
	v27 =	vld.idx.msk [tilespmem:v56+s8+$0x0], $0xffff  }
0x80: {  	v17 =	vmul.f32 v17, v17;
	v24 =	vadd.f32 v26, v24;
	v19 =	vadd.f32 v19, v20  }
0x81: {  	vm0 =	vlt.f32 v36, $5.000000000e+03;
	v20 =	vmul.f32 v21, v21;
	v13 =	vmul.f32 v13, v13  }
0x82: {  	v17 =	vadd.f32 v17, v25;
	v24 =	vnsel vm0, $0x0, v24;
	v18 =	vadd.f32 v19, v18;
	v21 =	vld.idx.msk [tilespmem:v58+s8+$0x0], $0xffff  }
0x83: {  	v23 =	vmul.f32 v23, v23;
	vm0 =	vlt.f32 v49, $5.000000000e+03;
	v8 =	vadd.f32 v24, v8;
	v19 =	vld.idx.msk [tilespmem:v61+s8+$0x0], $0xffff  }
0x84: {  	v13 =	vadd.f32 v17, v13;
	v17 =	vadd.f32 v20, v22;
	v18 =	vnsel vm0, $0x0, v18  }
0x85: {  	vm0 =	vlt.f32 v48, $5.000000000e+03;
	v20 =	vmul.f32 v27, v10;
	v8 =	vadd.f32 v18, v8  }
0x86: {  	v18 =	vmul.f32 v35, v3;
	v13 =	vnsel vm0, $0x0, v13;
	v17 =	vadd.f32 v17, v23  }
0x87: {  	v22 =	vmul.f32 v27, v4;
	vm0 =	vlt.f32 v37, $5.000000000e+03;
	v8 =	vadd.f32 v13, v8  }
0x88: {  	v23 =	vmul.f32 v35, v6;
	v24 =	vmul.f32 v27, v12;
	v17 =	vnsel vm0, $0x0, v17;
	v13 =	vld.idx.msk [tilespmem:v45+s8+$0x0], $0xffff  }
0x89: {  	v25 =	vmul.f32 v21, v9;
	v26 =	vmul.f32 v19, v10;
	v8 =	vadd.f32 v17, v8  }
0x8a: {  	v31 =	vadd.f32 v51, v40;
	v27 =	vadd.f32 v54, v50;
	v17 =	vmul.f32 v21, v3  }
0x8b: {  	v34 =	vadd.f32 v34, v41;
	v36 =	vadd.f32 v60, v59;
	v35 =	vmul.f32 v19, v4;
	v33 =	vld.idx.msk [tilespmem:v53+s8+$0x0], $0xffff  }
0x8c: {  	v38 =	vadd.f32 v38, v43;
	v37 =	vadd.f32 v63, v62;
	v21 =	vmul.f32 v21, v6  }
0x8d: {  	v18 =	vadd.f32 v22, v18;
	v20 =	vadd.f32 v20, v32;
	v19 =	vmul.f32 v19, v12  }
0x8e: {  	v23 =	vadd.f32 v24, v23;
	v22 =	vadd.f32 v26, v25;
	v24 =	vmul.f32 v13, v11  }
0x8f: {  	v17 =	vadd.f32 v35, v17;
	v19 =	vadd.f32 v19, v21;
	v21 =	vmul.f32 v13, v5  }
0x90: {  	v25 =	vadd.f32 v28, v27;
	v26 =	vadd.f32 v30, v31;
	v13 =	vmul.f32 v13, v7  }
0x91: {  	v29 =	vadd.f32 v29, v34;
	v28 =	vadd.f32 v55, v36;
	v27 =	vmul.f32 v33, v11  }
0x92: {  	v32 =	vadd.f32 v42, v38;
	v31 =	vadd.f32 v57, v37;
	v30 =	vmul.f32 v33, v5  }
0x93: {  	v18 =	vadd.f32 v21, v18;
	v24 =	vadd.f32 v24, v20;
	v33 =	vmul.f32 v33, v7  }
0x94: {  	v34 =	vadd.f32 v13, v23;
	v27 =	vadd.f32 v27, v22  }
0x95: {  	v30 =	vadd.f32 v30, v17;
	v33 =	vadd.f32 v33, v19  }
0x96: {  	v23 =	vadd.f32 v26, v15;
	v22 =	vadd.f32 v25, v14  }
0x97: {  	v13 =	vadd.f32 v28, v15;
	v21 =	vadd.f32 v29, v16  }
0x98: {  	v25 =	vadd.f32 v31, v14;
	v17 =	vadd.f32 v32, v16  }
0x99: {  	v20 =	vadd.f32 v18, v14;
	v18 =	vadd.f32 v24, v15  }
0x9a: {  	v19 =	vadd.f32 v34, v16;
	v24 =	vadd.f32 v27, v15  }
0x9b: {  	v27 =	vadd.f32 v30, v14;
	v26 =	vadd.f32 v33, v16  }
0x9c: {  	v29 =	vadd.f32 $4.843750000e-01, v23;
	v28 =	vadd.f32 $4.843750000e-01, v22  }
0x9d: {  	v31 =	vadd.f32 $4.843750000e-01, v13;
	v32 =	vadd.f32 $4.843750000e-01, v21  }
.Ltmp0:
0x9e: {  	v39 =	vadd.f32 $4.843750000e-01, v25;
	v40 =	vadd.f32 $4.843750000e-01, v17;
	(pc) =	sbr.rel @p0 .LBB2_2-.Ltmp0, $4  }
0x9f: {  	v35 =	vadd.f32 $4.843750000e-01, v20;
	v36 =	vadd.f32 $4.843750000e-01, v18  }
0xa0: {  	v29 =	vmul.f32 $3.200000000e+01, v29;
	v33 =	vadd.f32 $4.843750000e-01, v19;
	v30 =	vmul.f32 $3.200000000e+01, v28  }
0xa1: {  	v34 =	vmul.f32 $3.200000000e+01, v32;
	v37 =	vadd.f32 $4.843750000e-01, v24;
	v28 =	vmul.f32 $3.200000000e+01, v31  }
0xa2: {  	s15 =	sadd.s32 $0xC0, s15;
	v38 =	vadd.f32 $4.843750000e-01, v27;
	v31 =	vmul.f32 $3.200000000e+01, v39;
	v32 =	vmul.f32 $3.200000000e+01, v40  }
0xa3: {  	v4 =	vmul.f32 $3.200000000e+01, v35;
	v5 =	vmul.f32 $3.200000000e+01, v36  }
0xa4: {  	v3 =	vadd.f32 $4.843750000e-01, v26;
	v6 =	vmul.f32 $3.200000000e+01, v37;
	v7 =	vmul.f32 $3.200000000e+01, v33  }
0xa5: {  	v10 =	vmax.f32 v30, $0.0e+00;
	v11 =	vmax.f32 v34, $0.0e+00;
	v12 =	vmax.f32 v29, $0.0e+00  }
0xa6: {  	v16 =	vmax.f32 v28, $0.0e+00;
	v9 =	vmul.f32 $3.200000000e+01, v38;
	v10 =	vmin.f32 v10, $3.100000000e+01  }
0xa7: {  	v11 =	vmin.f32 v11, $3.100000000e+01;
	v12 =	vmin.f32 v12, $3.100000000e+01;
	v14 =	vmax.f32 v31, $0.0e+00  }
0xa8: {  	v15 =	vmax.f32 v32, $0.0e+00;
	v16 =	vmin.f32 v16, $3.100000000e+01;
	v3 =	vmul.f32 $3.200000000e+01, v3  }
0xa9: {  	v4 =	vmax.f32 v4, $0.0e+00;
	v7 =	vmax.f32 v7, $0.0e+00;
	v5 =	vmax.f32 v5, $0.0e+00  }
0xaa: {  	v6 =	vmax.f32 v6, $0.0e+00;
	v12 =	vadd.f32 $5.000000000e-01, v12;
	v10 =	vadd.f32 $5.000000000e-01, v10  }
0xab: {  	v11 =	vadd.f32 $5.000000000e-01, v11;
	v14 =	vmin.f32 v14, $3.100000000e+01;
	v15 =	vmin.f32 v15, $3.100000000e+01  }
0xac: {  	v16 =	vadd.f32 $5.000000000e-01, v16;
	v9 =	vmax.f32 v9, $0.0e+00;
	v4 =	vmin.f32 v4, $3.100000000e+01  }
0xad: {  	v7 =	vmin.f32 v7, $3.100000000e+01;
	v5 =	vmin.f32 v5, $3.100000000e+01;
	v6 =	vmin.f32 v6, $3.100000000e+01  }
0xae: {  	v14 =	vadd.f32 $5.000000000e-01, v14;
	v15 =	vadd.f32 $5.000000000e-01, v15;
	v10 =	vtrunc.f32 v10  }
0xaf: {  	v9 =	vmin.f32 v9, $3.100000000e+01;
	v12 =	vtrunc.f32 v12;
	v11 =	vtrunc.f32 v11  }
0xb0: {  	v5 =	vadd.f32 $5.000000000e-01, v5;
	v16 =	vtrunc.f32 v16;
	v12 =	vcvt.f32.s32 v12  }
0xb1: {  	v4 =	vadd.f32 $5.000000000e-01, v4;
	v10 =	vcvt.f32.s32 v10;
	v11 =	vcvt.f32.s32 v11  }
0xb2: {  	v7 =	vadd.f32 $5.000000000e-01, v7;
	v14 =	vtrunc.f32 v14;
	v15 =	vtrunc.f32 v15  }
0xb3: {  	v6 =	vadd.f32 $5.000000000e-01, v6;
	v16 =	vcvt.f32.s32 v16;
	v5 =	vtrunc.f32 v5  }
0xb4: {  	v9 =	vadd.f32 $5.000000000e-01, v9;
	v4 =	vtrunc.f32 v4;
	v7 =	vtrunc.f32 v7  }
0xb5: {  	v3 =	vmax.f32 v3, $0.0e+00;
	v6 =	vtrunc.f32 v6;
	v14 =	vcvt.f32.s32 v14  }
0xb6: {  	v3 =	vmin.f32 v3, $3.100000000e+01;
	v15 =	vcvt.f32.s32 v15;
	v9 =	vtrunc.f32 v9  }
0xb7: {  	v3 =	vadd.f32 $5.000000000e-01, v3;
	v4 =	vcvt.f32.s32 v4;
	v5 =	vcvt.f32.s32 v5  }
0xb8: {  	v6 =	vcvt.f32.s32 v6;
	v7 =	vcvt.f32.s32 v7;
	v10 =	vmul.u32 $0xC00, v10  }
0xb9: {  	v11 =	vmul.u32 $0x60, v11;
	v16 =	vmul.u32 $0x3, v16;
	v12 =	vmul.u32 $0x3, v12  }
0xba: {  	v3 =	vtrunc.f32 v3;
	v9 =	vcvt.f32.s32 v9;
	v14 =	vmul.u32 $0xC00, v14  }
0xbb: {  	v15 =	vmul.u32 $0x60, v15;
	v3 =	vcvt.f32.s32 v3;
	v10 =	vadd.s32 v11, v10  }
0xbc: {  	v4 =	vmul.u32 $0xC00, v4;
	v5 =	vmul.u32 $0x3, v5;
	v10 =	vadd.s32 v12, v10  }
0xbd: {  	v7 =	vmul.u32 $0x60, v7;
	v9 =	vmul.u32 $0xC00, v9;
	v11 =	vadd.s32 $0x2, v10  }
0xbe: {  	v12 =	vadd.s32 v15, v14;
	v3 =	vmul.u32 $0x60, v3;
	v14 =	vadd.s32 $0x1, v10  }
0xbf: {  	v6 =	vmul.u32 $0x3, v6;
	v4 =	vadd.s32 v7, v4;
	v7 =	vadd.s32 v16, v12  }
0xc0: {  	v4 =	vadd.s32 v5, v4;
	v3 =	vadd.s32 v3, v9  }
0xc1: {  	v16 =	vadd.s32 $0x1, v7;
	v3 =	vadd.s32 v6, v3;
	v6 =	vld.idx.msk [tilespmem:v10+s2+$0x0], $0xffff  }
0xc2: {  	v5 =	vadd.s32 $0x2, v4;
	v9 =	vld.idx.msk [tilespmem:v11+s2+$0x0], $0xffff  }
0xc3: {  	v11 =	vld.idx.msk [tilespmem:v14+s2+$0x0], $0xffff  }
0xc4: {  	v10 =	vadd.s32 $0x1, v3;
	v14 =	vld.idx.msk [tilespmem:v7+s2+$0x0], $0xffff  }
0xc5: {  	v12 =	vadd.s32 $0x2, v3;
	v15 =	vld.idx.msk [tilespmem:v4+s2+$0x0], $0xffff  }
0xc6: {  	v4 =	vadd.s32 $0x1, v4;
	v16 =	vld.idx.msk [tilespmem:v16+s2+$0x0], $0xffff  }
0xc7: {  	v7 =	vadd.s32 $0x2, v7;
	v5 =	vld.idx.msk [tilespmem:v5+s2+$0x0], $0xffff  }
0xc8: {  	v3 =	vld.idx.msk [tilespmem:v3+s2+$0x0], $0xffff  }
0xc9: {  	v10 =	vld.idx.msk [tilespmem:v10+s2+$0x0], $0xffff  }
0xca: {  	v12 =	vld.idx.msk [tilespmem:v12+s2+$0x0], $0xffff  }
0xcb: {  	v22 =	vsub.f32 v22, v6;
	v9 =	vsub.f32 v23, v9;
	v4 =	vld.idx.msk [tilespmem:v4+s2+$0x0], $0xffff  }
0xcc: {  	v23 =	vsub.f32 v25, v14;
	v11 =	vsub.f32 v21, v11;
	v7 =	vld.idx.msk [tilespmem:v7+s2+$0x0], $0xffff  }
0xcd: {  	v20 =	vsub.f32 v20, v15;
	v16 =	vsub.f32 v17, v16  }
0xce: {  	v22 =	vmul.f32 v22, v22;
	v21 =	vsub.f32 v27, v3;
	v10 =	vsub.f32 v26, v10  }
0xcf: {  	v5 =	vsub.f32 v18, v5;
	v18 =	vmul.f32 v20, v20;
	v12 =	vsub.f32 v24, v12  }
0xd0: {  	v21 =	vmul.f32 v21, v21;
	v10 =	vmul.f32 v10, v10;
	v4 =	vsub.f32 v19, v4  }
0xd1: {  	v5 =	vmul.f32 v5, v5;
	v7 =	vsub.f32 v13, v7;
	v13 =	vmul.f32 v23, v23  }
0xd2: {  	v12 =	vmul.f32 v12, v12;
	v10 =	vadd.f32 v10, v21;
	v4 =	vmul.f32 v4, v4  }
0xd3: {  	vm0 =	vlt.f32 v3, $5.000000000e+03;
	v3 =	vmul.f32 v7, v7;
	v7 =	vmul.f32 v11, v11  }
0xd4: {  	v10 =	vadd.f32 v10, v12;
	v4 =	vadd.f32 v4, v18;
	v12 =	vmul.f32 v16, v16  }
0xd5: {  	v9 =	vmul.f32 v9, v9;
	v7 =	vadd.f32 v7, v22  }
0xd6: {  	v10 =	vnsel vm0, $0x0, v10;
	v4 =	vadd.f32 v4, v5;
	v5 =	vadd.f32 v12, v13  }
0xd7: {  	vm15 =	vlt.f32 v6, $5.000000000e+03;
	vm13 =	vlt.f32 v15, $5.000000000e+03;
	v8 =	vadd.f32 v10, v8  }
0xd8: {  	v6 =	vld [tilespmem:$0x1E0F0];
	v7 =	vadd.f32 v7, v9;
	v4 =	vnsel vm13, $0x0, v4;
	v5 =	vadd.f32 v5, v3  }
0xd9: {  	vm14 =	vlt.f32 v14, $5.000000000e+03;
	v11 =	vld [tilespmem:$0x1E140];
	v8 =	vadd.f32 v4, v8  }
0xda: {  	s15 =	simm.s32 $0x90;
	v9 =	vnsel vm15, $0x0, v7;
	v7 =	vld [tilespmem:$0x1E110];
	v10 =	vnsel vm14, $0x0, v5  }
0xdb: {  	v12 =	vadd.s32 s15, v2;
	v3 =	vld [tilespmem:$0x1E0C0];
	v8 =	vadd.f32 v10, v8  }
0xdc: {  	v13 =	vadd.s32 s15, v0;
	v4 =	vld [tilespmem:$0x1E0D0]  }
0xdd: {  	v14 =	vadd.s32 s15, v1;
	v5 =	vld [tilespmem:$0x1E0E0];
	v8 =	vadd.f32 v9, v8  }
0xde: {  	s30 =	simm.s32 $0x60;
	v10 =	vld [tilespmem:$0x1E130]  }
0xdf: {  	v15 =	vadd.s32 s30, v0;
	v9 =	vld [tilespmem:$0x1E120];
	[tilespmem:$0x1E580] =	vst v8  }
0xe0: {  	v17 =	vadd.s32 s30, v1;
	v16 =	vld.idx.msk [tilespmem:v12+s8+$0x0], $0xffff  }
0xe1: {  	s31 =	simm.s32 $0x30;
	v13 =	vld.idx.msk [tilespmem:v13+s8+$0x0], $0xffff  }
0xe2: {  	v18 =	vadd.s32 s31, v0;
	v14 =	vld.idx.msk [tilespmem:v14+s8+$0x0], $0xffff  }
0xe3: {  	v19 =	vadd.s32 s31, v1;
	v12 =	vld [tilespmem:$0x1E100]  }
0xe4: {  	s16 =	simm.s32 $0x0;
	v15 =	vld.idx.msk [tilespmem:v15+s8+$0x0], $0xffff  }
0xe5: {  	v23 =	vor.u32 s16, v0;
	v17 =	vld.idx.msk [tilespmem:v17+s8+$0x0], $0xffff;
	v20 =	vmul.f32 v16, v5  }
0xe6: {  	v26 =	vor.u32 s16, v1;
	v21 =	vmul.f32 v16, v11;
	v16 =	vmul.f32 v16, v7  }
0xe7: {  	v18 =	vld.idx.msk [tilespmem:v18+s8+$0x0], $0xffff;
	v22 =	vmul.f32 v13, v9;
	v24 =	vmul.f32 v13, v3  }
0xe8: {  	v19 =	vld.idx.msk [tilespmem:v19+s8+$0x0], $0xffff;
	v25 =	vmul.f32 v14, v10;
	v27 =	vmul.f32 v14, v4  }
0xe9: {  	v13 =	vmul.f32 v13, v6;
	v14 =	vmul.f32 v14, v12  }
0xea: {  	v23 =	vld.idx.msk [tilespmem:v23+s8+$0x0], $0xffff;
	v30 =	vmul.f32 v15, v9;
	v31 =	vmul.f32 v17, v10  }
0xeb: {  	v50 =	vadd.s32 s31, v2;
	v26 =	vld.idx.msk [tilespmem:v26+s8+$0x0], $0xffff;
	v51 =	vmul.f32 v15, v3;
	v52 =	vmul.f32 v17, v4  }
0xec: {  	v15 =	vmul.f32 v15, v6;
	v17 =	vmul.f32 v17, v12  }
0xed: {  	v8 =	vadd.s32 s30, v2;
	v53 =	vmul.f32 v18, v9;
	v54 =	vmul.f32 v19, v10  }
0xee: {  	v56 =	vmul.f32 v18, v3;
	v39 =	vmul.f32 v19, v4  }
0xef: {  	v18 =	vmul.f32 v18, v6;
	v19 =	vmul.f32 v19, v12  }
0xf0: {  	v55 =	vor.u32 s16, v2;
	v32 =	vld.idx.msk [tilespmem:v50+s8+$0x0], $0xffff;
	v40 =	vmul.f32 v23, v9;
	v41 =	vmul.f32 v26, v10  }
0xf1: {  	v42 =	vmul.f32 v23, v3;
	v24 =	vadd.f32 v27, v24;
	v22 =	vadd.f32 v25, v22  }
0xf2: {  	v8 =	vld.idx.msk [tilespmem:v8+s8+$0x0], $0xffff;
	v25 =	vmul.f32 v26, v4;
	v27 =	vadd.f32 v31, v30;
	v13 =	vadd.f32 v14, v13  }
0xf3: {  	v14 =	vmul.f32 v23, v6;
	v23 =	vadd.f32 v52, v51;
	v17 =	vadd.f32 v17, v15  }
0xf4: {  	v15 =	vmul.f32 v26, v12;
	v26 =	vadd.f32 v39, v56;
	v31 =	vadd.f32 v54, v53  }
0xf5: {  	v59 =	vmul.f32 v32, v5;
	v30 =	vld.idx.msk [tilespmem:v55+s8+$0x0], $0xffff;
	v57 =	vadd.f32 v41, v40;
	v18 =	vadd.f32 v19, v18  }
0xf6: {  	v19 =	vmul.f32 v32, v11;
	v32 =	vmul.f32 v32, v7;
	v25 =	vadd.f32 v25, v42  }
0xf7: {  	v28 =	vmul.f32 v8, v11;
	v58 =	vadd.f32 v15, v14;
	v20 =	vadd.f32 v20, v24  }
0xf8: {  	v29 =	vmul.f32 v8, v5;
	v14 =	vld [tilespmem:$0x1E150];
	v21 =	vadd.f32 v21, v22;
	v26 =	vadd.f32 v59, v26  }
0xf9: {  	v8 =	vmul.f32 v8, v7;
	v15 =	vld [tilespmem:$0x1E170];
	v19 =	vadd.f32 v19, v31;
	v24 =	vadd.f32 v28, v27  }
0xfa: {  	v27 =	vadd.f32 v16, v13;
	v28 =	vadd.f32 v29, v23;
	v22 =	vmul.f32 v30, v11  }
0xfb: {  	v8 =	vadd.f32 v8, v17;
	v13 =	vmul.f32 v30, v5;
	v17 =	vmul.f32 v30, v7  }
0xfc: {  	v16 =	vld [tilespmem:$0x1E160];
	v30 =	vadd.f32 v32, v18;
	v29 =	vadd.f32 v22, v57  }
0xfd: {  	v31 =	vadd.f32 v13, v25;
	v60 =	vadd.f32 v17, v58  }
0xfe: {  	v22 =	vadd.f32 v20, v14;
	v23 =	vadd.f32 v21, v15  }
0xff: {  	v13 =	vadd.f32 v24, v15;
	v25 =	vadd.f32 v28, v14  }
0x100: {  	v20 =	vadd.f32 v26, v14;
	v18 =	vadd.f32 v19, v15  }
0x101: {  	v21 =	vadd.f32 v27, v16;
	v17 =	vadd.f32 v8, v16  }
0x102: {  	v24 =	vadd.f32 v29, v15;
	v19 =	vadd.f32 v30, v16  }
0x103: {  	v27 =	vadd.f32 v31, v14;
	v26 =	vadd.f32 v60, v16  }
0x104: {  	v28 =	vadd.f32 $4.843750000e-01, v22;
	v29 =	vadd.f32 $4.843750000e-01, v23  }
0x105: {  	v31 =	vadd.f32 $4.843750000e-01, v13;
	v62 =	vadd.f32 $4.843750000e-01, v25  }
0x106: {  	v35 =	vadd.f32 $4.843750000e-01, v20;
	v36 =	vadd.f32 $4.843750000e-01, v18  }
0x107: {  	v8 =	vimm.f32 $0.0e+00;
	v61 =	vadd.f32 $4.843750000e-01, v21;
	v63 =	vadd.f32 $4.843750000e-01, v17  }
0x108: {  	v33 =	vadd.f32 $4.843750000e-01, v19;
	v30 =	vmul.f32 $3.200000000e+01, v28;
	v29 =	vmul.f32 $3.200000000e+01, v29  }
0x109: {  	v37 =	vadd.f32 $4.843750000e-01, v24;
	v28 =	vmul.f32 $3.200000000e+01, v31;
	v31 =	vmul.f32 $3.200000000e+01, v62  }
0x10a: {  	s15 =	simm.s32 $0x150;
	v38 =	vadd.f32 $4.843750000e-01, v27;
	v34 =	vmul.f32 $3.200000000e+01, v61;
	v32 =	vmul.f32 $3.200000000e+01, v63  }
.LBB2_4:
0x10b: {  	p0 =	sne.s32 s15, $0x5FD0;
	v39 =	vadd.f32 $4.843750000e-01, v26;
	v35 =	vmul.f32 $3.200000000e+01, v35;
	v36 =	vmul.f32 $3.200000000e+01, v36  }
0x10c: {  	v40 =	vadd.s32 s15, v2;
	v37 =	vmul.f32 $3.200000000e+01, v37;
	v33 =	vmul.f32 $3.200000000e+01, v33  }
0x10d: {  	v41 =	vadd.s32 s15, v0;
	v38 =	vmul.f32 $3.200000000e+01, v38;
	v39 =	vmul.f32 $3.200000000e+01, v39  }
0x10e: {  	v30 =	vmax.f32 v30, $0.0e+00;
	v34 =	vmax.f32 v34, $0.0e+00;
	v29 =	vmax.f32 v29, $0.0e+00  }
0x10f: {  	v30 =	vmin.f32 v30, $3.100000000e+01;
	v34 =	vmin.f32 v34, $3.100000000e+01;
	v29 =	vmin.f32 v29, $3.100000000e+01  }
0x110: {  	v28 =	vmax.f32 v28, $0.0e+00;
	v31 =	vmax.f32 v31, $0.0e+00;
	v32 =	vmax.f32 v32, $0.0e+00  }
0x111: {  	v35 =	vmax.f32 v35, $0.0e+00;
	v33 =	vmax.f32 v33, $0.0e+00;
	v36 =	vmax.f32 v36, $0.0e+00  }
0x112: {  	v37 =	vmax.f32 v37, $0.0e+00;
	v29 =	vadd.f32 $5.000000000e-01, v29;
	v38 =	vmax.f32 v38, $0.0e+00  }
0x113: {  	v30 =	vadd.f32 $5.000000000e-01, v30;
	v34 =	vadd.f32 $5.000000000e-01, v34;
	v39 =	vmax.f32 v39, $0.0e+00  }
0x114: {  	v28 =	vmin.f32 v28, $3.100000000e+01;
	v31 =	vmin.f32 v31, $3.100000000e+01;
	v32 =	vmin.f32 v32, $3.100000000e+01  }
0x115: {  	v35 =	vmin.f32 v35, $3.100000000e+01;
	v33 =	vmin.f32 v33, $3.100000000e+01;
	v36 =	vmin.f32 v36, $3.100000000e+01  }
0x116: {  	v28 =	vadd.f32 $5.000000000e-01, v28;
	v37 =	vmin.f32 v37, $3.100000000e+01;
	v38 =	vmin.f32 v38, $3.100000000e+01  }
0x117: {  	v31 =	vadd.f32 $5.000000000e-01, v31;
	v32 =	vadd.f32 $5.000000000e-01, v32;
	v39 =	vmin.f32 v39, $3.100000000e+01  }
0x118: {  	v36 =	vadd.f32 $5.000000000e-01, v36;
	v30 =	vtrunc.f32 v30;
	v29 =	vtrunc.f32 v29  }
0x119: {  	v35 =	vadd.f32 $5.000000000e-01, v35;
	v34 =	vtrunc.f32 v34;
	v29 =	vcvt.f32.s32 v29  }
0x11a: {  	v33 =	vadd.f32 $5.000000000e-01, v33;
	v30 =	vcvt.f32.s32 v30;
	v34 =	vcvt.f32.s32 v34  }
0x11b: {  	v37 =	vadd.f32 $5.000000000e-01, v37;
	v28 =	vtrunc.f32 v28;
	v31 =	vtrunc.f32 v31  }
0x11c: {  	v38 =	vadd.f32 $5.000000000e-01, v38;
	v32 =	vtrunc.f32 v32;
	v36 =	vtrunc.f32 v36  }
0x11d: {  	v39 =	vadd.f32 $5.000000000e-01, v39;
	v35 =	vtrunc.f32 v35;
	v33 =	vtrunc.f32 v33  }
0x11e: {  	s17 =	sadd.s32 $0xFFFFFFD0, s15;
	v42 =	vadd.s32 s15, v1;
	v37 =	vtrunc.f32 v37;
	v38 =	vtrunc.f32 v38  }
0x11f: {  	v43 =	vadd.s32 s17, v2;
	v28 =	vcvt.f32.s32 v28;
	v39 =	vtrunc.f32 v39  }
0x120: {  	v44 =	vadd.s32 s17, v0;
	v31 =	vcvt.f32.s32 v31;
	v32 =	vcvt.f32.s32 v32  }
0x121: {  	s16 =	sadd.s32 $0xFFFFFFA0, s15;
	v45 =	vadd.s32 s17, v1;
	v35 =	vcvt.f32.s32 v35;
	v36 =	vcvt.f32.s32 v36  }
0x122: {  	v46 =	vadd.s32 s16, v0;
	v37 =	vcvt.f32.s32 v37;
	v33 =	vcvt.f32.s32 v33  }
0x123: {  	v30 =	vmul.u32 $0xC00, v30;
	v34 =	vmul.u32 $0x60, v34;
	v38 =	vcvt.f32.s32 v38  }
0x124: {  	v28 =	vmul.u32 $0x3, v28;
	v29 =	vmul.u32 $0x3, v29;
	v39 =	vcvt.f32.s32 v39;
	v40 =	vld.idx.msk [tilespmem:v40+s8+$0x0], $0xffff  }
0x125: {  	v31 =	vmul.u32 $0xC00, v31;
	v32 =	vmul.u32 $0x60, v32;
	v30 =	vadd.s32 v34, v30;
	v41 =	vld.idx.msk [tilespmem:v41+s8+$0x0], $0xffff  }
0x126: {  	v35 =	vmul.u32 $0xC00, v35;
	v36 =	vmul.u32 $0x3, v36;
	v29 =	vadd.s32 v29, v30;
	v34 =	vld.idx.msk [tilespmem:v42+s8+$0x0], $0xffff  }
0x127: {  	v33 =	vmul.u32 $0x60, v33;
	v30 =	vmul.u32 $0xC00, v38;
	v38 =	vadd.s32 $0x2, v29;
	v42 =	vld.idx.msk [tilespmem:v43+s8+$0x0], $0xffff  }
0x128: {  	v31 =	vadd.s32 v32, v31;
	v39 =	vmul.u32 $0x60, v39;
	v32 =	vadd.s32 $0x1, v29;
	v43 =	vld.idx.msk [tilespmem:v44+s8+$0x0], $0xffff  }
0x129: {  	v37 =	vmul.u32 $0x3, v37;
	v33 =	vadd.s32 v33, v35;
	v31 =	vadd.s32 v28, v31;
	v44 =	vld.idx.msk [tilespmem:v45+s8+$0x0], $0xffff  }
0x12a: {  	v33 =	vadd.s32 v36, v33;
	v28 =	vadd.s32 v39, v30;
	v35 =	vld.idx.msk [tilespmem:v46+s8+$0x0], $0xffff  }
0x12b: {  	v36 =	vadd.s32 v37, v28;
	v37 =	vld.idx.msk [tilespmem:v29+s2+$0x0], $0xffff  }
0x12c: {  	v39 =	vadd.s32 $0x2, v33;
	v38 =	vld.idx.msk [tilespmem:v38+s2+$0x0], $0xffff  }
0x12d: {  	v45 =	vadd.s32 s16, v2;
	v46 =	vadd.s32 $0x1, v36;
	v32 =	vld.idx.msk [tilespmem:v32+s2+$0x0], $0xffff  }
0x12e: {  	v47 =	vadd.s32 $0x2, v36;
	v28 =	vmul.f32 v40, v5;
	v30 =	vmul.f32 v40, v11;
	v48 =	vld.idx.msk [tilespmem:v31+s2+$0x0], $0xffff  }
0x12f: {  	v29 =	vmul.f32 v40, v7;
	v40 =	vmul.f32 v41, v9;
	v49 =	vld.idx.msk [tilespmem:v33+s2+$0x0], $0xffff;
	v33 =	vadd.s32 $0x1, v33  }
0x130: {  	s17 =	sadd.s32 $0xFFFFFF70, s15;
	v52 =	vadd.s32 $0x1, v31;
	v50 =	vmul.f32 v41, v3;
	v51 =	vmul.f32 v34, v10;
	v36 =	vld.idx.msk [tilespmem:v36+s2+$0x0], $0xffff  }
0x131: {  	v53 =	vor.u32 s17, v2;
	v54 =	vmul.f32 v34, v4;
	v41 =	vmul.f32 v41, v6;
	v39 =	vld.idx.msk [tilespmem:v39+s2+$0x0], $0xffff  }
0x132: {  	v34 =	vmul.f32 v34, v12;
	v55 =	vmul.f32 v42, v11;
	v31 =	vadd.s32 $0x2, v31;
	v46 =	vld.idx.msk [tilespmem:v46+s2+$0x0], $0xffff  }
0x133: {  	v56 =	vadd.s32 s16, v1;
	v57 =	vmul.f32 v42, v5;
	v42 =	vmul.f32 v42, v7;
	v47 =	vld.idx.msk [tilespmem:v47+s2+$0x0], $0xffff  }
0x134: {  	v58 =	vor.u32 s17, v0;
	v59 =	vmul.f32 v43, v9;
	v60 =	vmul.f32 v44, v10;
	v33 =	vld.idx.msk [tilespmem:v33+s2+$0x0], $0xffff  }
0x135: {  	v61 =	vor.u32 s17, v1;
	v62 =	vmul.f32 v43, v3;
	v63 =	vmul.f32 v44, v4;
	v52 =	vld.idx.msk [tilespmem:v52+s2+$0x0], $0xffff  }
0x136: {  	v43 =	vmul.f32 v43, v6;
	v22 =	vsub.f32 v22, v37;
	v23 =	vsub.f32 v23, v38  }
0x137: {  	v38 =	vmul.f32 v44, v12;
	v21 =	vsub.f32 v21, v32;
	v25 =	vsub.f32 v25, v48;
	v31 =	vld.idx.msk [tilespmem:v31+s2+$0x0], $0xffff  }
0x138: {  	v32 =	vmul.f32 v35, v9;
	v27 =	vsub.f32 v27, v36;
	v26 =	vsub.f32 v26, v46  }
0x139: {  	v22 =	vmul.f32 v22, v22;
	v20 =	vsub.f32 v20, v49;
	v24 =	vsub.f32 v24, v47  }
0x13a: {  	v27 =	vmul.f32 v27, v27;
	v26 =	vmul.f32 v26, v26;
	v19 =	vsub.f32 v19, v33  }
0x13b: {  	v18 =	vsub.f32 v18, v39;
	v20 =	vmul.f32 v20, v20;
	v17 =	vsub.f32 v17, v52  }
0x13c: {  	v24 =	vmul.f32 v24, v24;
	v26 =	vadd.f32 v26, v27;
	v19 =	vmul.f32 v19, v19  }
0x13d: {  	v25 =	vmul.f32 v25, v25;
	v18 =	vmul.f32 v18, v18;
	v13 =	vsub.f32 v13, v31;
	v27 =	vld.idx.msk [tilespmem:v56+s8+$0x0], $0xffff  }
0x13e: {  	v17 =	vmul.f32 v17, v17;
	v24 =	vadd.f32 v26, v24;
	v19 =	vadd.f32 v19, v20  }
0x13f: {  	vm0 =	vlt.f32 v36, $5.000000000e+03;
	v20 =	vmul.f32 v21, v21;
	v13 =	vmul.f32 v13, v13  }
0x140: {  	v17 =	vadd.f32 v17, v25;
	v24 =	vnsel vm0, $0x0, v24;
	v18 =	vadd.f32 v19, v18;
	v21 =	vld.idx.msk [tilespmem:v58+s8+$0x0], $0xffff  }
0x141: {  	v23 =	vmul.f32 v23, v23;
	vm0 =	vlt.f32 v49, $5.000000000e+03;
	v8 =	vadd.f32 v24, v8;
	v19 =	vld.idx.msk [tilespmem:v61+s8+$0x0], $0xffff  }
0x142: {  	v13 =	vadd.f32 v17, v13;
	v17 =	vadd.f32 v20, v22;
	v18 =	vnsel vm0, $0x0, v18  }
0x143: {  	vm0 =	vlt.f32 v48, $5.000000000e+03;
	v20 =	vmul.f32 v27, v10;
	v8 =	vadd.f32 v18, v8  }
0x144: {  	v18 =	vmul.f32 v35, v3;
	v13 =	vnsel vm0, $0x0, v13;
	v17 =	vadd.f32 v17, v23  }
0x145: {  	v22 =	vmul.f32 v27, v4;
	vm0 =	vlt.f32 v37, $5.000000000e+03;
	v8 =	vadd.f32 v13, v8  }
0x146: {  	v23 =	vmul.f32 v35, v6;
	v24 =	vmul.f32 v27, v12;
	v17 =	vnsel vm0, $0x0, v17;
	v13 =	vld.idx.msk [tilespmem:v45+s8+$0x0], $0xffff  }
0x147: {  	v25 =	vmul.f32 v21, v9;
	v26 =	vmul.f32 v19, v10;
	v8 =	vadd.f32 v17, v8  }
0x148: {  	v31 =	vadd.f32 v51, v40;
	v27 =	vadd.f32 v54, v50;
	v17 =	vmul.f32 v21, v3  }
0x149: {  	v34 =	vadd.f32 v34, v41;
	v36 =	vadd.f32 v60, v59;
	v35 =	vmul.f32 v19, v4;
	v33 =	vld.idx.msk [tilespmem:v53+s8+$0x0], $0xffff  }
0x14a: {  	v38 =	vadd.f32 v38, v43;
	v37 =	vadd.f32 v63, v62;
	v21 =	vmul.f32 v21, v6  }
0x14b: {  	v18 =	vadd.f32 v22, v18;
	v20 =	vadd.f32 v20, v32;
	v19 =	vmul.f32 v19, v12  }
0x14c: {  	v23 =	vadd.f32 v24, v23;
	v22 =	vadd.f32 v26, v25;
	v24 =	vmul.f32 v13, v11  }
0x14d: {  	v17 =	vadd.f32 v35, v17;
	v19 =	vadd.f32 v19, v21;
	v21 =	vmul.f32 v13, v5  }
0x14e: {  	v25 =	vadd.f32 v28, v27;
	v26 =	vadd.f32 v30, v31;
	v13 =	vmul.f32 v13, v7  }
0x14f: {  	v29 =	vadd.f32 v29, v34;
	v28 =	vadd.f32 v55, v36;
	v27 =	vmul.f32 v33, v11  }
0x150: {  	v32 =	vadd.f32 v42, v38;
	v31 =	vadd.f32 v57, v37;
	v30 =	vmul.f32 v33, v5  }
0x151: {  	v18 =	vadd.f32 v21, v18;
	v24 =	vadd.f32 v24, v20;
	v33 =	vmul.f32 v33, v7  }
0x152: {  	v34 =	vadd.f32 v13, v23;
	v27 =	vadd.f32 v27, v22  }
0x153: {  	v30 =	vadd.f32 v30, v17;
	v33 =	vadd.f32 v33, v19  }
0x154: {  	v23 =	vadd.f32 v26, v15;
	v22 =	vadd.f32 v25, v14  }
0x155: {  	v13 =	vadd.f32 v28, v15;
	v21 =	vadd.f32 v29, v16  }
0x156: {  	v25 =	vadd.f32 v31, v14;
	v17 =	vadd.f32 v32, v16  }
0x157: {  	v20 =	vadd.f32 v18, v14;
	v18 =	vadd.f32 v24, v15  }
0x158: {  	v19 =	vadd.f32 v34, v16;
	v24 =	vadd.f32 v27, v15  }
0x159: {  	v27 =	vadd.f32 v30, v14;
	v26 =	vadd.f32 v33, v16  }
0x15a: {  	v29 =	vadd.f32 $4.843750000e-01, v23;
	v28 =	vadd.f32 $4.843750000e-01, v22  }
0x15b: {  	v31 =	vadd.f32 $4.843750000e-01, v13;
	v32 =	vadd.f32 $4.843750000e-01, v21  }
.Ltmp1:
0x15c: {  	v39 =	vadd.f32 $4.843750000e-01, v25;
	v40 =	vadd.f32 $4.843750000e-01, v17;
	(pc) =	sbr.rel @p0 .LBB2_4-.Ltmp1, $4  }
0x15d: {  	v35 =	vadd.f32 $4.843750000e-01, v20;
	v36 =	vadd.f32 $4.843750000e-01, v18  }
0x15e: {  	v29 =	vmul.f32 $3.200000000e+01, v29;
	v33 =	vadd.f32 $4.843750000e-01, v19;
	v30 =	vmul.f32 $3.200000000e+01, v28  }
0x15f: {  	v34 =	vmul.f32 $3.200000000e+01, v32;
	v37 =	vadd.f32 $4.843750000e-01, v24;
	v28 =	vmul.f32 $3.200000000e+01, v31  }
0x160: {  	s15 =	sadd.s32 $0xC0, s15;
	v38 =	vadd.f32 $4.843750000e-01, v27;
	v31 =	vmul.f32 $3.200000000e+01, v39;
	v32 =	vmul.f32 $3.200000000e+01, v40  }
0x161: {  	v4 =	vmul.f32 $3.200000000e+01, v35;
	v5 =	vmul.f32 $3.200000000e+01, v36  }
0x162: {  	v3 =	vadd.f32 $4.843750000e-01, v26;
	v6 =	vmul.f32 $3.200000000e+01, v37;
	v7 =	vmul.f32 $3.200000000e+01, v33  }
0x163: {  	v10 =	vmax.f32 v30, $0.0e+00;
	v11 =	vmax.f32 v34, $0.0e+00;
	v12 =	vmax.f32 v29, $0.0e+00  }
0x164: {  	v16 =	vmax.f32 v28, $0.0e+00;
	v9 =	vmul.f32 $3.200000000e+01, v38;
	v10 =	vmin.f32 v10, $3.100000000e+01  }
0x165: {  	v11 =	vmin.f32 v11, $3.100000000e+01;
	v12 =	vmin.f32 v12, $3.100000000e+01;
	v14 =	vmax.f32 v31, $0.0e+00  }
0x166: {  	v15 =	vmax.f32 v32, $0.0e+00;
	v16 =	vmin.f32 v16, $3.100000000e+01;
	v3 =	vmul.f32 $3.200000000e+01, v3  }
0x167: {  	v4 =	vmax.f32 v4, $0.0e+00;
	v7 =	vmax.f32 v7, $0.0e+00;
	v5 =	vmax.f32 v5, $0.0e+00  }
0x168: {  	v6 =	vmax.f32 v6, $0.0e+00;
	v12 =	vadd.f32 $5.000000000e-01, v12;
	v10 =	vadd.f32 $5.000000000e-01, v10  }
0x169: {  	v11 =	vadd.f32 $5.000000000e-01, v11;
	v14 =	vmin.f32 v14, $3.100000000e+01;
	v15 =	vmin.f32 v15, $3.100000000e+01  }
0x16a: {  	v16 =	vadd.f32 $5.000000000e-01, v16;
	v9 =	vmax.f32 v9, $0.0e+00;
	v4 =	vmin.f32 v4, $3.100000000e+01  }
0x16b: {  	v7 =	vmin.f32 v7, $3.100000000e+01;
	v5 =	vmin.f32 v5, $3.100000000e+01;
	v6 =	vmin.f32 v6, $3.100000000e+01  }
0x16c: {  	v14 =	vadd.f32 $5.000000000e-01, v14;
	v15 =	vadd.f32 $5.000000000e-01, v15;
	v10 =	vtrunc.f32 v10  }
0x16d: {  	v9 =	vmin.f32 v9, $3.100000000e+01;
	v12 =	vtrunc.f32 v12;
	v11 =	vtrunc.f32 v11  }
0x16e: {  	v5 =	vadd.f32 $5.000000000e-01, v5;
	v16 =	vtrunc.f32 v16;
	v12 =	vcvt.f32.s32 v12  }
0x16f: {  	v4 =	vadd.f32 $5.000000000e-01, v4;
	v10 =	vcvt.f32.s32 v10;
	v11 =	vcvt.f32.s32 v11  }
0x170: {  	v7 =	vadd.f32 $5.000000000e-01, v7;
	v14 =	vtrunc.f32 v14;
	v15 =	vtrunc.f32 v15  }
0x171: {  	v6 =	vadd.f32 $5.000000000e-01, v6;
	v16 =	vcvt.f32.s32 v16;
	v5 =	vtrunc.f32 v5  }
0x172: {  	v9 =	vadd.f32 $5.000000000e-01, v9;
	v4 =	vtrunc.f32 v4;
	v7 =	vtrunc.f32 v7  }
0x173: {  	v6 =	vtrunc.f32 v6;
	v14 =	vcvt.f32.s32 v14  }
0x174: {  	v3 =	vmax.f32 v3, $0.0e+00;
	v15 =	vcvt.f32.s32 v15;
	v9 =	vtrunc.f32 v9  }
0x175: {  	v3 =	vmin.f32 v3, $3.100000000e+01;
	v4 =	vcvt.f32.s32 v4;
	v5 =	vcvt.f32.s32 v5  }
0x176: {  	v3 =	vadd.f32 $5.000000000e-01, v3;
	v6 =	vcvt.f32.s32 v6;
	v7 =	vcvt.f32.s32 v7  }
0x177: {  	v10 =	vmul.u32 $0xC00, v10;
	v11 =	vmul.u32 $0x60, v11;
	v16 =	vmul.u32 $0x3, v16  }
0x178: {  	v12 =	vmul.u32 $0x3, v12;
	v3 =	vtrunc.f32 v3;
	v9 =	vcvt.f32.s32 v9  }
0x179: {  	v14 =	vmul.u32 $0xC00, v14;
	v15 =	vmul.u32 $0x60, v15;
	v10 =	vadd.s32 v11, v10  }
0x17a: {  	v3 =	vcvt.f32.s32 v3;
	v4 =	vmul.u32 $0xC00, v4;
	v10 =	vadd.s32 v12, v10  }
0x17b: {  	v5 =	vmul.u32 $0x3, v5;
	v7 =	vmul.u32 $0x60, v7;
	v11 =	vadd.s32 $0x2, v10  }
0x17c: {  	v9 =	vmul.u32 $0xC00, v9;
	v12 =	vadd.s32 v15, v14;
	v14 =	vadd.s32 $0x1, v10  }
0x17d: {  	v3 =	vmul.u32 $0x60, v3;
	v4 =	vadd.s32 v7, v4;
	v7 =	vadd.s32 v16, v12  }
0x17e: {  	v6 =	vmul.u32 $0x3, v6;
	v4 =	vadd.s32 v5, v4  }
0x17f: {  	v16 =	vadd.s32 $0x1, v7;
	v3 =	vadd.s32 v3, v9;
	v5 =	vld.idx.msk [tilespmem:v10+s2+$0x0], $0xffff  }
0x180: {  	v3 =	vadd.s32 v6, v3;
	v9 =	vld.idx.msk [tilespmem:v11+s2+$0x0], $0xffff  }
0x181: {  	v10 =	vadd.s32 $0x1, v3;
	v11 =	vld.idx.msk [tilespmem:v14+s2+$0x0], $0xffff  }
0x182: {  	v12 =	vadd.s32 $0x2, v3;
	v14 =	vld.idx.msk [tilespmem:v7+s2+$0x0], $0xffff  }
0x183: {  	v6 =	vadd.s32 $0x2, v4;
	v15 =	vld.idx.msk [tilespmem:v4+s2+$0x0], $0xffff;
	v4 =	vadd.s32 $0x1, v4  }
0x184: {  	v16 =	vld.idx.msk [tilespmem:v16+s2+$0x0], $0xffff  }
0x185: {  	v3 =	vld.idx.msk [tilespmem:v3+s2+$0x0], $0xffff  }
0x186: {  	v7 =	vadd.s32 $0x2, v7;
	v10 =	vld.idx.msk [tilespmem:v10+s2+$0x0], $0xffff  }
0x187: {  	v12 =	vld.idx.msk [tilespmem:v12+s2+$0x0], $0xffff  }
0x188: {  	v4 =	vld.idx.msk [tilespmem:v4+s2+$0x0], $0xffff  }
0x189: {  	v6 =	vld.idx.msk [tilespmem:v6+s2+$0x0], $0xffff;
	v22 =	vsub.f32 v22, v5;
	v9 =	vsub.f32 v23, v9  }
0x18a: {  	v23 =	vsub.f32 v25, v14;
	v11 =	vsub.f32 v21, v11  }
0x18b: {  	v7 =	vld.idx.msk [tilespmem:v7+s2+$0x0], $0xffff;
	v21 =	vsub.f32 v27, v3;
	v10 =	vsub.f32 v26, v10  }
0x18c: {  	v20 =	vsub.f32 v20, v15;
	v22 =	vmul.f32 v22, v22;
	v12 =	vsub.f32 v24, v12  }
0x18d: {  	v21 =	vmul.f32 v21, v21;
	v10 =	vmul.f32 v10, v10;
	v4 =	vsub.f32 v19, v4  }
0x18e: {  	v16 =	vsub.f32 v17, v16;
	v6 =	vsub.f32 v18, v6;
	v18 =	vmul.f32 v20, v20  }
0x18f: {  	v12 =	vmul.f32 v12, v12;
	v10 =	vadd.f32 v10, v21;
	v4 =	vmul.f32 v4, v4  }
0x190: {  	v6 =	vmul.f32 v6, v6;
	v7 =	vsub.f32 v13, v7;
	v13 =	vmul.f32 v23, v23  }
0x191: {  	v10 =	vadd.f32 v10, v12;
	v4 =	vadd.f32 v4, v18;
	v12 =	vmul.f32 v16, v16  }
0x192: {  	vm0 =	vlt.f32 v3, $5.000000000e+03;
	v3 =	vmul.f32 v7, v7;
	v7 =	vmul.f32 v11, v11  }
0x193: {  	v10 =	vnsel vm0, $0x0, v10;
	v4 =	vadd.f32 v4, v6;
	v6 =	vadd.f32 v12, v13  }
0x194: {  	vm13 =	vlt.f32 v15, $5.000000000e+03;
	v9 =	vmul.f32 v9, v9;
	v8 =	vadd.f32 v10, v8  }
0x195: {  	v4 =	vnsel vm13, $0x0, v4;
	v3 =	vadd.f32 v6, v3;
	v6 =	vadd.f32 v7, v22  }
0x196: {  	vm14 =	vlt.f32 v14, $5.000000000e+03;
	v4 =	vadd.f32 v4, v8  }
0x197: {  	v3 =	vnsel vm14, $0x0, v3;
	v6 =	vadd.f32 v6, v9  }
0x198: {  	vm15 =	vlt.f32 v5, $5.000000000e+03;
	v3 =	vadd.f32 v3, v4  }
0x199: {  	v4 =	vnsel vm15, $0x0, v6  }
0x19a: {  	v3 =	vadd.f32 v4, v3;
	_ =	sdelay $0x1  }
0x19b: {  	[tilespmem:s11+$0x0] =	vst.add.f32.msk $0xffff, v3  }
0x19c: {  	v3 =	vld [tilespmem:$0x1E180]  }
0x19d: {  	v4 =	vld [tilespmem:$0x1E190]  }
0x19e: {  	s15 =	simm.s32 $0x90;
	v5 =	vld [tilespmem:$0x1E1A0]  }
0x19f: {  	v8 =	vadd.s32 s15, v2;
	v6 =	vld [tilespmem:$0x1E1B0]  }
0x1a0: {  	v12 =	vadd.s32 s15, v0;
	v7 =	vld [tilespmem:$0x1E1D0]  }
0x1a1: {  	s30 =	simm.s32 $0x60;
	v13 =	vadd.s32 s15, v1;
	v9 =	vld [tilespmem:$0x1E1E0]  }
0x1a2: {  	v14 =	vadd.s32 s30, v2;
	v10 =	vld [tilespmem:$0x1E1F0]  }
0x1a3: {  	v11 =	vld [tilespmem:$0x1E200]  }
0x1a4: {  	v15 =	vadd.s32 s30, v0;
	v8 =	vld.idx.msk [tilespmem:v8+s8+$0x0], $0xffff  }
0x1a5: {  	v16 =	vadd.s32 s30, v1;
	v17 =	vld.idx.msk [tilespmem:v12+s8+$0x0], $0xffff  }
0x1a6: {  	s31 =	simm.s32 $0x30;
	v13 =	vld.idx.msk [tilespmem:v13+s8+$0x0], $0xffff  }
0x1a7: {  	v18 =	vadd.s32 s31, v0;
	v14 =	vld.idx.msk [tilespmem:v14+s8+$0x0], $0xffff  }
0x1a8: {  	v19 =	vadd.s32 s31, v1;
	v12 =	vld [tilespmem:$0x1E1C0]  }
0x1a9: {  	s16 =	simm.s32 $0x0;
	v15 =	vld.idx.msk [tilespmem:v15+s8+$0x0], $0xffff;
	v20 =	vmul.f32 v8, v5  }
0x1aa: {  	v23 =	vor.u32 s16, v0;
	v16 =	vld.idx.msk [tilespmem:v16+s8+$0x0], $0xffff;
	v22 =	vmul.f32 v17, v9;
	v24 =	vmul.f32 v17, v3  }
0x1ab: {  	v26 =	vor.u32 s16, v1;
	v25 =	vmul.f32 v13, v10;
	v27 =	vmul.f32 v13, v4  }
0x1ac: {  	v18 =	vld.idx.msk [tilespmem:v18+s8+$0x0], $0xffff;
	v17 =	vmul.f32 v17, v6;
	v28 =	vmul.f32 v14, v11  }
0x1ad: {  	v19 =	vld.idx.msk [tilespmem:v19+s8+$0x0], $0xffff;
	v13 =	vmul.f32 v13, v12;
	v29 =	vmul.f32 v14, v5  }
0x1ae: {  	v30 =	vmul.f32 v14, v7;
	v14 =	vmul.f32 v15, v9  }
0x1af: {  	v23 =	vld.idx.msk [tilespmem:v23+s8+$0x0], $0xffff;
	v31 =	vmul.f32 v16, v10;
	v50 =	vmul.f32 v15, v3  }
0x1b0: {  	v26 =	vld.idx.msk [tilespmem:v26+s8+$0x0], $0xffff;
	v51 =	vmul.f32 v16, v4;
	v15 =	vmul.f32 v15, v6  }
0x1b1: {  	v49 =	vadd.s32 s31, v2;
	v16 =	vmul.f32 v16, v12;
	v52 =	vmul.f32 v18, v9  }
0x1b2: {  	v53 =	vmul.f32 v19, v10;
	v55 =	vmul.f32 v18, v3  }
0x1b3: {  	v39 =	vmul.f32 v19, v4;
	v18 =	vmul.f32 v18, v6  }
0x1b4: {  	v54 =	vor.u32 s16, v2;
	v19 =	vmul.f32 v19, v12;
	v40 =	vmul.f32 v23, v9  }
0x1b5: {  	v41 =	vmul.f32 v26, v10;
	v42 =	vmul.f32 v23, v3;
	v24 =	vadd.f32 v27, v24  }
0x1b6: {  	v32 =	vld.idx.msk [tilespmem:v49+s8+$0x0], $0xffff;
	v22 =	vadd.f32 v25, v22;
	v25 =	vmul.f32 v26, v4;
	v27 =	vadd.f32 v31, v14  }
0x1b7: {  	v13 =	vadd.f32 v13, v17;
	v14 =	vmul.f32 v23, v6;
	v23 =	vadd.f32 v51, v50  }
0x1b8: {  	v31 =	vadd.f32 v16, v15;
	v15 =	vmul.f32 v26, v12;
	v26 =	vadd.f32 v39, v55  }
0x1b9: {  	v21 =	vmul.f32 v8, v11;
	v17 =	vld.idx.msk [tilespmem:v54+s8+$0x0], $0xffff;
	v56 =	vadd.f32 v53, v52;
	v57 =	vadd.f32 v41, v40  }
0x1ba: {  	v8 =	vmul.f32 v8, v7;
	v18 =	vadd.f32 v19, v18;
	v25 =	vadd.f32 v25, v42  }
0x1bb: {  	v59 =	vmul.f32 v32, v5;
	v58 =	vadd.f32 v15, v14;
	v20 =	vadd.f32 v20, v24  }
0x1bc: {  	v19 =	vmul.f32 v32, v11;
	v14 =	vld [tilespmem:$0x1E210];
	v21 =	vadd.f32 v21, v22;
	v24 =	vadd.f32 v28, v27  }
0x1bd: {  	v32 =	vmul.f32 v32, v7;
	v15 =	vld [tilespmem:$0x1E230];
	v8 =	vadd.f32 v8, v13;
	v27 =	vadd.f32 v29, v23  }
0x1be: {  	v16 =	vld [tilespmem:$0x1E220];
	v28 =	vadd.f32 v30, v31;
	v26 =	vadd.f32 v59, v26;
	v22 =	vmul.f32 v17, v11  }
0x1bf: {  	v19 =	vadd.f32 v19, v56;
	v13 =	vmul.f32 v17, v5;
	v17 =	vmul.f32 v17, v7  }
0x1c0: {  	v30 =	vadd.f32 v32, v18;
	v29 =	vadd.f32 v22, v57  }
0x1c1: {  	v31 =	vadd.f32 v13, v25;
	v60 =	vadd.f32 v17, v58  }
0x1c2: {  	v22 =	vadd.f32 v20, v14;
	v23 =	vadd.f32 v21, v15  }
0x1c3: {  	v13 =	vadd.f32 v24, v15;
	v21 =	vadd.f32 v8, v16  }
0x1c4: {  	v25 =	vadd.f32 v27, v14;
	v17 =	vadd.f32 v28, v16  }
0x1c5: {  	v20 =	vadd.f32 v26, v14;
	v18 =	vadd.f32 v19, v15  }
0x1c6: {  	v19 =	vadd.f32 v30, v16;
	v24 =	vadd.f32 v29, v15  }
0x1c7: {  	v27 =	vadd.f32 v31, v14;
	v26 =	vadd.f32 v60, v16  }
0x1c8: {  	v28 =	vadd.f32 $4.843750000e-01, v22;
	v29 =	vadd.f32 $4.843750000e-01, v23  }
0x1c9: {  	v31 =	vadd.f32 $4.843750000e-01, v13;
	v61 =	vadd.f32 $4.843750000e-01, v21  }
0x1ca: {  	v62 =	vadd.f32 $4.843750000e-01, v25;
	v63 =	vadd.f32 $4.843750000e-01, v17  }
0x1cb: {  	v8 =	vimm.f32 $0.0e+00;
	v35 =	vadd.f32 $4.843750000e-01, v20;
	v36 =	vadd.f32 $4.843750000e-01, v18  }
0x1cc: {  	v33 =	vadd.f32 $4.843750000e-01, v19;
	v30 =	vmul.f32 $3.200000000e+01, v28;
	v29 =	vmul.f32 $3.200000000e+01, v29  }
0x1cd: {  	v37 =	vadd.f32 $4.843750000e-01, v24;
	v28 =	vmul.f32 $3.200000000e+01, v31;
	v34 =	vmul.f32 $3.200000000e+01, v61  }
0x1ce: {  	s15 =	simm.s32 $0x150;
	v38 =	vadd.f32 $4.843750000e-01, v27;
	v31 =	vmul.f32 $3.200000000e+01, v62;
	v32 =	vmul.f32 $3.200000000e+01, v63  }
.LBB2_6:
0x1cf: {  	p0 =	sne.s32 s15, $0x5FD0;
	v39 =	vadd.f32 $4.843750000e-01, v26;
	v35 =	vmul.f32 $3.200000000e+01, v35;
	v36 =	vmul.f32 $3.200000000e+01, v36  }
0x1d0: {  	v40 =	vadd.s32 s15, v2;
	v37 =	vmul.f32 $3.200000000e+01, v37;
	v33 =	vmul.f32 $3.200000000e+01, v33  }
0x1d1: {  	v41 =	vadd.s32 s15, v0;
	v38 =	vmul.f32 $3.200000000e+01, v38;
	v39 =	vmul.f32 $3.200000000e+01, v39  }
0x1d2: {  	v30 =	vmax.f32 v30, $0.0e+00;
	v34 =	vmax.f32 v34, $0.0e+00;
	v29 =	vmax.f32 v29, $0.0e+00  }
0x1d3: {  	v30 =	vmin.f32 v30, $3.100000000e+01;
	v34 =	vmin.f32 v34, $3.100000000e+01;
	v29 =	vmin.f32 v29, $3.100000000e+01  }
0x1d4: {  	v28 =	vmax.f32 v28, $0.0e+00;
	v31 =	vmax.f32 v31, $0.0e+00;
	v32 =	vmax.f32 v32, $0.0e+00  }
0x1d5: {  	v35 =	vmax.f32 v35, $0.0e+00;
	v33 =	vmax.f32 v33, $0.0e+00;
	v36 =	vmax.f32 v36, $0.0e+00  }
0x1d6: {  	v37 =	vmax.f32 v37, $0.0e+00;
	v29 =	vadd.f32 $5.000000000e-01, v29;
	v38 =	vmax.f32 v38, $0.0e+00  }
0x1d7: {  	v30 =	vadd.f32 $5.000000000e-01, v30;
	v34 =	vadd.f32 $5.000000000e-01, v34;
	v39 =	vmax.f32 v39, $0.0e+00  }
0x1d8: {  	v28 =	vmin.f32 v28, $3.100000000e+01;
	v31 =	vmin.f32 v31, $3.100000000e+01;
	v32 =	vmin.f32 v32, $3.100000000e+01  }
0x1d9: {  	v35 =	vmin.f32 v35, $3.100000000e+01;
	v33 =	vmin.f32 v33, $3.100000000e+01;
	v36 =	vmin.f32 v36, $3.100000000e+01  }
0x1da: {  	v28 =	vadd.f32 $5.000000000e-01, v28;
	v37 =	vmin.f32 v37, $3.100000000e+01;
	v38 =	vmin.f32 v38, $3.100000000e+01  }
0x1db: {  	v31 =	vadd.f32 $5.000000000e-01, v31;
	v32 =	vadd.f32 $5.000000000e-01, v32;
	v39 =	vmin.f32 v39, $3.100000000e+01  }
0x1dc: {  	v36 =	vadd.f32 $5.000000000e-01, v36;
	v30 =	vtrunc.f32 v30;
	v29 =	vtrunc.f32 v29  }
0x1dd: {  	v35 =	vadd.f32 $5.000000000e-01, v35;
	v34 =	vtrunc.f32 v34;
	v29 =	vcvt.f32.s32 v29  }
0x1de: {  	v33 =	vadd.f32 $5.000000000e-01, v33;
	v30 =	vcvt.f32.s32 v30;
	v34 =	vcvt.f32.s32 v34  }
0x1df: {  	v37 =	vadd.f32 $5.000000000e-01, v37;
	v28 =	vtrunc.f32 v28;
	v31 =	vtrunc.f32 v31  }
0x1e0: {  	v38 =	vadd.f32 $5.000000000e-01, v38;
	v32 =	vtrunc.f32 v32;
	v36 =	vtrunc.f32 v36  }
0x1e1: {  	v39 =	vadd.f32 $5.000000000e-01, v39;
	v35 =	vtrunc.f32 v35;
	v33 =	vtrunc.f32 v33  }
0x1e2: {  	s17 =	sadd.s32 $0xFFFFFFD0, s15;
	v42 =	vadd.s32 s15, v1;
	v37 =	vtrunc.f32 v37;
	v38 =	vtrunc.f32 v38  }
0x1e3: {  	v43 =	vadd.s32 s17, v2;
	v28 =	vcvt.f32.s32 v28;
	v39 =	vtrunc.f32 v39  }
0x1e4: {  	v44 =	vadd.s32 s17, v0;
	v31 =	vcvt.f32.s32 v31;
	v32 =	vcvt.f32.s32 v32  }
0x1e5: {  	s16 =	sadd.s32 $0xFFFFFFA0, s15;
	v45 =	vadd.s32 s17, v1;
	v35 =	vcvt.f32.s32 v35;
	v36 =	vcvt.f32.s32 v36  }
0x1e6: {  	v46 =	vadd.s32 s16, v0;
	v37 =	vcvt.f32.s32 v37;
	v33 =	vcvt.f32.s32 v33  }
0x1e7: {  	v30 =	vmul.u32 $0xC00, v30;
	v34 =	vmul.u32 $0x60, v34;
	v38 =	vcvt.f32.s32 v38  }
0x1e8: {  	v28 =	vmul.u32 $0x3, v28;
	v29 =	vmul.u32 $0x3, v29;
	v39 =	vcvt.f32.s32 v39;
	v40 =	vld.idx.msk [tilespmem:v40+s8+$0x0], $0xffff  }
0x1e9: {  	v31 =	vmul.u32 $0xC00, v31;
	v32 =	vmul.u32 $0x60, v32;
	v30 =	vadd.s32 v34, v30;
	v41 =	vld.idx.msk [tilespmem:v41+s8+$0x0], $0xffff  }
0x1ea: {  	v35 =	vmul.u32 $0xC00, v35;
	v36 =	vmul.u32 $0x3, v36;
	v29 =	vadd.s32 v29, v30;
	v34 =	vld.idx.msk [tilespmem:v42+s8+$0x0], $0xffff  }
0x1eb: {  	v33 =	vmul.u32 $0x60, v33;
	v30 =	vmul.u32 $0xC00, v38;
	v38 =	vadd.s32 $0x2, v29;
	v42 =	vld.idx.msk [tilespmem:v43+s8+$0x0], $0xffff  }
0x1ec: {  	v31 =	vadd.s32 v32, v31;
	v39 =	vmul.u32 $0x60, v39;
	v32 =	vadd.s32 $0x1, v29;
	v43 =	vld.idx.msk [tilespmem:v44+s8+$0x0], $0xffff  }
0x1ed: {  	v37 =	vmul.u32 $0x3, v37;
	v33 =	vadd.s32 v33, v35;
	v31 =	vadd.s32 v28, v31;
	v44 =	vld.idx.msk [tilespmem:v45+s8+$0x0], $0xffff  }
0x1ee: {  	v33 =	vadd.s32 v36, v33;
	v28 =	vadd.s32 v39, v30;
	v35 =	vld.idx.msk [tilespmem:v46+s8+$0x0], $0xffff  }
0x1ef: {  	v36 =	vadd.s32 v37, v28;
	v37 =	vld.idx.msk [tilespmem:v29+s2+$0x0], $0xffff  }
0x1f0: {  	v39 =	vadd.s32 $0x2, v33;
	v38 =	vld.idx.msk [tilespmem:v38+s2+$0x0], $0xffff  }
0x1f1: {  	v45 =	vadd.s32 s16, v2;
	v46 =	vadd.s32 $0x1, v36;
	v32 =	vld.idx.msk [tilespmem:v32+s2+$0x0], $0xffff  }
0x1f2: {  	v47 =	vadd.s32 $0x2, v36;
	v28 =	vmul.f32 v40, v5;
	v30 =	vmul.f32 v40, v11;
	v48 =	vld.idx.msk [tilespmem:v31+s2+$0x0], $0xffff  }
0x1f3: {  	v29 =	vmul.f32 v40, v7;
	v40 =	vmul.f32 v41, v9;
	v49 =	vld.idx.msk [tilespmem:v33+s2+$0x0], $0xffff;
	v33 =	vadd.s32 $0x1, v33  }
0x1f4: {  	s17 =	sadd.s32 $0xFFFFFF70, s15;
	v52 =	vadd.s32 $0x1, v31;
	v50 =	vmul.f32 v41, v3;
	v51 =	vmul.f32 v34, v10;
	v36 =	vld.idx.msk [tilespmem:v36+s2+$0x0], $0xffff  }
0x1f5: {  	v53 =	vor.u32 s17, v2;
	v54 =	vmul.f32 v34, v4;
	v41 =	vmul.f32 v41, v6;
	v39 =	vld.idx.msk [tilespmem:v39+s2+$0x0], $0xffff  }
0x1f6: {  	v34 =	vmul.f32 v34, v12;
	v55 =	vmul.f32 v42, v11;
	v31 =	vadd.s32 $0x2, v31;
	v46 =	vld.idx.msk [tilespmem:v46+s2+$0x0], $0xffff  }
0x1f7: {  	v56 =	vadd.s32 s16, v1;
	v57 =	vmul.f32 v42, v5;
	v42 =	vmul.f32 v42, v7;
	v47 =	vld.idx.msk [tilespmem:v47+s2+$0x0], $0xffff  }
0x1f8: {  	v58 =	vor.u32 s17, v0;
	v59 =	vmul.f32 v43, v9;
	v60 =	vmul.f32 v44, v10;
	v33 =	vld.idx.msk [tilespmem:v33+s2+$0x0], $0xffff  }
0x1f9: {  	v61 =	vor.u32 s17, v1;
	v62 =	vmul.f32 v43, v3;
	v63 =	vmul.f32 v44, v4;
	v52 =	vld.idx.msk [tilespmem:v52+s2+$0x0], $0xffff  }
0x1fa: {  	v43 =	vmul.f32 v43, v6;
	v22 =	vsub.f32 v22, v37;
	v23 =	vsub.f32 v23, v38  }
0x1fb: {  	v38 =	vmul.f32 v44, v12;
	v21 =	vsub.f32 v21, v32;
	v25 =	vsub.f32 v25, v48;
	v31 =	vld.idx.msk [tilespmem:v31+s2+$0x0], $0xffff  }
0x1fc: {  	v32 =	vmul.f32 v35, v9;
	v27 =	vsub.f32 v27, v36;
	v26 =	vsub.f32 v26, v46  }
0x1fd: {  	v22 =	vmul.f32 v22, v22;
	v20 =	vsub.f32 v20, v49;
	v24 =	vsub.f32 v24, v47  }
0x1fe: {  	v27 =	vmul.f32 v27, v27;
	v26 =	vmul.f32 v26, v26;
	v19 =	vsub.f32 v19, v33  }
0x1ff: {  	v18 =	vsub.f32 v18, v39;
	v20 =	vmul.f32 v20, v20;
	v17 =	vsub.f32 v17, v52  }
0x200: {  	v24 =	vmul.f32 v24, v24;
	v26 =	vadd.f32 v26, v27;
	v19 =	vmul.f32 v19, v19  }
0x201: {  	v25 =	vmul.f32 v25, v25;
	v18 =	vmul.f32 v18, v18;
	v13 =	vsub.f32 v13, v31;
	v27 =	vld.idx.msk [tilespmem:v56+s8+$0x0], $0xffff  }
0x202: {  	v17 =	vmul.f32 v17, v17;
	v24 =	vadd.f32 v26, v24;
	v19 =	vadd.f32 v19, v20  }
0x203: {  	vm0 =	vlt.f32 v36, $5.000000000e+03;
	v20 =	vmul.f32 v21, v21;
	v13 =	vmul.f32 v13, v13  }
0x204: {  	v17 =	vadd.f32 v17, v25;
	v24 =	vnsel vm0, $0x0, v24;
	v18 =	vadd.f32 v19, v18;
	v21 =	vld.idx.msk [tilespmem:v58+s8+$0x0], $0xffff  }
0x205: {  	v23 =	vmul.f32 v23, v23;
	vm0 =	vlt.f32 v49, $5.000000000e+03;
	v8 =	vadd.f32 v24, v8;
	v19 =	vld.idx.msk [tilespmem:v61+s8+$0x0], $0xffff  }
0x206: {  	v13 =	vadd.f32 v17, v13;
	v17 =	vadd.f32 v20, v22;
	v18 =	vnsel vm0, $0x0, v18  }
0x207: {  	vm0 =	vlt.f32 v48, $5.000000000e+03;
	v20 =	vmul.f32 v27, v10;
	v8 =	vadd.f32 v18, v8  }
0x208: {  	v18 =	vmul.f32 v35, v3;
	v13 =	vnsel vm0, $0x0, v13;
	v17 =	vadd.f32 v17, v23  }
0x209: {  	v22 =	vmul.f32 v27, v4;
	vm0 =	vlt.f32 v37, $5.000000000e+03;
	v8 =	vadd.f32 v13, v8  }
0x20a: {  	v23 =	vmul.f32 v35, v6;
	v24 =	vmul.f32 v27, v12;
	v17 =	vnsel vm0, $0x0, v17;
	v13 =	vld.idx.msk [tilespmem:v45+s8+$0x0], $0xffff  }
0x20b: {  	v25 =	vmul.f32 v21, v9;
	v26 =	vmul.f32 v19, v10;
	v8 =	vadd.f32 v17, v8  }
0x20c: {  	v31 =	vadd.f32 v51, v40;
	v27 =	vadd.f32 v54, v50;
	v17 =	vmul.f32 v21, v3  }
0x20d: {  	v34 =	vadd.f32 v34, v41;
	v36 =	vadd.f32 v60, v59;
	v35 =	vmul.f32 v19, v4;
	v33 =	vld.idx.msk [tilespmem:v53+s8+$0x0], $0xffff  }
0x20e: {  	v38 =	vadd.f32 v38, v43;
	v37 =	vadd.f32 v63, v62;
	v21 =	vmul.f32 v21, v6  }
0x20f: {  	v18 =	vadd.f32 v22, v18;
	v20 =	vadd.f32 v20, v32;
	v19 =	vmul.f32 v19, v12  }
0x210: {  	v23 =	vadd.f32 v24, v23;
	v22 =	vadd.f32 v26, v25;
	v24 =	vmul.f32 v13, v11  }
0x211: {  	v17 =	vadd.f32 v35, v17;
	v19 =	vadd.f32 v19, v21;
	v21 =	vmul.f32 v13, v5  }
0x212: {  	v25 =	vadd.f32 v28, v27;
	v26 =	vadd.f32 v30, v31;
	v13 =	vmul.f32 v13, v7  }
0x213: {  	v29 =	vadd.f32 v29, v34;
	v28 =	vadd.f32 v55, v36;
	v27 =	vmul.f32 v33, v11  }
0x214: {  	v32 =	vadd.f32 v42, v38;
	v31 =	vadd.f32 v57, v37;
	v30 =	vmul.f32 v33, v5  }
0x215: {  	v18 =	vadd.f32 v21, v18;
	v24 =	vadd.f32 v24, v20;
	v33 =	vmul.f32 v33, v7  }
0x216: {  	v34 =	vadd.f32 v13, v23;
	v27 =	vadd.f32 v27, v22  }
0x217: {  	v30 =	vadd.f32 v30, v17;
	v33 =	vadd.f32 v33, v19  }
0x218: {  	v23 =	vadd.f32 v26, v15;
	v22 =	vadd.f32 v25, v14  }
0x219: {  	v13 =	vadd.f32 v28, v15;
	v21 =	vadd.f32 v29, v16  }
0x21a: {  	v25 =	vadd.f32 v31, v14;
	v17 =	vadd.f32 v32, v16  }
0x21b: {  	v20 =	vadd.f32 v18, v14;
	v18 =	vadd.f32 v24, v15  }
0x21c: {  	v19 =	vadd.f32 v34, v16;
	v24 =	vadd.f32 v27, v15  }
0x21d: {  	v27 =	vadd.f32 v30, v14;
	v26 =	vadd.f32 v33, v16  }
0x21e: {  	v29 =	vadd.f32 $4.843750000e-01, v23;
	v28 =	vadd.f32 $4.843750000e-01, v22  }
0x21f: {  	v31 =	vadd.f32 $4.843750000e-01, v13;
	v32 =	vadd.f32 $4.843750000e-01, v21  }
.Ltmp2:
0x220: {  	v39 =	vadd.f32 $4.843750000e-01, v25;
	v40 =	vadd.f32 $4.843750000e-01, v17;
	(pc) =	sbr.rel @p0 .LBB2_6-.Ltmp2, $4  }
0x221: {  	v35 =	vadd.f32 $4.843750000e-01, v20;
	v36 =	vadd.f32 $4.843750000e-01, v18  }
0x222: {  	v29 =	vmul.f32 $3.200000000e+01, v29;
	v33 =	vadd.f32 $4.843750000e-01, v19;
	v30 =	vmul.f32 $3.200000000e+01, v28  }
0x223: {  	v34 =	vmul.f32 $3.200000000e+01, v32;
	v37 =	vadd.f32 $4.843750000e-01, v24;
	v28 =	vmul.f32 $3.200000000e+01, v31  }
0x224: {  	s15 =	sadd.s32 $0xC0, s15;
	v38 =	vadd.f32 $4.843750000e-01, v27;
	v31 =	vmul.f32 $3.200000000e+01, v39;
	v32 =	vmul.f32 $3.200000000e+01, v40  }
0x225: {  	v4 =	vmul.f32 $3.200000000e+01, v35;
	v5 =	vmul.f32 $3.200000000e+01, v36  }
0x226: {  	v3 =	vadd.f32 $4.843750000e-01, v26;
	v6 =	vmul.f32 $3.200000000e+01, v37;
	v7 =	vmul.f32 $3.200000000e+01, v33  }
0x227: {  	v10 =	vmax.f32 v30, $0.0e+00;
	v11 =	vmax.f32 v34, $0.0e+00;
	v12 =	vmax.f32 v29, $0.0e+00  }
0x228: {  	v16 =	vmax.f32 v28, $0.0e+00;
	v9 =	vmul.f32 $3.200000000e+01, v38;
	v10 =	vmin.f32 v10, $3.100000000e+01  }
0x229: {  	v11 =	vmin.f32 v11, $3.100000000e+01;
	v12 =	vmin.f32 v12, $3.100000000e+01;
	v14 =	vmax.f32 v31, $0.0e+00  }
0x22a: {  	v15 =	vmax.f32 v32, $0.0e+00;
	v16 =	vmin.f32 v16, $3.100000000e+01;
	v3 =	vmul.f32 $3.200000000e+01, v3  }
0x22b: {  	v4 =	vmax.f32 v4, $0.0e+00;
	v7 =	vmax.f32 v7, $0.0e+00;
	v5 =	vmax.f32 v5, $0.0e+00  }
0x22c: {  	v6 =	vmax.f32 v6, $0.0e+00;
	v12 =	vadd.f32 $5.000000000e-01, v12;
	v10 =	vadd.f32 $5.000000000e-01, v10  }
0x22d: {  	v11 =	vadd.f32 $5.000000000e-01, v11;
	v14 =	vmin.f32 v14, $3.100000000e+01;
	v15 =	vmin.f32 v15, $3.100000000e+01  }
0x22e: {  	v16 =	vadd.f32 $5.000000000e-01, v16;
	v9 =	vmax.f32 v9, $0.0e+00;
	v4 =	vmin.f32 v4, $3.100000000e+01  }
0x22f: {  	v7 =	vmin.f32 v7, $3.100000000e+01;
	v5 =	vmin.f32 v5, $3.100000000e+01;
	v6 =	vmin.f32 v6, $3.100000000e+01  }
0x230: {  	v14 =	vadd.f32 $5.000000000e-01, v14;
	v15 =	vadd.f32 $5.000000000e-01, v15;
	v10 =	vtrunc.f32 v10  }
0x231: {  	v9 =	vmin.f32 v9, $3.100000000e+01;
	v12 =	vtrunc.f32 v12;
	v11 =	vtrunc.f32 v11  }
0x232: {  	v5 =	vadd.f32 $5.000000000e-01, v5;
	v16 =	vtrunc.f32 v16;
	v12 =	vcvt.f32.s32 v12  }
0x233: {  	v4 =	vadd.f32 $5.000000000e-01, v4;
	v10 =	vcvt.f32.s32 v10;
	v11 =	vcvt.f32.s32 v11  }
0x234: {  	v7 =	vadd.f32 $5.000000000e-01, v7;
	v14 =	vtrunc.f32 v14;
	v15 =	vtrunc.f32 v15  }
0x235: {  	v6 =	vadd.f32 $5.000000000e-01, v6;
	v16 =	vcvt.f32.s32 v16;
	v5 =	vtrunc.f32 v5  }
0x236: {  	v9 =	vadd.f32 $5.000000000e-01, v9;
	v4 =	vtrunc.f32 v4;
	v7 =	vtrunc.f32 v7  }
0x237: {  	v6 =	vtrunc.f32 v6;
	v14 =	vcvt.f32.s32 v14  }
0x238: {  	v3 =	vmax.f32 v3, $0.0e+00;
	v15 =	vcvt.f32.s32 v15;
	v9 =	vtrunc.f32 v9  }
0x239: {  	v3 =	vmin.f32 v3, $3.100000000e+01;
	v4 =	vcvt.f32.s32 v4;
	v5 =	vcvt.f32.s32 v5  }
0x23a: {  	v3 =	vadd.f32 $5.000000000e-01, v3;
	v6 =	vcvt.f32.s32 v6;
	v7 =	vcvt.f32.s32 v7  }
0x23b: {  	v10 =	vmul.u32 $0xC00, v10;
	v11 =	vmul.u32 $0x60, v11;
	v16 =	vmul.u32 $0x3, v16  }
0x23c: {  	v12 =	vmul.u32 $0x3, v12;
	v3 =	vtrunc.f32 v3;
	v9 =	vcvt.f32.s32 v9  }
0x23d: {  	v14 =	vmul.u32 $0xC00, v14;
	v15 =	vmul.u32 $0x60, v15;
	v10 =	vadd.s32 v11, v10  }
0x23e: {  	v3 =	vcvt.f32.s32 v3;
	v4 =	vmul.u32 $0xC00, v4;
	v10 =	vadd.s32 v12, v10  }
0x23f: {  	v5 =	vmul.u32 $0x3, v5;
	v7 =	vmul.u32 $0x60, v7;
	v11 =	vadd.s32 $0x2, v10  }
0x240: {  	v9 =	vmul.u32 $0xC00, v9;
	v12 =	vadd.s32 v15, v14;
	v14 =	vadd.s32 $0x1, v10  }
0x241: {  	v3 =	vmul.u32 $0x60, v3;
	v4 =	vadd.s32 v7, v4;
	v7 =	vadd.s32 v16, v12  }
0x242: {  	v6 =	vmul.u32 $0x3, v6;
	v4 =	vadd.s32 v5, v4  }
0x243: {  	v16 =	vadd.s32 $0x1, v7;
	v3 =	vadd.s32 v3, v9;
	v5 =	vld.idx.msk [tilespmem:v10+s2+$0x0], $0xffff  }
0x244: {  	v3 =	vadd.s32 v6, v3;
	v9 =	vld.idx.msk [tilespmem:v11+s2+$0x0], $0xffff  }
0x245: {  	v10 =	vadd.s32 $0x1, v3;
	v11 =	vld.idx.msk [tilespmem:v14+s2+$0x0], $0xffff  }
0x246: {  	v12 =	vadd.s32 $0x2, v3;
	v14 =	vld.idx.msk [tilespmem:v7+s2+$0x0], $0xffff  }
0x247: {  	v6 =	vadd.s32 $0x2, v4;
	v15 =	vld.idx.msk [tilespmem:v4+s2+$0x0], $0xffff;
	v4 =	vadd.s32 $0x1, v4  }
0x248: {  	v16 =	vld.idx.msk [tilespmem:v16+s2+$0x0], $0xffff  }
0x249: {  	v3 =	vld.idx.msk [tilespmem:v3+s2+$0x0], $0xffff  }
0x24a: {  	v7 =	vadd.s32 $0x2, v7;
	v10 =	vld.idx.msk [tilespmem:v10+s2+$0x0], $0xffff  }
0x24b: {  	v12 =	vld.idx.msk [tilespmem:v12+s2+$0x0], $0xffff  }
0x24c: {  	v4 =	vld.idx.msk [tilespmem:v4+s2+$0x0], $0xffff  }
0x24d: {  	v6 =	vld.idx.msk [tilespmem:v6+s2+$0x0], $0xffff;
	v22 =	vsub.f32 v22, v5;
	v9 =	vsub.f32 v23, v9  }
0x24e: {  	v23 =	vsub.f32 v25, v14;
	v11 =	vsub.f32 v21, v11  }
0x24f: {  	v7 =	vld.idx.msk [tilespmem:v7+s2+$0x0], $0xffff;
	v21 =	vsub.f32 v27, v3;
	v10 =	vsub.f32 v26, v10  }
0x250: {  	v20 =	vsub.f32 v20, v15;
	v22 =	vmul.f32 v22, v22;
	v12 =	vsub.f32 v24, v12  }
0x251: {  	v21 =	vmul.f32 v21, v21;
	v10 =	vmul.f32 v10, v10;
	v4 =	vsub.f32 v19, v4  }
0x252: {  	v16 =	vsub.f32 v17, v16;
	v6 =	vsub.f32 v18, v6;
	v18 =	vmul.f32 v20, v20  }
0x253: {  	v12 =	vmul.f32 v12, v12;
	v10 =	vadd.f32 v10, v21;
	v4 =	vmul.f32 v4, v4  }
0x254: {  	v6 =	vmul.f32 v6, v6;
	v7 =	vsub.f32 v13, v7;
	v13 =	vmul.f32 v23, v23  }
0x255: {  	v10 =	vadd.f32 v10, v12;
	v4 =	vadd.f32 v4, v18;
	v12 =	vmul.f32 v16, v16  }
0x256: {  	vm0 =	vlt.f32 v3, $5.000000000e+03;
	v3 =	vmul.f32 v7, v7;
	v7 =	vmul.f32 v11, v11  }
0x257: {  	v10 =	vnsel vm0, $0x0, v10;
	v4 =	vadd.f32 v4, v6;
	v6 =	vadd.f32 v12, v13  }
0x258: {  	vm13 =	vlt.f32 v15, $5.000000000e+03;
	v9 =	vmul.f32 v9, v9;
	v8 =	vadd.f32 v10, v8  }
0x259: {  	v4 =	vnsel vm13, $0x0, v4;
	v3 =	vadd.f32 v6, v3;
	v6 =	vadd.f32 v7, v22  }
0x25a: {  	vm14 =	vlt.f32 v14, $5.000000000e+03;
	v4 =	vadd.f32 v4, v8  }
0x25b: {  	v3 =	vnsel vm14, $0x0, v3;
	v6 =	vadd.f32 v6, v9  }
0x25c: {  	vm15 =	vlt.f32 v5, $5.000000000e+03;
	v3 =	vadd.f32 v3, v4  }
0x25d: {  	v4 =	vnsel vm15, $0x0, v6  }
0x25e: {  	v3 =	vadd.f32 v4, v3;
	_ =	sdelay $0x1  }
0x25f: {  	[tilespmem:s11+$0x0] =	vst.add.f32.msk $0xffff, v3  }
0x260: {  	v3 =	vld [tilespmem:$0x1E240]  }
0x261: {  	v4 =	vld [tilespmem:$0x1E250]  }
0x262: {  	s15 =	simm.s32 $0x90;
	v5 =	vld [tilespmem:$0x1E260]  }
0x263: {  	v8 =	vadd.s32 s15, v2;
	v6 =	vld [tilespmem:$0x1E270]  }
0x264: {  	v12 =	vadd.s32 s15, v0;
	v7 =	vld [tilespmem:$0x1E290]  }
0x265: {  	s30 =	simm.s32 $0x60;
	v13 =	vadd.s32 s15, v1;
	v9 =	vld [tilespmem:$0x1E2A0]  }
0x266: {  	v14 =	vadd.s32 s30, v2;
	v10 =	vld [tilespmem:$0x1E2B0]  }
0x267: {  	v11 =	vld [tilespmem:$0x1E2C0]  }
0x268: {  	v15 =	vadd.s32 s30, v0;
	v8 =	vld.idx.msk [tilespmem:v8+s8+$0x0], $0xffff  }
0x269: {  	v16 =	vadd.s32 s30, v1;
	v17 =	vld.idx.msk [tilespmem:v12+s8+$0x0], $0xffff  }
0x26a: {  	s31 =	simm.s32 $0x30;
	v13 =	vld.idx.msk [tilespmem:v13+s8+$0x0], $0xffff  }
0x26b: {  	v18 =	vadd.s32 s31, v0;
	v14 =	vld.idx.msk [tilespmem:v14+s8+$0x0], $0xffff  }
0x26c: {  	v19 =	vadd.s32 s31, v1;
	v12 =	vld [tilespmem:$0x1E280]  }
0x26d: {  	s16 =	simm.s32 $0x0;
	v15 =	vld.idx.msk [tilespmem:v15+s8+$0x0], $0xffff;
	v20 =	vmul.f32 v8, v5  }
0x26e: {  	v23 =	vor.u32 s16, v0;
	v16 =	vld.idx.msk [tilespmem:v16+s8+$0x0], $0xffff;
	v22 =	vmul.f32 v17, v9;
	v24 =	vmul.f32 v17, v3  }
0x26f: {  	v26 =	vor.u32 s16, v1;
	v25 =	vmul.f32 v13, v10;
	v27 =	vmul.f32 v13, v4  }
0x270: {  	v18 =	vld.idx.msk [tilespmem:v18+s8+$0x0], $0xffff;
	v17 =	vmul.f32 v17, v6;
	v28 =	vmul.f32 v14, v11  }
0x271: {  	v19 =	vld.idx.msk [tilespmem:v19+s8+$0x0], $0xffff;
	v13 =	vmul.f32 v13, v12;
	v29 =	vmul.f32 v14, v5  }
0x272: {  	v30 =	vmul.f32 v14, v7;
	v14 =	vmul.f32 v15, v9  }
0x273: {  	v23 =	vld.idx.msk [tilespmem:v23+s8+$0x0], $0xffff;
	v31 =	vmul.f32 v16, v10;
	v50 =	vmul.f32 v15, v3  }
0x274: {  	v26 =	vld.idx.msk [tilespmem:v26+s8+$0x0], $0xffff;
	v51 =	vmul.f32 v16, v4;
	v15 =	vmul.f32 v15, v6  }
0x275: {  	v49 =	vadd.s32 s31, v2;
	v16 =	vmul.f32 v16, v12;
	v52 =	vmul.f32 v18, v9  }
0x276: {  	v53 =	vmul.f32 v19, v10;
	v55 =	vmul.f32 v18, v3  }
0x277: {  	v39 =	vmul.f32 v19, v4;
	v18 =	vmul.f32 v18, v6  }
0x278: {  	v54 =	vor.u32 s16, v2;
	v19 =	vmul.f32 v19, v12;
	v40 =	vmul.f32 v23, v9  }
0x279: {  	v41 =	vmul.f32 v26, v10;
	v42 =	vmul.f32 v23, v3;
	v24 =	vadd.f32 v27, v24  }
0x27a: {  	v32 =	vld.idx.msk [tilespmem:v49+s8+$0x0], $0xffff;
	v22 =	vadd.f32 v25, v22;
	v25 =	vmul.f32 v26, v4;
	v27 =	vadd.f32 v31, v14  }
0x27b: {  	v13 =	vadd.f32 v13, v17;
	v14 =	vmul.f32 v23, v6;
	v23 =	vadd.f32 v51, v50  }
0x27c: {  	v31 =	vadd.f32 v16, v15;
	v15 =	vmul.f32 v26, v12;
	v26 =	vadd.f32 v39, v55  }
0x27d: {  	v21 =	vmul.f32 v8, v11;
	v17 =	vld.idx.msk [tilespmem:v54+s8+$0x0], $0xffff;
	v56 =	vadd.f32 v53, v52;
	v57 =	vadd.f32 v41, v40  }
0x27e: {  	v8 =	vmul.f32 v8, v7;
	v18 =	vadd.f32 v19, v18;
	v25 =	vadd.f32 v25, v42  }
0x27f: {  	v59 =	vmul.f32 v32, v5;
	v58 =	vadd.f32 v15, v14;
	v20 =	vadd.f32 v20, v24  }
0x280: {  	v19 =	vmul.f32 v32, v11;
	v14 =	vld [tilespmem:$0x1E2D0];
	v21 =	vadd.f32 v21, v22;
	v24 =	vadd.f32 v28, v27  }
0x281: {  	v32 =	vmul.f32 v32, v7;
	v15 =	vld [tilespmem:$0x1E2F0];
	v8 =	vadd.f32 v8, v13;
	v27 =	vadd.f32 v29, v23  }
0x282: {  	v16 =	vld [tilespmem:$0x1E2E0];
	v28 =	vadd.f32 v30, v31;
	v26 =	vadd.f32 v59, v26;
	v22 =	vmul.f32 v17, v11  }
0x283: {  	v19 =	vadd.f32 v19, v56;
	v13 =	vmul.f32 v17, v5;
	v17 =	vmul.f32 v17, v7  }
0x284: {  	v30 =	vadd.f32 v32, v18;
	v29 =	vadd.f32 v22, v57  }
0x285: {  	v31 =	vadd.f32 v13, v25;
	v60 =	vadd.f32 v17, v58  }
0x286: {  	v22 =	vadd.f32 v20, v14;
	v23 =	vadd.f32 v21, v15  }
0x287: {  	v13 =	vadd.f32 v24, v15;
	v21 =	vadd.f32 v8, v16  }
0x288: {  	v25 =	vadd.f32 v27, v14;
	v17 =	vadd.f32 v28, v16  }
0x289: {  	v20 =	vadd.f32 v26, v14;
	v18 =	vadd.f32 v19, v15  }
0x28a: {  	v19 =	vadd.f32 v30, v16;
	v24 =	vadd.f32 v29, v15  }
0x28b: {  	v27 =	vadd.f32 v31, v14;
	v26 =	vadd.f32 v60, v16  }
0x28c: {  	v28 =	vadd.f32 $4.843750000e-01, v22;
	v29 =	vadd.f32 $4.843750000e-01, v23  }
0x28d: {  	v31 =	vadd.f32 $4.843750000e-01, v13;
	v61 =	vadd.f32 $4.843750000e-01, v21  }
0x28e: {  	v62 =	vadd.f32 $4.843750000e-01, v25;
	v63 =	vadd.f32 $4.843750000e-01, v17  }
0x28f: {  	v8 =	vimm.f32 $0.0e+00;
	v35 =	vadd.f32 $4.843750000e-01, v20;
	v36 =	vadd.f32 $4.843750000e-01, v18  }
0x290: {  	v33 =	vadd.f32 $4.843750000e-01, v19;
	v30 =	vmul.f32 $3.200000000e+01, v28;
	v29 =	vmul.f32 $3.200000000e+01, v29  }
0x291: {  	v37 =	vadd.f32 $4.843750000e-01, v24;
	v28 =	vmul.f32 $3.200000000e+01, v31;
	v34 =	vmul.f32 $3.200000000e+01, v61  }
0x292: {  	s15 =	simm.s32 $0x150;
	v38 =	vadd.f32 $4.843750000e-01, v27;
	v31 =	vmul.f32 $3.200000000e+01, v62;
	v32 =	vmul.f32 $3.200000000e+01, v63  }
.LBB2_8:
0x293: {  	p0 =	sne.s32 s15, $0x5FD0;
	v39 =	vadd.f32 $4.843750000e-01, v26;
	v35 =	vmul.f32 $3.200000000e+01, v35;
	v36 =	vmul.f32 $3.200000000e+01, v36  }
0x294: {  	v40 =	vadd.s32 s15, v2;
	v37 =	vmul.f32 $3.200000000e+01, v37;
	v33 =	vmul.f32 $3.200000000e+01, v33  }
0x295: {  	v41 =	vadd.s32 s15, v0;
	v38 =	vmul.f32 $3.200000000e+01, v38;
	v39 =	vmul.f32 $3.200000000e+01, v39  }
0x296: {  	v30 =	vmax.f32 v30, $0.0e+00;
	v34 =	vmax.f32 v34, $0.0e+00;
	v29 =	vmax.f32 v29, $0.0e+00  }
0x297: {  	v30 =	vmin.f32 v30, $3.100000000e+01;
	v34 =	vmin.f32 v34, $3.100000000e+01;
	v29 =	vmin.f32 v29, $3.100000000e+01  }
0x298: {  	v28 =	vmax.f32 v28, $0.0e+00;
	v31 =	vmax.f32 v31, $0.0e+00;
	v32 =	vmax.f32 v32, $0.0e+00  }
0x299: {  	v35 =	vmax.f32 v35, $0.0e+00;
	v33 =	vmax.f32 v33, $0.0e+00;
	v36 =	vmax.f32 v36, $0.0e+00  }
0x29a: {  	v37 =	vmax.f32 v37, $0.0e+00;
	v29 =	vadd.f32 $5.000000000e-01, v29;
	v38 =	vmax.f32 v38, $0.0e+00  }
0x29b: {  	v30 =	vadd.f32 $5.000000000e-01, v30;
	v34 =	vadd.f32 $5.000000000e-01, v34;
	v39 =	vmax.f32 v39, $0.0e+00  }
0x29c: {  	v28 =	vmin.f32 v28, $3.100000000e+01;
	v31 =	vmin.f32 v31, $3.100000000e+01;
	v32 =	vmin.f32 v32, $3.100000000e+01  }
0x29d: {  	v35 =	vmin.f32 v35, $3.100000000e+01;
	v33 =	vmin.f32 v33, $3.100000000e+01;
	v36 =	vmin.f32 v36, $3.100000000e+01  }
0x29e: {  	v28 =	vadd.f32 $5.000000000e-01, v28;
	v37 =	vmin.f32 v37, $3.100000000e+01;
	v38 =	vmin.f32 v38, $3.100000000e+01  }
0x29f: {  	v31 =	vadd.f32 $5.000000000e-01, v31;
	v32 =	vadd.f32 $5.000000000e-01, v32;
	v39 =	vmin.f32 v39, $3.100000000e+01  }
0x2a0: {  	v36 =	vadd.f32 $5.000000000e-01, v36;
	v30 =	vtrunc.f32 v30;
	v29 =	vtrunc.f32 v29  }
0x2a1: {  	v35 =	vadd.f32 $5.000000000e-01, v35;
	v34 =	vtrunc.f32 v34;
	v29 =	vcvt.f32.s32 v29  }
0x2a2: {  	v33 =	vadd.f32 $5.000000000e-01, v33;
	v30 =	vcvt.f32.s32 v30;
	v34 =	vcvt.f32.s32 v34  }
0x2a3: {  	v37 =	vadd.f32 $5.000000000e-01, v37;
	v28 =	vtrunc.f32 v28;
	v31 =	vtrunc.f32 v31  }
0x2a4: {  	v38 =	vadd.f32 $5.000000000e-01, v38;
	v32 =	vtrunc.f32 v32;
	v36 =	vtrunc.f32 v36  }
0x2a5: {  	v39 =	vadd.f32 $5.000000000e-01, v39;
	v35 =	vtrunc.f32 v35;
	v33 =	vtrunc.f32 v33  }
0x2a6: {  	s17 =	sadd.s32 $0xFFFFFFD0, s15;
	v42 =	vadd.s32 s15, v1;
	v37 =	vtrunc.f32 v37;
	v38 =	vtrunc.f32 v38  }
0x2a7: {  	v43 =	vadd.s32 s17, v2;
	v28 =	vcvt.f32.s32 v28;
	v39 =	vtrunc.f32 v39  }
0x2a8: {  	v44 =	vadd.s32 s17, v0;
	v31 =	vcvt.f32.s32 v31;
	v32 =	vcvt.f32.s32 v32  }
0x2a9: {  	s16 =	sadd.s32 $0xFFFFFFA0, s15;
	v45 =	vadd.s32 s17, v1;
	v35 =	vcvt.f32.s32 v35;
	v36 =	vcvt.f32.s32 v36  }
0x2aa: {  	v46 =	vadd.s32 s16, v0;
	v37 =	vcvt.f32.s32 v37;
	v33 =	vcvt.f32.s32 v33  }
0x2ab: {  	v30 =	vmul.u32 $0xC00, v30;
	v34 =	vmul.u32 $0x60, v34;
	v38 =	vcvt.f32.s32 v38  }
0x2ac: {  	v28 =	vmul.u32 $0x3, v28;
	v29 =	vmul.u32 $0x3, v29;
	v39 =	vcvt.f32.s32 v39;
	v40 =	vld.idx.msk [tilespmem:v40+s8+$0x0], $0xffff  }
0x2ad: {  	v31 =	vmul.u32 $0xC00, v31;
	v32 =	vmul.u32 $0x60, v32;
	v30 =	vadd.s32 v34, v30;
	v41 =	vld.idx.msk [tilespmem:v41+s8+$0x0], $0xffff  }
0x2ae: {  	v35 =	vmul.u32 $0xC00, v35;
	v36 =	vmul.u32 $0x3, v36;
	v29 =	vadd.s32 v29, v30;
	v34 =	vld.idx.msk [tilespmem:v42+s8+$0x0], $0xffff  }
0x2af: {  	v33 =	vmul.u32 $0x60, v33;
	v30 =	vmul.u32 $0xC00, v38;
	v38 =	vadd.s32 $0x2, v29;
	v42 =	vld.idx.msk [tilespmem:v43+s8+$0x0], $0xffff  }
0x2b0: {  	v31 =	vadd.s32 v32, v31;
	v39 =	vmul.u32 $0x60, v39;
	v32 =	vadd.s32 $0x1, v29;
	v43 =	vld.idx.msk [tilespmem:v44+s8+$0x0], $0xffff  }
0x2b1: {  	v37 =	vmul.u32 $0x3, v37;
	v33 =	vadd.s32 v33, v35;
	v31 =	vadd.s32 v28, v31;
	v44 =	vld.idx.msk [tilespmem:v45+s8+$0x0], $0xffff  }
0x2b2: {  	v33 =	vadd.s32 v36, v33;
	v28 =	vadd.s32 v39, v30;
	v35 =	vld.idx.msk [tilespmem:v46+s8+$0x0], $0xffff  }
0x2b3: {  	v36 =	vadd.s32 v37, v28;
	v37 =	vld.idx.msk [tilespmem:v29+s2+$0x0], $0xffff  }
0x2b4: {  	v39 =	vadd.s32 $0x2, v33;
	v38 =	vld.idx.msk [tilespmem:v38+s2+$0x0], $0xffff  }
0x2b5: {  	v45 =	vadd.s32 s16, v2;
	v46 =	vadd.s32 $0x1, v36;
	v32 =	vld.idx.msk [tilespmem:v32+s2+$0x0], $0xffff  }
0x2b6: {  	v47 =	vadd.s32 $0x2, v36;
	v28 =	vmul.f32 v40, v5;
	v30 =	vmul.f32 v40, v11;
	v48 =	vld.idx.msk [tilespmem:v31+s2+$0x0], $0xffff  }
0x2b7: {  	v29 =	vmul.f32 v40, v7;
	v40 =	vmul.f32 v41, v9;
	v49 =	vld.idx.msk [tilespmem:v33+s2+$0x0], $0xffff;
	v33 =	vadd.s32 $0x1, v33  }
0x2b8: {  	s17 =	sadd.s32 $0xFFFFFF70, s15;
	v52 =	vadd.s32 $0x1, v31;
	v50 =	vmul.f32 v41, v3;
	v51 =	vmul.f32 v34, v10;
	v36 =	vld.idx.msk [tilespmem:v36+s2+$0x0], $0xffff  }
0x2b9: {  	v53 =	vor.u32 s17, v2;
	v54 =	vmul.f32 v34, v4;
	v41 =	vmul.f32 v41, v6;
	v39 =	vld.idx.msk [tilespmem:v39+s2+$0x0], $0xffff  }
0x2ba: {  	v34 =	vmul.f32 v34, v12;
	v55 =	vmul.f32 v42, v11;
	v31 =	vadd.s32 $0x2, v31;
	v46 =	vld.idx.msk [tilespmem:v46+s2+$0x0], $0xffff  }
0x2bb: {  	v56 =	vadd.s32 s16, v1;
	v57 =	vmul.f32 v42, v5;
	v42 =	vmul.f32 v42, v7;
	v47 =	vld.idx.msk [tilespmem:v47+s2+$0x0], $0xffff  }
0x2bc: {  	v58 =	vor.u32 s17, v0;
	v59 =	vmul.f32 v43, v9;
	v60 =	vmul.f32 v44, v10;
	v33 =	vld.idx.msk [tilespmem:v33+s2+$0x0], $0xffff  }
0x2bd: {  	v61 =	vor.u32 s17, v1;
	v62 =	vmul.f32 v43, v3;
	v63 =	vmul.f32 v44, v4;
	v52 =	vld.idx.msk [tilespmem:v52+s2+$0x0], $0xffff  }
0x2be: {  	v43 =	vmul.f32 v43, v6;
	v22 =	vsub.f32 v22, v37;
	v23 =	vsub.f32 v23, v38  }
0x2bf: {  	v38 =	vmul.f32 v44, v12;
	v21 =	vsub.f32 v21, v32;
	v25 =	vsub.f32 v25, v48;
	v31 =	vld.idx.msk [tilespmem:v31+s2+$0x0], $0xffff  }
0x2c0: {  	v32 =	vmul.f32 v35, v9;
	v27 =	vsub.f32 v27, v36;
	v26 =	vsub.f32 v26, v46  }
0x2c1: {  	v22 =	vmul.f32 v22, v22;
	v20 =	vsub.f32 v20, v49;
	v24 =	vsub.f32 v24, v47  }
0x2c2: {  	v27 =	vmul.f32 v27, v27;
	v26 =	vmul.f32 v26, v26;
	v19 =	vsub.f32 v19, v33  }
0x2c3: {  	v18 =	vsub.f32 v18, v39;
	v20 =	vmul.f32 v20, v20;
	v17 =	vsub.f32 v17, v52  }
0x2c4: {  	v24 =	vmul.f32 v24, v24;
	v26 =	vadd.f32 v26, v27;
	v19 =	vmul.f32 v19, v19  }
0x2c5: {  	v25 =	vmul.f32 v25, v25;
	v18 =	vmul.f32 v18, v18;
	v13 =	vsub.f32 v13, v31;
	v27 =	vld.idx.msk [tilespmem:v56+s8+$0x0], $0xffff  }
0x2c6: {  	v17 =	vmul.f32 v17, v17;
	v24 =	vadd.f32 v26, v24;
	v19 =	vadd.f32 v19, v20  }
0x2c7: {  	vm0 =	vlt.f32 v36, $5.000000000e+03;
	v20 =	vmul.f32 v21, v21;
	v13 =	vmul.f32 v13, v13  }
0x2c8: {  	v17 =	vadd.f32 v17, v25;
	v24 =	vnsel vm0, $0x0, v24;
	v18 =	vadd.f32 v19, v18;
	v21 =	vld.idx.msk [tilespmem:v58+s8+$0x0], $0xffff  }
0x2c9: {  	v23 =	vmul.f32 v23, v23;
	vm0 =	vlt.f32 v49, $5.000000000e+03;
	v8 =	vadd.f32 v24, v8;
	v19 =	vld.idx.msk [tilespmem:v61+s8+$0x0], $0xffff  }
0x2ca: {  	v13 =	vadd.f32 v17, v13;
	v17 =	vadd.f32 v20, v22;
	v18 =	vnsel vm0, $0x0, v18  }
0x2cb: {  	vm0 =	vlt.f32 v48, $5.000000000e+03;
	v20 =	vmul.f32 v27, v10;
	v8 =	vadd.f32 v18, v8  }
0x2cc: {  	v18 =	vmul.f32 v35, v3;
	v13 =	vnsel vm0, $0x0, v13;
	v17 =	vadd.f32 v17, v23  }
0x2cd: {  	v22 =	vmul.f32 v27, v4;
	vm0 =	vlt.f32 v37, $5.000000000e+03;
	v8 =	vadd.f32 v13, v8  }
0x2ce: {  	v23 =	vmul.f32 v35, v6;
	v24 =	vmul.f32 v27, v12;
	v17 =	vnsel vm0, $0x0, v17;
	v13 =	vld.idx.msk [tilespmem:v45+s8+$0x0], $0xffff  }
0x2cf: {  	v25 =	vmul.f32 v21, v9;
	v26 =	vmul.f32 v19, v10;
	v8 =	vadd.f32 v17, v8  }
0x2d0: {  	v31 =	vadd.f32 v51, v40;
	v27 =	vadd.f32 v54, v50;
	v17 =	vmul.f32 v21, v3  }
0x2d1: {  	v34 =	vadd.f32 v34, v41;
	v36 =	vadd.f32 v60, v59;
	v35 =	vmul.f32 v19, v4;
	v33 =	vld.idx.msk [tilespmem:v53+s8+$0x0], $0xffff  }
0x2d2: {  	v38 =	vadd.f32 v38, v43;
	v37 =	vadd.f32 v63, v62;
	v21 =	vmul.f32 v21, v6  }
0x2d3: {  	v18 =	vadd.f32 v22, v18;
	v20 =	vadd.f32 v20, v32;
	v19 =	vmul.f32 v19, v12  }
0x2d4: {  	v23 =	vadd.f32 v24, v23;
	v22 =	vadd.f32 v26, v25;
	v24 =	vmul.f32 v13, v11  }
0x2d5: {  	v17 =	vadd.f32 v35, v17;
	v19 =	vadd.f32 v19, v21;
	v21 =	vmul.f32 v13, v5  }
0x2d6: {  	v25 =	vadd.f32 v28, v27;
	v26 =	vadd.f32 v30, v31;
	v13 =	vmul.f32 v13, v7  }
0x2d7: {  	v29 =	vadd.f32 v29, v34;
	v28 =	vadd.f32 v55, v36;
	v27 =	vmul.f32 v33, v11  }
0x2d8: {  	v32 =	vadd.f32 v42, v38;
	v31 =	vadd.f32 v57, v37;
	v30 =	vmul.f32 v33, v5  }
0x2d9: {  	v18 =	vadd.f32 v21, v18;
	v24 =	vadd.f32 v24, v20;
	v33 =	vmul.f32 v33, v7  }
0x2da: {  	v34 =	vadd.f32 v13, v23;
	v27 =	vadd.f32 v27, v22  }
0x2db: {  	v30 =	vadd.f32 v30, v17;
	v33 =	vadd.f32 v33, v19  }
0x2dc: {  	v23 =	vadd.f32 v26, v15;
	v22 =	vadd.f32 v25, v14  }
0x2dd: {  	v13 =	vadd.f32 v28, v15;
	v21 =	vadd.f32 v29, v16  }
0x2de: {  	v25 =	vadd.f32 v31, v14;
	v17 =	vadd.f32 v32, v16  }
0x2df: {  	v20 =	vadd.f32 v18, v14;
	v18 =	vadd.f32 v24, v15  }
0x2e0: {  	v19 =	vadd.f32 v34, v16;
	v24 =	vadd.f32 v27, v15  }
0x2e1: {  	v27 =	vadd.f32 v30, v14;
	v26 =	vadd.f32 v33, v16  }
0x2e2: {  	v29 =	vadd.f32 $4.843750000e-01, v23;
	v28 =	vadd.f32 $4.843750000e-01, v22  }
0x2e3: {  	v31 =	vadd.f32 $4.843750000e-01, v13;
	v32 =	vadd.f32 $4.843750000e-01, v21  }
.Ltmp3:
0x2e4: {  	v39 =	vadd.f32 $4.843750000e-01, v25;
	v40 =	vadd.f32 $4.843750000e-01, v17;
	(pc) =	sbr.rel @p0 .LBB2_8-.Ltmp3, $4  }
0x2e5: {  	v35 =	vadd.f32 $4.843750000e-01, v20;
	v36 =	vadd.f32 $4.843750000e-01, v18  }
0x2e6: {  	v29 =	vmul.f32 $3.200000000e+01, v29;
	v33 =	vadd.f32 $4.843750000e-01, v19;
	v30 =	vmul.f32 $3.200000000e+01, v28  }
0x2e7: {  	v34 =	vmul.f32 $3.200000000e+01, v32;
	v37 =	vadd.f32 $4.843750000e-01, v24;
	v28 =	vmul.f32 $3.200000000e+01, v31  }
0x2e8: {  	s15 =	sadd.s32 $0xC0, s15;
	v38 =	vadd.f32 $4.843750000e-01, v27;
	v31 =	vmul.f32 $3.200000000e+01, v39;
	v32 =	vmul.f32 $3.200000000e+01, v40  }
0x2e9: {  	v4 =	vmul.f32 $3.200000000e+01, v35;
	v5 =	vmul.f32 $3.200000000e+01, v36  }
0x2ea: {  	v3 =	vadd.f32 $4.843750000e-01, v26;
	v6 =	vmul.f32 $3.200000000e+01, v37;
	v7 =	vmul.f32 $3.200000000e+01, v33  }
0x2eb: {  	v10 =	vmax.f32 v30, $0.0e+00;
	v11 =	vmax.f32 v34, $0.0e+00;
	v12 =	vmax.f32 v29, $0.0e+00  }
0x2ec: {  	v16 =	vmax.f32 v28, $0.0e+00;
	v9 =	vmul.f32 $3.200000000e+01, v38;
	v10 =	vmin.f32 v10, $3.100000000e+01  }
0x2ed: {  	v11 =	vmin.f32 v11, $3.100000000e+01;
	v12 =	vmin.f32 v12, $3.100000000e+01;
	v14 =	vmax.f32 v31, $0.0e+00  }
0x2ee: {  	v15 =	vmax.f32 v32, $0.0e+00;
	v16 =	vmin.f32 v16, $3.100000000e+01;
	v3 =	vmul.f32 $3.200000000e+01, v3  }
0x2ef: {  	v4 =	vmax.f32 v4, $0.0e+00;
	v7 =	vmax.f32 v7, $0.0e+00;
	v5 =	vmax.f32 v5, $0.0e+00  }
0x2f0: {  	v6 =	vmax.f32 v6, $0.0e+00;
	v12 =	vadd.f32 $5.000000000e-01, v12;
	v10 =	vadd.f32 $5.000000000e-01, v10  }
0x2f1: {  	v11 =	vadd.f32 $5.000000000e-01, v11;
	v14 =	vmin.f32 v14, $3.100000000e+01;
	v15 =	vmin.f32 v15, $3.100000000e+01  }
0x2f2: {  	v16 =	vadd.f32 $5.000000000e-01, v16;
	v9 =	vmax.f32 v9, $0.0e+00;
	v4 =	vmin.f32 v4, $3.100000000e+01  }
0x2f3: {  	v7 =	vmin.f32 v7, $3.100000000e+01;
	v5 =	vmin.f32 v5, $3.100000000e+01;
	v6 =	vmin.f32 v6, $3.100000000e+01  }
0x2f4: {  	v14 =	vadd.f32 $5.000000000e-01, v14;
	v15 =	vadd.f32 $5.000000000e-01, v15;
	v10 =	vtrunc.f32 v10  }
0x2f5: {  	v9 =	vmin.f32 v9, $3.100000000e+01;
	v12 =	vtrunc.f32 v12;
	v11 =	vtrunc.f32 v11  }
0x2f6: {  	v5 =	vadd.f32 $5.000000000e-01, v5;
	v16 =	vtrunc.f32 v16;
	v12 =	vcvt.f32.s32 v12  }
0x2f7: {  	v4 =	vadd.f32 $5.000000000e-01, v4;
	v10 =	vcvt.f32.s32 v10;
	v11 =	vcvt.f32.s32 v11  }
0x2f8: {  	v7 =	vadd.f32 $5.000000000e-01, v7;
	v14 =	vtrunc.f32 v14;
	v15 =	vtrunc.f32 v15  }
0x2f9: {  	v6 =	vadd.f32 $5.000000000e-01, v6;
	v16 =	vcvt.f32.s32 v16;
	v5 =	vtrunc.f32 v5  }
0x2fa: {  	v9 =	vadd.f32 $5.000000000e-01, v9;
	v4 =	vtrunc.f32 v4;
	v7 =	vtrunc.f32 v7  }
0x2fb: {  	v3 =	vmax.f32 v3, $0.0e+00;
	v6 =	vtrunc.f32 v6;
	v14 =	vcvt.f32.s32 v14  }
0x2fc: {  	v3 =	vmin.f32 v3, $3.100000000e+01;
	v15 =	vcvt.f32.s32 v15;
	v9 =	vtrunc.f32 v9  }
0x2fd: {  	v3 =	vadd.f32 $5.000000000e-01, v3;
	v4 =	vcvt.f32.s32 v4;
	v5 =	vcvt.f32.s32 v5  }
0x2fe: {  	v6 =	vcvt.f32.s32 v6;
	v7 =	vcvt.f32.s32 v7;
	v10 =	vmul.u32 $0xC00, v10  }
0x2ff: {  	v11 =	vmul.u32 $0x60, v11;
	v16 =	vmul.u32 $0x3, v16;
	v12 =	vmul.u32 $0x3, v12  }
0x300: {  	v3 =	vtrunc.f32 v3;
	v9 =	vcvt.f32.s32 v9;
	v14 =	vmul.u32 $0xC00, v14  }
0x301: {  	v15 =	vmul.u32 $0x60, v15;
	v3 =	vcvt.f32.s32 v3;
	v10 =	vadd.s32 v11, v10  }
0x302: {  	v4 =	vmul.u32 $0xC00, v4;
	v5 =	vmul.u32 $0x3, v5;
	v10 =	vadd.s32 v12, v10  }
0x303: {  	v7 =	vmul.u32 $0x60, v7;
	v9 =	vmul.u32 $0xC00, v9;
	v11 =	vadd.s32 $0x2, v10  }
0x304: {  	v12 =	vadd.s32 v15, v14;
	v3 =	vmul.u32 $0x60, v3;
	v14 =	vadd.s32 $0x1, v10  }
0x305: {  	v6 =	vmul.u32 $0x3, v6;
	v4 =	vadd.s32 v7, v4;
	v7 =	vadd.s32 v16, v12  }
0x306: {  	v4 =	vadd.s32 v5, v4;
	v3 =	vadd.s32 v3, v9  }
0x307: {  	v16 =	vadd.s32 $0x1, v7;
	v3 =	vadd.s32 v6, v3;
	v6 =	vld.idx.msk [tilespmem:v10+s2+$0x0], $0xffff  }
0x308: {  	v5 =	vadd.s32 $0x2, v4;
	v9 =	vld.idx.msk [tilespmem:v11+s2+$0x0], $0xffff  }
0x309: {  	v11 =	vld.idx.msk [tilespmem:v14+s2+$0x0], $0xffff  }
0x30a: {  	v10 =	vadd.s32 $0x1, v3;
	v14 =	vld.idx.msk [tilespmem:v7+s2+$0x0], $0xffff  }
0x30b: {  	v12 =	vadd.s32 $0x2, v3;
	v15 =	vld.idx.msk [tilespmem:v4+s2+$0x0], $0xffff  }
0x30c: {  	v4 =	vadd.s32 $0x1, v4;
	v16 =	vld.idx.msk [tilespmem:v16+s2+$0x0], $0xffff  }
0x30d: {  	v7 =	vadd.s32 $0x2, v7;
	v5 =	vld.idx.msk [tilespmem:v5+s2+$0x0], $0xffff  }
0x30e: {  	v3 =	vld.idx.msk [tilespmem:v3+s2+$0x0], $0xffff  }
0x30f: {  	v10 =	vld.idx.msk [tilespmem:v10+s2+$0x0], $0xffff  }
0x310: {  	v12 =	vld.idx.msk [tilespmem:v12+s2+$0x0], $0xffff  }
0x311: {  	v22 =	vsub.f32 v22, v6;
	v9 =	vsub.f32 v23, v9;
	v4 =	vld.idx.msk [tilespmem:v4+s2+$0x0], $0xffff  }
0x312: {  	v23 =	vsub.f32 v25, v14;
	v11 =	vsub.f32 v21, v11;
	v7 =	vld.idx.msk [tilespmem:v7+s2+$0x0], $0xffff  }
0x313: {  	v20 =	vsub.f32 v20, v15;
	v16 =	vsub.f32 v17, v16  }
0x314: {  	v22 =	vmul.f32 v22, v22;
	v21 =	vsub.f32 v27, v3;
	v10 =	vsub.f32 v26, v10  }
0x315: {  	v5 =	vsub.f32 v18, v5;
	v18 =	vmul.f32 v20, v20;
	v12 =	vsub.f32 v24, v12  }
0x316: {  	v21 =	vmul.f32 v21, v21;
	v10 =	vmul.f32 v10, v10;
	v4 =	vsub.f32 v19, v4  }
0x317: {  	v5 =	vmul.f32 v5, v5;
	v7 =	vsub.f32 v13, v7;
	v13 =	vmul.f32 v23, v23  }
0x318: {  	v12 =	vmul.f32 v12, v12;
	v10 =	vadd.f32 v10, v21;
	v4 =	vmul.f32 v4, v4  }
0x319: {  	vm0 =	vlt.f32 v3, $5.000000000e+03;
	v3 =	vmul.f32 v7, v7;
	v7 =	vmul.f32 v11, v11  }
0x31a: {  	v10 =	vadd.f32 v10, v12;
	v4 =	vadd.f32 v4, v18;
	v12 =	vmul.f32 v16, v16  }
0x31b: {  	v9 =	vmul.f32 v9, v9;
	v7 =	vadd.f32 v7, v22  }
0x31c: {  	v10 =	vnsel vm0, $0x0, v10;
	v4 =	vadd.f32 v4, v5;
	v5 =	vadd.f32 v12, v13  }
0x31d: {  	vm15 =	vlt.f32 v6, $5.000000000e+03;
	vm13 =	vlt.f32 v15, $5.000000000e+03;
	v8 =	vadd.f32 v10, v8  }
0x31e: {  	v6 =	vld [tilespmem:$0x1E330];
	v7 =	vadd.f32 v7, v9;
	v4 =	vnsel vm13, $0x0, v4;
	v5 =	vadd.f32 v5, v3  }
0x31f: {  	vm14 =	vlt.f32 v14, $5.000000000e+03;
	v11 =	vld [tilespmem:$0x1E380];
	v8 =	vadd.f32 v4, v8  }
0x320: {  	s15 =	simm.s32 $0x90;
	v9 =	vnsel vm15, $0x0, v7;
	v7 =	vld [tilespmem:$0x1E350];
	v10 =	vnsel vm14, $0x0, v5  }
0x321: {  	v12 =	vadd.s32 s15, v2;
	v3 =	vld [tilespmem:$0x1E300];
	v8 =	vadd.f32 v10, v8  }
0x322: {  	v13 =	vadd.s32 s15, v0;
	v4 =	vld [tilespmem:$0x1E310]  }
0x323: {  	v14 =	vadd.s32 s15, v1;
	v5 =	vld [tilespmem:$0x1E320];
	v8 =	vadd.f32 v9, v8  }
0x324: {  	s30 =	simm.s32 $0x60;
	v10 =	vld [tilespmem:$0x1E370]  }
0x325: {  	v15 =	vadd.s32 s30, v0;
	v9 =	vld [tilespmem:$0x1E360];
	[tilespmem:$0x1E590] =	vst v8  }
0x326: {  	v17 =	vadd.s32 s30, v1;
	v16 =	vld.idx.msk [tilespmem:v12+s8+$0x0], $0xffff  }
0x327: {  	s31 =	simm.s32 $0x30;
	v13 =	vld.idx.msk [tilespmem:v13+s8+$0x0], $0xffff  }
0x328: {  	v18 =	vadd.s32 s31, v0;
	v14 =	vld.idx.msk [tilespmem:v14+s8+$0x0], $0xffff  }
0x329: {  	v19 =	vadd.s32 s31, v1;
	v12 =	vld [tilespmem:$0x1E340]  }
0x32a: {  	s16 =	simm.s32 $0x0;
	v15 =	vld.idx.msk [tilespmem:v15+s8+$0x0], $0xffff  }
0x32b: {  	v23 =	vor.u32 s16, v0;
	v17 =	vld.idx.msk [tilespmem:v17+s8+$0x0], $0xffff;
	v20 =	vmul.f32 v16, v5  }
0x32c: {  	v26 =	vor.u32 s16, v1;
	v21 =	vmul.f32 v16, v11;
	v16 =	vmul.f32 v16, v7  }
0x32d: {  	v18 =	vld.idx.msk [tilespmem:v18+s8+$0x0], $0xffff;
	v22 =	vmul.f32 v13, v9;
	v24 =	vmul.f32 v13, v3  }
0x32e: {  	v19 =	vld.idx.msk [tilespmem:v19+s8+$0x0], $0xffff;
	v25 =	vmul.f32 v14, v10;
	v27 =	vmul.f32 v14, v4  }
0x32f: {  	v13 =	vmul.f32 v13, v6;
	v14 =	vmul.f32 v14, v12  }
0x330: {  	v23 =	vld.idx.msk [tilespmem:v23+s8+$0x0], $0xffff;
	v30 =	vmul.f32 v15, v9;
	v31 =	vmul.f32 v17, v10  }
0x331: {  	v50 =	vadd.s32 s31, v2;
	v26 =	vld.idx.msk [tilespmem:v26+s8+$0x0], $0xffff;
	v51 =	vmul.f32 v15, v3;
	v52 =	vmul.f32 v17, v4  }
0x332: {  	v15 =	vmul.f32 v15, v6;
	v17 =	vmul.f32 v17, v12  }
0x333: {  	v8 =	vadd.s32 s30, v2;
	v53 =	vmul.f32 v18, v9;
	v54 =	vmul.f32 v19, v10  }
0x334: {  	v56 =	vmul.f32 v18, v3;
	v39 =	vmul.f32 v19, v4  }
0x335: {  	v18 =	vmul.f32 v18, v6;
	v19 =	vmul.f32 v19, v12  }
0x336: {  	v55 =	vor.u32 s16, v2;
	v32 =	vld.idx.msk [tilespmem:v50+s8+$0x0], $0xffff;
	v40 =	vmul.f32 v23, v9;
	v41 =	vmul.f32 v26, v10  }
0x337: {  	v42 =	vmul.f32 v23, v3;
	v24 =	vadd.f32 v27, v24;
	v22 =	vadd.f32 v25, v22  }
0x338: {  	v8 =	vld.idx.msk [tilespmem:v8+s8+$0x0], $0xffff;
	v25 =	vmul.f32 v26, v4;
	v27 =	vadd.f32 v31, v30;
	v13 =	vadd.f32 v14, v13  }
0x339: {  	v14 =	vmul.f32 v23, v6;
	v23 =	vadd.f32 v52, v51;
	v17 =	vadd.f32 v17, v15  }
0x33a: {  	v15 =	vmul.f32 v26, v12;
	v26 =	vadd.f32 v39, v56;
	v31 =	vadd.f32 v54, v53  }
0x33b: {  	v59 =	vmul.f32 v32, v5;
	v30 =	vld.idx.msk [tilespmem:v55+s8+$0x0], $0xffff;
	v57 =	vadd.f32 v41, v40;
	v18 =	vadd.f32 v19, v18  }
0x33c: {  	v19 =	vmul.f32 v32, v11;
	v32 =	vmul.f32 v32, v7;
	v25 =	vadd.f32 v25, v42  }
0x33d: {  	v28 =	vmul.f32 v8, v11;
	v58 =	vadd.f32 v15, v14;
	v20 =	vadd.f32 v20, v24  }
0x33e: {  	v29 =	vmul.f32 v8, v5;
	v14 =	vld [tilespmem:$0x1E390];
	v21 =	vadd.f32 v21, v22;
	v26 =	vadd.f32 v59, v26  }
0x33f: {  	v8 =	vmul.f32 v8, v7;
	v15 =	vld [tilespmem:$0x1E3B0];
	v19 =	vadd.f32 v19, v31;
	v24 =	vadd.f32 v28, v27  }
0x340: {  	v27 =	vadd.f32 v16, v13;
	v28 =	vadd.f32 v29, v23;
	v22 =	vmul.f32 v30, v11  }
0x341: {  	v8 =	vadd.f32 v8, v17;
	v13 =	vmul.f32 v30, v5;
	v17 =	vmul.f32 v30, v7  }
0x342: {  	v16 =	vld [tilespmem:$0x1E3A0];
	v30 =	vadd.f32 v32, v18;
	v29 =	vadd.f32 v22, v57  }
0x343: {  	v31 =	vadd.f32 v13, v25;
	v60 =	vadd.f32 v17, v58  }
0x344: {  	v22 =	vadd.f32 v20, v14;
	v23 =	vadd.f32 v21, v15  }
0x345: {  	v13 =	vadd.f32 v24, v15;
	v25 =	vadd.f32 v28, v14  }
0x346: {  	v20 =	vadd.f32 v26, v14;
	v18 =	vadd.f32 v19, v15  }
0x347: {  	v21 =	vadd.f32 v27, v16;
	v17 =	vadd.f32 v8, v16  }
0x348: {  	v24 =	vadd.f32 v29, v15;
	v19 =	vadd.f32 v30, v16  }
0x349: {  	v27 =	vadd.f32 v31, v14;
	v26 =	vadd.f32 v60, v16  }
0x34a: {  	v28 =	vadd.f32 $4.843750000e-01, v22;
	v29 =	vadd.f32 $4.843750000e-01, v23  }
0x34b: {  	v31 =	vadd.f32 $4.843750000e-01, v13;
	v62 =	vadd.f32 $4.843750000e-01, v25  }
0x34c: {  	v35 =	vadd.f32 $4.843750000e-01, v20;
	v36 =	vadd.f32 $4.843750000e-01, v18  }
0x34d: {  	v8 =	vimm.f32 $0.0e+00;
	v61 =	vadd.f32 $4.843750000e-01, v21;
	v63 =	vadd.f32 $4.843750000e-01, v17  }
0x34e: {  	v33 =	vadd.f32 $4.843750000e-01, v19;
	v30 =	vmul.f32 $3.200000000e+01, v28;
	v29 =	vmul.f32 $3.200000000e+01, v29  }
0x34f: {  	v37 =	vadd.f32 $4.843750000e-01, v24;
	v28 =	vmul.f32 $3.200000000e+01, v31;
	v31 =	vmul.f32 $3.200000000e+01, v62  }
0x350: {  	s15 =	simm.s32 $0x150;
	v38 =	vadd.f32 $4.843750000e-01, v27;
	v34 =	vmul.f32 $3.200000000e+01, v61;
	v32 =	vmul.f32 $3.200000000e+01, v63  }
.LBB2_10:
0x351: {  	p0 =	sne.s32 s15, $0x5FD0;
	v39 =	vadd.f32 $4.843750000e-01, v26;
	v35 =	vmul.f32 $3.200000000e+01, v35;
	v36 =	vmul.f32 $3.200000000e+01, v36  }
0x352: {  	v40 =	vadd.s32 s15, v2;
	v37 =	vmul.f32 $3.200000000e+01, v37;
	v33 =	vmul.f32 $3.200000000e+01, v33  }
0x353: {  	v41 =	vadd.s32 s15, v0;
	v38 =	vmul.f32 $3.200000000e+01, v38;
	v39 =	vmul.f32 $3.200000000e+01, v39  }
0x354: {  	v30 =	vmax.f32 v30, $0.0e+00;
	v34 =	vmax.f32 v34, $0.0e+00;
	v29 =	vmax.f32 v29, $0.0e+00  }
0x355: {  	v30 =	vmin.f32 v30, $3.100000000e+01;
	v34 =	vmin.f32 v34, $3.100000000e+01;
	v29 =	vmin.f32 v29, $3.100000000e+01  }
0x356: {  	v28 =	vmax.f32 v28, $0.0e+00;
	v31 =	vmax.f32 v31, $0.0e+00;
	v32 =	vmax.f32 v32, $0.0e+00  }
0x357: {  	v35 =	vmax.f32 v35, $0.0e+00;
	v33 =	vmax.f32 v33, $0.0e+00;
	v36 =	vmax.f32 v36, $0.0e+00  }
0x358: {  	v37 =	vmax.f32 v37, $0.0e+00;
	v29 =	vadd.f32 $5.000000000e-01, v29;
	v38 =	vmax.f32 v38, $0.0e+00  }
0x359: {  	v30 =	vadd.f32 $5.000000000e-01, v30;
	v34 =	vadd.f32 $5.000000000e-01, v34;
	v39 =	vmax.f32 v39, $0.0e+00  }
0x35a: {  	v28 =	vmin.f32 v28, $3.100000000e+01;
	v31 =	vmin.f32 v31, $3.100000000e+01;
	v32 =	vmin.f32 v32, $3.100000000e+01  }
0x35b: {  	v35 =	vmin.f32 v35, $3.100000000e+01;
	v33 =	vmin.f32 v33, $3.100000000e+01;
	v36 =	vmin.f32 v36, $3.100000000e+01  }
0x35c: {  	v28 =	vadd.f32 $5.000000000e-01, v28;
	v37 =	vmin.f32 v37, $3.100000000e+01;
	v38 =	vmin.f32 v38, $3.100000000e+01  }
0x35d: {  	v31 =	vadd.f32 $5.000000000e-01, v31;
	v32 =	vadd.f32 $5.000000000e-01, v32;
	v39 =	vmin.f32 v39, $3.100000000e+01  }
0x35e: {  	v36 =	vadd.f32 $5.000000000e-01, v36;
	v30 =	vtrunc.f32 v30;
	v29 =	vtrunc.f32 v29  }
0x35f: {  	v35 =	vadd.f32 $5.000000000e-01, v35;
	v34 =	vtrunc.f32 v34;
	v29 =	vcvt.f32.s32 v29  }
0x360: {  	v33 =	vadd.f32 $5.000000000e-01, v33;
	v30 =	vcvt.f32.s32 v30;
	v34 =	vcvt.f32.s32 v34  }
0x361: {  	v37 =	vadd.f32 $5.000000000e-01, v37;
	v28 =	vtrunc.f32 v28;
	v31 =	vtrunc.f32 v31  }
0x362: {  	v38 =	vadd.f32 $5.000000000e-01, v38;
	v32 =	vtrunc.f32 v32;
	v36 =	vtrunc.f32 v36  }
0x363: {  	v39 =	vadd.f32 $5.000000000e-01, v39;
	v35 =	vtrunc.f32 v35;
	v33 =	vtrunc.f32 v33  }
0x364: {  	s17 =	sadd.s32 $0xFFFFFFD0, s15;
	v42 =	vadd.s32 s15, v1;
	v37 =	vtrunc.f32 v37;
	v38 =	vtrunc.f32 v38  }
0x365: {  	v43 =	vadd.s32 s17, v2;
	v28 =	vcvt.f32.s32 v28;
	v39 =	vtrunc.f32 v39  }
0x366: {  	v44 =	vadd.s32 s17, v0;
	v31 =	vcvt.f32.s32 v31;
	v32 =	vcvt.f32.s32 v32  }
0x367: {  	s16 =	sadd.s32 $0xFFFFFFA0, s15;
	v45 =	vadd.s32 s17, v1;
	v35 =	vcvt.f32.s32 v35;
	v36 =	vcvt.f32.s32 v36  }
0x368: {  	v46 =	vadd.s32 s16, v0;
	v37 =	vcvt.f32.s32 v37;
	v33 =	vcvt.f32.s32 v33  }
0x369: {  	v30 =	vmul.u32 $0xC00, v30;
	v34 =	vmul.u32 $0x60, v34;
	v38 =	vcvt.f32.s32 v38  }
0x36a: {  	v28 =	vmul.u32 $0x3, v28;
	v29 =	vmul.u32 $0x3, v29;
	v39 =	vcvt.f32.s32 v39;
	v40 =	vld.idx.msk [tilespmem:v40+s8+$0x0], $0xffff  }
0x36b: {  	v31 =	vmul.u32 $0xC00, v31;
	v32 =	vmul.u32 $0x60, v32;
	v30 =	vadd.s32 v34, v30;
	v41 =	vld.idx.msk [tilespmem:v41+s8+$0x0], $0xffff  }
0x36c: {  	v35 =	vmul.u32 $0xC00, v35;
	v36 =	vmul.u32 $0x3, v36;
	v29 =	vadd.s32 v29, v30;
	v34 =	vld.idx.msk [tilespmem:v42+s8+$0x0], $0xffff  }
0x36d: {  	v33 =	vmul.u32 $0x60, v33;
	v30 =	vmul.u32 $0xC00, v38;
	v38 =	vadd.s32 $0x2, v29;
	v42 =	vld.idx.msk [tilespmem:v43+s8+$0x0], $0xffff  }
0x36e: {  	v31 =	vadd.s32 v32, v31;
	v39 =	vmul.u32 $0x60, v39;
	v32 =	vadd.s32 $0x1, v29;
	v43 =	vld.idx.msk [tilespmem:v44+s8+$0x0], $0xffff  }
0x36f: {  	v37 =	vmul.u32 $0x3, v37;
	v33 =	vadd.s32 v33, v35;
	v31 =	vadd.s32 v28, v31;
	v44 =	vld.idx.msk [tilespmem:v45+s8+$0x0], $0xffff  }
0x370: {  	v33 =	vadd.s32 v36, v33;
	v28 =	vadd.s32 v39, v30;
	v35 =	vld.idx.msk [tilespmem:v46+s8+$0x0], $0xffff  }
0x371: {  	v36 =	vadd.s32 v37, v28;
	v37 =	vld.idx.msk [tilespmem:v29+s2+$0x0], $0xffff  }
0x372: {  	v39 =	vadd.s32 $0x2, v33;
	v38 =	vld.idx.msk [tilespmem:v38+s2+$0x0], $0xffff  }
0x373: {  	v45 =	vadd.s32 s16, v2;
	v46 =	vadd.s32 $0x1, v36;
	v32 =	vld.idx.msk [tilespmem:v32+s2+$0x0], $0xffff  }
0x374: {  	v47 =	vadd.s32 $0x2, v36;
	v28 =	vmul.f32 v40, v5;
	v30 =	vmul.f32 v40, v11;
	v48 =	vld.idx.msk [tilespmem:v31+s2+$0x0], $0xffff  }
0x375: {  	v29 =	vmul.f32 v40, v7;
	v40 =	vmul.f32 v41, v9;
	v49 =	vld.idx.msk [tilespmem:v33+s2+$0x0], $0xffff;
	v33 =	vadd.s32 $0x1, v33  }
0x376: {  	s17 =	sadd.s32 $0xFFFFFF70, s15;
	v52 =	vadd.s32 $0x1, v31;
	v50 =	vmul.f32 v41, v3;
	v51 =	vmul.f32 v34, v10;
	v36 =	vld.idx.msk [tilespmem:v36+s2+$0x0], $0xffff  }
0x377: {  	v53 =	vor.u32 s17, v2;
	v54 =	vmul.f32 v34, v4;
	v41 =	vmul.f32 v41, v6;
	v39 =	vld.idx.msk [tilespmem:v39+s2+$0x0], $0xffff  }
0x378: {  	v34 =	vmul.f32 v34, v12;
	v55 =	vmul.f32 v42, v11;
	v31 =	vadd.s32 $0x2, v31;
	v46 =	vld.idx.msk [tilespmem:v46+s2+$0x0], $0xffff  }
0x379: {  	v56 =	vadd.s32 s16, v1;
	v57 =	vmul.f32 v42, v5;
	v42 =	vmul.f32 v42, v7;
	v47 =	vld.idx.msk [tilespmem:v47+s2+$0x0], $0xffff  }
0x37a: {  	v58 =	vor.u32 s17, v0;
	v59 =	vmul.f32 v43, v9;
	v60 =	vmul.f32 v44, v10;
	v33 =	vld.idx.msk [tilespmem:v33+s2+$0x0], $0xffff  }
0x37b: {  	v61 =	vor.u32 s17, v1;
	v62 =	vmul.f32 v43, v3;
	v63 =	vmul.f32 v44, v4;
	v52 =	vld.idx.msk [tilespmem:v52+s2+$0x0], $0xffff  }
0x37c: {  	v43 =	vmul.f32 v43, v6;
	v22 =	vsub.f32 v22, v37;
	v23 =	vsub.f32 v23, v38  }
0x37d: {  	v38 =	vmul.f32 v44, v12;
	v21 =	vsub.f32 v21, v32;
	v25 =	vsub.f32 v25, v48;
	v31 =	vld.idx.msk [tilespmem:v31+s2+$0x0], $0xffff  }
0x37e: {  	v32 =	vmul.f32 v35, v9;
	v27 =	vsub.f32 v27, v36;
	v26 =	vsub.f32 v26, v46  }
0x37f: {  	v22 =	vmul.f32 v22, v22;
	v20 =	vsub.f32 v20, v49;
	v24 =	vsub.f32 v24, v47  }
0x380: {  	v27 =	vmul.f32 v27, v27;
	v26 =	vmul.f32 v26, v26;
	v19 =	vsub.f32 v19, v33  }
0x381: {  	v18 =	vsub.f32 v18, v39;
	v20 =	vmul.f32 v20, v20;
	v17 =	vsub.f32 v17, v52  }
0x382: {  	v24 =	vmul.f32 v24, v24;
	v26 =	vadd.f32 v26, v27;
	v19 =	vmul.f32 v19, v19  }
0x383: {  	v25 =	vmul.f32 v25, v25;
	v18 =	vmul.f32 v18, v18;
	v13 =	vsub.f32 v13, v31;
	v27 =	vld.idx.msk [tilespmem:v56+s8+$0x0], $0xffff  }
0x384: {  	v17 =	vmul.f32 v17, v17;
	v24 =	vadd.f32 v26, v24;
	v19 =	vadd.f32 v19, v20  }
0x385: {  	vm0 =	vlt.f32 v36, $5.000000000e+03;
	v20 =	vmul.f32 v21, v21;
	v13 =	vmul.f32 v13, v13  }
0x386: {  	v17 =	vadd.f32 v17, v25;
	v24 =	vnsel vm0, $0x0, v24;
	v18 =	vadd.f32 v19, v18;
	v21 =	vld.idx.msk [tilespmem:v58+s8+$0x0], $0xffff  }
0x387: {  	v23 =	vmul.f32 v23, v23;
	vm0 =	vlt.f32 v49, $5.000000000e+03;
	v8 =	vadd.f32 v24, v8;
	v19 =	vld.idx.msk [tilespmem:v61+s8+$0x0], $0xffff  }
0x388: {  	v13 =	vadd.f32 v17, v13;
	v17 =	vadd.f32 v20, v22;
	v18 =	vnsel vm0, $0x0, v18  }
0x389: {  	vm0 =	vlt.f32 v48, $5.000000000e+03;
	v20 =	vmul.f32 v27, v10;
	v8 =	vadd.f32 v18, v8  }
0x38a: {  	v18 =	vmul.f32 v35, v3;
	v13 =	vnsel vm0, $0x0, v13;
	v17 =	vadd.f32 v17, v23  }
0x38b: {  	v22 =	vmul.f32 v27, v4;
	vm0 =	vlt.f32 v37, $5.000000000e+03;
	v8 =	vadd.f32 v13, v8  }
0x38c: {  	v23 =	vmul.f32 v35, v6;
	v24 =	vmul.f32 v27, v12;
	v17 =	vnsel vm0, $0x0, v17;
	v13 =	vld.idx.msk [tilespmem:v45+s8+$0x0], $0xffff  }
0x38d: {  	v25 =	vmul.f32 v21, v9;
	v26 =	vmul.f32 v19, v10;
	v8 =	vadd.f32 v17, v8  }
0x38e: {  	v31 =	vadd.f32 v51, v40;
	v27 =	vadd.f32 v54, v50;
	v17 =	vmul.f32 v21, v3  }
0x38f: {  	v34 =	vadd.f32 v34, v41;
	v36 =	vadd.f32 v60, v59;
	v35 =	vmul.f32 v19, v4;
	v33 =	vld.idx.msk [tilespmem:v53+s8+$0x0], $0xffff  }
0x390: {  	v38 =	vadd.f32 v38, v43;
	v37 =	vadd.f32 v63, v62;
	v21 =	vmul.f32 v21, v6  }
0x391: {  	v18 =	vadd.f32 v22, v18;
	v20 =	vadd.f32 v20, v32;
	v19 =	vmul.f32 v19, v12  }
0x392: {  	v23 =	vadd.f32 v24, v23;
	v22 =	vadd.f32 v26, v25;
	v24 =	vmul.f32 v13, v11  }
0x393: {  	v17 =	vadd.f32 v35, v17;
	v19 =	vadd.f32 v19, v21;
	v21 =	vmul.f32 v13, v5  }
0x394: {  	v25 =	vadd.f32 v28, v27;
	v26 =	vadd.f32 v30, v31;
	v13 =	vmul.f32 v13, v7  }
0x395: {  	v29 =	vadd.f32 v29, v34;
	v28 =	vadd.f32 v55, v36;
	v27 =	vmul.f32 v33, v11  }
0x396: {  	v32 =	vadd.f32 v42, v38;
	v31 =	vadd.f32 v57, v37;
	v30 =	vmul.f32 v33, v5  }
0x397: {  	v18 =	vadd.f32 v21, v18;
	v24 =	vadd.f32 v24, v20;
	v33 =	vmul.f32 v33, v7  }
0x398: {  	v34 =	vadd.f32 v13, v23;
	v27 =	vadd.f32 v27, v22  }
0x399: {  	v30 =	vadd.f32 v30, v17;
	v33 =	vadd.f32 v33, v19  }
0x39a: {  	v23 =	vadd.f32 v26, v15;
	v22 =	vadd.f32 v25, v14  }
0x39b: {  	v13 =	vadd.f32 v28, v15;
	v21 =	vadd.f32 v29, v16  }
0x39c: {  	v25 =	vadd.f32 v31, v14;
	v17 =	vadd.f32 v32, v16  }
0x39d: {  	v20 =	vadd.f32 v18, v14;
	v18 =	vadd.f32 v24, v15  }
0x39e: {  	v19 =	vadd.f32 v34, v16;
	v24 =	vadd.f32 v27, v15  }
0x39f: {  	v27 =	vadd.f32 v30, v14;
	v26 =	vadd.f32 v33, v16  }
0x3a0: {  	v29 =	vadd.f32 $4.843750000e-01, v23;
	v28 =	vadd.f32 $4.843750000e-01, v22  }
0x3a1: {  	v31 =	vadd.f32 $4.843750000e-01, v13;
	v32 =	vadd.f32 $4.843750000e-01, v21  }
.Ltmp4:
0x3a2: {  	v39 =	vadd.f32 $4.843750000e-01, v25;
	v40 =	vadd.f32 $4.843750000e-01, v17;
	(pc) =	sbr.rel @p0 .LBB2_10-.Ltmp4, $4  }
0x3a3: {  	v35 =	vadd.f32 $4.843750000e-01, v20;
	v36 =	vadd.f32 $4.843750000e-01, v18  }
0x3a4: {  	v29 =	vmul.f32 $3.200000000e+01, v29;
	v33 =	vadd.f32 $4.843750000e-01, v19;
	v30 =	vmul.f32 $3.200000000e+01, v28  }
0x3a5: {  	v34 =	vmul.f32 $3.200000000e+01, v32;
	v37 =	vadd.f32 $4.843750000e-01, v24;
	v28 =	vmul.f32 $3.200000000e+01, v31  }
0x3a6: {  	s15 =	sadd.s32 $0xC0, s15;
	v38 =	vadd.f32 $4.843750000e-01, v27;
	v31 =	vmul.f32 $3.200000000e+01, v39;
	v32 =	vmul.f32 $3.200000000e+01, v40  }
0x3a7: {  	v4 =	vmul.f32 $3.200000000e+01, v35;
	v5 =	vmul.f32 $3.200000000e+01, v36  }
0x3a8: {  	v3 =	vadd.f32 $4.843750000e-01, v26;
	v6 =	vmul.f32 $3.200000000e+01, v37;
	v7 =	vmul.f32 $3.200000000e+01, v33  }
0x3a9: {  	v10 =	vmax.f32 v30, $0.0e+00;
	v11 =	vmax.f32 v34, $0.0e+00;
	v12 =	vmax.f32 v29, $0.0e+00  }
0x3aa: {  	v16 =	vmax.f32 v28, $0.0e+00;
	v9 =	vmul.f32 $3.200000000e+01, v38;
	v10 =	vmin.f32 v10, $3.100000000e+01  }
0x3ab: {  	v11 =	vmin.f32 v11, $3.100000000e+01;
	v12 =	vmin.f32 v12, $3.100000000e+01;
	v14 =	vmax.f32 v31, $0.0e+00  }
0x3ac: {  	v15 =	vmax.f32 v32, $0.0e+00;
	v16 =	vmin.f32 v16, $3.100000000e+01;
	v3 =	vmul.f32 $3.200000000e+01, v3  }
0x3ad: {  	v4 =	vmax.f32 v4, $0.0e+00;
	v7 =	vmax.f32 v7, $0.0e+00;
	v5 =	vmax.f32 v5, $0.0e+00  }
0x3ae: {  	v6 =	vmax.f32 v6, $0.0e+00;
	v12 =	vadd.f32 $5.000000000e-01, v12;
	v10 =	vadd.f32 $5.000000000e-01, v10  }
0x3af: {  	v11 =	vadd.f32 $5.000000000e-01, v11;
	v14 =	vmin.f32 v14, $3.100000000e+01;
	v15 =	vmin.f32 v15, $3.100000000e+01  }
0x3b0: {  	v16 =	vadd.f32 $5.000000000e-01, v16;
	v9 =	vmax.f32 v9, $0.0e+00;
	v4 =	vmin.f32 v4, $3.100000000e+01  }
0x3b1: {  	v7 =	vmin.f32 v7, $3.100000000e+01;
	v5 =	vmin.f32 v5, $3.100000000e+01;
	v6 =	vmin.f32 v6, $3.100000000e+01  }
0x3b2: {  	v14 =	vadd.f32 $5.000000000e-01, v14;
	v15 =	vadd.f32 $5.000000000e-01, v15;
	v10 =	vtrunc.f32 v10  }
0x3b3: {  	v9 =	vmin.f32 v9, $3.100000000e+01;
	v12 =	vtrunc.f32 v12;
	v11 =	vtrunc.f32 v11  }
0x3b4: {  	v5 =	vadd.f32 $5.000000000e-01, v5;
	v16 =	vtrunc.f32 v16;
	v12 =	vcvt.f32.s32 v12  }
0x3b5: {  	v4 =	vadd.f32 $5.000000000e-01, v4;
	v10 =	vcvt.f32.s32 v10;
	v11 =	vcvt.f32.s32 v11  }
0x3b6: {  	v7 =	vadd.f32 $5.000000000e-01, v7;
	v14 =	vtrunc.f32 v14;
	v15 =	vtrunc.f32 v15  }
0x3b7: {  	v6 =	vadd.f32 $5.000000000e-01, v6;
	v16 =	vcvt.f32.s32 v16;
	v5 =	vtrunc.f32 v5  }
0x3b8: {  	v9 =	vadd.f32 $5.000000000e-01, v9;
	v4 =	vtrunc.f32 v4;
	v7 =	vtrunc.f32 v7  }
0x3b9: {  	v6 =	vtrunc.f32 v6;
	v14 =	vcvt.f32.s32 v14  }
0x3ba: {  	v3 =	vmax.f32 v3, $0.0e+00;
	v15 =	vcvt.f32.s32 v15;
	v9 =	vtrunc.f32 v9  }
0x3bb: {  	v3 =	vmin.f32 v3, $3.100000000e+01;
	v4 =	vcvt.f32.s32 v4;
	v5 =	vcvt.f32.s32 v5  }
0x3bc: {  	v3 =	vadd.f32 $5.000000000e-01, v3;
	v6 =	vcvt.f32.s32 v6;
	v7 =	vcvt.f32.s32 v7  }
0x3bd: {  	v10 =	vmul.u32 $0xC00, v10;
	v11 =	vmul.u32 $0x60, v11;
	v16 =	vmul.u32 $0x3, v16  }
0x3be: {  	v12 =	vmul.u32 $0x3, v12;
	v3 =	vtrunc.f32 v3;
	v9 =	vcvt.f32.s32 v9  }
0x3bf: {  	v14 =	vmul.u32 $0xC00, v14;
	v15 =	vmul.u32 $0x60, v15;
	v10 =	vadd.s32 v11, v10  }
0x3c0: {  	v3 =	vcvt.f32.s32 v3;
	v4 =	vmul.u32 $0xC00, v4;
	v10 =	vadd.s32 v12, v10  }
0x3c1: {  	v5 =	vmul.u32 $0x3, v5;
	v7 =	vmul.u32 $0x60, v7;
	v11 =	vadd.s32 $0x2, v10  }
0x3c2: {  	v9 =	vmul.u32 $0xC00, v9;
	v12 =	vadd.s32 v15, v14;
	v14 =	vadd.s32 $0x1, v10  }
0x3c3: {  	v3 =	vmul.u32 $0x60, v3;
	v4 =	vadd.s32 v7, v4;
	v7 =	vadd.s32 v16, v12  }
0x3c4: {  	v6 =	vmul.u32 $0x3, v6;
	v4 =	vadd.s32 v5, v4  }
0x3c5: {  	v16 =	vadd.s32 $0x1, v7;
	v3 =	vadd.s32 v3, v9;
	v5 =	vld.idx.msk [tilespmem:v10+s2+$0x0], $0xffff  }
0x3c6: {  	v3 =	vadd.s32 v6, v3;
	v9 =	vld.idx.msk [tilespmem:v11+s2+$0x0], $0xffff  }
0x3c7: {  	v10 =	vadd.s32 $0x1, v3;
	v11 =	vld.idx.msk [tilespmem:v14+s2+$0x0], $0xffff  }
0x3c8: {  	v12 =	vadd.s32 $0x2, v3;
	v14 =	vld.idx.msk [tilespmem:v7+s2+$0x0], $0xffff  }
0x3c9: {  	v6 =	vadd.s32 $0x2, v4;
	v15 =	vld.idx.msk [tilespmem:v4+s2+$0x0], $0xffff;
	v4 =	vadd.s32 $0x1, v4  }
0x3ca: {  	v16 =	vld.idx.msk [tilespmem:v16+s2+$0x0], $0xffff  }
0x3cb: {  	v3 =	vld.idx.msk [tilespmem:v3+s2+$0x0], $0xffff  }
0x3cc: {  	v7 =	vadd.s32 $0x2, v7;
	v10 =	vld.idx.msk [tilespmem:v10+s2+$0x0], $0xffff  }
0x3cd: {  	v12 =	vld.idx.msk [tilespmem:v12+s2+$0x0], $0xffff  }
0x3ce: {  	v4 =	vld.idx.msk [tilespmem:v4+s2+$0x0], $0xffff  }
0x3cf: {  	v6 =	vld.idx.msk [tilespmem:v6+s2+$0x0], $0xffff;
	v22 =	vsub.f32 v22, v5;
	v9 =	vsub.f32 v23, v9  }
0x3d0: {  	v23 =	vsub.f32 v25, v14;
	v11 =	vsub.f32 v21, v11  }
0x3d1: {  	v7 =	vld.idx.msk [tilespmem:v7+s2+$0x0], $0xffff;
	v21 =	vsub.f32 v27, v3;
	v10 =	vsub.f32 v26, v10  }
0x3d2: {  	v20 =	vsub.f32 v20, v15;
	v22 =	vmul.f32 v22, v22;
	v12 =	vsub.f32 v24, v12  }
0x3d3: {  	v21 =	vmul.f32 v21, v21;
	v10 =	vmul.f32 v10, v10;
	v4 =	vsub.f32 v19, v4  }
0x3d4: {  	v16 =	vsub.f32 v17, v16;
	v6 =	vsub.f32 v18, v6;
	v18 =	vmul.f32 v20, v20  }
0x3d5: {  	v12 =	vmul.f32 v12, v12;
	v10 =	vadd.f32 v10, v21;
	v4 =	vmul.f32 v4, v4  }
0x3d6: {  	v6 =	vmul.f32 v6, v6;
	v7 =	vsub.f32 v13, v7;
	v13 =	vmul.f32 v23, v23  }
0x3d7: {  	v10 =	vadd.f32 v10, v12;
	v4 =	vadd.f32 v4, v18;
	v12 =	vmul.f32 v16, v16  }
0x3d8: {  	vm0 =	vlt.f32 v3, $5.000000000e+03;
	v3 =	vmul.f32 v7, v7;
	v7 =	vmul.f32 v11, v11  }
0x3d9: {  	v10 =	vnsel vm0, $0x0, v10;
	v4 =	vadd.f32 v4, v6;
	v6 =	vadd.f32 v12, v13  }
0x3da: {  	vm13 =	vlt.f32 v15, $5.000000000e+03;
	v9 =	vmul.f32 v9, v9;
	v8 =	vadd.f32 v10, v8  }
0x3db: {  	v4 =	vnsel vm13, $0x0, v4;
	v3 =	vadd.f32 v6, v3;
	v6 =	vadd.f32 v7, v22  }
0x3dc: {  	vm14 =	vlt.f32 v14, $5.000000000e+03;
	v4 =	vadd.f32 v4, v8  }
0x3dd: {  	v3 =	vnsel vm14, $0x0, v3;
	v6 =	vadd.f32 v6, v9  }
0x3de: {  	vm15 =	vlt.f32 v5, $5.000000000e+03;
	v3 =	vadd.f32 v3, v4  }
0x3df: {  	v4 =	vnsel vm15, $0x0, v6  }
0x3e0: {  	v3 =	vadd.f32 v4, v3;
	_ =	sdelay $0x1  }
0x3e1: {  	[tilespmem:s12+$0x0] =	vst.add.f32.msk $0xffff, v3  }
0x3e2: {  	v3 =	vld [tilespmem:$0x1E3C0]  }
0x3e3: {  	v4 =	vld [tilespmem:$0x1E3D0]  }
0x3e4: {  	s15 =	simm.s32 $0x90;
	v5 =	vld [tilespmem:$0x1E3E0]  }
0x3e5: {  	v8 =	vadd.s32 s15, v2;
	v6 =	vld [tilespmem:$0x1E3F0]  }
0x3e6: {  	v12 =	vadd.s32 s15, v0;
	v7 =	vld [tilespmem:$0x1E410]  }
0x3e7: {  	s30 =	simm.s32 $0x60;
	v13 =	vadd.s32 s15, v1;
	v9 =	vld [tilespmem:$0x1E420]  }
0x3e8: {  	v14 =	vadd.s32 s30, v2;
	v10 =	vld [tilespmem:$0x1E430]  }
0x3e9: {  	v11 =	vld [tilespmem:$0x1E440]  }
0x3ea: {  	v15 =	vadd.s32 s30, v0;
	v8 =	vld.idx.msk [tilespmem:v8+s8+$0x0], $0xffff  }
0x3eb: {  	v16 =	vadd.s32 s30, v1;
	v17 =	vld.idx.msk [tilespmem:v12+s8+$0x0], $0xffff  }
0x3ec: {  	s31 =	simm.s32 $0x30;
	v13 =	vld.idx.msk [tilespmem:v13+s8+$0x0], $0xffff  }
0x3ed: {  	v18 =	vadd.s32 s31, v0;
	v14 =	vld.idx.msk [tilespmem:v14+s8+$0x0], $0xffff  }
0x3ee: {  	v19 =	vadd.s32 s31, v1;
	v12 =	vld [tilespmem:$0x1E400]  }
0x3ef: {  	s16 =	simm.s32 $0x0;
	v15 =	vld.idx.msk [tilespmem:v15+s8+$0x0], $0xffff;
	v20 =	vmul.f32 v8, v5  }
0x3f0: {  	v23 =	vor.u32 s16, v0;
	v16 =	vld.idx.msk [tilespmem:v16+s8+$0x0], $0xffff;
	v22 =	vmul.f32 v17, v9;
	v24 =	vmul.f32 v17, v3  }
0x3f1: {  	v26 =	vor.u32 s16, v1;
	v25 =	vmul.f32 v13, v10;
	v27 =	vmul.f32 v13, v4  }
0x3f2: {  	v18 =	vld.idx.msk [tilespmem:v18+s8+$0x0], $0xffff;
	v17 =	vmul.f32 v17, v6;
	v28 =	vmul.f32 v14, v11  }
0x3f3: {  	v19 =	vld.idx.msk [tilespmem:v19+s8+$0x0], $0xffff;
	v13 =	vmul.f32 v13, v12;
	v29 =	vmul.f32 v14, v5  }
0x3f4: {  	v30 =	vmul.f32 v14, v7;
	v14 =	vmul.f32 v15, v9  }
0x3f5: {  	v23 =	vld.idx.msk [tilespmem:v23+s8+$0x0], $0xffff;
	v31 =	vmul.f32 v16, v10;
	v50 =	vmul.f32 v15, v3  }
0x3f6: {  	v26 =	vld.idx.msk [tilespmem:v26+s8+$0x0], $0xffff;
	v51 =	vmul.f32 v16, v4;
	v15 =	vmul.f32 v15, v6  }
0x3f7: {  	v49 =	vadd.s32 s31, v2;
	v16 =	vmul.f32 v16, v12;
	v52 =	vmul.f32 v18, v9  }
0x3f8: {  	v53 =	vmul.f32 v19, v10;
	v55 =	vmul.f32 v18, v3  }
0x3f9: {  	v39 =	vmul.f32 v19, v4;
	v18 =	vmul.f32 v18, v6  }
0x3fa: {  	v54 =	vor.u32 s16, v2;
	v19 =	vmul.f32 v19, v12;
	v40 =	vmul.f32 v23, v9  }
0x3fb: {  	v41 =	vmul.f32 v26, v10;
	v42 =	vmul.f32 v23, v3;
	v24 =	vadd.f32 v27, v24  }
0x3fc: {  	v32 =	vld.idx.msk [tilespmem:v49+s8+$0x0], $0xffff;
	v22 =	vadd.f32 v25, v22;
	v25 =	vmul.f32 v26, v4;
	v27 =	vadd.f32 v31, v14  }
0x3fd: {  	v13 =	vadd.f32 v13, v17;
	v14 =	vmul.f32 v23, v6;
	v23 =	vadd.f32 v51, v50  }
0x3fe: {  	v31 =	vadd.f32 v16, v15;
	v15 =	vmul.f32 v26, v12;
	v26 =	vadd.f32 v39, v55  }
0x3ff: {  	v21 =	vmul.f32 v8, v11;
	v17 =	vld.idx.msk [tilespmem:v54+s8+$0x0], $0xffff;
	v56 =	vadd.f32 v53, v52;
	v57 =	vadd.f32 v41, v40  }
0x400: {  	v8 =	vmul.f32 v8, v7;
	v18 =	vadd.f32 v19, v18;
	v25 =	vadd.f32 v25, v42  }
0x401: {  	v59 =	vmul.f32 v32, v5;
	v58 =	vadd.f32 v15, v14;
	v20 =	vadd.f32 v20, v24  }
0x402: {  	v19 =	vmul.f32 v32, v11;
	v14 =	vld [tilespmem:$0x1E450];
	v21 =	vadd.f32 v21, v22;
	v24 =	vadd.f32 v28, v27  }
0x403: {  	v32 =	vmul.f32 v32, v7;
	v15 =	vld [tilespmem:$0x1E470];
	v8 =	vadd.f32 v8, v13;
	v27 =	vadd.f32 v29, v23  }
0x404: {  	v16 =	vld [tilespmem:$0x1E460];
	v28 =	vadd.f32 v30, v31;
	v26 =	vadd.f32 v59, v26;
	v22 =	vmul.f32 v17, v11  }
0x405: {  	v19 =	vadd.f32 v19, v56;
	v13 =	vmul.f32 v17, v5;
	v17 =	vmul.f32 v17, v7  }
0x406: {  	v30 =	vadd.f32 v32, v18;
	v29 =	vadd.f32 v22, v57  }
0x407: {  	v31 =	vadd.f32 v13, v25;
	v60 =	vadd.f32 v17, v58  }
0x408: {  	v22 =	vadd.f32 v20, v14;
	v23 =	vadd.f32 v21, v15  }
0x409: {  	v13 =	vadd.f32 v24, v15;
	v21 =	vadd.f32 v8, v16  }
0x40a: {  	v25 =	vadd.f32 v27, v14;
	v17 =	vadd.f32 v28, v16  }
0x40b: {  	v20 =	vadd.f32 v26, v14;
	v18 =	vadd.f32 v19, v15  }
0x40c: {  	v19 =	vadd.f32 v30, v16;
	v24 =	vadd.f32 v29, v15  }
0x40d: {  	v27 =	vadd.f32 v31, v14;
	v26 =	vadd.f32 v60, v16  }
0x40e: {  	v28 =	vadd.f32 $4.843750000e-01, v22;
	v29 =	vadd.f32 $4.843750000e-01, v23  }
0x40f: {  	v31 =	vadd.f32 $4.843750000e-01, v13;
	v61 =	vadd.f32 $4.843750000e-01, v21  }
0x410: {  	v62 =	vadd.f32 $4.843750000e-01, v25;
	v63 =	vadd.f32 $4.843750000e-01, v17  }
0x411: {  	v8 =	vimm.f32 $0.0e+00;
	v35 =	vadd.f32 $4.843750000e-01, v20;
	v36 =	vadd.f32 $4.843750000e-01, v18  }
0x412: {  	v33 =	vadd.f32 $4.843750000e-01, v19;
	v30 =	vmul.f32 $3.200000000e+01, v28;
	v29 =	vmul.f32 $3.200000000e+01, v29  }
0x413: {  	v37 =	vadd.f32 $4.843750000e-01, v24;
	v28 =	vmul.f32 $3.200000000e+01, v31;
	v34 =	vmul.f32 $3.200000000e+01, v61  }
0x414: {  	s15 =	simm.s32 $0x150;
	v38 =	vadd.f32 $4.843750000e-01, v27;
	v31 =	vmul.f32 $3.200000000e+01, v62;
	v32 =	vmul.f32 $3.200000000e+01, v63  }
.LBB2_12:
0x415: {  	p0 =	sne.s32 s15, $0x5FD0;
	v39 =	vadd.f32 $4.843750000e-01, v26;
	v35 =	vmul.f32 $3.200000000e+01, v35;
	v36 =	vmul.f32 $3.200000000e+01, v36  }
0x416: {  	v40 =	vadd.s32 s15, v2;
	v37 =	vmul.f32 $3.200000000e+01, v37;
	v33 =	vmul.f32 $3.200000000e+01, v33  }
0x417: {  	v41 =	vadd.s32 s15, v0;
	v38 =	vmul.f32 $3.200000000e+01, v38;
	v39 =	vmul.f32 $3.200000000e+01, v39  }
0x418: {  	v30 =	vmax.f32 v30, $0.0e+00;
	v34 =	vmax.f32 v34, $0.0e+00;
	v29 =	vmax.f32 v29, $0.0e+00  }
0x419: {  	v30 =	vmin.f32 v30, $3.100000000e+01;
	v34 =	vmin.f32 v34, $3.100000000e+01;
	v29 =	vmin.f32 v29, $3.100000000e+01  }
0x41a: {  	v28 =	vmax.f32 v28, $0.0e+00;
	v31 =	vmax.f32 v31, $0.0e+00;
	v32 =	vmax.f32 v32, $0.0e+00  }
0x41b: {  	v35 =	vmax.f32 v35, $0.0e+00;
	v33 =	vmax.f32 v33, $0.0e+00;
	v36 =	vmax.f32 v36, $0.0e+00  }
0x41c: {  	v37 =	vmax.f32 v37, $0.0e+00;
	v29 =	vadd.f32 $5.000000000e-01, v29;
	v38 =	vmax.f32 v38, $0.0e+00  }
0x41d: {  	v30 =	vadd.f32 $5.000000000e-01, v30;
	v34 =	vadd.f32 $5.000000000e-01, v34;
	v39 =	vmax.f32 v39, $0.0e+00  }
0x41e: {  	v28 =	vmin.f32 v28, $3.100000000e+01;
	v31 =	vmin.f32 v31, $3.100000000e+01;
	v32 =	vmin.f32 v32, $3.100000000e+01  }
0x41f: {  	v35 =	vmin.f32 v35, $3.100000000e+01;
	v33 =	vmin.f32 v33, $3.100000000e+01;
	v36 =	vmin.f32 v36, $3.100000000e+01  }
0x420: {  	v28 =	vadd.f32 $5.000000000e-01, v28;
	v37 =	vmin.f32 v37, $3.100000000e+01;
	v38 =	vmin.f32 v38, $3.100000000e+01  }
0x421: {  	v31 =	vadd.f32 $5.000000000e-01, v31;
	v32 =	vadd.f32 $5.000000000e-01, v32;
	v39 =	vmin.f32 v39, $3.100000000e+01  }
0x422: {  	v36 =	vadd.f32 $5.000000000e-01, v36;
	v30 =	vtrunc.f32 v30;
	v29 =	vtrunc.f32 v29  }
0x423: {  	v35 =	vadd.f32 $5.000000000e-01, v35;
	v34 =	vtrunc.f32 v34;
	v29 =	vcvt.f32.s32 v29  }
0x424: {  	v33 =	vadd.f32 $5.000000000e-01, v33;
	v30 =	vcvt.f32.s32 v30;
	v34 =	vcvt.f32.s32 v34  }
0x425: {  	v37 =	vadd.f32 $5.000000000e-01, v37;
	v28 =	vtrunc.f32 v28;
	v31 =	vtrunc.f32 v31  }
0x426: {  	v38 =	vadd.f32 $5.000000000e-01, v38;
	v32 =	vtrunc.f32 v32;
	v36 =	vtrunc.f32 v36  }
0x427: {  	v39 =	vadd.f32 $5.000000000e-01, v39;
	v35 =	vtrunc.f32 v35;
	v33 =	vtrunc.f32 v33  }
0x428: {  	s17 =	sadd.s32 $0xFFFFFFD0, s15;
	v42 =	vadd.s32 s15, v1;
	v37 =	vtrunc.f32 v37;
	v38 =	vtrunc.f32 v38  }
0x429: {  	v43 =	vadd.s32 s17, v2;
	v28 =	vcvt.f32.s32 v28;
	v39 =	vtrunc.f32 v39  }
0x42a: {  	v44 =	vadd.s32 s17, v0;
	v31 =	vcvt.f32.s32 v31;
	v32 =	vcvt.f32.s32 v32  }
0x42b: {  	s16 =	sadd.s32 $0xFFFFFFA0, s15;
	v45 =	vadd.s32 s17, v1;
	v35 =	vcvt.f32.s32 v35;
	v36 =	vcvt.f32.s32 v36  }
0x42c: {  	v46 =	vadd.s32 s16, v0;
	v37 =	vcvt.f32.s32 v37;
	v33 =	vcvt.f32.s32 v33  }
0x42d: {  	v30 =	vmul.u32 $0xC00, v30;
	v34 =	vmul.u32 $0x60, v34;
	v38 =	vcvt.f32.s32 v38  }
0x42e: {  	v28 =	vmul.u32 $0x3, v28;
	v29 =	vmul.u32 $0x3, v29;
	v39 =	vcvt.f32.s32 v39;
	v40 =	vld.idx.msk [tilespmem:v40+s8+$0x0], $0xffff  }
0x42f: {  	v31 =	vmul.u32 $0xC00, v31;
	v32 =	vmul.u32 $0x60, v32;
	v30 =	vadd.s32 v34, v30;
	v41 =	vld.idx.msk [tilespmem:v41+s8+$0x0], $0xffff  }
0x430: {  	v35 =	vmul.u32 $0xC00, v35;
	v36 =	vmul.u32 $0x3, v36;
	v29 =	vadd.s32 v29, v30;
	v34 =	vld.idx.msk [tilespmem:v42+s8+$0x0], $0xffff  }
0x431: {  	v33 =	vmul.u32 $0x60, v33;
	v30 =	vmul.u32 $0xC00, v38;
	v38 =	vadd.s32 $0x2, v29;
	v42 =	vld.idx.msk [tilespmem:v43+s8+$0x0], $0xffff  }
0x432: {  	v31 =	vadd.s32 v32, v31;
	v39 =	vmul.u32 $0x60, v39;
	v32 =	vadd.s32 $0x1, v29;
	v43 =	vld.idx.msk [tilespmem:v44+s8+$0x0], $0xffff  }
0x433: {  	v37 =	vmul.u32 $0x3, v37;
	v33 =	vadd.s32 v33, v35;
	v31 =	vadd.s32 v28, v31;
	v44 =	vld.idx.msk [tilespmem:v45+s8+$0x0], $0xffff  }
0x434: {  	v33 =	vadd.s32 v36, v33;
	v28 =	vadd.s32 v39, v30;
	v35 =	vld.idx.msk [tilespmem:v46+s8+$0x0], $0xffff  }
0x435: {  	v36 =	vadd.s32 v37, v28;
	v37 =	vld.idx.msk [tilespmem:v29+s2+$0x0], $0xffff  }
0x436: {  	v39 =	vadd.s32 $0x2, v33;
	v38 =	vld.idx.msk [tilespmem:v38+s2+$0x0], $0xffff  }
0x437: {  	v45 =	vadd.s32 s16, v2;
	v46 =	vadd.s32 $0x1, v36;
	v32 =	vld.idx.msk [tilespmem:v32+s2+$0x0], $0xffff  }
0x438: {  	v47 =	vadd.s32 $0x2, v36;
	v28 =	vmul.f32 v40, v5;
	v30 =	vmul.f32 v40, v11;
	v48 =	vld.idx.msk [tilespmem:v31+s2+$0x0], $0xffff  }
0x439: {  	v29 =	vmul.f32 v40, v7;
	v40 =	vmul.f32 v41, v9;
	v49 =	vld.idx.msk [tilespmem:v33+s2+$0x0], $0xffff;
	v33 =	vadd.s32 $0x1, v33  }
0x43a: {  	s17 =	sadd.s32 $0xFFFFFF70, s15;
	v52 =	vadd.s32 $0x1, v31;
	v50 =	vmul.f32 v41, v3;
	v51 =	vmul.f32 v34, v10;
	v36 =	vld.idx.msk [tilespmem:v36+s2+$0x0], $0xffff  }
0x43b: {  	v53 =	vor.u32 s17, v2;
	v54 =	vmul.f32 v34, v4;
	v41 =	vmul.f32 v41, v6;
	v39 =	vld.idx.msk [tilespmem:v39+s2+$0x0], $0xffff  }
0x43c: {  	v34 =	vmul.f32 v34, v12;
	v55 =	vmul.f32 v42, v11;
	v31 =	vadd.s32 $0x2, v31;
	v46 =	vld.idx.msk [tilespmem:v46+s2+$0x0], $0xffff  }
0x43d: {  	v56 =	vadd.s32 s16, v1;
	v57 =	vmul.f32 v42, v5;
	v42 =	vmul.f32 v42, v7;
	v47 =	vld.idx.msk [tilespmem:v47+s2+$0x0], $0xffff  }
0x43e: {  	v58 =	vor.u32 s17, v0;
	v59 =	vmul.f32 v43, v9;
	v60 =	vmul.f32 v44, v10;
	v33 =	vld.idx.msk [tilespmem:v33+s2+$0x0], $0xffff  }
0x43f: {  	v61 =	vor.u32 s17, v1;
	v62 =	vmul.f32 v43, v3;
	v63 =	vmul.f32 v44, v4;
	v52 =	vld.idx.msk [tilespmem:v52+s2+$0x0], $0xffff  }
0x440: {  	v43 =	vmul.f32 v43, v6;
	v22 =	vsub.f32 v22, v37;
	v23 =	vsub.f32 v23, v38  }
0x441: {  	v38 =	vmul.f32 v44, v12;
	v21 =	vsub.f32 v21, v32;
	v25 =	vsub.f32 v25, v48;
	v31 =	vld.idx.msk [tilespmem:v31+s2+$0x0], $0xffff  }
0x442: {  	v32 =	vmul.f32 v35, v9;
	v27 =	vsub.f32 v27, v36;
	v26 =	vsub.f32 v26, v46  }
0x443: {  	v22 =	vmul.f32 v22, v22;
	v20 =	vsub.f32 v20, v49;
	v24 =	vsub.f32 v24, v47  }
0x444: {  	v27 =	vmul.f32 v27, v27;
	v26 =	vmul.f32 v26, v26;
	v19 =	vsub.f32 v19, v33  }
0x445: {  	v18 =	vsub.f32 v18, v39;
	v20 =	vmul.f32 v20, v20;
	v17 =	vsub.f32 v17, v52  }
0x446: {  	v24 =	vmul.f32 v24, v24;
	v26 =	vadd.f32 v26, v27;
	v19 =	vmul.f32 v19, v19  }
0x447: {  	v25 =	vmul.f32 v25, v25;
	v18 =	vmul.f32 v18, v18;
	v13 =	vsub.f32 v13, v31;
	v27 =	vld.idx.msk [tilespmem:v56+s8+$0x0], $0xffff  }
0x448: {  	v17 =	vmul.f32 v17, v17;
	v24 =	vadd.f32 v26, v24;
	v19 =	vadd.f32 v19, v20  }
0x449: {  	vm0 =	vlt.f32 v36, $5.000000000e+03;
	v20 =	vmul.f32 v21, v21;
	v13 =	vmul.f32 v13, v13  }
0x44a: {  	v17 =	vadd.f32 v17, v25;
	v24 =	vnsel vm0, $0x0, v24;
	v18 =	vadd.f32 v19, v18;
	v21 =	vld.idx.msk [tilespmem:v58+s8+$0x0], $0xffff  }
0x44b: {  	v23 =	vmul.f32 v23, v23;
	vm0 =	vlt.f32 v49, $5.000000000e+03;
	v8 =	vadd.f32 v24, v8;
	v19 =	vld.idx.msk [tilespmem:v61+s8+$0x0], $0xffff  }
0x44c: {  	v13 =	vadd.f32 v17, v13;
	v17 =	vadd.f32 v20, v22;
	v18 =	vnsel vm0, $0x0, v18  }
0x44d: {  	vm0 =	vlt.f32 v48, $5.000000000e+03;
	v20 =	vmul.f32 v27, v10;
	v8 =	vadd.f32 v18, v8  }
0x44e: {  	v18 =	vmul.f32 v35, v3;
	v13 =	vnsel vm0, $0x0, v13;
	v17 =	vadd.f32 v17, v23  }
0x44f: {  	v22 =	vmul.f32 v27, v4;
	vm0 =	vlt.f32 v37, $5.000000000e+03;
	v8 =	vadd.f32 v13, v8  }
0x450: {  	v23 =	vmul.f32 v35, v6;
	v24 =	vmul.f32 v27, v12;
	v17 =	vnsel vm0, $0x0, v17;
	v13 =	vld.idx.msk [tilespmem:v45+s8+$0x0], $0xffff  }
0x451: {  	v25 =	vmul.f32 v21, v9;
	v26 =	vmul.f32 v19, v10;
	v8 =	vadd.f32 v17, v8  }
0x452: {  	v31 =	vadd.f32 v51, v40;
	v27 =	vadd.f32 v54, v50;
	v17 =	vmul.f32 v21, v3  }
0x453: {  	v34 =	vadd.f32 v34, v41;
	v36 =	vadd.f32 v60, v59;
	v35 =	vmul.f32 v19, v4;
	v33 =	vld.idx.msk [tilespmem:v53+s8+$0x0], $0xffff  }
0x454: {  	v38 =	vadd.f32 v38, v43;
	v37 =	vadd.f32 v63, v62;
	v21 =	vmul.f32 v21, v6  }
0x455: {  	v18 =	vadd.f32 v22, v18;
	v20 =	vadd.f32 v20, v32;
	v19 =	vmul.f32 v19, v12  }
0x456: {  	v23 =	vadd.f32 v24, v23;
	v22 =	vadd.f32 v26, v25;
	v24 =	vmul.f32 v13, v11  }
0x457: {  	v17 =	vadd.f32 v35, v17;
	v19 =	vadd.f32 v19, v21;
	v21 =	vmul.f32 v13, v5  }
0x458: {  	v25 =	vadd.f32 v28, v27;
	v26 =	vadd.f32 v30, v31;
	v13 =	vmul.f32 v13, v7  }
0x459: {  	v29 =	vadd.f32 v29, v34;
	v28 =	vadd.f32 v55, v36;
	v27 =	vmul.f32 v33, v11  }
0x45a: {  	v32 =	vadd.f32 v42, v38;
	v31 =	vadd.f32 v57, v37;
	v30 =	vmul.f32 v33, v5  }
0x45b: {  	v18 =	vadd.f32 v21, v18;
	v24 =	vadd.f32 v24, v20;
	v33 =	vmul.f32 v33, v7  }
0x45c: {  	v34 =	vadd.f32 v13, v23;
	v27 =	vadd.f32 v27, v22  }
0x45d: {  	v30 =	vadd.f32 v30, v17;
	v33 =	vadd.f32 v33, v19  }
0x45e: {  	v23 =	vadd.f32 v26, v15;
	v22 =	vadd.f32 v25, v14  }
0x45f: {  	v13 =	vadd.f32 v28, v15;
	v21 =	vadd.f32 v29, v16  }
0x460: {  	v25 =	vadd.f32 v31, v14;
	v17 =	vadd.f32 v32, v16  }
0x461: {  	v20 =	vadd.f32 v18, v14;
	v18 =	vadd.f32 v24, v15  }
0x462: {  	v19 =	vadd.f32 v34, v16;
	v24 =	vadd.f32 v27, v15  }
0x463: {  	v27 =	vadd.f32 v30, v14;
	v26 =	vadd.f32 v33, v16  }
0x464: {  	v29 =	vadd.f32 $4.843750000e-01, v23;
	v28 =	vadd.f32 $4.843750000e-01, v22  }
0x465: {  	v31 =	vadd.f32 $4.843750000e-01, v13;
	v32 =	vadd.f32 $4.843750000e-01, v21  }
.Ltmp5:
0x466: {  	v39 =	vadd.f32 $4.843750000e-01, v25;
	v40 =	vadd.f32 $4.843750000e-01, v17;
	(pc) =	sbr.rel @p0 .LBB2_12-.Ltmp5, $4  }
0x467: {  	v35 =	vadd.f32 $4.843750000e-01, v20;
	v36 =	vadd.f32 $4.843750000e-01, v18  }
0x468: {  	v29 =	vmul.f32 $3.200000000e+01, v29;
	v33 =	vadd.f32 $4.843750000e-01, v19;
	v30 =	vmul.f32 $3.200000000e+01, v28  }
0x469: {  	v34 =	vmul.f32 $3.200000000e+01, v32;
	v37 =	vadd.f32 $4.843750000e-01, v24;
	v28 =	vmul.f32 $3.200000000e+01, v31  }
0x46a: {  	s15 =	sadd.s32 $0xC0, s15;
	v38 =	vadd.f32 $4.843750000e-01, v27;
	v31 =	vmul.f32 $3.200000000e+01, v39;
	v32 =	vmul.f32 $3.200000000e+01, v40  }
0x46b: {  	v4 =	vmul.f32 $3.200000000e+01, v35;
	v5 =	vmul.f32 $3.200000000e+01, v36  }
0x46c: {  	v3 =	vadd.f32 $4.843750000e-01, v26;
	v6 =	vmul.f32 $3.200000000e+01, v37;
	v7 =	vmul.f32 $3.200000000e+01, v33  }
0x46d: {  	v10 =	vmax.f32 v30, $0.0e+00;
	v11 =	vmax.f32 v34, $0.0e+00;
	v12 =	vmax.f32 v29, $0.0e+00  }
0x46e: {  	v16 =	vmax.f32 v28, $0.0e+00;
	v9 =	vmul.f32 $3.200000000e+01, v38;
	v10 =	vmin.f32 v10, $3.100000000e+01  }
0x46f: {  	v11 =	vmin.f32 v11, $3.100000000e+01;
	v12 =	vmin.f32 v12, $3.100000000e+01;
	v14 =	vmax.f32 v31, $0.0e+00  }
0x470: {  	v15 =	vmax.f32 v32, $0.0e+00;
	v16 =	vmin.f32 v16, $3.100000000e+01;
	v3 =	vmul.f32 $3.200000000e+01, v3  }
0x471: {  	v4 =	vmax.f32 v4, $0.0e+00;
	v7 =	vmax.f32 v7, $0.0e+00;
	v5 =	vmax.f32 v5, $0.0e+00  }
0x472: {  	v6 =	vmax.f32 v6, $0.0e+00;
	v12 =	vadd.f32 $5.000000000e-01, v12;
	v10 =	vadd.f32 $5.000000000e-01, v10  }
0x473: {  	v11 =	vadd.f32 $5.000000000e-01, v11;
	v14 =	vmin.f32 v14, $3.100000000e+01;
	v15 =	vmin.f32 v15, $3.100000000e+01  }
0x474: {  	v16 =	vadd.f32 $5.000000000e-01, v16;
	v9 =	vmax.f32 v9, $0.0e+00;
	v4 =	vmin.f32 v4, $3.100000000e+01  }
0x475: {  	v7 =	vmin.f32 v7, $3.100000000e+01;
	v5 =	vmin.f32 v5, $3.100000000e+01;
	v6 =	vmin.f32 v6, $3.100000000e+01  }
0x476: {  	v14 =	vadd.f32 $5.000000000e-01, v14;
	v15 =	vadd.f32 $5.000000000e-01, v15;
	v10 =	vtrunc.f32 v10  }
0x477: {  	v9 =	vmin.f32 v9, $3.100000000e+01;
	v12 =	vtrunc.f32 v12;
	v11 =	vtrunc.f32 v11  }
0x478: {  	v5 =	vadd.f32 $5.000000000e-01, v5;
	v16 =	vtrunc.f32 v16;
	v12 =	vcvt.f32.s32 v12  }
0x479: {  	v4 =	vadd.f32 $5.000000000e-01, v4;
	v10 =	vcvt.f32.s32 v10;
	v11 =	vcvt.f32.s32 v11  }
0x47a: {  	v7 =	vadd.f32 $5.000000000e-01, v7;
	v14 =	vtrunc.f32 v14;
	v15 =	vtrunc.f32 v15  }
0x47b: {  	v6 =	vadd.f32 $5.000000000e-01, v6;
	v16 =	vcvt.f32.s32 v16;
	v5 =	vtrunc.f32 v5  }
0x47c: {  	v9 =	vadd.f32 $5.000000000e-01, v9;
	v4 =	vtrunc.f32 v4;
	v7 =	vtrunc.f32 v7  }
0x47d: {  	v6 =	vtrunc.f32 v6;
	v14 =	vcvt.f32.s32 v14  }
0x47e: {  	v3 =	vmax.f32 v3, $0.0e+00;
	v15 =	vcvt.f32.s32 v15;
	v9 =	vtrunc.f32 v9  }
0x47f: {  	v3 =	vmin.f32 v3, $3.100000000e+01;
	v4 =	vcvt.f32.s32 v4;
	v5 =	vcvt.f32.s32 v5  }
0x480: {  	v3 =	vadd.f32 $5.000000000e-01, v3;
	v6 =	vcvt.f32.s32 v6;
	v7 =	vcvt.f32.s32 v7  }
0x481: {  	v10 =	vmul.u32 $0xC00, v10;
	v11 =	vmul.u32 $0x60, v11;
	v16 =	vmul.u32 $0x3, v16  }
0x482: {  	v12 =	vmul.u32 $0x3, v12;
	v3 =	vtrunc.f32 v3;
	v9 =	vcvt.f32.s32 v9  }
0x483: {  	v14 =	vmul.u32 $0xC00, v14;
	v15 =	vmul.u32 $0x60, v15;
	v10 =	vadd.s32 v11, v10  }
0x484: {  	v3 =	vcvt.f32.s32 v3;
	v4 =	vmul.u32 $0xC00, v4;
	v10 =	vadd.s32 v12, v10  }
0x485: {  	v5 =	vmul.u32 $0x3, v5;
	v7 =	vmul.u32 $0x60, v7;
	v11 =	vadd.s32 $0x2, v10  }
0x486: {  	v9 =	vmul.u32 $0xC00, v9;
	v12 =	vadd.s32 v15, v14;
	v14 =	vadd.s32 $0x1, v10  }
0x487: {  	v3 =	vmul.u32 $0x60, v3;
	v4 =	vadd.s32 v7, v4;
	v7 =	vadd.s32 v16, v12  }
0x488: {  	v6 =	vmul.u32 $0x3, v6;
	v4 =	vadd.s32 v5, v4  }
0x489: {  	v16 =	vadd.s32 $0x1, v7;
	v3 =	vadd.s32 v3, v9;
	v5 =	vld.idx.msk [tilespmem:v10+s2+$0x0], $0xffff  }
0x48a: {  	v3 =	vadd.s32 v6, v3;
	v9 =	vld.idx.msk [tilespmem:v11+s2+$0x0], $0xffff  }
0x48b: {  	v10 =	vadd.s32 $0x1, v3;
	v11 =	vld.idx.msk [tilespmem:v14+s2+$0x0], $0xffff  }
0x48c: {  	v12 =	vadd.s32 $0x2, v3;
	v14 =	vld.idx.msk [tilespmem:v7+s2+$0x0], $0xffff  }
0x48d: {  	v6 =	vadd.s32 $0x2, v4;
	v15 =	vld.idx.msk [tilespmem:v4+s2+$0x0], $0xffff;
	v4 =	vadd.s32 $0x1, v4  }
0x48e: {  	v16 =	vld.idx.msk [tilespmem:v16+s2+$0x0], $0xffff  }
0x48f: {  	v3 =	vld.idx.msk [tilespmem:v3+s2+$0x0], $0xffff  }
0x490: {  	v7 =	vadd.s32 $0x2, v7;
	v10 =	vld.idx.msk [tilespmem:v10+s2+$0x0], $0xffff  }
0x491: {  	v12 =	vld.idx.msk [tilespmem:v12+s2+$0x0], $0xffff  }
0x492: {  	v4 =	vld.idx.msk [tilespmem:v4+s2+$0x0], $0xffff  }
0x493: {  	v6 =	vld.idx.msk [tilespmem:v6+s2+$0x0], $0xffff;
	v22 =	vsub.f32 v22, v5;
	v9 =	vsub.f32 v23, v9  }
0x494: {  	v23 =	vsub.f32 v25, v14;
	v11 =	vsub.f32 v21, v11  }
0x495: {  	v7 =	vld.idx.msk [tilespmem:v7+s2+$0x0], $0xffff;
	v21 =	vsub.f32 v27, v3;
	v10 =	vsub.f32 v26, v10  }
0x496: {  	v20 =	vsub.f32 v20, v15;
	v22 =	vmul.f32 v22, v22;
	v12 =	vsub.f32 v24, v12  }
0x497: {  	v21 =	vmul.f32 v21, v21;
	v10 =	vmul.f32 v10, v10;
	v4 =	vsub.f32 v19, v4  }
0x498: {  	v16 =	vsub.f32 v17, v16;
	v6 =	vsub.f32 v18, v6;
	v18 =	vmul.f32 v20, v20  }
0x499: {  	v12 =	vmul.f32 v12, v12;
	v10 =	vadd.f32 v10, v21;
	v4 =	vmul.f32 v4, v4  }
0x49a: {  	v6 =	vmul.f32 v6, v6;
	v7 =	vsub.f32 v13, v7;
	v13 =	vmul.f32 v23, v23  }
0x49b: {  	v10 =	vadd.f32 v10, v12;
	v4 =	vadd.f32 v4, v18;
	v12 =	vmul.f32 v16, v16  }
0x49c: {  	vm0 =	vlt.f32 v3, $5.000000000e+03;
	v3 =	vmul.f32 v7, v7;
	v7 =	vmul.f32 v11, v11  }
0x49d: {  	v10 =	vnsel vm0, $0x0, v10;
	v4 =	vadd.f32 v4, v6;
	v6 =	vadd.f32 v12, v13  }
0x49e: {  	vm13 =	vlt.f32 v15, $5.000000000e+03;
	v9 =	vmul.f32 v9, v9;
	v8 =	vadd.f32 v10, v8  }
0x49f: {  	v4 =	vnsel vm13, $0x0, v4;
	v3 =	vadd.f32 v6, v3;
	v6 =	vadd.f32 v7, v22  }
0x4a0: {  	vm14 =	vlt.f32 v14, $5.000000000e+03;
	v4 =	vadd.f32 v4, v8  }
0x4a1: {  	v3 =	vnsel vm14, $0x0, v3;
	v6 =	vadd.f32 v6, v9  }
0x4a2: {  	vm15 =	vlt.f32 v5, $5.000000000e+03;
	v3 =	vadd.f32 v3, v4  }
0x4a3: {  	v4 =	vnsel vm15, $0x0, v6  }
0x4a4: {  	v3 =	vadd.f32 v4, v3;
	_ =	sdelay $0x1  }
0x4a5: {  	[tilespmem:s12+$0x0] =	vst.add.f32.msk $0xffff, v3  }
0x4a6: {  	v3 =	vld [tilespmem:$0x1E480]  }
0x4a7: {  	v4 =	vld [tilespmem:$0x1E490]  }
0x4a8: {  	s15 =	simm.s32 $0x90;
	v5 =	vld [tilespmem:$0x1E4A0]  }
0x4a9: {  	v8 =	vadd.s32 s15, v2;
	v6 =	vld [tilespmem:$0x1E4B0]  }
0x4aa: {  	v12 =	vadd.s32 s15, v0;
	v7 =	vld [tilespmem:$0x1E4D0]  }
0x4ab: {  	s30 =	simm.s32 $0x60;
	v13 =	vadd.s32 s15, v1;
	v9 =	vld [tilespmem:$0x1E4E0]  }
0x4ac: {  	v14 =	vadd.s32 s30, v2;
	v10 =	vld [tilespmem:$0x1E4F0]  }
0x4ad: {  	v11 =	vld [tilespmem:$0x1E500]  }
0x4ae: {  	v15 =	vadd.s32 s30, v0;
	v8 =	vld.idx.msk [tilespmem:v8+s8+$0x0], $0xffff  }
0x4af: {  	v16 =	vadd.s32 s30, v1;
	v17 =	vld.idx.msk [tilespmem:v12+s8+$0x0], $0xffff  }
0x4b0: {  	s31 =	simm.s32 $0x30;
	v13 =	vld.idx.msk [tilespmem:v13+s8+$0x0], $0xffff  }
0x4b1: {  	v18 =	vadd.s32 s31, v0;
	v14 =	vld.idx.msk [tilespmem:v14+s8+$0x0], $0xffff  }
0x4b2: {  	v19 =	vadd.s32 s31, v1;
	v12 =	vld [tilespmem:$0x1E4C0]  }
0x4b3: {  	s16 =	simm.s32 $0x0;
	v15 =	vld.idx.msk [tilespmem:v15+s8+$0x0], $0xffff;
	v20 =	vmul.f32 v8, v5  }
0x4b4: {  	v23 =	vor.u32 s16, v0;
	v16 =	vld.idx.msk [tilespmem:v16+s8+$0x0], $0xffff;
	v22 =	vmul.f32 v17, v9;
	v24 =	vmul.f32 v17, v3  }
0x4b5: {  	v26 =	vor.u32 s16, v1;
	v25 =	vmul.f32 v13, v10;
	v27 =	vmul.f32 v13, v4  }
0x4b6: {  	v18 =	vld.idx.msk [tilespmem:v18+s8+$0x0], $0xffff;
	v17 =	vmul.f32 v17, v6;
	v28 =	vmul.f32 v14, v11  }
0x4b7: {  	v19 =	vld.idx.msk [tilespmem:v19+s8+$0x0], $0xffff;
	v13 =	vmul.f32 v13, v12;
	v29 =	vmul.f32 v14, v5  }
0x4b8: {  	v30 =	vmul.f32 v14, v7;
	v14 =	vmul.f32 v15, v9  }
0x4b9: {  	v23 =	vld.idx.msk [tilespmem:v23+s8+$0x0], $0xffff;
	v31 =	vmul.f32 v16, v10;
	v50 =	vmul.f32 v15, v3  }
0x4ba: {  	v26 =	vld.idx.msk [tilespmem:v26+s8+$0x0], $0xffff;
	v51 =	vmul.f32 v16, v4;
	v15 =	vmul.f32 v15, v6  }
0x4bb: {  	v49 =	vadd.s32 s31, v2;
	v16 =	vmul.f32 v16, v12;
	v52 =	vmul.f32 v18, v9  }
0x4bc: {  	v53 =	vmul.f32 v19, v10;
	v55 =	vmul.f32 v18, v3  }
0x4bd: {  	v39 =	vmul.f32 v19, v4;
	v18 =	vmul.f32 v18, v6  }
0x4be: {  	v54 =	vor.u32 s16, v2;
	v19 =	vmul.f32 v19, v12;
	v40 =	vmul.f32 v23, v9  }
0x4bf: {  	v41 =	vmul.f32 v26, v10;
	v42 =	vmul.f32 v23, v3;
	v24 =	vadd.f32 v27, v24  }
0x4c0: {  	v32 =	vld.idx.msk [tilespmem:v49+s8+$0x0], $0xffff;
	v22 =	vadd.f32 v25, v22;
	v25 =	vmul.f32 v26, v4;
	v27 =	vadd.f32 v31, v14  }
0x4c1: {  	v13 =	vadd.f32 v13, v17;
	v14 =	vmul.f32 v23, v6;
	v23 =	vadd.f32 v51, v50  }
0x4c2: {  	v31 =	vadd.f32 v16, v15;
	v15 =	vmul.f32 v26, v12;
	v26 =	vadd.f32 v39, v55  }
0x4c3: {  	v21 =	vmul.f32 v8, v11;
	v17 =	vld.idx.msk [tilespmem:v54+s8+$0x0], $0xffff;
	v56 =	vadd.f32 v53, v52;
	v57 =	vadd.f32 v41, v40  }
0x4c4: {  	v8 =	vmul.f32 v8, v7;
	v18 =	vadd.f32 v19, v18;
	v25 =	vadd.f32 v25, v42  }
0x4c5: {  	v59 =	vmul.f32 v32, v5;
	v58 =	vadd.f32 v15, v14;
	v20 =	vadd.f32 v20, v24  }
0x4c6: {  	v19 =	vmul.f32 v32, v11;
	v14 =	vld [tilespmem:$0x1E510];
	v21 =	vadd.f32 v21, v22;
	v24 =	vadd.f32 v28, v27  }
0x4c7: {  	v32 =	vmul.f32 v32, v7;
	v15 =	vld [tilespmem:$0x1E530];
	v8 =	vadd.f32 v8, v13;
	v27 =	vadd.f32 v29, v23  }
0x4c8: {  	v16 =	vld [tilespmem:$0x1E520];
	v28 =	vadd.f32 v30, v31;
	v26 =	vadd.f32 v59, v26;
	v22 =	vmul.f32 v17, v11  }
0x4c9: {  	v19 =	vadd.f32 v19, v56;
	v13 =	vmul.f32 v17, v5;
	v17 =	vmul.f32 v17, v7  }
0x4ca: {  	v30 =	vadd.f32 v32, v18;
	v29 =	vadd.f32 v22, v57  }
0x4cb: {  	v31 =	vadd.f32 v13, v25;
	v60 =	vadd.f32 v17, v58  }
0x4cc: {  	v22 =	vadd.f32 v20, v14;
	v23 =	vadd.f32 v21, v15  }
0x4cd: {  	v13 =	vadd.f32 v24, v15;
	v21 =	vadd.f32 v8, v16  }
0x4ce: {  	v25 =	vadd.f32 v27, v14;
	v17 =	vadd.f32 v28, v16  }
0x4cf: {  	v20 =	vadd.f32 v26, v14;
	v18 =	vadd.f32 v19, v15  }
0x4d0: {  	v19 =	vadd.f32 v30, v16;
	v24 =	vadd.f32 v29, v15  }
0x4d1: {  	v27 =	vadd.f32 v31, v14;
	v26 =	vadd.f32 v60, v16  }
0x4d2: {  	v28 =	vadd.f32 $4.843750000e-01, v22;
	v29 =	vadd.f32 $4.843750000e-01, v23  }
0x4d3: {  	v31 =	vadd.f32 $4.843750000e-01, v13;
	v61 =	vadd.f32 $4.843750000e-01, v21  }
0x4d4: {  	v62 =	vadd.f32 $4.843750000e-01, v25;
	v63 =	vadd.f32 $4.843750000e-01, v17  }
0x4d5: {  	v8 =	vimm.f32 $0.0e+00;
	v35 =	vadd.f32 $4.843750000e-01, v20;
	v36 =	vadd.f32 $4.843750000e-01, v18  }
0x4d6: {  	v33 =	vadd.f32 $4.843750000e-01, v19;
	v30 =	vmul.f32 $3.200000000e+01, v28;
	v29 =	vmul.f32 $3.200000000e+01, v29  }
0x4d7: {  	v37 =	vadd.f32 $4.843750000e-01, v24;
	v28 =	vmul.f32 $3.200000000e+01, v31;
	v34 =	vmul.f32 $3.200000000e+01, v61  }
0x4d8: {  	s15 =	simm.s32 $0x150;
	v38 =	vadd.f32 $4.843750000e-01, v27;
	v31 =	vmul.f32 $3.200000000e+01, v62;
	v32 =	vmul.f32 $3.200000000e+01, v63  }
.LBB2_14:
0x4d9: {  	p0 =	sne.s32 s15, $0x5FD0;
	v39 =	vadd.f32 $4.843750000e-01, v26;
	v35 =	vmul.f32 $3.200000000e+01, v35;
	v36 =	vmul.f32 $3.200000000e+01, v36  }
0x4da: {  	v40 =	vadd.s32 s15, v2;
	v37 =	vmul.f32 $3.200000000e+01, v37;
	v33 =	vmul.f32 $3.200000000e+01, v33  }
0x4db: {  	v41 =	vadd.s32 s15, v0;
	v38 =	vmul.f32 $3.200000000e+01, v38;
	v39 =	vmul.f32 $3.200000000e+01, v39  }
0x4dc: {  	v30 =	vmax.f32 v30, $0.0e+00;
	v34 =	vmax.f32 v34, $0.0e+00;
	v29 =	vmax.f32 v29, $0.0e+00  }
0x4dd: {  	v30 =	vmin.f32 v30, $3.100000000e+01;
	v34 =	vmin.f32 v34, $3.100000000e+01;
	v29 =	vmin.f32 v29, $3.100000000e+01  }
0x4de: {  	v28 =	vmax.f32 v28, $0.0e+00;
	v31 =	vmax.f32 v31, $0.0e+00;
	v32 =	vmax.f32 v32, $0.0e+00  }
0x4df: {  	v35 =	vmax.f32 v35, $0.0e+00;
	v33 =	vmax.f32 v33, $0.0e+00;
	v36 =	vmax.f32 v36, $0.0e+00  }
0x4e0: {  	v37 =	vmax.f32 v37, $0.0e+00;
	v29 =	vadd.f32 $5.000000000e-01, v29;
	v38 =	vmax.f32 v38, $0.0e+00  }
0x4e1: {  	v30 =	vadd.f32 $5.000000000e-01, v30;
	v34 =	vadd.f32 $5.000000000e-01, v34;
	v39 =	vmax.f32 v39, $0.0e+00  }
0x4e2: {  	v28 =	vmin.f32 v28, $3.100000000e+01;
	v31 =	vmin.f32 v31, $3.100000000e+01;
	v32 =	vmin.f32 v32, $3.100000000e+01  }
0x4e3: {  	v35 =	vmin.f32 v35, $3.100000000e+01;
	v33 =	vmin.f32 v33, $3.100000000e+01;
	v36 =	vmin.f32 v36, $3.100000000e+01  }
0x4e4: {  	v28 =	vadd.f32 $5.000000000e-01, v28;
	v37 =	vmin.f32 v37, $3.100000000e+01;
	v38 =	vmin.f32 v38, $3.100000000e+01  }
0x4e5: {  	v31 =	vadd.f32 $5.000000000e-01, v31;
	v32 =	vadd.f32 $5.000000000e-01, v32;
	v39 =	vmin.f32 v39, $3.100000000e+01  }
0x4e6: {  	v36 =	vadd.f32 $5.000000000e-01, v36;
	v30 =	vtrunc.f32 v30;
	v29 =	vtrunc.f32 v29  }
0x4e7: {  	v35 =	vadd.f32 $5.000000000e-01, v35;
	v34 =	vtrunc.f32 v34;
	v29 =	vcvt.f32.s32 v29  }
0x4e8: {  	v33 =	vadd.f32 $5.000000000e-01, v33;
	v30 =	vcvt.f32.s32 v30;
	v34 =	vcvt.f32.s32 v34  }
0x4e9: {  	v37 =	vadd.f32 $5.000000000e-01, v37;
	v28 =	vtrunc.f32 v28;
	v31 =	vtrunc.f32 v31  }
0x4ea: {  	v38 =	vadd.f32 $5.000000000e-01, v38;
	v32 =	vtrunc.f32 v32;
	v36 =	vtrunc.f32 v36  }
0x4eb: {  	v39 =	vadd.f32 $5.000000000e-01, v39;
	v35 =	vtrunc.f32 v35;
	v33 =	vtrunc.f32 v33  }
0x4ec: {  	s17 =	sadd.s32 $0xFFFFFFD0, s15;
	v42 =	vadd.s32 s15, v1;
	v37 =	vtrunc.f32 v37;
	v38 =	vtrunc.f32 v38  }
0x4ed: {  	v43 =	vadd.s32 s17, v2;
	v28 =	vcvt.f32.s32 v28;
	v39 =	vtrunc.f32 v39  }
0x4ee: {  	v44 =	vadd.s32 s17, v0;
	v31 =	vcvt.f32.s32 v31;
	v32 =	vcvt.f32.s32 v32  }
0x4ef: {  	s16 =	sadd.s32 $0xFFFFFFA0, s15;
	v45 =	vadd.s32 s17, v1;
	v35 =	vcvt.f32.s32 v35;
	v36 =	vcvt.f32.s32 v36  }
0x4f0: {  	v46 =	vadd.s32 s16, v0;
	v37 =	vcvt.f32.s32 v37;
	v33 =	vcvt.f32.s32 v33  }
0x4f1: {  	v30 =	vmul.u32 $0xC00, v30;
	v34 =	vmul.u32 $0x60, v34;
	v38 =	vcvt.f32.s32 v38  }
0x4f2: {  	v28 =	vmul.u32 $0x3, v28;
	v29 =	vmul.u32 $0x3, v29;
	v39 =	vcvt.f32.s32 v39;
	v40 =	vld.idx.msk [tilespmem:v40+s8+$0x0], $0xffff  }
0x4f3: {  	v31 =	vmul.u32 $0xC00, v31;
	v32 =	vmul.u32 $0x60, v32;
	v30 =	vadd.s32 v34, v30;
	v41 =	vld.idx.msk [tilespmem:v41+s8+$0x0], $0xffff  }
0x4f4: {  	v35 =	vmul.u32 $0xC00, v35;
	v36 =	vmul.u32 $0x3, v36;
	v29 =	vadd.s32 v29, v30;
	v34 =	vld.idx.msk [tilespmem:v42+s8+$0x0], $0xffff  }
0x4f5: {  	v33 =	vmul.u32 $0x60, v33;
	v30 =	vmul.u32 $0xC00, v38;
	v38 =	vadd.s32 $0x2, v29;
	v42 =	vld.idx.msk [tilespmem:v43+s8+$0x0], $0xffff  }
0x4f6: {  	v31 =	vadd.s32 v32, v31;
	v39 =	vmul.u32 $0x60, v39;
	v32 =	vadd.s32 $0x1, v29;
	v43 =	vld.idx.msk [tilespmem:v44+s8+$0x0], $0xffff  }
0x4f7: {  	v37 =	vmul.u32 $0x3, v37;
	v33 =	vadd.s32 v33, v35;
	v31 =	vadd.s32 v28, v31;
	v44 =	vld.idx.msk [tilespmem:v45+s8+$0x0], $0xffff  }
0x4f8: {  	v33 =	vadd.s32 v36, v33;
	v28 =	vadd.s32 v39, v30;
	v35 =	vld.idx.msk [tilespmem:v46+s8+$0x0], $0xffff  }
0x4f9: {  	v36 =	vadd.s32 v37, v28;
	v37 =	vld.idx.msk [tilespmem:v29+s2+$0x0], $0xffff  }
0x4fa: {  	v39 =	vadd.s32 $0x2, v33;
	v38 =	vld.idx.msk [tilespmem:v38+s2+$0x0], $0xffff  }
0x4fb: {  	v45 =	vadd.s32 s16, v2;
	v46 =	vadd.s32 $0x1, v36;
	v32 =	vld.idx.msk [tilespmem:v32+s2+$0x0], $0xffff  }
0x4fc: {  	v47 =	vadd.s32 $0x2, v36;
	v28 =	vmul.f32 v40, v5;
	v30 =	vmul.f32 v40, v11;
	v48 =	vld.idx.msk [tilespmem:v31+s2+$0x0], $0xffff  }
0x4fd: {  	v29 =	vmul.f32 v40, v7;
	v40 =	vmul.f32 v41, v9;
	v49 =	vld.idx.msk [tilespmem:v33+s2+$0x0], $0xffff;
	v33 =	vadd.s32 $0x1, v33  }
0x4fe: {  	s17 =	sadd.s32 $0xFFFFFF70, s15;
	v52 =	vadd.s32 $0x1, v31;
	v50 =	vmul.f32 v41, v3;
	v51 =	vmul.f32 v34, v10;
	v36 =	vld.idx.msk [tilespmem:v36+s2+$0x0], $0xffff  }
0x4ff: {  	v53 =	vor.u32 s17, v2;
	v54 =	vmul.f32 v34, v4;
	v41 =	vmul.f32 v41, v6;
	v39 =	vld.idx.msk [tilespmem:v39+s2+$0x0], $0xffff  }
0x500: {  	v34 =	vmul.f32 v34, v12;
	v55 =	vmul.f32 v42, v11;
	v31 =	vadd.s32 $0x2, v31;
	v46 =	vld.idx.msk [tilespmem:v46+s2+$0x0], $0xffff  }
0x501: {  	v56 =	vadd.s32 s16, v1;
	v57 =	vmul.f32 v42, v5;
	v42 =	vmul.f32 v42, v7;
	v47 =	vld.idx.msk [tilespmem:v47+s2+$0x0], $0xffff  }
0x502: {  	v58 =	vor.u32 s17, v0;
	v59 =	vmul.f32 v43, v9;
	v60 =	vmul.f32 v44, v10;
	v33 =	vld.idx.msk [tilespmem:v33+s2+$0x0], $0xffff  }
0x503: {  	v61 =	vor.u32 s17, v1;
	v62 =	vmul.f32 v43, v3;
	v63 =	vmul.f32 v44, v4;
	v52 =	vld.idx.msk [tilespmem:v52+s2+$0x0], $0xffff  }
0x504: {  	v43 =	vmul.f32 v43, v6;
	v22 =	vsub.f32 v22, v37;
	v23 =	vsub.f32 v23, v38  }
0x505: {  	v38 =	vmul.f32 v44, v12;
	v21 =	vsub.f32 v21, v32;
	v25 =	vsub.f32 v25, v48;
	v31 =	vld.idx.msk [tilespmem:v31+s2+$0x0], $0xffff  }
0x506: {  	v32 =	vmul.f32 v35, v9;
	v27 =	vsub.f32 v27, v36;
	v26 =	vsub.f32 v26, v46  }
0x507: {  	v22 =	vmul.f32 v22, v22;
	v20 =	vsub.f32 v20, v49;
	v24 =	vsub.f32 v24, v47  }
0x508: {  	v27 =	vmul.f32 v27, v27;
	v26 =	vmul.f32 v26, v26;
	v19 =	vsub.f32 v19, v33  }
0x509: {  	v18 =	vsub.f32 v18, v39;
	v20 =	vmul.f32 v20, v20;
	v17 =	vsub.f32 v17, v52  }
0x50a: {  	v24 =	vmul.f32 v24, v24;
	v26 =	vadd.f32 v26, v27;
	v19 =	vmul.f32 v19, v19  }
0x50b: {  	v25 =	vmul.f32 v25, v25;
	v18 =	vmul.f32 v18, v18;
	v13 =	vsub.f32 v13, v31;
	v27 =	vld.idx.msk [tilespmem:v56+s8+$0x0], $0xffff  }
0x50c: {  	v17 =	vmul.f32 v17, v17;
	v24 =	vadd.f32 v26, v24;
	v19 =	vadd.f32 v19, v20  }
0x50d: {  	vm0 =	vlt.f32 v36, $5.000000000e+03;
	v20 =	vmul.f32 v21, v21;
	v13 =	vmul.f32 v13, v13  }
0x50e: {  	v17 =	vadd.f32 v17, v25;
	v24 =	vnsel vm0, $0x0, v24;
	v18 =	vadd.f32 v19, v18;
	v21 =	vld.idx.msk [tilespmem:v58+s8+$0x0], $0xffff  }
0x50f: {  	v23 =	vmul.f32 v23, v23;
	vm0 =	vlt.f32 v49, $5.000000000e+03;
	v8 =	vadd.f32 v24, v8;
	v19 =	vld.idx.msk [tilespmem:v61+s8+$0x0], $0xffff  }
0x510: {  	v13 =	vadd.f32 v17, v13;
	v17 =	vadd.f32 v20, v22;
	v18 =	vnsel vm0, $0x0, v18  }
0x511: {  	vm0 =	vlt.f32 v48, $5.000000000e+03;
	v20 =	vmul.f32 v27, v10;
	v8 =	vadd.f32 v18, v8  }
0x512: {  	v18 =	vmul.f32 v35, v3;
	v13 =	vnsel vm0, $0x0, v13;
	v17 =	vadd.f32 v17, v23  }
0x513: {  	v22 =	vmul.f32 v27, v4;
	vm0 =	vlt.f32 v37, $5.000000000e+03;
	v8 =	vadd.f32 v13, v8  }
0x514: {  	v23 =	vmul.f32 v35, v6;
	v24 =	vmul.f32 v27, v12;
	v17 =	vnsel vm0, $0x0, v17;
	v13 =	vld.idx.msk [tilespmem:v45+s8+$0x0], $0xffff  }
0x515: {  	v25 =	vmul.f32 v21, v9;
	v26 =	vmul.f32 v19, v10;
	v8 =	vadd.f32 v17, v8  }
0x516: {  	v31 =	vadd.f32 v51, v40;
	v27 =	vadd.f32 v54, v50;
	v17 =	vmul.f32 v21, v3  }
0x517: {  	v34 =	vadd.f32 v34, v41;
	v36 =	vadd.f32 v60, v59;
	v35 =	vmul.f32 v19, v4;
	v33 =	vld.idx.msk [tilespmem:v53+s8+$0x0], $0xffff  }
0x518: {  	v38 =	vadd.f32 v38, v43;
	v37 =	vadd.f32 v63, v62;
	v21 =	vmul.f32 v21, v6  }
0x519: {  	v18 =	vadd.f32 v22, v18;
	v20 =	vadd.f32 v20, v32;
	v19 =	vmul.f32 v19, v12  }
0x51a: {  	v23 =	vadd.f32 v24, v23;
	v22 =	vadd.f32 v26, v25;
	v24 =	vmul.f32 v13, v11  }
0x51b: {  	v17 =	vadd.f32 v35, v17;
	v19 =	vadd.f32 v19, v21;
	v21 =	vmul.f32 v13, v5  }
0x51c: {  	v25 =	vadd.f32 v28, v27;
	v26 =	vadd.f32 v30, v31;
	v13 =	vmul.f32 v13, v7  }
0x51d: {  	v29 =	vadd.f32 v29, v34;
	v28 =	vadd.f32 v55, v36;
	v27 =	vmul.f32 v33, v11  }
0x51e: {  	v32 =	vadd.f32 v42, v38;
	v31 =	vadd.f32 v57, v37;
	v30 =	vmul.f32 v33, v5  }
0x51f: {  	v18 =	vadd.f32 v21, v18;
	v24 =	vadd.f32 v24, v20;
	v33 =	vmul.f32 v33, v7  }
0x520: {  	v34 =	vadd.f32 v13, v23;
	v27 =	vadd.f32 v27, v22  }
0x521: {  	v30 =	vadd.f32 v30, v17;
	v33 =	vadd.f32 v33, v19  }
0x522: {  	v23 =	vadd.f32 v26, v15;
	v22 =	vadd.f32 v25, v14  }
0x523: {  	v13 =	vadd.f32 v28, v15;
	v21 =	vadd.f32 v29, v16  }
0x524: {  	v25 =	vadd.f32 v31, v14;
	v17 =	vadd.f32 v32, v16  }
0x525: {  	v20 =	vadd.f32 v18, v14;
	v18 =	vadd.f32 v24, v15  }
0x526: {  	v19 =	vadd.f32 v34, v16;
	v24 =	vadd.f32 v27, v15  }
0x527: {  	v27 =	vadd.f32 v30, v14;
	v26 =	vadd.f32 v33, v16  }
0x528: {  	v29 =	vadd.f32 $4.843750000e-01, v23;
	v28 =	vadd.f32 $4.843750000e-01, v22  }
0x529: {  	v31 =	vadd.f32 $4.843750000e-01, v13;
	v32 =	vadd.f32 $4.843750000e-01, v21  }
.Ltmp6:
0x52a: {  	v39 =	vadd.f32 $4.843750000e-01, v25;
	v40 =	vadd.f32 $4.843750000e-01, v17;
	(pc) =	sbr.rel @p0 .LBB2_14-.Ltmp6, $4  }
0x52b: {  	v35 =	vadd.f32 $4.843750000e-01, v20;
	v36 =	vadd.f32 $4.843750000e-01, v18  }
0x52c: {  	v29 =	vmul.f32 $3.200000000e+01, v29;
	v33 =	vadd.f32 $4.843750000e-01, v19;
	v30 =	vmul.f32 $3.200000000e+01, v28  }
0x52d: {  	v34 =	vmul.f32 $3.200000000e+01, v32;
	v37 =	vadd.f32 $4.843750000e-01, v24;
	v28 =	vmul.f32 $3.200000000e+01, v31  }
0x52e: {  	s15 =	sadd.s32 $0xC0, s15;
	v38 =	vadd.f32 $4.843750000e-01, v27;
	v31 =	vmul.f32 $3.200000000e+01, v39;
	v32 =	vmul.f32 $3.200000000e+01, v40  }
0x52f: {  	v4 =	vmul.f32 $3.200000000e+01, v35;
	v5 =	vmul.f32 $3.200000000e+01, v36  }
0x530: {  	v3 =	vadd.f32 $4.843750000e-01, v26;
	v6 =	vmul.f32 $3.200000000e+01, v37;
	v7 =	vmul.f32 $3.200000000e+01, v33  }
0x531: {  	v10 =	vmax.f32 v30, $0.0e+00;
	v11 =	vmax.f32 v34, $0.0e+00;
	v12 =	vmax.f32 v29, $0.0e+00  }
0x532: {  	v16 =	vmax.f32 v28, $0.0e+00;
	v9 =	vmul.f32 $3.200000000e+01, v38;
	v10 =	vmin.f32 v10, $3.100000000e+01  }
0x533: {  	v11 =	vmin.f32 v11, $3.100000000e+01;
	v12 =	vmin.f32 v12, $3.100000000e+01;
	v14 =	vmax.f32 v31, $0.0e+00  }
0x534: {  	v15 =	vmax.f32 v32, $0.0e+00;
	v16 =	vmin.f32 v16, $3.100000000e+01;
	v3 =	vmul.f32 $3.200000000e+01, v3  }
0x535: {  	v4 =	vmax.f32 v4, $0.0e+00;
	v7 =	vmax.f32 v7, $0.0e+00;
	v5 =	vmax.f32 v5, $0.0e+00  }
0x536: {  	v6 =	vmax.f32 v6, $0.0e+00;
	v12 =	vadd.f32 $5.000000000e-01, v12;
	v10 =	vadd.f32 $5.000000000e-01, v10  }
0x537: {  	v11 =	vadd.f32 $5.000000000e-01, v11;
	v14 =	vmin.f32 v14, $3.100000000e+01;
	v15 =	vmin.f32 v15, $3.100000000e+01  }
0x538: {  	v16 =	vadd.f32 $5.000000000e-01, v16;
	v9 =	vmax.f32 v9, $0.0e+00;
	v4 =	vmin.f32 v4, $3.100000000e+01  }
0x539: {  	v7 =	vmin.f32 v7, $3.100000000e+01;
	v5 =	vmin.f32 v5, $3.100000000e+01;
	v6 =	vmin.f32 v6, $3.100000000e+01  }
0x53a: {  	v14 =	vadd.f32 $5.000000000e-01, v14;
	v15 =	vadd.f32 $5.000000000e-01, v15;
	v10 =	vtrunc.f32 v10  }
0x53b: {  	v9 =	vmin.f32 v9, $3.100000000e+01;
	v12 =	vtrunc.f32 v12;
	v11 =	vtrunc.f32 v11  }
0x53c: {  	v5 =	vadd.f32 $5.000000000e-01, v5;
	v16 =	vtrunc.f32 v16;
	v12 =	vcvt.f32.s32 v12  }
0x53d: {  	v4 =	vadd.f32 $5.000000000e-01, v4;
	v10 =	vcvt.f32.s32 v10;
	v11 =	vcvt.f32.s32 v11  }
0x53e: {  	v7 =	vadd.f32 $5.000000000e-01, v7;
	v14 =	vtrunc.f32 v14;
	v15 =	vtrunc.f32 v15  }
0x53f: {  	v6 =	vadd.f32 $5.000000000e-01, v6;
	v16 =	vcvt.f32.s32 v16;
	v5 =	vtrunc.f32 v5  }
0x540: {  	v9 =	vadd.f32 $5.000000000e-01, v9;
	v4 =	vtrunc.f32 v4;
	v7 =	vtrunc.f32 v7  }
0x541: {  	v6 =	vtrunc.f32 v6;
	v14 =	vcvt.f32.s32 v14  }
0x542: {  	v3 =	vmax.f32 v3, $0.0e+00;
	v15 =	vcvt.f32.s32 v15;
	v9 =	vtrunc.f32 v9  }
0x543: {  	v3 =	vmin.f32 v3, $3.100000000e+01;
	v4 =	vcvt.f32.s32 v4;
	v5 =	vcvt.f32.s32 v5  }
0x544: {  	v3 =	vadd.f32 $5.000000000e-01, v3;
	v6 =	vcvt.f32.s32 v6;
	v7 =	vcvt.f32.s32 v7  }
0x545: {  	v10 =	vmul.u32 $0xC00, v10;
	v11 =	vmul.u32 $0x60, v11;
	v16 =	vmul.u32 $0x3, v16  }
0x546: {  	v12 =	vmul.u32 $0x3, v12;
	v3 =	vtrunc.f32 v3;
	v9 =	vcvt.f32.s32 v9  }
0x547: {  	v14 =	vmul.u32 $0xC00, v14;
	v15 =	vmul.u32 $0x60, v15;
	v10 =	vadd.s32 v11, v10  }
0x548: {  	v3 =	vcvt.f32.s32 v3;
	v4 =	vmul.u32 $0xC00, v4;
	v10 =	vadd.s32 v12, v10  }
0x549: {  	v5 =	vmul.u32 $0x3, v5;
	v7 =	vmul.u32 $0x60, v7;
	v43 =	vadd.s32 $0x2, v10  }
0x54a: {  	v9 =	vmul.u32 $0xC00, v9;
	v44 =	vadd.s32 v15, v14;
	v45 =	vadd.s32 $0x1, v10  }
0x54b: {  	v3 =	vmul.u32 $0x60, v3;
	v4 =	vadd.s32 v7, v4;
	v46 =	vadd.s32 v16, v44  }
0x54c: {  	v6 =	vmul.u32 $0x3, v6;
	v4 =	vadd.s32 v5, v4  }
0x54d: {  	v16 =	vadd.s32 $0x1, v46;
	v3 =	vadd.s32 v3, v9;
	v47 =	vld.idx.msk [tilespmem:v10+s2+$0x0], $0xffff  }
0x54e: {  	v3 =	vadd.s32 v6, v3;
	v49 =	vld.idx.msk [tilespmem:v43+s2+$0x0], $0xffff  }
0x54f: {  	v50 =	vadd.s32 $0x1, v3;
	v51 =	vld.idx.msk [tilespmem:v45+s2+$0x0], $0xffff  }
0x550: {  	v52 =	vadd.s32 $0x2, v3;
	v53 =	vld.idx.msk [tilespmem:v46+s2+$0x0], $0xffff  }
0x551: {  	v48 =	vadd.s32 $0x2, v4;
	v54 =	vld.idx.msk [tilespmem:v4+s2+$0x0], $0xffff;
	v4 =	vadd.s32 $0x1, v4  }
0x552: {  	v16 =	vld.idx.msk [tilespmem:v16+s2+$0x0], $0xffff  }
0x553: {  	v3 =	vld.idx.msk [tilespmem:v3+s2+$0x0], $0xffff  }
0x554: {  	v7 =	vadd.s32 $0x2, v46;
	v10 =	vld.idx.msk [tilespmem:v50+s2+$0x0], $0xffff  }
0x555: {  	v12 =	vld.idx.msk [tilespmem:v52+s2+$0x0], $0xffff  }
0x556: {  	v4 =	vld.idx.msk [tilespmem:v4+s2+$0x0], $0xffff  }
0x557: {  	v6 =	vld.idx.msk [tilespmem:v48+s2+$0x0], $0xffff;
	v22 =	vsub.f32 v22, v47;
	v9 =	vsub.f32 v23, v49  }
0x558: {  	v55 =	vsub.f32 v25, v53;
	v11 =	vsub.f32 v21, v51  }
0x559: {  	v7 =	vld.idx.msk [tilespmem:v7+s2+$0x0], $0xffff;
	v56 =	vsub.f32 v27, v3;
	v10 =	vsub.f32 v26, v10  }
0x55a: {  	v20 =	vsub.f32 v20, v54;
	v22 =	vmul.f32 v22, v22;
	v12 =	vsub.f32 v24, v12  }
0x55b: {  	v21 =	vmul.f32 v56, v56;
	v10 =	vmul.f32 v10, v10;
	v4 =	vsub.f32 v19, v4  }
0x55c: {  	v16 =	vsub.f32 v17, v16;
	v6 =	vsub.f32 v18, v6;
	v57 =	vmul.f32 v20, v20  }
0x55d: {  	v12 =	vmul.f32 v12, v12;
	v10 =	vadd.f32 v10, v21;
	v4 =	vmul.f32 v4, v4  }
0x55e: {  	v7 =	vsub.f32 v13, v7;
	v58 =	vmul.f32 v55, v55;
	v59 =	vmul.f32 v16, v16  }
0x55f: {  	v6 =	vmul.f32 v6, v6;
	v10 =	vadd.f32 v10, v12;
	v4 =	vadd.f32 v4, v57  }
0x560: {  	v60 =	vmul.f32 v11, v11;
	vm0 =	vlt.f32 v3, $5.000000000e+03;
	v3 =	vmul.f32 v7, v7  }
0x561: {  	v61 =	vadd.f32 v59, v58;
	v10 =	vnsel vm0, $0x0, v10;
	v4 =	vadd.f32 v4, v6  }
0x562: {  	vm13 =	vlt.f32 v54, $5.000000000e+03;
	v9 =	vmul.f32 v9, v9;
	v8 =	vadd.f32 v10, v8  }
0x563: {  	v62 =	vadd.f32 v60, v22;
	v3 =	vadd.f32 v61, v3;
	v4 =	vnsel vm13, $0x0, v4  }
0x564: {  	vm14 =	vlt.f32 v53, $5.000000000e+03;
	v4 =	vadd.f32 v4, v8  }
0x565: {  	v3 =	vnsel vm14, $0x0, v3;
	v6 =	vadd.f32 v62, v9  }
0x566: {  	vm15 =	vlt.f32 v47, $5.000000000e+03;
	v3 =	vadd.f32 v3, v4  }
0x567: {  	v63 =	vnsel vm15, $0x0, v6  }
0x568: {  	s14 =	sadd.s32 $0x1, s14;
	v3 =	vadd.f32 v63, v3  }
0x569: {  	p0 =	sne.s32 s14, s7  }
.Ltmp7:
0x56a: {  	[tilespmem:s12+$0x0] =	vst.add.f32.msk $0xffff, v3;
	(pc) =	sbr.rel @p0 .LBB2_1-.Ltmp7, $4  }
0x56b: {  	[hbm4b:s6+s2] =	stream.linear.scatter [tilespmem:s11], [sflag:$0x2], $0x20, $0x38;
	[tilespmem:$0x1E600] =	vst v63  }
0x56c: {  	_ =	swait.ge [sflag:s13], $0x20  }
0x56d: {  	[sflag:s13] =	ssyncset.done $0x0  }
0x56e: {  	[sflag:s13] =	ssyncadd.s32 $0xFFFFFFE0  }
0x56f: {  	_ =	sfence.sel $0x180000  }
0x570: {  	[bflag:$0x0] =	sbarrier.arrive $0xFFFF  }
0x571: {  	p0 =	sne.s32 s0, $0x0;
	_ =	strace $0x90000047  }
0x572: {  	s0 =	sadd.s32 @!p0 $0x100000, s1;
	[bflag:$0x2] =	sbarrier.arrive $0xFFFF  }
0x573: {  	[sflag:s0] =	ssyncadd.tile.s32 @!p0 $0x1;
	_ =	shalt  }
.Lfunc_end2:
_tile_overlayer_lowered:
.L_overlay_start_2:
0x574: {  	(tag) =	ssettag $0x2  }
0x575: {  	s0 =	rddreg [dreg:$0x0];
	s2 =	stileid.u32  }
0x576: {  	s1 =	rddreg [dreg:$0x1];
	p0 =	sne.s32 s2, $0x0  }
0x577: {  	s3 =	rddreg [dreg:$0x2];
	[bflag:$0x3] =	sbarrier.arrive $0xFFFF;
	s2 =	simm.s32 @!p0 $0x1C02  }
0x578: {  	[timem:s3], [sflag:s2] =	dma.local @!p0 [hbm:s0], s1  }
0x579: {  	s0 =	simm.s32 @!p0 $0x2  }
0x57a: {  	_ =	swait.ge @!p0 [sflag:s0], s1  }
0x57b: {  	s1 =	ssub.s32 @!p0 $0x0, s1;
	[sflag:s0] =	ssyncset.done @!p0 $0x0  }
0x57c: {  	[sflag:s0] =	ssyncadd.s32 @!p0 s1  }
0x57d: {  	[bflag:$0x3] =	sbarrier.arrive $0xFFFF  }
0x57e: {  	_ =	shalt  }

</sc_bundles>
